<compile_context>
chip_gen: v7x
topology: tpu7x:2x2x1
jax: 0.10.2.dev20260603
libtpu: 0.0.44.dev20260713+nightly
codegen_flags: <defaults>
</compile_context>

<pallas_src>
import functools

import jax
import jax.numpy as jnp
from jax import lax
from jax.experimental import pallas as pl
from jax.experimental.pallas import tpu as pltpu
from jax.experimental.pallas import tpu_sc as plsc

N = 10000
E = 320000
D = 128
DE = 144
R = 16

_INFO = plsc.get_sparse_core_info()
NC = _INFO.num_cores
NS = _INFO.num_subcores
NW = NC * NS
B = 64
NBLK = 160
NGRP = NBLK // 4
EW = NBLK * B
EP = NW * EW
NP = 10240
RPT = NP // NS



def _rel_matmul(x, w):
    nb = 5
    bn = N // nb

    def body(x_ref, w_ref, o_ref):
        o_ref[...] = jnp.dot(
            x_ref[...], w_ref[0], preferred_element_type=jnp.float32)

    return pl.pallas_call(
        body,
        grid=(nb, R),
        in_specs=[
            pl.BlockSpec((bn, D), lambda i, r: (i, 0)),
            pl.BlockSpec((1, D, D), lambda i, r: (r, 0, 0)),
        ],
        out_specs=pl.BlockSpec((bn, D), lambda i, r: (r * nb + i, 0)),
        out_shape=jax.ShapeDtypeStruct((R * N, D), jnp.float32),
    )(x, w)


def _finish1(p, deg, x, w, b):
    nb = 5
    bn = N // nb

    def body(p_ref, deg_ref, x_ref, w_ref, b_ref, o_ref, inv_ref):
        s = p_ref[0] + p_ref[1]
        d = deg_ref[0][:, 0:1] + deg_ref[1][:, 0:1]
        inv = 1.0 / jnp.maximum(d, 1.0)
        lin = jnp.dot(x_ref[...], w_ref[...], preferred_element_type=jnp.float32)
        o_ref[...] = jnp.tanh(s * inv + lin + b_ref[...])
        inv_ref[...] = inv

    return pl.pallas_call(
        body,
        grid=(nb,),
        in_specs=[
            pl.BlockSpec((2, bn, D), lambda i: (0, i, 0)),
            pl.BlockSpec((2, bn, 16), lambda i: (0, i, 0)),
            pl.BlockSpec((bn, D), lambda i: (i, 0)),
            pl.BlockSpec((D, D), lambda i: (0, 0)),
            pl.BlockSpec((1, D), lambda i: (0, 0)),
        ],
        out_specs=[
            pl.BlockSpec((bn, D), lambda i: (i, 0)),
            pl.BlockSpec((bn, 1), lambda i: (i, 0)),
        ],
        out_shape=[
            jax.ShapeDtypeStruct((N, D), jnp.float32),
            jax.ShapeDtypeStruct((N, 1), jnp.float32),
        ],
    )(p, deg, x, w, b.reshape(1, D))


def _finish2(p, inv, x, w, b):
    nb = 5
    bn = N // nb

    def body(p_ref, inv_ref, x_ref, w_ref, b_ref, o_ref):
        s = p_ref[0] + p_ref[1]
        lin = jnp.dot(x_ref[...], w_ref[...], preferred_element_type=jnp.float32)
        o_ref[...] = jnp.tanh(s * inv_ref[...] + lin + b_ref[...])

    return pl.pallas_call(
        body,
        grid=(nb,),
        in_specs=[
            pl.BlockSpec((2, bn, D), lambda i: (0, i, 0)),
            pl.BlockSpec((bn, 1), lambda i: (i, 0)),
            pl.BlockSpec((bn, D), lambda i: (i, 0)),
            pl.BlockSpec((D, D), lambda i: (0, 0)),
            pl.BlockSpec((1, D), lambda i: (0, 0)),
        ],
        out_specs=pl.BlockSpec((bn, D), lambda i: (i, 0)),
        out_shape=jax.ShapeDtypeStruct((N, D), jnp.float32),
    )(p, inv, x, w, b.reshape(1, D))



def _make_sc_agg(tc_tiling, with_deg):
    mesh = plsc.VectorSubcoreMesh(core_axis_name="c", subcore_axis_name="s")
    out_type = [jax.ShapeDtypeStruct((NC, NP, D), jnp.float32)]
    scratch = (
        [pltpu.VMEM((2, B), jnp.int32) for _ in range(4)]
        + [pltpu.VMEM((2, B), jnp.int32) for _ in range(4)]
        + [pltpu.VMEM((B, D), jnp.float32) for _ in range(4)]
        + [pltpu.VMEM_SHARED((NP, D), jnp.float32)]
        + [pltpu.SemaphoreType.DMA for _ in range(12)]
    )
    if with_deg:
        out_type.append(jax.ShapeDtypeStruct((NC, NP, 16), jnp.float32))
        scratch.append(pltpu.VMEM((B, 16), jnp.float32))
        scratch.append(pltpu.VMEM_SHARED((NP, 16), jnp.float32))

    def body(table, pairs, zrow, z16, o16, *rest):
        nout = 2 if with_deg else 1
        out = rest[0]
        degout = rest[1] if with_deg else None
        sc = rest[nout:]
        pba = sc[0:4]
        pbb = sc[4:8]
        rows = sc[8:12]
        acc_sh = sc[12]
        ia = sc[13:17]
        ib = sc[17:21]
        gs = sc[21:25]
        ones_v = sc[25] if with_deg else None
        deg_sh = sc[26] if with_deg else None
        c = lax.axis_index("c")
        s = lax.axis_index("s")
        wid = s * NC + c
        r0 = s * RPT
        nchunk = RPT // B

        pltpu.sync_copy(zrow, rows[0])
        for k in range(nchunk):
            pltpu.sync_copy(rows[0], acc_sh.at[pl.ds(r0 + k * B, B)])
        if with_deg:
            pltpu.sync_copy(z16, ones_v)
            for k in range(nchunk):
                pltpu.sync_copy(ones_v, deg_sh.at[pl.ds(r0 + k * B, B)])
            pltpu.sync_copy(o16, ones_v)
        for j in range(4):
            pltpu.sync_copy(pairs.at[wid, j], pba[j])
            pltpu.async_copy(pairs.at[wid, 4 + j], pbb[j], ib[j])
        plsc.subcore_barrier()
        for j in range(4):
            pltpu.async_copy(table.at[pba[j].at[0]], rows[j], gs[j])

        def scat(rj, pbj):
            pltpu.sync_copy(rj, acc_sh.at[pbj.at[1]], add=True)
            if with_deg:
                pltpu.sync_copy(ones_v, deg_sh.at[pbj.at[1]], add=True)

        def two_groups(i, carry):
            g0 = 2 * i
            for j in range(4):
                pltpu.make_async_copy(
                    table.at[pba[j].at[0]], rows[j], gs[j]).wait()
                scat(rows[j], pba[j])

                @pl.when(g0 + 2 < NGRP)
                def _():
                    pltpu.async_copy(
                        pairs.at[wid, (g0 + 2) * 4 + j], pba[j], ia[j])

                pltpu.make_async_copy(
                    pairs.at[wid, (g0 + 1) * 4 + j], pbb[j], ib[j]).wait()
                pltpu.async_copy(table.at[pbb[j].at[0]], rows[j], gs[j])
            for j in range(4):
                pltpu.make_async_copy(
                    table.at[pbb[j].at[0]], rows[j], gs[j]).wait()
                scat(rows[j], pbb[j])

                @pl.when(g0 + 3 < NGRP)
                def _():
                    pltpu.async_copy(
                        pairs.at[wid, (g0 + 3) * 4 + j], pbb[j], ib[j])

                @pl.when(g0 + 2 < NGRP)
                def _():
                    pltpu.make_async_copy(
                        pairs.at[wid, (g0 + 2) * 4 + j], pba[j], ia[j]).wait()
                    pltpu.async_copy(table.at[pba[j].at[0]], rows[j], gs[j])

            return carry

        lax.fori_loop(0, NGRP // 2, two_groups, 0)
        plsc.subcore_barrier()

        for k in range(nchunk):
            pltpu.sync_copy(acc_sh.at[pl.ds(r0 + k * B, B)], rows[0])
            pltpu.sync_copy(rows[0], out.at[c, pl.ds(r0 + k * B, B)])
        if with_deg:
            for k in range(nchunk):
                pltpu.sync_copy(deg_sh.at[pl.ds(r0 + k * B, B)], ones_v)
                pltpu.sync_copy(ones_v, degout.at[c, pl.ds(r0 + k * B, B)])

    return pl.kernel(
        body, out_type=tuple(out_type), mesh=mesh,
        scratch_types=scratch,
        compiler_params=pltpu.CompilerParams(use_tc_tiling_on_sc=tc_tiling))


_SC_AGG_DEG = _make_sc_agg(tc_tiling=False, with_deg=True)
_SC_AGG = _make_sc_agg(tc_tiling=True, with_deg=False)


def kernel(node_feats, edge_index, edge_types, rel_w1, lin_w1, lin_b1,
           rel_w2, lin_w2, lin_b2):
    src = edge_index[0].astype(jnp.int32)
    dst = edge_index[1].astype(jnp.int32)
    et = edge_types.astype(jnp.int32)

    padw = EW - E // NW
    cidx = (et * N + src).reshape(NW, E // NW)
    cidx = jnp.concatenate(
        [cidx, jnp.zeros((NW, padw), jnp.int32)], axis=1)
    fill = N + (jnp.arange(NW * padw, dtype=jnp.int32).reshape(NW, padw)
                % (NP - N))
    dstp = jnp.concatenate([dst.reshape(NW, E // NW), fill], axis=1)
    pairs3 = jnp.stack(
        [cidx.reshape(NW, NBLK, B), dstp.reshape(NW, NBLK, B)], axis=2)

    zD = jnp.zeros((B, D), jnp.float32)
    z16 = jnp.zeros((B, 16), jnp.float32)
    o16 = jnp.ones((B, 16), jnp.float32)

    hr1 = _rel_matmul(node_feats, rel_w1)
    p1, deg = _SC_AGG_DEG(hr1, pairs3, zD, z16, o16)
    h1, inv = _finish1(p1, deg, node_feats, lin_w1, lin_b1)

    hr2 = _rel_matmul(h1, rel_w2)
    (p2,) = _SC_AGG(hr2, pairs3, zD, z16, o16)
    h2 = _finish2(p2, inv, h1, lin_w2, lin_b2)
    return h2

# --- scband reference (transcript-rebuilt; emitter-appended) ---
"""Pipeline reference for scband-comp-gcn-57836029608129 (READ-ONLY COPY).

The authoritative reference and input builder live on the scoring server;
editing this copy changes nothing except your own understanding.
"""

import jax, jax.numpy as jnp
import numpy as np

N_NODES = 10000
N_EDGES = 320000
D_IN = 128
D_H = 128
N_RELS = 16


def setup_inputs(seed: int = 0) -> dict:
    key = jax.random.key(seed)
    ks = jax.random.split(key, 12)
    node_feats = jax.random.normal(ks[0], (N_NODES, D_IN), dtype=jnp.float32)
    edge_index = jax.random.randint(ks[1], (2, N_EDGES), 0, N_NODES, dtype=jnp.int64)
    edge_types = jax.random.randint(ks[2], (N_EDGES,), 0, N_RELS, dtype=jnp.int64)
    # layer 1 params
    rel_w1 = jax.random.normal(ks[3], (N_RELS, D_IN, D_H), dtype=jnp.float32) * (1.0 / np.sqrt(D_IN))
    lin_w1 = jax.random.normal(ks[4], (D_IN, D_H), dtype=jnp.float32) * (1.0 / np.sqrt(D_IN))
    lin_b1 = jnp.zeros((D_H,), dtype=jnp.float32)
    # layer 2 params
    rel_w2 = jax.random.normal(ks[5], (N_RELS, D_H, D_H), dtype=jnp.float32) * (1.0 / np.sqrt(D_H))
    lin_w2 = jax.random.normal(ks[6], (D_H, D_H), dtype=jnp.float32) * (1.0 / np.sqrt(D_H))
    lin_b2 = jnp.zeros((D_H,), dtype=jnp.float32)
    return {
        "node_feats": node_feats,
        "edge_index": edge_index,
        "edge_types": edge_types,
        "rel_w1": rel_w1,
        "lin_w1": lin_w1,
        "lin_b1": lin_b1,
        "rel_w2": rel_w2,
        "lin_w2": lin_w2,
        "lin_b2": lin_b2,
    }


def _compgcn_layer(x, src, dst, edge_types, rel_w, lin_w, lin_b):
    # msg_e = x[src_e] @ rel_w[rtype_e]
    # equivalently: transform all nodes by every relation once, then gather.
    # hr[r, n, :] = x[n, :] @ rel_w[r]
    hr = jnp.einsum("nd,rdh->rnh", x, rel_w)
    msg = hr[edge_types, src]  # [E, H]
    summed = jax.ops.segment_sum(msg, dst, num_segments=N_NODES)
    deg = jax.ops.segment_sum(jnp.ones((msg.shape[0],), dtype=x.dtype), dst, num_segments=N_NODES)
    mean_msg = summed / jnp.maximum(deg, 1.0)[:, None]  # dgl mean -> 0 for isolated nodes
    return jnp.tanh(mean_msg + x @ lin_w + lin_b)


def reference(node_feats, edge_index, edge_types, rel_w1, lin_w1, lin_b1, rel_w2, lin_w2, lin_b2):
    src = edge_index[0]
    dst = edge_index[1]
    h = _compgcn_layer(node_feats, src, dst, edge_types, rel_w1, lin_w1, lin_b1)
    h = _compgcn_layer(h, src, dst, edge_types, rel_w2, lin_w2, lin_b2)
    return h

if __name__ == "__main__":
    import jax
    _d = setup_inputs()
    print(jax.jit(kernel)(*tuple(_d.values())))

</pallas_src>

<mosaic_0001>
#map = affine_map<(d0, d1) -> (0, 0)>
#map1 = affine_map<(d0, d1) -> (0, 0, 0, 0)>
#map2 = affine_map<(d0, d1) -> (0, 0, 0)>
module attributes {stable_mosaic.version = 14 : i64} {
  func.func @body(%arg0: i32, %arg1: i32, %arg2: memref<160000x128xf32, #tpu.memory_space<hbm>>, %arg3: memref<32x160x2x64xi32, #tpu.memory_space<hbm>>, %arg4: memref<64x128xf32, #tpu.memory_space<hbm>>, %arg5: memref<64x16xf32, #tpu.memory_space<hbm>>, %arg6: memref<64x16xf32, #tpu.memory_space<hbm>>, %arg7: memref<2x10240x128xf32, #tpu.memory_space<hbm>>, %arg8: memref<2x10240x16xf32, #tpu.memory_space<hbm>>, %arg9: memref<2x64xi32, #tpu.memory_space<vmem>>, %arg10: memref<2x64xi32, #tpu.memory_space<vmem>>, %arg11: memref<2x64xi32, #tpu.memory_space<vmem>>, %arg12: memref<2x64xi32, #tpu.memory_space<vmem>>, %arg13: memref<2x64xi32, #tpu.memory_space<vmem>>, %arg14: memref<2x64xi32, #tpu.memory_space<vmem>>, %arg15: memref<2x64xi32, #tpu.memory_space<vmem>>, %arg16: memref<2x64xi32, #tpu.memory_space<vmem>>, %arg17: memref<64x128xf32, #tpu.memory_space<vmem>>, %arg18: memref<64x128xf32, #tpu.memory_space<vmem>>, %arg19: memref<64x128xf32, #tpu.memory_space<vmem>>, %arg20: memref<64x128xf32, #tpu.memory_space<vmem>>, %arg21: memref<10240x128xf32, #tpu.memory_space<vmem_shared>>, %arg22: memref<!tpu.dma_semaphore, #tpu.memory_space<semaphore_mem>>, %arg23: memref<!tpu.dma_semaphore, #tpu.memory_space<semaphore_mem>>, %arg24: memref<!tpu.dma_semaphore, #tpu.memory_space<semaphore_mem>>, %arg25: memref<!tpu.dma_semaphore, #tpu.memory_space<semaphore_mem>>, %arg26: memref<!tpu.dma_semaphore, #tpu.memory_space<semaphore_mem>>, %arg27: memref<!tpu.dma_semaphore, #tpu.memory_space<semaphore_mem>>, %arg28: memref<!tpu.dma_semaphore, #tpu.memory_space<semaphore_mem>>, %arg29: memref<!tpu.dma_semaphore, #tpu.memory_space<semaphore_mem>>, %arg30: memref<!tpu.dma_semaphore, #tpu.memory_space<semaphore_mem>>, %arg31: memref<!tpu.dma_semaphore, #tpu.memory_space<semaphore_mem>>, %arg32: memref<!tpu.dma_semaphore, #tpu.memory_space<semaphore_mem>>, %arg33: memref<!tpu.dma_semaphore, #tpu.memory_space<semaphore_mem>>, %arg34: memref<64x16xf32, #tpu.memory_space<vmem>>, %arg35: memref<10240x16xf32, #tpu.memory_space<vmem_shared>>) attributes {dimension_semantics = [#tpu.dimension_semantics<core_parallel>, #tpu.dimension_semantics<subcore_parallel>], iteration_bounds = array<i64: 2, 16>, scalar_prefetch = 0 : i64, scratch_operands = 27 : i64, tpu.core_type = #tpu.core_type<sc_vector_subcore>, window_params = [{transform_indices = #map}, {transform_indices = #map1}, {transform_indices = #map}, {transform_indices = #map}, {transform_indices = #map}, {transform_indices = #map2}, {transform_indices = #map2}]} {
    %mul3A = arith.constant 2 : i32
    %mul3A_0 = arith.muli %arg1, %mul3A : i32
    %add3A = arith.addi %mul3A_0, %arg0 : i32
    %mul3A_1 = arith.constant 640 : i32
    %mul3A_2 = arith.muli %arg1, %mul3A_1 : i32
    "tpu.region"() ({
      %run_scoped3A_195 = tpu.sem_alloc : memref<!tpu.dma_semaphore, #tpu.memory_space<semaphore_mem>>
      tpu.enqueue_dma source(%arg4 : memref<64x128xf32, #tpu.memory_space<hbm>>) target(%arg17 : memref<64x128xf32, #tpu.memory_space<vmem>>) target_semaphore(%run_scoped3A_195 : memref<!tpu.dma_semaphore, #tpu.memory_space<semaphore_mem>>)
      tpu.wait_dma2 semaphore(%run_scoped3A_195 : memref<!tpu.dma_semaphore, #tpu.memory_space<semaphore_mem>>) src(%arg4 : memref<64x128xf32, #tpu.memory_space<hbm>>) dst(%arg17 : memref<64x128xf32, #tpu.memory_space<vmem>>)
      tpu.yield
    }) : () -> ()
    %add3A_3 = arith.constant 0 : i32
    %add3A_4 = arith.addi %mul3A_2, %add3A_3 : i32
    "tpu.region"() ({
      %run_scoped3A_195 = tpu.sem_alloc : memref<!tpu.dma_semaphore, #tpu.memory_space<semaphore_mem>>
      %dma_start3A_196 = arith.constant 0 : i32
      %dma_start3A_197 = tpu.memref_slice %arg21[%add3A_4, %dma_start3A_196] : memref<10240x128xf32, #tpu.memory_space<vmem_shared>> -> memref<64x128xf32, #tpu.memory_space<vmem_shared>>
      %dma_start3A_198 = arith.constant 0 : i32
      %dma_start3A_199 = tpu.memref_slice %arg21[%add3A_4, %dma_start3A_198] : memref<10240x128xf32, #tpu.memory_space<vmem_shared>> -> memref<64x128xf32, #tpu.memory_space<vmem_shared>>
      tpu.enqueue_dma source(%arg17 : memref<64x128xf32, #tpu.memory_space<vmem>>) target(%dma_start3A_199 : memref<64x128xf32, #tpu.memory_space<vmem_shared>>) target_semaphore(%run_scoped3A_195 : memref<!tpu.dma_semaphore, #tpu.memory_space<semaphore_mem>>)
      %dma_wait3A = arith.constant 0 : i32
      %dma_wait3A_200 = tpu.memref_slice %arg21[%add3A_4, %dma_wait3A] : memref<10240x128xf32, #tpu.memory_space<vmem_shared>> -> memref<64x128xf32, #tpu.memory_space<vmem_shared>>
      %dma_wait3A_201 = arith.constant 0 : i32
      %dma_wait3A_202 = tpu.memref_slice %arg21[%add3A_4, %dma_wait3A_201] : memref<10240x128xf32, #tpu.memory_space<vmem_shared>> -> memref<64x128xf32, #tpu.memory_space<vmem_shared>>
      tpu.wait_dma2 semaphore(%run_scoped3A_195 : memref<!tpu.dma_semaphore, #tpu.memory_space<semaphore_mem>>) src(%arg17 : memref<64x128xf32, #tpu.memory_space<vmem>>) dst(%dma_wait3A_202 : memref<64x128xf32, #tpu.memory_space<vmem_shared>>)
      tpu.yield
    }) : () -> ()
    %add3A_5 = arith.constant 64 : i32
    %add3A_6 = arith.addi %mul3A_2, %add3A_5 : i32
    "tpu.region"() ({
      %run_scoped3A_195 = tpu.sem_alloc : memref<!tpu.dma_semaphore, #tpu.memory_space<semaphore_mem>>
      %dma_start3A_196 = arith.constant 0 : i32
      %dma_start3A_197 = tpu.memref_slice %arg21[%add3A_6, %dma_start3A_196] : memref<10240x128xf32, #tpu.memory_space<vmem_shared>> -> memref<64x128xf32, #tpu.memory_space<vmem_shared>>
      %dma_start3A_198 = arith.constant 0 : i32
      %dma_start3A_199 = tpu.memref_slice %arg21[%add3A_6, %dma_start3A_198] : memref<10240x128xf32, #tpu.memory_space<vmem_shared>> -> memref<64x128xf32, #tpu.memory_space<vmem_shared>>
      tpu.enqueue_dma source(%arg17 : memref<64x128xf32, #tpu.memory_space<vmem>>) target(%dma_start3A_199 : memref<64x128xf32, #tpu.memory_space<vmem_shared>>) target_semaphore(%run_scoped3A_195 : memref<!tpu.dma_semaphore, #tpu.memory_space<semaphore_mem>>)
      %dma_wait3A = arith.constant 0 : i32
      %dma_wait3A_200 = tpu.memref_slice %arg21[%add3A_6, %dma_wait3A] : memref<10240x128xf32, #tpu.memory_space<vmem_shared>> -> memref<64x128xf32, #tpu.memory_space<vmem_shared>>
      %dma_wait3A_201 = arith.constant 0 : i32
      %dma_wait3A_202 = tpu.memref_slice %arg21[%add3A_6, %dma_wait3A_201] : memref<10240x128xf32, #tpu.memory_space<vmem_shared>> -> memref<64x128xf32, #tpu.memory_space<vmem_shared>>
      tpu.wait_dma2 semaphore(%run_scoped3A_195 : memref<!tpu.dma_semaphore, #tpu.memory_space<semaphore_mem>>) src(%arg17 : memref<64x128xf32, #tpu.memory_space<vmem>>) dst(%dma_wait3A_202 : memref<64x128xf32, #tpu.memory_space<vmem_shared>>)
      tpu.yield
    }) : () -> ()
    %add3A_7 = arith.constant 128 : i32
    %add3A_8 = arith.addi %mul3A_2, %add3A_7 : i32
    "tpu.region"() ({
      %run_scoped3A_195 = tpu.sem_alloc : memref<!tpu.dma_semaphore, #tpu.memory_space<semaphore_mem>>
      %dma_start3A_196 = arith.constant 0 : i32
      %dma_start3A_197 = tpu.memref_slice %arg21[%add3A_8, %dma_start3A_196] : memref<10240x128xf32, #tpu.memory_space<vmem_shared>> -> memref<64x128xf32, #tpu.memory_space<vmem_shared>>
      %dma_start3A_198 = arith.constant 0 : i32
      %dma_start3A_199 = tpu.memref_slice %arg21[%add3A_8, %dma_start3A_198] : memref<10240x128xf32, #tpu.memory_space<vmem_shared>> -> memref<64x128xf32, #tpu.memory_space<vmem_shared>>
      tpu.enqueue_dma source(%arg17 : memref<64x128xf32, #tpu.memory_space<vmem>>) target(%dma_start3A_199 : memref<64x128xf32, #tpu.memory_space<vmem_shared>>) target_semaphore(%run_scoped3A_195 : memref<!tpu.dma_semaphore, #tpu.memory_space<semaphore_mem>>)
      %dma_wait3A = arith.constant 0 : i32
      %dma_wait3A_200 = tpu.memref_slice %arg21[%add3A_8, %dma_wait3A] : memref<10240x128xf32, #tpu.memory_space<vmem_shared>> -> memref<64x128xf32, #tpu.memory_space<vmem_shared>>
      %dma_wait3A_201 = arith.constant 0 : i32
      %dma_wait3A_202 = tpu.memref_slice %arg21[%add3A_8, %dma_wait3A_201] : memref<10240x128xf32, #tpu.memory_space<vmem_shared>> -> memref<64x128xf32, #tpu.memory_space<vmem_shared>>
      tpu.wait_dma2 semaphore(%run_scoped3A_195 : memref<!tpu.dma_semaphore, #tpu.memory_space<semaphore_mem>>) src(%arg17 : memref<64x128xf32, #tpu.memory_space<vmem>>) dst(%dma_wait3A_202 : memref<64x128xf32, #tpu.memory_space<vmem_shared>>)
      tpu.yield
    }) : () -> ()
    %add3A_9 = arith.constant 192 : i32
    %add3A_10 = arith.addi %mul3A_2, %add3A_9 : i32
    "tpu.region"() ({
      %run_scoped3A_195 = tpu.sem_alloc : memref<!tpu.dma_semaphore, #tpu.memory_space<semaphore_mem>>
      %dma_start3A_196 = arith.constant 0 : i32
      %dma_start3A_197 = tpu.memref_slice %arg21[%add3A_10, %dma_start3A_196] : memref<10240x128xf32, #tpu.memory_space<vmem_shared>> -> memref<64x128xf32, #tpu.memory_space<vmem_shared>>
      %dma_start3A_198 = arith.constant 0 : i32
      %dma_start3A_199 = tpu.memref_slice %arg21[%add3A_10, %dma_start3A_198] : memref<10240x128xf32, #tpu.memory_space<vmem_shared>> -> memref<64x128xf32, #tpu.memory_space<vmem_shared>>
      tpu.enqueue_dma source(%arg17 : memref<64x128xf32, #tpu.memory_space<vmem>>) target(%dma_start3A_199 : memref<64x128xf32, #tpu.memory_space<vmem_shared>>) target_semaphore(%run_scoped3A_195 : memref<!tpu.dma_semaphore, #tpu.memory_space<semaphore_mem>>)
      %dma_wait3A = arith.constant 0 : i32
      %dma_wait3A_200 = tpu.memref_slice %arg21[%add3A_10, %dma_wait3A] : memref<10240x128xf32, #tpu.memory_space<vmem_shared>> -> memref<64x128xf32, #tpu.memory_space<vmem_shared>>
      %dma_wait3A_201 = arith.constant 0 : i32
      %dma_wait3A_202 = tpu.memref_slice %arg21[%add3A_10, %dma_wait3A_201] : memref<10240x128xf32, #tpu.memory_space<vmem_shared>> -> memref<64x128xf32, #tpu.memory_space<vmem_shared>>
      tpu.wait_dma2 semaphore(%run_scoped3A_195 : memref<!tpu.dma_semaphore, #tpu.memory_space<semaphore_mem>>) src(%arg17 : memref<64x128xf32, #tpu.memory_space<vmem>>) dst(%dma_wait3A_202 : memref<64x128xf32, #tpu.memory_space<vmem_shared>>)
      tpu.yield
    }) : () -> ()
    %add3A_11 = arith.constant 256 : i32
    %add3A_12 = arith.addi %mul3A_2, %add3A_11 : i32
    "tpu.region"() ({
      %run_scoped3A_195 = tpu.sem_alloc : memref<!tpu.dma_semaphore, #tpu.memory_space<semaphore_mem>>
      %dma_start3A_196 = arith.constant 0 : i32
      %dma_start3A_197 = tpu.memref_slice %arg21[%add3A_12, %dma_start3A_196] : memref<10240x128xf32, #tpu.memory_space<vmem_shared>> -> memref<64x128xf32, #tpu.memory_space<vmem_shared>>
      %dma_start3A_198 = arith.constant 0 : i32
      %dma_start3A_199 = tpu.memref_slice %arg21[%add3A_12, %dma_start3A_198] : memref<10240x128xf32, #tpu.memory_space<vmem_shared>> -> memref<64x128xf32, #tpu.memory_space<vmem_shared>>
      tpu.enqueue_dma source(%arg17 : memref<64x128xf32, #tpu.memory_space<vmem>>) target(%dma_start3A_199 : memref<64x128xf32, #tpu.memory_space<vmem_shared>>) target_semaphore(%run_scoped3A_195 : memref<!tpu.dma_semaphore, #tpu.memory_space<semaphore_mem>>)
      %dma_wait3A = arith.constant 0 : i32
      %dma_wait3A_200 = tpu.memref_slice %arg21[%add3A_12, %dma_wait3A] : memref<10240x128xf32, #tpu.memory_space<vmem_shared>> -> memref<64x128xf32, #tpu.memory_space<vmem_shared>>
      %dma_wait3A_201 = arith.constant 0 : i32
      %dma_wait3A_202 = tpu.memref_slice %arg21[%add3A_12, %dma_wait3A_201] : memref<10240x128xf32, #tpu.memory_space<vmem_shared>> -> memref<64x128xf32, #tpu.memory_space<vmem_shared>>
      tpu.wait_dma2 semaphore(%run_scoped3A_195 : memref<!tpu.dma_semaphore, #tpu.memory_space<semaphore_mem>>) src(%arg17 : memref<64x128xf32, #tpu.memory_space<vmem>>) dst(%dma_wait3A_202 : memref<64x128xf32, #tpu.memory_space<vmem_shared>>)
      tpu.yield
    }) : () -> ()
    %add3A_13 = arith.constant 320 : i32
    %add3A_14 = arith.addi %mul3A_2, %add3A_13 : i32
    "tpu.region"() ({
      %run_scoped3A_195 = tpu.sem_alloc : memref<!tpu.dma_semaphore, #tpu.memory_space<semaphore_mem>>
      %dma_start3A_196 = arith.constant 0 : i32
      %dma_start3A_197 = tpu.memref_slice %arg21[%add3A_14, %dma_start3A_196] : memref<10240x128xf32, #tpu.memory_space<vmem_shared>> -> memref<64x128xf32, #tpu.memory_space<vmem_shared>>
      %dma_start3A_198 = arith.constant 0 : i32
      %dma_start3A_199 = tpu.memref_slice %arg21[%add3A_14, %dma_start3A_198] : memref<10240x128xf32, #tpu.memory_space<vmem_shared>> -> memref<64x128xf32, #tpu.memory_space<vmem_shared>>
      tpu.enqueue_dma source(%arg17 : memref<64x128xf32, #tpu.memory_space<vmem>>) target(%dma_start3A_199 : memref<64x128xf32, #tpu.memory_space<vmem_shared>>) target_semaphore(%run_scoped3A_195 : memref<!tpu.dma_semaphore, #tpu.memory_space<semaphore_mem>>)
      %dma_wait3A = arith.constant 0 : i32
      %dma_wait3A_200 = tpu.memref_slice %arg21[%add3A_14, %dma_wait3A] : memref<10240x128xf32, #tpu.memory_space<vmem_shared>> -> memref<64x128xf32, #tpu.memory_space<vmem_shared>>
      %dma_wait3A_201 = arith.constant 0 : i32
      %dma_wait3A_202 = tpu.memref_slice %arg21[%add3A_14, %dma_wait3A_201] : memref<10240x128xf32, #tpu.memory_space<vmem_shared>> -> memref<64x128xf32, #tpu.memory_space<vmem_shared>>
      tpu.wait_dma2 semaphore(%run_scoped3A_195 : memref<!tpu.dma_semaphore, #tpu.memory_space<semaphore_mem>>) src(%arg17 : memref<64x128xf32, #tpu.memory_space<vmem>>) dst(%dma_wait3A_202 : memref<64x128xf32, #tpu.memory_space<vmem_shared>>)
      tpu.yield
    }) : () -> ()
    %add3A_15 = arith.constant 384 : i32
    %add3A_16 = arith.addi %mul3A_2, %add3A_15 : i32
    "tpu.region"() ({
      %run_scoped3A_195 = tpu.sem_alloc : memref<!tpu.dma_semaphore, #tpu.memory_space<semaphore_mem>>
      %dma_start3A_196 = arith.constant 0 : i32
      %dma_start3A_197 = tpu.memref_slice %arg21[%add3A_16, %dma_start3A_196] : memref<10240x128xf32, #tpu.memory_space<vmem_shared>> -> memref<64x128xf32, #tpu.memory_space<vmem_shared>>
      %dma_start3A_198 = arith.constant 0 : i32
      %dma_start3A_199 = tpu.memref_slice %arg21[%add3A_16, %dma_start3A_198] : memref<10240x128xf32, #tpu.memory_space<vmem_shared>> -> memref<64x128xf32, #tpu.memory_space<vmem_shared>>
      tpu.enqueue_dma source(%arg17 : memref<64x128xf32, #tpu.memory_space<vmem>>) target(%dma_start3A_199 : memref<64x128xf32, #tpu.memory_space<vmem_shared>>) target_semaphore(%run_scoped3A_195 : memref<!tpu.dma_semaphore, #tpu.memory_space<semaphore_mem>>)
      %dma_wait3A = arith.constant 0 : i32
      %dma_wait3A_200 = tpu.memref_slice %arg21[%add3A_16, %dma_wait3A] : memref<10240x128xf32, #tpu.memory_space<vmem_shared>> -> memref<64x128xf32, #tpu.memory_space<vmem_shared>>
      %dma_wait3A_201 = arith.constant 0 : i32
      %dma_wait3A_202 = tpu.memref_slice %arg21[%add3A_16, %dma_wait3A_201] : memref<10240x128xf32, #tpu.memory_space<vmem_shared>> -> memref<64x128xf32, #tpu.memory_space<vmem_shared>>
      tpu.wait_dma2 semaphore(%run_scoped3A_195 : memref<!tpu.dma_semaphore, #tpu.memory_space<semaphore_mem>>) src(%arg17 : memref<64x128xf32, #tpu.memory_space<vmem>>) dst(%dma_wait3A_202 : memref<64x128xf32, #tpu.memory_space<vmem_shared>>)
      tpu.yield
    }) : () -> ()
    %add3A_17 = arith.constant 448 : i32
    %add3A_18 = arith.addi %mul3A_2, %add3A_17 : i32
    "tpu.region"() ({
      %run_scoped3A_195 = tpu.sem_alloc : memref<!tpu.dma_semaphore, #tpu.memory_space<semaphore_mem>>
      %dma_start3A_196 = arith.constant 0 : i32
      %dma_start3A_197 = tpu.memref_slice %arg21[%add3A_18, %dma_start3A_196] : memref<10240x128xf32, #tpu.memory_space<vmem_shared>> -> memref<64x128xf32, #tpu.memory_space<vmem_shared>>
      %dma_start3A_198 = arith.constant 0 : i32
      %dma_start3A_199 = tpu.memref_slice %arg21[%add3A_18, %dma_start3A_198] : memref<10240x128xf32, #tpu.memory_space<vmem_shared>> -> memref<64x128xf32, #tpu.memory_space<vmem_shared>>
      tpu.enqueue_dma source(%arg17 : memref<64x128xf32, #tpu.memory_space<vmem>>) target(%dma_start3A_199 : memref<64x128xf32, #tpu.memory_space<vmem_shared>>) target_semaphore(%run_scoped3A_195 : memref<!tpu.dma_semaphore, #tpu.memory_space<semaphore_mem>>)
      %dma_wait3A = arith.constant 0 : i32
      %dma_wait3A_200 = tpu.memref_slice %arg21[%add3A_18, %dma_wait3A] : memref<10240x128xf32, #tpu.memory_space<vmem_shared>> -> memref<64x128xf32, #tpu.memory_space<vmem_shared>>
      %dma_wait3A_201 = arith.constant 0 : i32
      %dma_wait3A_202 = tpu.memref_slice %arg21[%add3A_18, %dma_wait3A_201] : memref<10240x128xf32, #tpu.memory_space<vmem_shared>> -> memref<64x128xf32, #tpu.memory_space<vmem_shared>>
      tpu.wait_dma2 semaphore(%run_scoped3A_195 : memref<!tpu.dma_semaphore, #tpu.memory_space<semaphore_mem>>) src(%arg17 : memref<64x128xf32, #tpu.memory_space<vmem>>) dst(%dma_wait3A_202 : memref<64x128xf32, #tpu.memory_space<vmem_shared>>)
      tpu.yield
    }) : () -> ()
    %add3A_19 = arith.constant 512 : i32
    %add3A_20 = arith.addi %mul3A_2, %add3A_19 : i32
    "tpu.region"() ({
      %run_scoped3A_195 = tpu.sem_alloc : memref<!tpu.dma_semaphore, #tpu.memory_space<semaphore_mem>>
      %dma_start3A_196 = arith.constant 0 : i32
      %dma_start3A_197 = tpu.memref_slice %arg21[%add3A_20, %dma_start3A_196] : memref<10240x128xf32, #tpu.memory_space<vmem_shared>> -> memref<64x128xf32, #tpu.memory_space<vmem_shared>>
      %dma_start3A_198 = arith.constant 0 : i32
      %dma_start3A_199 = tpu.memref_slice %arg21[%add3A_20, %dma_start3A_198] : memref<10240x128xf32, #tpu.memory_space<vmem_shared>> -> memref<64x128xf32, #tpu.memory_space<vmem_shared>>
      tpu.enqueue_dma source(%arg17 : memref<64x128xf32, #tpu.memory_space<vmem>>) target(%dma_start3A_199 : memref<64x128xf32, #tpu.memory_space<vmem_shared>>) target_semaphore(%run_scoped3A_195 : memref<!tpu.dma_semaphore, #tpu.memory_space<semaphore_mem>>)
      %dma_wait3A = arith.constant 0 : i32
      %dma_wait3A_200 = tpu.memref_slice %arg21[%add3A_20, %dma_wait3A] : memref<10240x128xf32, #tpu.memory_space<vmem_shared>> -> memref<64x128xf32, #tpu.memory_space<vmem_shared>>
      %dma_wait3A_201 = arith.constant 0 : i32
      %dma_wait3A_202 = tpu.memref_slice %arg21[%add3A_20, %dma_wait3A_201] : memref<10240x128xf32, #tpu.memory_space<vmem_shared>> -> memref<64x128xf32, #tpu.memory_space<vmem_shared>>
      tpu.wait_dma2 semaphore(%run_scoped3A_195 : memref<!tpu.dma_semaphore, #tpu.memory_space<semaphore_mem>>) src(%arg17 : memref<64x128xf32, #tpu.memory_space<vmem>>) dst(%dma_wait3A_202 : memref<64x128xf32, #tpu.memory_space<vmem_shared>>)
      tpu.yield
    }) : () -> ()
    %add3A_21 = arith.constant 576 : i32
    %add3A_22 = arith.addi %mul3A_2, %add3A_21 : i32
    "tpu.region"() ({
      %run_scoped3A_195 = tpu.sem_alloc : memref<!tpu.dma_semaphore, #tpu.memory_space<semaphore_mem>>
      %dma_start3A_196 = arith.constant 0 : i32
      %dma_start3A_197 = tpu.memref_slice %arg21[%add3A_22, %dma_start3A_196] : memref<10240x128xf32, #tpu.memory_space<vmem_shared>> -> memref<64x128xf32, #tpu.memory_space<vmem_shared>>
      %dma_start3A_198 = arith.constant 0 : i32
      %dma_start3A_199 = tpu.memref_slice %arg21[%add3A_22, %dma_start3A_198] : memref<10240x128xf32, #tpu.memory_space<vmem_shared>> -> memref<64x128xf32, #tpu.memory_space<vmem_shared>>
      tpu.enqueue_dma source(%arg17 : memref<64x128xf32, #tpu.memory_space<vmem>>) target(%dma_start3A_199 : memref<64x128xf32, #tpu.memory_space<vmem_shared>>) target_semaphore(%run_scoped3A_195 : memref<!tpu.dma_semaphore, #tpu.memory_space<semaphore_mem>>)
      %dma_wait3A = arith.constant 0 : i32
      %dma_wait3A_200 = tpu.memref_slice %arg21[%add3A_22, %dma_wait3A] : memref<10240x128xf32, #tpu.memory_space<vmem_shared>> -> memref<64x128xf32, #tpu.memory_space<vmem_shared>>
      %dma_wait3A_201 = arith.constant 0 : i32
      %dma_wait3A_202 = tpu.memref_slice %arg21[%add3A_22, %dma_wait3A_201] : memref<10240x128xf32, #tpu.memory_space<vmem_shared>> -> memref<64x128xf32, #tpu.memory_space<vmem_shared>>
      tpu.wait_dma2 semaphore(%run_scoped3A_195 : memref<!tpu.dma_semaphore, #tpu.memory_space<semaphore_mem>>) src(%arg17 : memref<64x128xf32, #tpu.memory_space<vmem>>) dst(%dma_wait3A_202 : memref<64x128xf32, #tpu.memory_space<vmem_shared>>)
      tpu.yield
    }) : () -> ()
    "tpu.region"() ({
      %run_scoped3A_195 = tpu.sem_alloc : memref<!tpu.dma_semaphore, #tpu.memory_space<semaphore_mem>>
      tpu.enqueue_dma source(%arg5 : memref<64x16xf32, #tpu.memory_space<hbm>>) target(%arg34 : memref<64x16xf32, #tpu.memory_space<vmem>>) target_semaphore(%run_scoped3A_195 : memref<!tpu.dma_semaphore, #tpu.memory_space<semaphore_mem>>)
      tpu.wait_dma2 semaphore(%run_scoped3A_195 : memref<!tpu.dma_semaphore, #tpu.memory_space<semaphore_mem>>) src(%arg5 : memref<64x16xf32, #tpu.memory_space<hbm>>) dst(%arg34 : memref<64x16xf32, #tpu.memory_space<vmem>>)
      tpu.yield
    }) : () -> ()
    %add3A_23 = arith.constant 0 : i32
    %add3A_24 = arith.addi %mul3A_2, %add3A_23 : i32
    "tpu.region"() ({
      %run_scoped3A_195 = tpu.sem_alloc : memref<!tpu.dma_semaphore, #tpu.memory_space<semaphore_mem>>
      %dma_start3A_196 = arith.constant 0 : i32
      %dma_start3A_197 = tpu.memref_slice %arg35[%add3A_24, %dma_start3A_196] : memref<10240x16xf32, #tpu.memory_space<vmem_shared>> -> memref<64x16xf32, #tpu.memory_space<vmem_shared>>
      %dma_start3A_198 = arith.constant 0 : i32
      %dma_start3A_199 = tpu.memref_slice %arg35[%add3A_24, %dma_start3A_198] : memref<10240x16xf32, #tpu.memory_space<vmem_shared>> -> memref<64x16xf32, #tpu.memory_space<vmem_shared>>
      tpu.enqueue_dma source(%arg34 : memref<64x16xf32, #tpu.memory_space<vmem>>) target(%dma_start3A_199 : memref<64x16xf32, #tpu.memory_space<vmem_shared>>) target_semaphore(%run_scoped3A_195 : memref<!tpu.dma_semaphore, #tpu.memory_space<semaphore_mem>>)
      %dma_wait3A = arith.constant 0 : i32
      %dma_wait3A_200 = tpu.memref_slice %arg35[%add3A_24, %dma_wait3A] : memref<10240x16xf32, #tpu.memory_space<vmem_shared>> -> memref<64x16xf32, #tpu.memory_space<vmem_shared>>
      %dma_wait3A_201 = arith.constant 0 : i32
      %dma_wait3A_202 = tpu.memref_slice %arg35[%add3A_24, %dma_wait3A_201] : memref<10240x16xf32, #tpu.memory_space<vmem_shared>> -> memref<64x16xf32, #tpu.memory_space<vmem_shared>>
      tpu.wait_dma2 semaphore(%run_scoped3A_195 : memref<!tpu.dma_semaphore, #tpu.memory_space<semaphore_mem>>) src(%arg34 : memref<64x16xf32, #tpu.memory_space<vmem>>) dst(%dma_wait3A_202 : memref<64x16xf32, #tpu.memory_space<vmem_shared>>)
      tpu.yield
    }) : () -> ()
    %add3A_25 = arith.constant 64 : i32
    %add3A_26 = arith.addi %mul3A_2, %add3A_25 : i32
    "tpu.region"() ({
      %run_scoped3A_195 = tpu.sem_alloc : memref<!tpu.dma_semaphore, #tpu.memory_space<semaphore_mem>>
      %dma_start3A_196 = arith.constant 0 : i32
      %dma_start3A_197 = tpu.memref_slice %arg35[%add3A_26, %dma_start3A_196] : memref<10240x16xf32, #tpu.memory_space<vmem_shared>> -> memref<64x16xf32, #tpu.memory_space<vmem_shared>>
      %dma_start3A_198 = arith.constant 0 : i32
      %dma_start3A_199 = tpu.memref_slice %arg35[%add3A_26, %dma_start3A_198] : memref<10240x16xf32, #tpu.memory_space<vmem_shared>> -> memref<64x16xf32, #tpu.memory_space<vmem_shared>>
      tpu.enqueue_dma source(%arg34 : memref<64x16xf32, #tpu.memory_space<vmem>>) target(%dma_start3A_199 : memref<64x16xf32, #tpu.memory_space<vmem_shared>>) target_semaphore(%run_scoped3A_195 : memref<!tpu.dma_semaphore, #tpu.memory_space<semaphore_mem>>)
      %dma_wait3A = arith.constant 0 : i32
      %dma_wait3A_200 = tpu.memref_slice %arg35[%add3A_26, %dma_wait3A] : memref<10240x16xf32, #tpu.memory_space<vmem_shared>> -> memref<64x16xf32, #tpu.memory_space<vmem_shared>>
      %dma_wait3A_201 = arith.constant 0 : i32
      %dma_wait3A_202 = tpu.memref_slice %arg35[%add3A_26, %dma_wait3A_201] : memref<10240x16xf32, #tpu.memory_space<vmem_shared>> -> memref<64x16xf32, #tpu.memory_space<vmem_shared>>
      tpu.wait_dma2 semaphore(%run_scoped3A_195 : memref<!tpu.dma_semaphore, #tpu.memory_space<semaphore_mem>>) src(%arg34 : memref<64x16xf32, #tpu.memory_space<vmem>>) dst(%dma_wait3A_202 : memref<64x16xf32, #tpu.memory_space<vmem_shared>>)
      tpu.yield
    }) : () -> ()
    %add3A_27 = arith.constant 128 : i32
    %add3A_28 = arith.addi %mul3A_2, %add3A_27 : i32
    "tpu.region"() ({
      %run_scoped3A_195 = tpu.sem_alloc : memref<!tpu.dma_semaphore, #tpu.memory_space<semaphore_mem>>
      %dma_start3A_196 = arith.constant 0 : i32
      %dma_start3A_197 = tpu.memref_slice %arg35[%add3A_28, %dma_start3A_196] : memref<10240x16xf32, #tpu.memory_space<vmem_shared>> -> memref<64x16xf32, #tpu.memory_space<vmem_shared>>
      %dma_start3A_198 = arith.constant 0 : i32
      %dma_start3A_199 = tpu.memref_slice %arg35[%add3A_28, %dma_start3A_198] : memref<10240x16xf32, #tpu.memory_space<vmem_shared>> -> memref<64x16xf32, #tpu.memory_space<vmem_shared>>
      tpu.enqueue_dma source(%arg34 : memref<64x16xf32, #tpu.memory_space<vmem>>) target(%dma_start3A_199 : memref<64x16xf32, #tpu.memory_space<vmem_shared>>) target_semaphore(%run_scoped3A_195 : memref<!tpu.dma_semaphore, #tpu.memory_space<semaphore_mem>>)
      %dma_wait3A = arith.constant 0 : i32
      %dma_wait3A_200 = tpu.memref_slice %arg35[%add3A_28, %dma_wait3A] : memref<10240x16xf32, #tpu.memory_space<vmem_shared>> -> memref<64x16xf32, #tpu.memory_space<vmem_shared>>
      %dma_wait3A_201 = arith.constant 0 : i32
      %dma_wait3A_202 = tpu.memref_slice %arg35[%add3A_28, %dma_wait3A_201] : memref<10240x16xf32, #tpu.memory_space<vmem_shared>> -> memref<64x16xf32, #tpu.memory_space<vmem_shared>>
      tpu.wait_dma2 semaphore(%run_scoped3A_195 : memref<!tpu.dma_semaphore, #tpu.memory_space<semaphore_mem>>) src(%arg34 : memref<64x16xf32, #tpu.memory_space<vmem>>) dst(%dma_wait3A_202 : memref<64x16xf32, #tpu.memory_space<vmem_shared>>)
      tpu.yield
    }) : () -> ()
    %add3A_29 = arith.constant 192 : i32
    %add3A_30 = arith.addi %mul3A_2, %add3A_29 : i32
    "tpu.region"() ({
      %run_scoped3A_195 = tpu.sem_alloc : memref<!tpu.dma_semaphore, #tpu.memory_space<semaphore_mem>>
      %dma_start3A_196 = arith.constant 0 : i32
      %dma_start3A_197 = tpu.memref_slice %arg35[%add3A_30, %dma_start3A_196] : memref<10240x16xf32, #tpu.memory_space<vmem_shared>> -> memref<64x16xf32, #tpu.memory_space<vmem_shared>>
      %dma_start3A_198 = arith.constant 0 : i32
      %dma_start3A_199 = tpu.memref_slice %arg35[%add3A_30, %dma_start3A_198] : memref<10240x16xf32, #tpu.memory_space<vmem_shared>> -> memref<64x16xf32, #tpu.memory_space<vmem_shared>>
      tpu.enqueue_dma source(%arg34 : memref<64x16xf32, #tpu.memory_space<vmem>>) target(%dma_start3A_199 : memref<64x16xf32, #tpu.memory_space<vmem_shared>>) target_semaphore(%run_scoped3A_195 : memref<!tpu.dma_semaphore, #tpu.memory_space<semaphore_mem>>)
      %dma_wait3A = arith.constant 0 : i32
      %dma_wait3A_200 = tpu.memref_slice %arg35[%add3A_30, %dma_wait3A] : memref<10240x16xf32, #tpu.memory_space<vmem_shared>> -> memref<64x16xf32, #tpu.memory_space<vmem_shared>>
      %dma_wait3A_201 = arith.constant 0 : i32
      %dma_wait3A_202 = tpu.memref_slice %arg35[%add3A_30, %dma_wait3A_201] : memref<10240x16xf32, #tpu.memory_space<vmem_shared>> -> memref<64x16xf32, #tpu.memory_space<vmem_shared>>
      tpu.wait_dma2 semaphore(%run_scoped3A_195 : memref<!tpu.dma_semaphore, #tpu.memory_space<semaphore_mem>>) src(%arg34 : memref<64x16xf32, #tpu.memory_space<vmem>>) dst(%dma_wait3A_202 : memref<64x16xf32, #tpu.memory_space<vmem_shared>>)
      tpu.yield
    }) : () -> ()
    %add3A_31 = arith.constant 256 : i32
    %add3A_32 = arith.addi %mul3A_2, %add3A_31 : i32
    "tpu.region"() ({
      %run_scoped3A_195 = tpu.sem_alloc : memref<!tpu.dma_semaphore, #tpu.memory_space<semaphore_mem>>
      %dma_start3A_196 = arith.constant 0 : i32
      %dma_start3A_197 = tpu.memref_slice %arg35[%add3A_32, %dma_start3A_196] : memref<10240x16xf32, #tpu.memory_space<vmem_shared>> -> memref<64x16xf32, #tpu.memory_space<vmem_shared>>
      %dma_start3A_198 = arith.constant 0 : i32
      %dma_start3A_199 = tpu.memref_slice %arg35[%add3A_32, %dma_start3A_198] : memref<10240x16xf32, #tpu.memory_space<vmem_shared>> -> memref<64x16xf32, #tpu.memory_space<vmem_shared>>
      tpu.enqueue_dma source(%arg34 : memref<64x16xf32, #tpu.memory_space<vmem>>) target(%dma_start3A_199 : memref<64x16xf32, #tpu.memory_space<vmem_shared>>) target_semaphore(%run_scoped3A_195 : memref<!tpu.dma_semaphore, #tpu.memory_space<semaphore_mem>>)
      %dma_wait3A = arith.constant 0 : i32
      %dma_wait3A_200 = tpu.memref_slice %arg35[%add3A_32, %dma_wait3A] : memref<10240x16xf32, #tpu.memory_space<vmem_shared>> -> memref<64x16xf32, #tpu.memory_space<vmem_shared>>
      %dma_wait3A_201 = arith.constant 0 : i32
      %dma_wait3A_202 = tpu.memref_slice %arg35[%add3A_32, %dma_wait3A_201] : memref<10240x16xf32, #tpu.memory_space<vmem_shared>> -> memref<64x16xf32, #tpu.memory_space<vmem_shared>>
      tpu.wait_dma2 semaphore(%run_scoped3A_195 : memref<!tpu.dma_semaphore, #tpu.memory_space<semaphore_mem>>) src(%arg34 : memref<64x16xf32, #tpu.memory_space<vmem>>) dst(%dma_wait3A_202 : memref<64x16xf32, #tpu.memory_space<vmem_shared>>)
      tpu.yield
    }) : () -> ()
    %add3A_33 = arith.constant 320 : i32
    %add3A_34 = arith.addi %mul3A_2, %add3A_33 : i32
    "tpu.region"() ({
      %run_scoped3A_195 = tpu.sem_alloc : memref<!tpu.dma_semaphore, #tpu.memory_space<semaphore_mem>>
      %dma_start3A_196 = arith.constant 0 : i32
      %dma_start3A_197 = tpu.memref_slice %arg35[%add3A_34, %dma_start3A_196] : memref<10240x16xf32, #tpu.memory_space<vmem_shared>> -> memref<64x16xf32, #tpu.memory_space<vmem_shared>>
      %dma_start3A_198 = arith.constant 0 : i32
      %dma_start3A_199 = tpu.memref_slice %arg35[%add3A_34, %dma_start3A_198] : memref<10240x16xf32, #tpu.memory_space<vmem_shared>> -> memref<64x16xf32, #tpu.memory_space<vmem_shared>>
      tpu.enqueue_dma source(%arg34 : memref<64x16xf32, #tpu.memory_space<vmem>>) target(%dma_start3A_199 : memref<64x16xf32, #tpu.memory_space<vmem_shared>>) target_semaphore(%run_scoped3A_195 : memref<!tpu.dma_semaphore, #tpu.memory_space<semaphore_mem>>)
      %dma_wait3A = arith.constant 0 : i32
      %dma_wait3A_200 = tpu.memref_slice %arg35[%add3A_34, %dma_wait3A] : memref<10240x16xf32, #tpu.memory_space<vmem_shared>> -> memref<64x16xf32, #tpu.memory_space<vmem_shared>>
      %dma_wait3A_201 = arith.constant 0 : i32
      %dma_wait3A_202 = tpu.memref_slice %arg35[%add3A_34, %dma_wait3A_201] : memref<10240x16xf32, #tpu.memory_space<vmem_shared>> -> memref<64x16xf32, #tpu.memory_space<vmem_shared>>
      tpu.wait_dma2 semaphore(%run_scoped3A_195 : memref<!tpu.dma_semaphore, #tpu.memory_space<semaphore_mem>>) src(%arg34 : memref<64x16xf32, #tpu.memory_space<vmem>>) dst(%dma_wait3A_202 : memref<64x16xf32, #tpu.memory_space<vmem_shared>>)
      tpu.yield
    }) : () -> ()
    %add3A_35 = arith.constant 384 : i32
    %add3A_36 = arith.addi %mul3A_2, %add3A_35 : i32
    "tpu.region"() ({
      %run_scoped3A_195 = tpu.sem_alloc : memref<!tpu.dma_semaphore, #tpu.memory_space<semaphore_mem>>
      %dma_start3A_196 = arith.constant 0 : i32
      %dma_start3A_197 = tpu.memref_slice %arg35[%add3A_36, %dma_start3A_196] : memref<10240x16xf32, #tpu.memory_space<vmem_shared>> -> memref<64x16xf32, #tpu.memory_space<vmem_shared>>
      %dma_start3A_198 = arith.constant 0 : i32
      %dma_start3A_199 = tpu.memref_slice %arg35[%add3A_36, %dma_start3A_198] : memref<10240x16xf32, #tpu.memory_space<vmem_shared>> -> memref<64x16xf32, #tpu.memory_space<vmem_shared>>
      tpu.enqueue_dma source(%arg34 : memref<64x16xf32, #tpu.memory_space<vmem>>) target(%dma_start3A_199 : memref<64x16xf32, #tpu.memory_space<vmem_shared>>) target_semaphore(%run_scoped3A_195 : memref<!tpu.dma_semaphore, #tpu.memory_space<semaphore_mem>>)
      %dma_wait3A = arith.constant 0 : i32
      %dma_wait3A_200 = tpu.memref_slice %arg35[%add3A_36, %dma_wait3A] : memref<10240x16xf32, #tpu.memory_space<vmem_shared>> -> memref<64x16xf32, #tpu.memory_space<vmem_shared>>
      %dma_wait3A_201 = arith.constant 0 : i32
      %dma_wait3A_202 = tpu.memref_slice %arg35[%add3A_36, %dma_wait3A_201] : memref<10240x16xf32, #tpu.memory_space<vmem_shared>> -> memref<64x16xf32, #tpu.memory_space<vmem_shared>>
      tpu.wait_dma2 semaphore(%run_scoped3A_195 : memref<!tpu.dma_semaphore, #tpu.memory_space<semaphore_mem>>) src(%arg34 : memref<64x16xf32, #tpu.memory_space<vmem>>) dst(%dma_wait3A_202 : memref<64x16xf32, #tpu.memory_space<vmem_shared>>)
      tpu.yield
    }) : () -> ()
    %add3A_37 = arith.constant 448 : i32
    %add3A_38 = arith.addi %mul3A_2, %add3A_37 : i32
    "tpu.region"() ({
      %run_scoped3A_195 = tpu.sem_alloc : memref<!tpu.dma_semaphore, #tpu.memory_space<semaphore_mem>>
      %dma_start3A_196 = arith.constant 0 : i32
      %dma_start3A_197 = tpu.memref_slice %arg35[%add3A_38, %dma_start3A_196] : memref<10240x16xf32, #tpu.memory_space<vmem_shared>> -> memref<64x16xf32, #tpu.memory_space<vmem_shared>>
      %dma_start3A_198 = arith.constant 0 : i32
      %dma_start3A_199 = tpu.memref_slice %arg35[%add3A_38, %dma_start3A_198] : memref<10240x16xf32, #tpu.memory_space<vmem_shared>> -> memref<64x16xf32, #tpu.memory_space<vmem_shared>>
      tpu.enqueue_dma source(%arg34 : memref<64x16xf32, #tpu.memory_space<vmem>>) target(%dma_start3A_199 : memref<64x16xf32, #tpu.memory_space<vmem_shared>>) target_semaphore(%run_scoped3A_195 : memref<!tpu.dma_semaphore, #tpu.memory_space<semaphore_mem>>)
      %dma_wait3A = arith.constant 0 : i32
      %dma_wait3A_200 = tpu.memref_slice %arg35[%add3A_38, %dma_wait3A] : memref<10240x16xf32, #tpu.memory_space<vmem_shared>> -> memref<64x16xf32, #tpu.memory_space<vmem_shared>>
      %dma_wait3A_201 = arith.constant 0 : i32
      %dma_wait3A_202 = tpu.memref_slice %arg35[%add3A_38, %dma_wait3A_201] : memref<10240x16xf32, #tpu.memory_space<vmem_shared>> -> memref<64x16xf32, #tpu.memory_space<vmem_shared>>
      tpu.wait_dma2 semaphore(%run_scoped3A_195 : memref<!tpu.dma_semaphore, #tpu.memory_space<semaphore_mem>>) src(%arg34 : memref<64x16xf32, #tpu.memory_space<vmem>>) dst(%dma_wait3A_202 : memref<64x16xf32, #tpu.memory_space<vmem_shared>>)
      tpu.yield
    }) : () -> ()
    %add3A_39 = arith.constant 512 : i32
    %add3A_40 = arith.addi %mul3A_2, %add3A_39 : i32
    "tpu.region"() ({
      %run_scoped3A_195 = tpu.sem_alloc : memref<!tpu.dma_semaphore, #tpu.memory_space<semaphore_mem>>
      %dma_start3A_196 = arith.constant 0 : i32
      %dma_start3A_197 = tpu.memref_slice %arg35[%add3A_40, %dma_start3A_196] : memref<10240x16xf32, #tpu.memory_space<vmem_shared>> -> memref<64x16xf32, #tpu.memory_space<vmem_shared>>
      %dma_start3A_198 = arith.constant 0 : i32
      %dma_start3A_199 = tpu.memref_slice %arg35[%add3A_40, %dma_start3A_198] : memref<10240x16xf32, #tpu.memory_space<vmem_shared>> -> memref<64x16xf32, #tpu.memory_space<vmem_shared>>
      tpu.enqueue_dma source(%arg34 : memref<64x16xf32, #tpu.memory_space<vmem>>) target(%dma_start3A_199 : memref<64x16xf32, #tpu.memory_space<vmem_shared>>) target_semaphore(%run_scoped3A_195 : memref<!tpu.dma_semaphore, #tpu.memory_space<semaphore_mem>>)
      %dma_wait3A = arith.constant 0 : i32
      %dma_wait3A_200 = tpu.memref_slice %arg35[%add3A_40, %dma_wait3A] : memref<10240x16xf32, #tpu.memory_space<vmem_shared>> -> memref<64x16xf32, #tpu.memory_space<vmem_shared>>
      %dma_wait3A_201 = arith.constant 0 : i32
      %dma_wait3A_202 = tpu.memref_slice %arg35[%add3A_40, %dma_wait3A_201] : memref<10240x16xf32, #tpu.memory_space<vmem_shared>> -> memref<64x16xf32, #tpu.memory_space<vmem_shared>>
      tpu.wait_dma2 semaphore(%run_scoped3A_195 : memref<!tpu.dma_semaphore, #tpu.memory_space<semaphore_mem>>) src(%arg34 : memref<64x16xf32, #tpu.memory_space<vmem>>) dst(%dma_wait3A_202 : memref<64x16xf32, #tpu.memory_space<vmem_shared>>)
      tpu.yield
    }) : () -> ()
    %add3A_41 = arith.constant 576 : i32
    %add3A_42 = arith.addi %mul3A_2, %add3A_41 : i32
    "tpu.region"() ({
      %run_scoped3A_195 = tpu.sem_alloc : memref<!tpu.dma_semaphore, #tpu.memory_space<semaphore_mem>>
      %dma_start3A_196 = arith.constant 0 : i32
      %dma_start3A_197 = tpu.memref_slice %arg35[%add3A_42, %dma_start3A_196] : memref<10240x16xf32, #tpu.memory_space<vmem_shared>> -> memref<64x16xf32, #tpu.memory_space<vmem_shared>>
      %dma_start3A_198 = arith.constant 0 : i32
      %dma_start3A_199 = tpu.memref_slice %arg35[%add3A_42, %dma_start3A_198] : memref<10240x16xf32, #tpu.memory_space<vmem_shared>> -> memref<64x16xf32, #tpu.memory_space<vmem_shared>>
      tpu.enqueue_dma source(%arg34 : memref<64x16xf32, #tpu.memory_space<vmem>>) target(%dma_start3A_199 : memref<64x16xf32, #tpu.memory_space<vmem_shared>>) target_semaphore(%run_scoped3A_195 : memref<!tpu.dma_semaphore, #tpu.memory_space<semaphore_mem>>)
      %dma_wait3A = arith.constant 0 : i32
      %dma_wait3A_200 = tpu.memref_slice %arg35[%add3A_42, %dma_wait3A] : memref<10240x16xf32, #tpu.memory_space<vmem_shared>> -> memref<64x16xf32, #tpu.memory_space<vmem_shared>>
      %dma_wait3A_201 = arith.constant 0 : i32
      %dma_wait3A_202 = tpu.memref_slice %arg35[%add3A_42, %dma_wait3A_201] : memref<10240x16xf32, #tpu.memory_space<vmem_shared>> -> memref<64x16xf32, #tpu.memory_space<vmem_shared>>
      tpu.wait_dma2 semaphore(%run_scoped3A_195 : memref<!tpu.dma_semaphore, #tpu.memory_space<semaphore_mem>>) src(%arg34 : memref<64x16xf32, #tpu.memory_space<vmem>>) dst(%dma_wait3A_202 : memref<64x16xf32, #tpu.memory_space<vmem_shared>>)
      tpu.yield
    }) : () -> ()
    "tpu.region"() ({
      %run_scoped3A_195 = tpu.sem_alloc : memref<!tpu.dma_semaphore, #tpu.memory_space<semaphore_mem>>
      tpu.enqueue_dma source(%arg6 : memref<64x16xf32, #tpu.memory_space<hbm>>) target(%arg34 : memref<64x16xf32, #tpu.memory_space<vmem>>) target_semaphore(%run_scoped3A_195 : memref<!tpu.dma_semaphore, #tpu.memory_space<semaphore_mem>>)
      tpu.wait_dma2 semaphore(%run_scoped3A_195 : memref<!tpu.dma_semaphore, #tpu.memory_space<semaphore_mem>>) src(%arg6 : memref<64x16xf32, #tpu.memory_space<hbm>>) dst(%arg34 : memref<64x16xf32, #tpu.memory_space<vmem>>)
      tpu.yield
    }) : () -> ()
    %run_scoped3A = arith.constant 0 : i32
    "tpu.region"() ({
      %run_scoped3A_195 = tpu.sem_alloc : memref<!tpu.dma_semaphore, #tpu.memory_space<semaphore_mem>>
      %dma_start3A_196 = arith.constant 0 : i32
      %dma_start3A_197 = arith.constant 0 : i32
      %dma_start3A_198 = tpu.memref_slice %arg3[%add3A, %run_scoped3A, %dma_start3A_196, %dma_start3A_197] : memref<32x160x2x64xi32, #tpu.memory_space<hbm>> -> memref<1x1x2x64xi32, #tpu.memory_space<hbm>>
      %dma_start3A_199 = tpu.memref_squeeze %dma_start3A_198 : memref<1x1x2x64xi32, #tpu.memory_space<hbm>> -> memref<2x64xi32, #tpu.memory_space<hbm>>
      %dma_start3A_200 = arith.constant 0 : i32
      %dma_start3A_201 = arith.constant 0 : i32
      %dma_start3A_202 = tpu.memref_slice %arg3[%add3A, %run_scoped3A, %dma_start3A_200, %dma_start3A_201] : memref<32x160x2x64xi32, #tpu.memory_space<hbm>> -> memref<1x1x2x64xi32, #tpu.memory_space<hbm>>
      %dma_start3A_203 = tpu.memref_squeeze %dma_start3A_202 : memref<1x1x2x64xi32, #tpu.memory_space<hbm>> -> memref<2x64xi32, #tpu.memory_space<hbm>>
      tpu.enqueue_dma source(%dma_start3A_203 : memref<2x64xi32, #tpu.memory_space<hbm>>) target(%arg9 : memref<2x64xi32, #tpu.memory_space<vmem>>) target_semaphore(%run_scoped3A_195 : memref<!tpu.dma_semaphore, #tpu.memory_space<semaphore_mem>>)
      %dma_wait3A = arith.constant 0 : i32
      %dma_wait3A_204 = arith.constant 0 : i32
      %dma_wait3A_205 = tpu.memref_slice %arg3[%add3A, %run_scoped3A, %dma_wait3A, %dma_wait3A_204] : memref<32x160x2x64xi32, #tpu.memory_space<hbm>> -> memref<1x1x2x64xi32, #tpu.memory_space<hbm>>
      %dma_wait3A_206 = tpu.memref_squeeze %dma_wait3A_205 : memref<1x1x2x64xi32, #tpu.memory_space<hbm>> -> memref<2x64xi32, #tpu.memory_space<hbm>>
      %dma_wait3A_207 = arith.constant 0 : i32
      %dma_wait3A_208 = arith.constant 0 : i32
      %dma_wait3A_209 = tpu.memref_slice %arg3[%add3A, %run_scoped3A, %dma_wait3A_207, %dma_wait3A_208] : memref<32x160x2x64xi32, #tpu.memory_space<hbm>> -> memref<1x1x2x64xi32, #tpu.memory_space<hbm>>
      %dma_wait3A_210 = tpu.memref_squeeze %dma_wait3A_209 : memref<1x1x2x64xi32, #tpu.memory_space<hbm>> -> memref<2x64xi32, #tpu.memory_space<hbm>>
      tpu.wait_dma2 semaphore(%run_scoped3A_195 : memref<!tpu.dma_semaphore, #tpu.memory_space<semaphore_mem>>) src(%dma_wait3A_210 : memref<2x64xi32, #tpu.memory_space<hbm>>) dst(%arg9 : memref<2x64xi32, #tpu.memory_space<vmem>>)
      tpu.yield
    }) : () -> ()
    %dma_start3A = arith.constant 4 : i32
    %dma_start3A_43 = arith.constant 0 : i32
    %dma_start3A_44 = arith.constant 0 : i32
    %dma_start3A_45 = tpu.memref_slice %arg3[%add3A, %dma_start3A, %dma_start3A_43, %dma_start3A_44] : memref<32x160x2x64xi32, #tpu.memory_space<hbm>> -> memref<1x1x2x64xi32, #tpu.memory_space<hbm>>
    %dma_start3A_46 = tpu.memref_squeeze %dma_start3A_45 : memref<1x1x2x64xi32, #tpu.memory_space<hbm>> -> memref<2x64xi32, #tpu.memory_space<hbm>>
    %dma_start3A_47 = arith.constant 0 : i32
    %dma_start3A_48 = arith.constant 0 : i32
    %dma_start3A_49 = tpu.memref_slice %arg3[%add3A, %dma_start3A, %dma_start3A_47, %dma_start3A_48] : memref<32x160x2x64xi32, #tpu.memory_space<hbm>> -> memref<1x1x2x64xi32, #tpu.memory_space<hbm>>
    %dma_start3A_50 = tpu.memref_squeeze %dma_start3A_49 : memref<1x1x2x64xi32, #tpu.memory_space<hbm>> -> memref<2x64xi32, #tpu.memory_space<hbm>>
    tpu.enqueue_dma source(%dma_start3A_50 : memref<2x64xi32, #tpu.memory_space<hbm>>) target(%arg13 : memref<2x64xi32, #tpu.memory_space<vmem>>) target_semaphore(%arg26 : memref<!tpu.dma_semaphore, #tpu.memory_space<semaphore_mem>>)
    %run_scoped3A_51 = arith.constant 1 : i32
    "tpu.region"() ({
      %run_scoped3A_195 = tpu.sem_alloc : memref<!tpu.dma_semaphore, #tpu.memory_space<semaphore_mem>>
      %dma_start3A_196 = arith.constant 0 : i32
      %dma_start3A_197 = arith.constant 0 : i32
      %dma_start3A_198 = tpu.memref_slice %arg3[%add3A, %run_scoped3A_51, %dma_start3A_196, %dma_start3A_197] : memref<32x160x2x64xi32, #tpu.memory_space<hbm>> -> memref<1x1x2x64xi32, #tpu.memory_space<hbm>>
      %dma_start3A_199 = tpu.memref_squeeze %dma_start3A_198 : memref<1x1x2x64xi32, #tpu.memory_space<hbm>> -> memref<2x64xi32, #tpu.memory_space<hbm>>
      %dma_start3A_200 = arith.constant 0 : i32
      %dma_start3A_201 = arith.constant 0 : i32
      %dma_start3A_202 = tpu.memref_slice %arg3[%add3A, %run_scoped3A_51, %dma_start3A_200, %dma_start3A_201] : memref<32x160x2x64xi32, #tpu.memory_space<hbm>> -> memref<1x1x2x64xi32, #tpu.memory_space<hbm>>
      %dma_start3A_203 = tpu.memref_squeeze %dma_start3A_202 : memref<1x1x2x64xi32, #tpu.memory_space<hbm>> -> memref<2x64xi32, #tpu.memory_space<hbm>>
      tpu.enqueue_dma source(%dma_start3A_203 : memref<2x64xi32, #tpu.memory_space<hbm>>) target(%arg10 : memref<2x64xi32, #tpu.memory_space<vmem>>) target_semaphore(%run_scoped3A_195 : memref<!tpu.dma_semaphore, #tpu.memory_space<semaphore_mem>>)
      %dma_wait3A = arith.constant 0 : i32
      %dma_wait3A_204 = arith.constant 0 : i32
      %dma_wait3A_205 = tpu.memref_slice %arg3[%add3A, %run_scoped3A_51, %dma_wait3A, %dma_wait3A_204] : memref<32x160x2x64xi32, #tpu.memory_space<hbm>> -> memref<1x1x2x64xi32, #tpu.memory_space<hbm>>
      %dma_wait3A_206 = tpu.memref_squeeze %dma_wait3A_205 : memref<1x1x2x64xi32, #tpu.memory_space<hbm>> -> memref<2x64xi32, #tpu.memory_space<hbm>>
      %dma_wait3A_207 = arith.constant 0 : i32
      %dma_wait3A_208 = arith.constant 0 : i32
      %dma_wait3A_209 = tpu.memref_slice %arg3[%add3A, %run_scoped3A_51, %dma_wait3A_207, %dma_wait3A_208] : memref<32x160x2x64xi32, #tpu.memory_space<hbm>> -> memref<1x1x2x64xi32, #tpu.memory_space<hbm>>
      %dma_wait3A_210 = tpu.memref_squeeze %dma_wait3A_209 : memref<1x1x2x64xi32, #tpu.memory_space<hbm>> -> memref<2x64xi32, #tpu.memory_space<hbm>>
      tpu.wait_dma2 semaphore(%run_scoped3A_195 : memref<!tpu.dma_semaphore, #tpu.memory_space<semaphore_mem>>) src(%dma_wait3A_210 : memref<2x64xi32, #tpu.memory_space<hbm>>) dst(%arg10 : memref<2x64xi32, #tpu.memory_space<vmem>>)
      tpu.yield
    }) : () -> ()
    %dma_start3A_52 = arith.constant 5 : i32
    %dma_start3A_53 = arith.constant 0 : i32
    %dma_start3A_54 = arith.constant 0 : i32
    %dma_start3A_55 = tpu.memref_slice %arg3[%add3A, %dma_start3A_52, %dma_start3A_53, %dma_start3A_54] : memref<32x160x2x64xi32, #tpu.memory_space<hbm>> -> memref<1x1x2x64xi32, #tpu.memory_space<hbm>>
    %dma_start3A_56 = tpu.memref_squeeze %dma_start3A_55 : memref<1x1x2x64xi32, #tpu.memory_space<hbm>> -> memref<2x64xi32, #tpu.memory_space<hbm>>
    %dma_start3A_57 = arith.constant 0 : i32
    %dma_start3A_58 = arith.constant 0 : i32
    %dma_start3A_59 = tpu.memref_slice %arg3[%add3A, %dma_start3A_52, %dma_start3A_57, %dma_start3A_58] : memref<32x160x2x64xi32, #tpu.memory_space<hbm>> -> memref<1x1x2x64xi32, #tpu.memory_space<hbm>>
    %dma_start3A_60 = tpu.memref_squeeze %dma_start3A_59 : memref<1x1x2x64xi32, #tpu.memory_space<hbm>> -> memref<2x64xi32, #tpu.memory_space<hbm>>
    tpu.enqueue_dma source(%dma_start3A_60 : memref<2x64xi32, #tpu.memory_space<hbm>>) target(%arg14 : memref<2x64xi32, #tpu.memory_space<vmem>>) target_semaphore(%arg27 : memref<!tpu.dma_semaphore, #tpu.memory_space<semaphore_mem>>)
    %run_scoped3A_61 = arith.constant 2 : i32
    "tpu.region"() ({
      %run_scoped3A_195 = tpu.sem_alloc : memref<!tpu.dma_semaphore, #tpu.memory_space<semaphore_mem>>
      %dma_start3A_196 = arith.constant 0 : i32
      %dma_start3A_197 = arith.constant 0 : i32
      %dma_start3A_198 = tpu.memref_slice %arg3[%add3A, %run_scoped3A_61, %dma_start3A_196, %dma_start3A_197] : memref<32x160x2x64xi32, #tpu.memory_space<hbm>> -> memref<1x1x2x64xi32, #tpu.memory_space<hbm>>
      %dma_start3A_199 = tpu.memref_squeeze %dma_start3A_198 : memref<1x1x2x64xi32, #tpu.memory_space<hbm>> -> memref<2x64xi32, #tpu.memory_space<hbm>>
      %dma_start3A_200 = arith.constant 0 : i32
      %dma_start3A_201 = arith.constant 0 : i32
      %dma_start3A_202 = tpu.memref_slice %arg3[%add3A, %run_scoped3A_61, %dma_start3A_200, %dma_start3A_201] : memref<32x160x2x64xi32, #tpu.memory_space<hbm>> -> memref<1x1x2x64xi32, #tpu.memory_space<hbm>>
      %dma_start3A_203 = tpu.memref_squeeze %dma_start3A_202 : memref<1x1x2x64xi32, #tpu.memory_space<hbm>> -> memref<2x64xi32, #tpu.memory_space<hbm>>
      tpu.enqueue_dma source(%dma_start3A_203 : memref<2x64xi32, #tpu.memory_space<hbm>>) target(%arg11 : memref<2x64xi32, #tpu.memory_space<vmem>>) target_semaphore(%run_scoped3A_195 : memref<!tpu.dma_semaphore, #tpu.memory_space<semaphore_mem>>)
      %dma_wait3A = arith.constant 0 : i32
      %dma_wait3A_204 = arith.constant 0 : i32
      %dma_wait3A_205 = tpu.memref_slice %arg3[%add3A, %run_scoped3A_61, %dma_wait3A, %dma_wait3A_204] : memref<32x160x2x64xi32, #tpu.memory_space<hbm>> -> memref<1x1x2x64xi32, #tpu.memory_space<hbm>>
      %dma_wait3A_206 = tpu.memref_squeeze %dma_wait3A_205 : memref<1x1x2x64xi32, #tpu.memory_space<hbm>> -> memref<2x64xi32, #tpu.memory_space<hbm>>
      %dma_wait3A_207 = arith.constant 0 : i32
      %dma_wait3A_208 = arith.constant 0 : i32
      %dma_wait3A_209 = tpu.memref_slice %arg3[%add3A, %run_scoped3A_61, %dma_wait3A_207, %dma_wait3A_208] : memref<32x160x2x64xi32, #tpu.memory_space<hbm>> -> memref<1x1x2x64xi32, #tpu.memory_space<hbm>>
      %dma_wait3A_210 = tpu.memref_squeeze %dma_wait3A_209 : memref<1x1x2x64xi32, #tpu.memory_space<hbm>> -> memref<2x64xi32, #tpu.memory_space<hbm>>
      tpu.wait_dma2 semaphore(%run_scoped3A_195 : memref<!tpu.dma_semaphore, #tpu.memory_space<semaphore_mem>>) src(%dma_wait3A_210 : memref<2x64xi32, #tpu.memory_space<hbm>>) dst(%arg11 : memref<2x64xi32, #tpu.memory_space<vmem>>)
      tpu.yield
    }) : () -> ()
    %dma_start3A_62 = arith.constant 6 : i32
    %dma_start3A_63 = arith.constant 0 : i32
    %dma_start3A_64 = arith.constant 0 : i32
    %dma_start3A_65 = tpu.memref_slice %arg3[%add3A, %dma_start3A_62, %dma_start3A_63, %dma_start3A_64] : memref<32x160x2x64xi32, #tpu.memory_space<hbm>> -> memref<1x1x2x64xi32, #tpu.memory_space<hbm>>
    %dma_start3A_66 = tpu.memref_squeeze %dma_start3A_65 : memref<1x1x2x64xi32, #tpu.memory_space<hbm>> -> memref<2x64xi32, #tpu.memory_space<hbm>>
    %dma_start3A_67 = arith.constant 0 : i32
    %dma_start3A_68 = arith.constant 0 : i32
    %dma_start3A_69 = tpu.memref_slice %arg3[%add3A, %dma_start3A_62, %dma_start3A_67, %dma_start3A_68] : memref<32x160x2x64xi32, #tpu.memory_space<hbm>> -> memref<1x1x2x64xi32, #tpu.memory_space<hbm>>
    %dma_start3A_70 = tpu.memref_squeeze %dma_start3A_69 : memref<1x1x2x64xi32, #tpu.memory_space<hbm>> -> memref<2x64xi32, #tpu.memory_space<hbm>>
    tpu.enqueue_dma source(%dma_start3A_70 : memref<2x64xi32, #tpu.memory_space<hbm>>) target(%arg15 : memref<2x64xi32, #tpu.memory_space<vmem>>) target_semaphore(%arg28 : memref<!tpu.dma_semaphore, #tpu.memory_space<semaphore_mem>>)
    %run_scoped3A_71 = arith.constant 3 : i32
    "tpu.region"() ({
      %run_scoped3A_195 = tpu.sem_alloc : memref<!tpu.dma_semaphore, #tpu.memory_space<semaphore_mem>>
      %dma_start3A_196 = arith.constant 0 : i32
      %dma_start3A_197 = arith.constant 0 : i32
      %dma_start3A_198 = tpu.memref_slice %arg3[%add3A, %run_scoped3A_71, %dma_start3A_196, %dma_start3A_197] : memref<32x160x2x64xi32, #tpu.memory_space<hbm>> -> memref<1x1x2x64xi32, #tpu.memory_space<hbm>>
      %dma_start3A_199 = tpu.memref_squeeze %dma_start3A_198 : memref<1x1x2x64xi32, #tpu.memory_space<hbm>> -> memref<2x64xi32, #tpu.memory_space<hbm>>
      %dma_start3A_200 = arith.constant 0 : i32
      %dma_start3A_201 = arith.constant 0 : i32
      %dma_start3A_202 = tpu.memref_slice %arg3[%add3A, %run_scoped3A_71, %dma_start3A_200, %dma_start3A_201] : memref<32x160x2x64xi32, #tpu.memory_space<hbm>> -> memref<1x1x2x64xi32, #tpu.memory_space<hbm>>
      %dma_start3A_203 = tpu.memref_squeeze %dma_start3A_202 : memref<1x1x2x64xi32, #tpu.memory_space<hbm>> -> memref<2x64xi32, #tpu.memory_space<hbm>>
      tpu.enqueue_dma source(%dma_start3A_203 : memref<2x64xi32, #tpu.memory_space<hbm>>) target(%arg12 : memref<2x64xi32, #tpu.memory_space<vmem>>) target_semaphore(%run_scoped3A_195 : memref<!tpu.dma_semaphore, #tpu.memory_space<semaphore_mem>>)
      %dma_wait3A = arith.constant 0 : i32
      %dma_wait3A_204 = arith.constant 0 : i32
      %dma_wait3A_205 = tpu.memref_slice %arg3[%add3A, %run_scoped3A_71, %dma_wait3A, %dma_wait3A_204] : memref<32x160x2x64xi32, #tpu.memory_space<hbm>> -> memref<1x1x2x64xi32, #tpu.memory_space<hbm>>
      %dma_wait3A_206 = tpu.memref_squeeze %dma_wait3A_205 : memref<1x1x2x64xi32, #tpu.memory_space<hbm>> -> memref<2x64xi32, #tpu.memory_space<hbm>>
      %dma_wait3A_207 = arith.constant 0 : i32
      %dma_wait3A_208 = arith.constant 0 : i32
      %dma_wait3A_209 = tpu.memref_slice %arg3[%add3A, %run_scoped3A_71, %dma_wait3A_207, %dma_wait3A_208] : memref<32x160x2x64xi32, #tpu.memory_space<hbm>> -> memref<1x1x2x64xi32, #tpu.memory_space<hbm>>
      %dma_wait3A_210 = tpu.memref_squeeze %dma_wait3A_209 : memref<1x1x2x64xi32, #tpu.memory_space<hbm>> -> memref<2x64xi32, #tpu.memory_space<hbm>>
      tpu.wait_dma2 semaphore(%run_scoped3A_195 : memref<!tpu.dma_semaphore, #tpu.memory_space<semaphore_mem>>) src(%dma_wait3A_210 : memref<2x64xi32, #tpu.memory_space<hbm>>) dst(%arg12 : memref<2x64xi32, #tpu.memory_space<vmem>>)
      tpu.yield
    }) : () -> ()
    %dma_start3A_72 = arith.constant 7 : i32
    %dma_start3A_73 = arith.constant 0 : i32
    %dma_start3A_74 = arith.constant 0 : i32
    %dma_start3A_75 = tpu.memref_slice %arg3[%add3A, %dma_start3A_72, %dma_start3A_73, %dma_start3A_74] : memref<32x160x2x64xi32, #tpu.memory_space<hbm>> -> memref<1x1x2x64xi32, #tpu.memory_space<hbm>>
    %dma_start3A_76 = tpu.memref_squeeze %dma_start3A_75 : memref<1x1x2x64xi32, #tpu.memory_space<hbm>> -> memref<2x64xi32, #tpu.memory_space<hbm>>
    %dma_start3A_77 = arith.constant 0 : i32
    %dma_start3A_78 = arith.constant 0 : i32
    %dma_start3A_79 = tpu.memref_slice %arg3[%add3A, %dma_start3A_72, %dma_start3A_77, %dma_start3A_78] : memref<32x160x2x64xi32, #tpu.memory_space<hbm>> -> memref<1x1x2x64xi32, #tpu.memory_space<hbm>>
    %dma_start3A_80 = tpu.memref_squeeze %dma_start3A_79 : memref<1x1x2x64xi32, #tpu.memory_space<hbm>> -> memref<2x64xi32, #tpu.memory_space<hbm>>
    tpu.enqueue_dma source(%dma_start3A_80 : memref<2x64xi32, #tpu.memory_space<hbm>>) target(%arg16 : memref<2x64xi32, #tpu.memory_space<vmem>>) target_semaphore(%arg29 : memref<!tpu.dma_semaphore, #tpu.memory_space<semaphore_mem>>)
    %barrier3A = arith.constant 0 : index
    tpu.barrier barrier_id(%barrier3A)
    %dma_start3A_81 = arith.constant 0 : i32
    %dma_start3A_82 = arith.constant 0 : i32
    %dma_start3A_83 = tpu.memref_slice %arg9[%dma_start3A_81, %dma_start3A_82] : memref<2x64xi32, #tpu.memory_space<vmem>> -> memref<1x64xi32, #tpu.memory_space<vmem>>
    %dma_start3A_84 = tpu.memref_squeeze %dma_start3A_83 : memref<1x64xi32, #tpu.memory_space<vmem>> -> memref<64xi32, #tpu.memory_space<vmem>>
    %dma_start3A_85 = arith.constant 0 : i32
    %dma_start3A_86 = arith.constant 0 : i32
    %dma_start3A_87 = tpu.memref_slice %arg2[%dma_start3A_85, %dma_start3A_86] : memref<160000x128xf32, #tpu.memory_space<hbm>> -> memref<160000x128xf32, #tpu.memory_space<hbm>>
    tpu.enqueue_indirect_dma source(%dma_start3A_87 : memref<160000x128xf32, #tpu.memory_space<hbm>>) target(%arg17 : memref<64x128xf32, #tpu.memory_space<vmem>>) offsets(%dma_start3A_84 : memref<64xi32, #tpu.memory_space<vmem>>) semaphore(%arg30 : memref<!tpu.dma_semaphore, #tpu.memory_space<semaphore_mem>>)
    %dma_start3A_88 = arith.constant 0 : i32
    %dma_start3A_89 = arith.constant 0 : i32
    %dma_start3A_90 = tpu.memref_slice %arg10[%dma_start3A_88, %dma_start3A_89] : memref<2x64xi32, #tpu.memory_space<vmem>> -> memref<1x64xi32, #tpu.memory_space<vmem>>
    %dma_start3A_91 = tpu.memref_squeeze %dma_start3A_90 : memref<1x64xi32, #tpu.memory_space<vmem>> -> memref<64xi32, #tpu.memory_space<vmem>>
    %dma_start3A_92 = arith.constant 0 : i32
    %dma_start3A_93 = arith.constant 0 : i32
    %dma_start3A_94 = tpu.memref_slice %arg2[%dma_start3A_92, %dma_start3A_93] : memref<160000x128xf32, #tpu.memory_space<hbm>> -> memref<160000x128xf32, #tpu.memory_space<hbm>>
    tpu.enqueue_indirect_dma source(%dma_start3A_94 : memref<160000x128xf32, #tpu.memory_space<hbm>>) target(%arg18 : memref<64x128xf32, #tpu.memory_space<vmem>>) offsets(%dma_start3A_91 : memref<64xi32, #tpu.memory_space<vmem>>) semaphore(%arg31 : memref<!tpu.dma_semaphore, #tpu.memory_space<semaphore_mem>>)
    %dma_start3A_95 = arith.constant 0 : i32
    %dma_start3A_96 = arith.constant 0 : i32
    %dma_start3A_97 = tpu.memref_slice %arg11[%dma_start3A_95, %dma_start3A_96] : memref<2x64xi32, #tpu.memory_space<vmem>> -> memref<1x64xi32, #tpu.memory_space<vmem>>
    %dma_start3A_98 = tpu.memref_squeeze %dma_start3A_97 : memref<1x64xi32, #tpu.memory_space<vmem>> -> memref<64xi32, #tpu.memory_space<vmem>>
    %dma_start3A_99 = arith.constant 0 : i32
    %dma_start3A_100 = arith.constant 0 : i32
    %dma_start3A_101 = tpu.memref_slice %arg2[%dma_start3A_99, %dma_start3A_100] : memref<160000x128xf32, #tpu.memory_space<hbm>> -> memref<160000x128xf32, #tpu.memory_space<hbm>>
    tpu.enqueue_indirect_dma source(%dma_start3A_101 : memref<160000x128xf32, #tpu.memory_space<hbm>>) target(%arg19 : memref<64x128xf32, #tpu.memory_space<vmem>>) offsets(%dma_start3A_98 : memref<64xi32, #tpu.memory_space<vmem>>) semaphore(%arg32 : memref<!tpu.dma_semaphore, #tpu.memory_space<semaphore_mem>>)
    %dma_start3A_102 = arith.constant 0 : i32
    %dma_start3A_103 = arith.constant 0 : i32
    %dma_start3A_104 = tpu.memref_slice %arg12[%dma_start3A_102, %dma_start3A_103] : memref<2x64xi32, #tpu.memory_space<vmem>> -> memref<1x64xi32, #tpu.memory_space<vmem>>
    %dma_start3A_105 = tpu.memref_squeeze %dma_start3A_104 : memref<1x64xi32, #tpu.memory_space<vmem>> -> memref<64xi32, #tpu.memory_space<vmem>>
    %dma_start3A_106 = arith.constant 0 : i32
    %dma_start3A_107 = arith.constant 0 : i32
    %dma_start3A_108 = tpu.memref_slice %arg2[%dma_start3A_106, %dma_start3A_107] : memref<160000x128xf32, #tpu.memory_space<hbm>> -> memref<160000x128xf32, #tpu.memory_space<hbm>>
    tpu.enqueue_indirect_dma source(%dma_start3A_108 : memref<160000x128xf32, #tpu.memory_space<hbm>>) target(%arg20 : memref<64x128xf32, #tpu.memory_space<vmem>>) offsets(%dma_start3A_105 : memref<64xi32, #tpu.memory_space<vmem>>) semaphore(%arg33 : memref<!tpu.dma_semaphore, #tpu.memory_space<semaphore_mem>>)
    %scan3A = arith.constant 0 : i32
    %scan3A_109 = arith.constant 0 : i32
    %scan3A_110 = arith.constant 20 : i32
    %scan3A_111 = arith.addi %scan3A_109, %scan3A_110 : i32
    %scan3A_112 = arith.constant 1 : i32
    scf.for %scan3A_195 = %scan3A_109 to %scan3A_111 step %scan3A_112  : i32 {
      %mul3A_196 = arith.constant 2 : i32
      %mul3A_197 = arith.muli %mul3A_196, %scan3A_195 : i32
      %dma_wait3A = arith.constant 0 : i32
      %dma_wait3A_198 = arith.constant 0 : i32
      %dma_wait3A_199 = tpu.memref_slice %arg9[%dma_wait3A, %dma_wait3A_198] : memref<2x64xi32, #tpu.memory_space<vmem>> -> memref<1x64xi32, #tpu.memory_space<vmem>>
      %dma_wait3A_200 = tpu.memref_squeeze %dma_wait3A_199 : memref<1x64xi32, #tpu.memory_space<vmem>> -> memref<64xi32, #tpu.memory_space<vmem>>
      %dma_wait3A_201 = arith.constant 0 : i32
      %dma_wait3A_202 = arith.constant 0 : i32
      %dma_wait3A_203 = tpu.memref_slice %arg2[%dma_wait3A_201, %dma_wait3A_202] : memref<160000x128xf32, #tpu.memory_space<hbm>> -> memref<160000x128xf32, #tpu.memory_space<hbm>>
      tpu.wait_indirect_dma semaphore(%arg30 : memref<!tpu.dma_semaphore, #tpu.memory_space<semaphore_mem>>) src(%dma_wait3A_203 : memref<160000x128xf32, #tpu.memory_space<hbm>>) dst(%arg17 : memref<64x128xf32, #tpu.memory_space<vmem>>)
      %run_scoped3A_204 = arith.constant 1 : i32
      "tpu.region"() ({
        %run_scoped3A_434 = tpu.sem_alloc : memref<!tpu.dma_semaphore, #tpu.memory_space<semaphore_mem>>
        %dma_start3A_435 = arith.constant 0 : i32
        %dma_start3A_436 = tpu.memref_slice %arg9[%run_scoped3A_204, %dma_start3A_435] : memref<2x64xi32, #tpu.memory_space<vmem>> -> memref<1x64xi32, #tpu.memory_space<vmem>>
        %dma_start3A_437 = tpu.memref_squeeze %dma_start3A_436 : memref<1x64xi32, #tpu.memory_space<vmem>> -> memref<64xi32, #tpu.memory_space<vmem>>
        %dma_start3A_438 = arith.constant 0 : i32
        %dma_start3A_439 = arith.constant 0 : i32
        %dma_start3A_440 = tpu.memref_slice %arg21[%dma_start3A_438, %dma_start3A_439] : memref<10240x128xf32, #tpu.memory_space<vmem_shared>> -> memref<10240x128xf32, #tpu.memory_space<vmem_shared>>
        tpu.enqueue_indirect_dma source(%arg17 : memref<64x128xf32, #tpu.memory_space<vmem>>) target(%dma_start3A_440 : memref<10240x128xf32, #tpu.memory_space<vmem_shared>>) offsets(%dma_start3A_437 : memref<64xi32, #tpu.memory_space<vmem>>) semaphore(%run_scoped3A_434 : memref<!tpu.dma_semaphore, #tpu.memory_space<semaphore_mem>>) {add = true}
        %dma_wait3A_441 = arith.constant 0 : i32
        %dma_wait3A_442 = tpu.memref_slice %arg9[%run_scoped3A_204, %dma_wait3A_441] : memref<2x64xi32, #tpu.memory_space<vmem>> -> memref<1x64xi32, #tpu.memory_space<vmem>>
        %dma_wait3A_443 = tpu.memref_squeeze %dma_wait3A_442 : memref<1x64xi32, #tpu.memory_space<vmem>> -> memref<64xi32, #tpu.memory_space<vmem>>
        %dma_wait3A_444 = arith.constant 0 : i32
        %dma_wait3A_445 = arith.constant 0 : i32
        %dma_wait3A_446 = tpu.memref_slice %arg21[%dma_wait3A_444, %dma_wait3A_445] : memref<10240x128xf32, #tpu.memory_space<vmem_shared>> -> memref<10240x128xf32, #tpu.memory_space<vmem_shared>>
        tpu.wait_indirect_dma semaphore(%run_scoped3A_434 : memref<!tpu.dma_semaphore, #tpu.memory_space<semaphore_mem>>) src(%arg17 : memref<64x128xf32, #tpu.memory_space<vmem>>) dst(%dma_wait3A_446 : memref<10240x128xf32, #tpu.memory_space<vmem_shared>>)
        tpu.yield
      }) : () -> ()
      %run_scoped3A_205 = arith.constant 1 : i32
      "tpu.region"() ({
        %run_scoped3A_434 = tpu.sem_alloc : memref<!tpu.dma_semaphore, #tpu.memory_space<semaphore_mem>>
        %dma_start3A_435 = arith.constant 0 : i32
        %dma_start3A_436 = tpu.memref_slice %arg9[%run_scoped3A_205, %dma_start3A_435] : memref<2x64xi32, #tpu.memory_space<vmem>> -> memref<1x64xi32, #tpu.memory_space<vmem>>
        %dma_start3A_437 = tpu.memref_squeeze %dma_start3A_436 : memref<1x64xi32, #tpu.memory_space<vmem>> -> memref<64xi32, #tpu.memory_space<vmem>>
        %dma_start3A_438 = arith.constant 0 : i32
        %dma_start3A_439 = arith.constant 0 : i32
        %dma_start3A_440 = tpu.memref_slice %arg35[%dma_start3A_438, %dma_start3A_439] : memref<10240x16xf32, #tpu.memory_space<vmem_shared>> -> memref<10240x16xf32, #tpu.memory_space<vmem_shared>>
        tpu.enqueue_indirect_dma source(%arg34 : memref<64x16xf32, #tpu.memory_space<vmem>>) target(%dma_start3A_440 : memref<10240x16xf32, #tpu.memory_space<vmem_shared>>) offsets(%dma_start3A_437 : memref<64xi32, #tpu.memory_space<vmem>>) semaphore(%run_scoped3A_434 : memref<!tpu.dma_semaphore, #tpu.memory_space<semaphore_mem>>) {add = true}
        %dma_wait3A_441 = arith.constant 0 : i32
        %dma_wait3A_442 = tpu.memref_slice %arg9[%run_scoped3A_205, %dma_wait3A_441] : memref<2x64xi32, #tpu.memory_space<vmem>> -> memref<1x64xi32, #tpu.memory_space<vmem>>
        %dma_wait3A_443 = tpu.memref_squeeze %dma_wait3A_442 : memref<1x64xi32, #tpu.memory_space<vmem>> -> memref<64xi32, #tpu.memory_space<vmem>>
        %dma_wait3A_444 = arith.constant 0 : i32
        %dma_wait3A_445 = arith.constant 0 : i32
        %dma_wait3A_446 = tpu.memref_slice %arg35[%dma_wait3A_444, %dma_wait3A_445] : memref<10240x16xf32, #tpu.memory_space<vmem_shared>> -> memref<10240x16xf32, #tpu.memory_space<vmem_shared>>
        tpu.wait_indirect_dma semaphore(%run_scoped3A_434 : memref<!tpu.dma_semaphore, #tpu.memory_space<semaphore_mem>>) src(%arg34 : memref<64x16xf32, #tpu.memory_space<vmem>>) dst(%dma_wait3A_446 : memref<10240x16xf32, #tpu.memory_space<vmem_shared>>)
        tpu.yield
      }) : () -> ()
      %add3A_206 = arith.constant 2 : i32
      %add3A_207 = arith.addi %mul3A_197, %add3A_206 : i32
      %lt3A = arith.constant 40 : i32
      %lt3A_208 = arith.cmpi slt, %add3A_207, %lt3A : i32
      %convert_element_type3A = arith.extui %lt3A_208 : i1 to i32
      %cond3A = arith.constant 0 : i32
      %cond3A_209 = arith.cmpi ne, %convert_element_type3A, %cond3A : i32
      scf.if %cond3A_209 {
        %add3A_434 = arith.constant 2 : i32
        %add3A_435 = arith.addi %mul3A_197, %add3A_434 : i32
        %mul3A_436 = arith.constant 4 : i32
        %mul3A_437 = arith.muli %add3A_435, %mul3A_436 : i32
        %add3A_438 = arith.constant 0 : i32
        %add3A_439 = arith.addi %mul3A_437, %add3A_438 : i32
        %dma_start3A_440 = arith.constant 0 : i32
        %dma_start3A_441 = arith.constant 0 : i32
        %dma_start3A_442 = tpu.memref_slice %arg3[%add3A, %add3A_439, %dma_start3A_440, %dma_start3A_441] : memref<32x160x2x64xi32, #tpu.memory_space<hbm>> -> memref<1x1x2x64xi32, #tpu.memory_space<hbm>>
        %dma_start3A_443 = tpu.memref_squeeze %dma_start3A_442 : memref<1x1x2x64xi32, #tpu.memory_space<hbm>> -> memref<2x64xi32, #tpu.memory_space<hbm>>
        %dma_start3A_444 = arith.constant 0 : i32
        %dma_start3A_445 = arith.constant 0 : i32
        %dma_start3A_446 = tpu.memref_slice %arg3[%add3A, %add3A_439, %dma_start3A_444, %dma_start3A_445] : memref<32x160x2x64xi32, #tpu.memory_space<hbm>> -> memref<1x1x2x64xi32, #tpu.memory_space<hbm>>
        %dma_start3A_447 = tpu.memref_squeeze %dma_start3A_446 : memref<1x1x2x64xi32, #tpu.memory_space<hbm>> -> memref<2x64xi32, #tpu.memory_space<hbm>>
        tpu.enqueue_dma source(%dma_start3A_447 : memref<2x64xi32, #tpu.memory_space<hbm>>) target(%arg9 : memref<2x64xi32, #tpu.memory_space<vmem>>) target_semaphore(%arg22 : memref<!tpu.dma_semaphore, #tpu.memory_space<semaphore_mem>>)
      } else {
      }
      %add3A_210 = arith.constant 1 : i32
      %add3A_211 = arith.addi %mul3A_197, %add3A_210 : i32
      %mul3A_212 = arith.constant 4 : i32
      %mul3A_213 = arith.muli %add3A_211, %mul3A_212 : i32
      %add3A_214 = arith.constant 0 : i32
      %add3A_215 = arith.addi %mul3A_213, %add3A_214 : i32
      %dma_wait3A_216 = arith.constant 0 : i32
      %dma_wait3A_217 = arith.constant 0 : i32
      %dma_wait3A_218 = tpu.memref_slice %arg3[%add3A, %add3A_215, %dma_wait3A_216, %dma_wait3A_217] : memref<32x160x2x64xi32, #tpu.memory_space<hbm>> -> memref<1x1x2x64xi32, #tpu.memory_space<hbm>>
      %dma_wait3A_219 = tpu.memref_squeeze %dma_wait3A_218 : memref<1x1x2x64xi32, #tpu.memory_space<hbm>> -> memref<2x64xi32, #tpu.memory_space<hbm>>
      %dma_wait3A_220 = arith.constant 0 : i32
      %dma_wait3A_221 = arith.constant 0 : i32
      %dma_wait3A_222 = tpu.memref_slice %arg3[%add3A, %add3A_215, %dma_wait3A_220, %dma_wait3A_221] : memref<32x160x2x64xi32, #tpu.memory_space<hbm>> -> memref<1x1x2x64xi32, #tpu.memory_space<hbm>>
      %dma_wait3A_223 = tpu.memref_squeeze %dma_wait3A_222 : memref<1x1x2x64xi32, #tpu.memory_space<hbm>> -> memref<2x64xi32, #tpu.memory_space<hbm>>
      tpu.wait_dma2 semaphore(%arg26 : memref<!tpu.dma_semaphore, #tpu.memory_space<semaphore_mem>>) src(%dma_wait3A_223 : memref<2x64xi32, #tpu.memory_space<hbm>>) dst(%arg13 : memref<2x64xi32, #tpu.memory_space<vmem>>)
      %dma_start3A_224 = arith.constant 0 : i32
      %dma_start3A_225 = arith.constant 0 : i32
      %dma_start3A_226 = tpu.memref_slice %arg13[%dma_start3A_224, %dma_start3A_225] : memref<2x64xi32, #tpu.memory_space<vmem>> -> memref<1x64xi32, #tpu.memory_space<vmem>>
      %dma_start3A_227 = tpu.memref_squeeze %dma_start3A_226 : memref<1x64xi32, #tpu.memory_space<vmem>> -> memref<64xi32, #tpu.memory_space<vmem>>
      %dma_start3A_228 = arith.constant 0 : i32
      %dma_start3A_229 = arith.constant 0 : i32
      %dma_start3A_230 = tpu.memref_slice %arg2[%dma_start3A_228, %dma_start3A_229] : memref<160000x128xf32, #tpu.memory_space<hbm>> -> memref<160000x128xf32, #tpu.memory_space<hbm>>
      tpu.enqueue_indirect_dma source(%dma_start3A_230 : memref<160000x128xf32, #tpu.memory_space<hbm>>) target(%arg17 : memref<64x128xf32, #tpu.memory_space<vmem>>) offsets(%dma_start3A_227 : memref<64xi32, #tpu.memory_space<vmem>>) semaphore(%arg30 : memref<!tpu.dma_semaphore, #tpu.memory_space<semaphore_mem>>)
      %dma_wait3A_231 = arith.constant 0 : i32
      %dma_wait3A_232 = arith.constant 0 : i32
      %dma_wait3A_233 = tpu.memref_slice %arg10[%dma_wait3A_231, %dma_wait3A_232] : memref<2x64xi32, #tpu.memory_space<vmem>> -> memref<1x64xi32, #tpu.memory_space<vmem>>
      %dma_wait3A_234 = tpu.memref_squeeze %dma_wait3A_233 : memref<1x64xi32, #tpu.memory_space<vmem>> -> memref<64xi32, #tpu.memory_space<vmem>>
      %dma_wait3A_235 = arith.constant 0 : i32
      %dma_wait3A_236 = arith.constant 0 : i32
      %dma_wait3A_237 = tpu.memref_slice %arg2[%dma_wait3A_235, %dma_wait3A_236] : memref<160000x128xf32, #tpu.memory_space<hbm>> -> memref<160000x128xf32, #tpu.memory_space<hbm>>
      tpu.wait_indirect_dma semaphore(%arg31 : memref<!tpu.dma_semaphore, #tpu.memory_space<semaphore_mem>>) src(%dma_wait3A_237 : memref<160000x128xf32, #tpu.memory_space<hbm>>) dst(%arg18 : memref<64x128xf32, #tpu.memory_space<vmem>>)
      %run_scoped3A_238 = arith.constant 1 : i32
      "tpu.region"() ({
        %run_scoped3A_434 = tpu.sem_alloc : memref<!tpu.dma_semaphore, #tpu.memory_space<semaphore_mem>>
        %dma_start3A_435 = arith.constant 0 : i32
        %dma_start3A_436 = tpu.memref_slice %arg10[%run_scoped3A_238, %dma_start3A_435] : memref<2x64xi32, #tpu.memory_space<vmem>> -> memref<1x64xi32, #tpu.memory_space<vmem>>
        %dma_start3A_437 = tpu.memref_squeeze %dma_start3A_436 : memref<1x64xi32, #tpu.memory_space<vmem>> -> memref<64xi32, #tpu.memory_space<vmem>>
        %dma_start3A_438 = arith.constant 0 : i32
        %dma_start3A_439 = arith.constant 0 : i32
        %dma_start3A_440 = tpu.memref_slice %arg21[%dma_start3A_438, %dma_start3A_439] : memref<10240x128xf32, #tpu.memory_space<vmem_shared>> -> memref<10240x128xf32, #tpu.memory_space<vmem_shared>>
        tpu.enqueue_indirect_dma source(%arg18 : memref<64x128xf32, #tpu.memory_space<vmem>>) target(%dma_start3A_440 : memref<10240x128xf32, #tpu.memory_space<vmem_shared>>) offsets(%dma_start3A_437 : memref<64xi32, #tpu.memory_space<vmem>>) semaphore(%run_scoped3A_434 : memref<!tpu.dma_semaphore, #tpu.memory_space<semaphore_mem>>) {add = true}
        %dma_wait3A_441 = arith.constant 0 : i32
        %dma_wait3A_442 = tpu.memref_slice %arg10[%run_scoped3A_238, %dma_wait3A_441] : memref<2x64xi32, #tpu.memory_space<vmem>> -> memref<1x64xi32, #tpu.memory_space<vmem>>
        %dma_wait3A_443 = tpu.memref_squeeze %dma_wait3A_442 : memref<1x64xi32, #tpu.memory_space<vmem>> -> memref<64xi32, #tpu.memory_space<vmem>>
        %dma_wait3A_444 = arith.constant 0 : i32
        %dma_wait3A_445 = arith.constant 0 : i32
        %dma_wait3A_446 = tpu.memref_slice %arg21[%dma_wait3A_444, %dma_wait3A_445] : memref<10240x128xf32, #tpu.memory_space<vmem_shared>> -> memref<10240x128xf32, #tpu.memory_space<vmem_shared>>
        tpu.wait_indirect_dma semaphore(%run_scoped3A_434 : memref<!tpu.dma_semaphore, #tpu.memory_space<semaphore_mem>>) src(%arg18 : memref<64x128xf32, #tpu.memory_space<vmem>>) dst(%dma_wait3A_446 : memref<10240x128xf32, #tpu.memory_space<vmem_shared>>)
        tpu.yield
      }) : () -> ()
      %run_scoped3A_239 = arith.constant 1 : i32
      "tpu.region"() ({
        %run_scoped3A_434 = tpu.sem_alloc : memref<!tpu.dma_semaphore, #tpu.memory_space<semaphore_mem>>
        %dma_start3A_435 = arith.constant 0 : i32
        %dma_start3A_436 = tpu.memref_slice %arg10[%run_scoped3A_239, %dma_start3A_435] : memref<2x64xi32, #tpu.memory_space<vmem>> -> memref<1x64xi32, #tpu.memory_space<vmem>>
        %dma_start3A_437 = tpu.memref_squeeze %dma_start3A_436 : memref<1x64xi32, #tpu.memory_space<vmem>> -> memref<64xi32, #tpu.memory_space<vmem>>
        %dma_start3A_438 = arith.constant 0 : i32
        %dma_start3A_439 = arith.constant 0 : i32
        %dma_start3A_440 = tpu.memref_slice %arg35[%dma_start3A_438, %dma_start3A_439] : memref<10240x16xf32, #tpu.memory_space<vmem_shared>> -> memref<10240x16xf32, #tpu.memory_space<vmem_shared>>
        tpu.enqueue_indirect_dma source(%arg34 : memref<64x16xf32, #tpu.memory_space<vmem>>) target(%dma_start3A_440 : memref<10240x16xf32, #tpu.memory_space<vmem_shared>>) offsets(%dma_start3A_437 : memref<64xi32, #tpu.memory_space<vmem>>) semaphore(%run_scoped3A_434 : memref<!tpu.dma_semaphore, #tpu.memory_space<semaphore_mem>>) {add = true}
        %dma_wait3A_441 = arith.constant 0 : i32
        %dma_wait3A_442 = tpu.memref_slice %arg10[%run_scoped3A_239, %dma_wait3A_441] : memref<2x64xi32, #tpu.memory_space<vmem>> -> memref<1x64xi32, #tpu.memory_space<vmem>>
        %dma_wait3A_443 = tpu.memref_squeeze %dma_wait3A_442 : memref<1x64xi32, #tpu.memory_space<vmem>> -> memref<64xi32, #tpu.memory_space<vmem>>
        %dma_wait3A_444 = arith.constant 0 : i32
        %dma_wait3A_445 = arith.constant 0 : i32
        %dma_wait3A_446 = tpu.memref_slice %arg35[%dma_wait3A_444, %dma_wait3A_445] : memref<10240x16xf32, #tpu.memory_space<vmem_shared>> -> memref<10240x16xf32, #tpu.memory_space<vmem_shared>>
        tpu.wait_indirect_dma semaphore(%run_scoped3A_434 : memref<!tpu.dma_semaphore, #tpu.memory_space<semaphore_mem>>) src(%arg34 : memref<64x16xf32, #tpu.memory_space<vmem>>) dst(%dma_wait3A_446 : memref<10240x16xf32, #tpu.memory_space<vmem_shared>>)
        tpu.yield
      }) : () -> ()
      %add3A_240 = arith.constant 2 : i32
      %add3A_241 = arith.addi %mul3A_197, %add3A_240 : i32
      %lt3A_242 = arith.constant 40 : i32
      %lt3A_243 = arith.cmpi slt, %add3A_241, %lt3A_242 : i32
      %convert_element_type3A_244 = arith.extui %lt3A_243 : i1 to i32
      %cond3A_245 = arith.constant 0 : i32
      %cond3A_246 = arith.cmpi ne, %convert_element_type3A_244, %cond3A_245 : i32
      scf.if %cond3A_246 {
        %add3A_434 = arith.constant 2 : i32
        %add3A_435 = arith.addi %mul3A_197, %add3A_434 : i32
        %mul3A_436 = arith.constant 4 : i32
        %mul3A_437 = arith.muli %add3A_435, %mul3A_436 : i32
        %add3A_438 = arith.constant 1 : i32
        %add3A_439 = arith.addi %mul3A_437, %add3A_438 : i32
        %dma_start3A_440 = arith.constant 0 : i32
        %dma_start3A_441 = arith.constant 0 : i32
        %dma_start3A_442 = tpu.memref_slice %arg3[%add3A, %add3A_439, %dma_start3A_440, %dma_start3A_441] : memref<32x160x2x64xi32, #tpu.memory_space<hbm>> -> memref<1x1x2x64xi32, #tpu.memory_space<hbm>>
        %dma_start3A_443 = tpu.memref_squeeze %dma_start3A_442 : memref<1x1x2x64xi32, #tpu.memory_space<hbm>> -> memref<2x64xi32, #tpu.memory_space<hbm>>
        %dma_start3A_444 = arith.constant 0 : i32
        %dma_start3A_445 = arith.constant 0 : i32
        %dma_start3A_446 = tpu.memref_slice %arg3[%add3A, %add3A_439, %dma_start3A_444, %dma_start3A_445] : memref<32x160x2x64xi32, #tpu.memory_space<hbm>> -> memref<1x1x2x64xi32, #tpu.memory_space<hbm>>
        %dma_start3A_447 = tpu.memref_squeeze %dma_start3A_446 : memref<1x1x2x64xi32, #tpu.memory_space<hbm>> -> memref<2x64xi32, #tpu.memory_space<hbm>>
        tpu.enqueue_dma source(%dma_start3A_447 : memref<2x64xi32, #tpu.memory_space<hbm>>) target(%arg10 : memref<2x64xi32, #tpu.memory_space<vmem>>) target_semaphore(%arg23 : memref<!tpu.dma_semaphore, #tpu.memory_space<semaphore_mem>>)
      } else {
      }
      %add3A_247 = arith.constant 1 : i32
      %add3A_248 = arith.addi %mul3A_197, %add3A_247 : i32
      %mul3A_249 = arith.constant 4 : i32
      %mul3A_250 = arith.muli %add3A_248, %mul3A_249 : i32
      %add3A_251 = arith.constant 1 : i32
      %add3A_252 = arith.addi %mul3A_250, %add3A_251 : i32
      %dma_wait3A_253 = arith.constant 0 : i32
      %dma_wait3A_254 = arith.constant 0 : i32
      %dma_wait3A_255 = tpu.memref_slice %arg3[%add3A, %add3A_252, %dma_wait3A_253, %dma_wait3A_254] : memref<32x160x2x64xi32, #tpu.memory_space<hbm>> -> memref<1x1x2x64xi32, #tpu.memory_space<hbm>>
      %dma_wait3A_256 = tpu.memref_squeeze %dma_wait3A_255 : memref<1x1x2x64xi32, #tpu.memory_space<hbm>> -> memref<2x64xi32, #tpu.memory_space<hbm>>
      %dma_wait3A_257 = arith.constant 0 : i32
      %dma_wait3A_258 = arith.constant 0 : i32
      %dma_wait3A_259 = tpu.memref_slice %arg3[%add3A, %add3A_252, %dma_wait3A_257, %dma_wait3A_258] : memref<32x160x2x64xi32, #tpu.memory_space<hbm>> -> memref<1x1x2x64xi32, #tpu.memory_space<hbm>>
      %dma_wait3A_260 = tpu.memref_squeeze %dma_wait3A_259 : memref<1x1x2x64xi32, #tpu.memory_space<hbm>> -> memref<2x64xi32, #tpu.memory_space<hbm>>
      tpu.wait_dma2 semaphore(%arg27 : memref<!tpu.dma_semaphore, #tpu.memory_space<semaphore_mem>>) src(%dma_wait3A_260 : memref<2x64xi32, #tpu.memory_space<hbm>>) dst(%arg14 : memref<2x64xi32, #tpu.memory_space<vmem>>)
      %dma_start3A_261 = arith.constant 0 : i32
      %dma_start3A_262 = arith.constant 0 : i32
      %dma_start3A_263 = tpu.memref_slice %arg14[%dma_start3A_261, %dma_start3A_262] : memref<2x64xi32, #tpu.memory_space<vmem>> -> memref<1x64xi32, #tpu.memory_space<vmem>>
      %dma_start3A_264 = tpu.memref_squeeze %dma_start3A_263 : memref<1x64xi32, #tpu.memory_space<vmem>> -> memref<64xi32, #tpu.memory_space<vmem>>
      %dma_start3A_265 = arith.constant 0 : i32
      %dma_start3A_266 = arith.constant 0 : i32
      %dma_start3A_267 = tpu.memref_slice %arg2[%dma_start3A_265, %dma_start3A_266] : memref<160000x128xf32, #tpu.memory_space<hbm>> -> memref<160000x128xf32, #tpu.memory_space<hbm>>
      tpu.enqueue_indirect_dma source(%dma_start3A_267 : memref<160000x128xf32, #tpu.memory_space<hbm>>) target(%arg18 : memref<64x128xf32, #tpu.memory_space<vmem>>) offsets(%dma_start3A_264 : memref<64xi32, #tpu.memory_space<vmem>>) semaphore(%arg31 : memref<!tpu.dma_semaphore, #tpu.memory_space<semaphore_mem>>)
      %dma_wait3A_268 = arith.constant 0 : i32
      %dma_wait3A_269 = arith.constant 0 : i32
      %dma_wait3A_270 = tpu.memref_slice %arg11[%dma_wait3A_268, %dma_wait3A_269] : memref<2x64xi32, #tpu.memory_space<vmem>> -> memref<1x64xi32, #tpu.memory_space<vmem>>
      %dma_wait3A_271 = tpu.memref_squeeze %dma_wait3A_270 : memref<1x64xi32, #tpu.memory_space<vmem>> -> memref<64xi32, #tpu.memory_space<vmem>>
      %dma_wait3A_272 = arith.constant 0 : i32
      %dma_wait3A_273 = arith.constant 0 : i32
      %dma_wait3A_274 = tpu.memref_slice %arg2[%dma_wait3A_272, %dma_wait3A_273] : memref<160000x128xf32, #tpu.memory_space<hbm>> -> memref<160000x128xf32, #tpu.memory_space<hbm>>
      tpu.wait_indirect_dma semaphore(%arg32 : memref<!tpu.dma_semaphore, #tpu.memory_space<semaphore_mem>>) src(%dma_wait3A_274 : memref<160000x128xf32, #tpu.memory_space<hbm>>) dst(%arg19 : memref<64x128xf32, #tpu.memory_space<vmem>>)
      %run_scoped3A_275 = arith.constant 1 : i32
      "tpu.region"() ({
        %run_scoped3A_434 = tpu.sem_alloc : memref<!tpu.dma_semaphore, #tpu.memory_space<semaphore_mem>>
        %dma_start3A_435 = arith.constant 0 : i32
        %dma_start3A_436 = tpu.memref_slice %arg11[%run_scoped3A_275, %dma_start3A_435] : memref<2x64xi32, #tpu.memory_space<vmem>> -> memref<1x64xi32, #tpu.memory_space<vmem>>
        %dma_start3A_437 = tpu.memref_squeeze %dma_start3A_436 : memref<1x64xi32, #tpu.memory_space<vmem>> -> memref<64xi32, #tpu.memory_space<vmem>>
        %dma_start3A_438 = arith.constant 0 : i32
        %dma_start3A_439 = arith.constant 0 : i32
        %dma_start3A_440 = tpu.memref_slice %arg21[%dma_start3A_438, %dma_start3A_439] : memref<10240x128xf32, #tpu.memory_space<vmem_shared>> -> memref<10240x128xf32, #tpu.memory_space<vmem_shared>>
        tpu.enqueue_indirect_dma source(%arg19 : memref<64x128xf32, #tpu.memory_space<vmem>>) target(%dma_start3A_440 : memref<10240x128xf32, #tpu.memory_space<vmem_shared>>) offsets(%dma_start3A_437 : memref<64xi32, #tpu.memory_space<vmem>>) semaphore(%run_scoped3A_434 : memref<!tpu.dma_semaphore, #tpu.memory_space<semaphore_mem>>) {add = true}
        %dma_wait3A_441 = arith.constant 0 : i32
        %dma_wait3A_442 = tpu.memref_slice %arg11[%run_scoped3A_275, %dma_wait3A_441] : memref<2x64xi32, #tpu.memory_space<vmem>> -> memref<1x64xi32, #tpu.memory_space<vmem>>
        %dma_wait3A_443 = tpu.memref_squeeze %dma_wait3A_442 : memref<1x64xi32, #tpu.memory_space<vmem>> -> memref<64xi32, #tpu.memory_space<vmem>>
        %dma_wait3A_444 = arith.constant 0 : i32
        %dma_wait3A_445 = arith.constant 0 : i32
        %dma_wait3A_446 = tpu.memref_slice %arg21[%dma_wait3A_444, %dma_wait3A_445] : memref<10240x128xf32, #tpu.memory_space<vmem_shared>> -> memref<10240x128xf32, #tpu.memory_space<vmem_shared>>
        tpu.wait_indirect_dma semaphore(%run_scoped3A_434 : memref<!tpu.dma_semaphore, #tpu.memory_space<semaphore_mem>>) src(%arg19 : memref<64x128xf32, #tpu.memory_space<vmem>>) dst(%dma_wait3A_446 : memref<10240x128xf32, #tpu.memory_space<vmem_shared>>)
        tpu.yield
      }) : () -> ()
      %run_scoped3A_276 = arith.constant 1 : i32
      "tpu.region"() ({
        %run_scoped3A_434 = tpu.sem_alloc : memref<!tpu.dma_semaphore, #tpu.memory_space<semaphore_mem>>
        %dma_start3A_435 = arith.constant 0 : i32
        %dma_start3A_436 = tpu.memref_slice %arg11[%run_scoped3A_276, %dma_start3A_435] : memref<2x64xi32, #tpu.memory_space<vmem>> -> memref<1x64xi32, #tpu.memory_space<vmem>>
        %dma_start3A_437 = tpu.memref_squeeze %dma_start3A_436 : memref<1x64xi32, #tpu.memory_space<vmem>> -> memref<64xi32, #tpu.memory_space<vmem>>
        %dma_start3A_438 = arith.constant 0 : i32
        %dma_start3A_439 = arith.constant 0 : i32
        %dma_start3A_440 = tpu.memref_slice %arg35[%dma_start3A_438, %dma_start3A_439] : memref<10240x16xf32, #tpu.memory_space<vmem_shared>> -> memref<10240x16xf32, #tpu.memory_space<vmem_shared>>
        tpu.enqueue_indirect_dma source(%arg34 : memref<64x16xf32, #tpu.memory_space<vmem>>) target(%dma_start3A_440 : memref<10240x16xf32, #tpu.memory_space<vmem_shared>>) offsets(%dma_start3A_437 : memref<64xi32, #tpu.memory_space<vmem>>) semaphore(%run_scoped3A_434 : memref<!tpu.dma_semaphore, #tpu.memory_space<semaphore_mem>>) {add = true}
        %dma_wait3A_441 = arith.constant 0 : i32
        %dma_wait3A_442 = tpu.memref_slice %arg11[%run_scoped3A_276, %dma_wait3A_441] : memref<2x64xi32, #tpu.memory_space<vmem>> -> memref<1x64xi32, #tpu.memory_space<vmem>>
        %dma_wait3A_443 = tpu.memref_squeeze %dma_wait3A_442 : memref<1x64xi32, #tpu.memory_space<vmem>> -> memref<64xi32, #tpu.memory_space<vmem>>
        %dma_wait3A_444 = arith.constant 0 : i32
        %dma_wait3A_445 = arith.constant 0 : i32
        %dma_wait3A_446 = tpu.memref_slice %arg35[%dma_wait3A_444, %dma_wait3A_445] : memref<10240x16xf32, #tpu.memory_space<vmem_shared>> -> memref<10240x16xf32, #tpu.memory_space<vmem_shared>>
        tpu.wait_indirect_dma semaphore(%run_scoped3A_434 : memref<!tpu.dma_semaphore, #tpu.memory_space<semaphore_mem>>) src(%arg34 : memref<64x16xf32, #tpu.memory_space<vmem>>) dst(%dma_wait3A_446 : memref<10240x16xf32, #tpu.memory_space<vmem_shared>>)
        tpu.yield
      }) : () -> ()
      %add3A_277 = arith.constant 2 : i32
      %add3A_278 = arith.addi %mul3A_197, %add3A_277 : i32
      %lt3A_279 = arith.constant 40 : i32
      %lt3A_280 = arith.cmpi slt, %add3A_278, %lt3A_279 : i32
      %convert_element_type3A_281 = arith.extui %lt3A_280 : i1 to i32
      %cond3A_282 = arith.constant 0 : i32
      %cond3A_283 = arith.cmpi ne, %convert_element_type3A_281, %cond3A_282 : i32
      scf.if %cond3A_283 {
        %add3A_434 = arith.constant 2 : i32
        %add3A_435 = arith.addi %mul3A_197, %add3A_434 : i32
        %mul3A_436 = arith.constant 4 : i32
        %mul3A_437 = arith.muli %add3A_435, %mul3A_436 : i32
        %add3A_438 = arith.constant 2 : i32
        %add3A_439 = arith.addi %mul3A_437, %add3A_438 : i32
        %dma_start3A_440 = arith.constant 0 : i32
        %dma_start3A_441 = arith.constant 0 : i32
        %dma_start3A_442 = tpu.memref_slice %arg3[%add3A, %add3A_439, %dma_start3A_440, %dma_start3A_441] : memref<32x160x2x64xi32, #tpu.memory_space<hbm>> -> memref<1x1x2x64xi32, #tpu.memory_space<hbm>>
        %dma_start3A_443 = tpu.memref_squeeze %dma_start3A_442 : memref<1x1x2x64xi32, #tpu.memory_space<hbm>> -> memref<2x64xi32, #tpu.memory_space<hbm>>
        %dma_start3A_444 = arith.constant 0 : i32
        %dma_start3A_445 = arith.constant 0 : i32
        %dma_start3A_446 = tpu.memref_slice %arg3[%add3A, %add3A_439, %dma_start3A_444, %dma_start3A_445] : memref<32x160x2x64xi32, #tpu.memory_space<hbm>> -> memref<1x1x2x64xi32, #tpu.memory_space<hbm>>
        %dma_start3A_447 = tpu.memref_squeeze %dma_start3A_446 : memref<1x1x2x64xi32, #tpu.memory_space<hbm>> -> memref<2x64xi32, #tpu.memory_space<hbm>>
        tpu.enqueue_dma source(%dma_start3A_447 : memref<2x64xi32, #tpu.memory_space<hbm>>) target(%arg11 : memref<2x64xi32, #tpu.memory_space<vmem>>) target_semaphore(%arg24 : memref<!tpu.dma_semaphore, #tpu.memory_space<semaphore_mem>>)
      } else {
      }
      %add3A_284 = arith.constant 1 : i32
      %add3A_285 = arith.addi %mul3A_197, %add3A_284 : i32
      %mul3A_286 = arith.constant 4 : i32
      %mul3A_287 = arith.muli %add3A_285, %mul3A_286 : i32
      %add3A_288 = arith.constant 2 : i32
      %add3A_289 = arith.addi %mul3A_287, %add3A_288 : i32
      %dma_wait3A_290 = arith.constant 0 : i32
      %dma_wait3A_291 = arith.constant 0 : i32
      %dma_wait3A_292 = tpu.memref_slice %arg3[%add3A, %add3A_289, %dma_wait3A_290, %dma_wait3A_291] : memref<32x160x2x64xi32, #tpu.memory_space<hbm>> -> memref<1x1x2x64xi32, #tpu.memory_space<hbm>>
      %dma_wait3A_293 = tpu.memref_squeeze %dma_wait3A_292 : memref<1x1x2x64xi32, #tpu.memory_space<hbm>> -> memref<2x64xi32, #tpu.memory_space<hbm>>
      %dma_wait3A_294 = arith.constant 0 : i32
      %dma_wait3A_295 = arith.constant 0 : i32
      %dma_wait3A_296 = tpu.memref_slice %arg3[%add3A, %add3A_289, %dma_wait3A_294, %dma_wait3A_295] : memref<32x160x2x64xi32, #tpu.memory_space<hbm>> -> memref<1x1x2x64xi32, #tpu.memory_space<hbm>>
      %dma_wait3A_297 = tpu.memref_squeeze %dma_wait3A_296 : memref<1x1x2x64xi32, #tpu.memory_space<hbm>> -> memref<2x64xi32, #tpu.memory_space<hbm>>
      tpu.wait_dma2 semaphore(%arg28 : memref<!tpu.dma_semaphore, #tpu.memory_space<semaphore_mem>>) src(%dma_wait3A_297 : memref<2x64xi32, #tpu.memory_space<hbm>>) dst(%arg15 : memref<2x64xi32, #tpu.memory_space<vmem>>)
      %dma_start3A_298 = arith.constant 0 : i32
      %dma_start3A_299 = arith.constant 0 : i32
      %dma_start3A_300 = tpu.memref_slice %arg15[%dma_start3A_298, %dma_start3A_299] : memref<2x64xi32, #tpu.memory_space<vmem>> -> memref<1x64xi32, #tpu.memory_space<vmem>>
      %dma_start3A_301 = tpu.memref_squeeze %dma_start3A_300 : memref<1x64xi32, #tpu.memory_space<vmem>> -> memref<64xi32, #tpu.memory_space<vmem>>
      %dma_start3A_302 = arith.constant 0 : i32
      %dma_start3A_303 = arith.constant 0 : i32
      %dma_start3A_304 = tpu.memref_slice %arg2[%dma_start3A_302, %dma_start3A_303] : memref<160000x128xf32, #tpu.memory_space<hbm>> -> memref<160000x128xf32, #tpu.memory_space<hbm>>
      tpu.enqueue_indirect_dma source(%dma_start3A_304 : memref<160000x128xf32, #tpu.memory_space<hbm>>) target(%arg19 : memref<64x128xf32, #tpu.memory_space<vmem>>) offsets(%dma_start3A_301 : memref<64xi32, #tpu.memory_space<vmem>>) semaphore(%arg32 : memref<!tpu.dma_semaphore, #tpu.memory_space<semaphore_mem>>)
      %dma_wait3A_305 = arith.constant 0 : i32
      %dma_wait3A_306 = arith.constant 0 : i32
      %dma_wait3A_307 = tpu.memref_slice %arg12[%dma_wait3A_305, %dma_wait3A_306] : memref<2x64xi32, #tpu.memory_space<vmem>> -> memref<1x64xi32, #tpu.memory_space<vmem>>
      %dma_wait3A_308 = tpu.memref_squeeze %dma_wait3A_307 : memref<1x64xi32, #tpu.memory_space<vmem>> -> memref<64xi32, #tpu.memory_space<vmem>>
      %dma_wait3A_309 = arith.constant 0 : i32
      %dma_wait3A_310 = arith.constant 0 : i32
      %dma_wait3A_311 = tpu.memref_slice %arg2[%dma_wait3A_309, %dma_wait3A_310] : memref<160000x128xf32, #tpu.memory_space<hbm>> -> memref<160000x128xf32, #tpu.memory_space<hbm>>
      tpu.wait_indirect_dma semaphore(%arg33 : memref<!tpu.dma_semaphore, #tpu.memory_space<semaphore_mem>>) src(%dma_wait3A_311 : memref<160000x128xf32, #tpu.memory_space<hbm>>) dst(%arg20 : memref<64x128xf32, #tpu.memory_space<vmem>>)
      %run_scoped3A_312 = arith.constant 1 : i32
      "tpu.region"() ({
        %run_scoped3A_434 = tpu.sem_alloc : memref<!tpu.dma_semaphore, #tpu.memory_space<semaphore_mem>>
        %dma_start3A_435 = arith.constant 0 : i32
        %dma_start3A_436 = tpu.memref_slice %arg12[%run_scoped3A_312, %dma_start3A_435] : memref<2x64xi32, #tpu.memory_space<vmem>> -> memref<1x64xi32, #tpu.memory_space<vmem>>
        %dma_start3A_437 = tpu.memref_squeeze %dma_start3A_436 : memref<1x64xi32, #tpu.memory_space<vmem>> -> memref<64xi32, #tpu.memory_space<vmem>>
        %dma_start3A_438 = arith.constant 0 : i32
        %dma_start3A_439 = arith.constant 0 : i32
        %dma_start3A_440 = tpu.memref_slice %arg21[%dma_start3A_438, %dma_start3A_439] : memref<10240x128xf32, #tpu.memory_space<vmem_shared>> -> memref<10240x128xf32, #tpu.memory_space<vmem_shared>>
        tpu.enqueue_indirect_dma source(%arg20 : memref<64x128xf32, #tpu.memory_space<vmem>>) target(%dma_start3A_440 : memref<10240x128xf32, #tpu.memory_space<vmem_shared>>) offsets(%dma_start3A_437 : memref<64xi32, #tpu.memory_space<vmem>>) semaphore(%run_scoped3A_434 : memref<!tpu.dma_semaphore, #tpu.memory_space<semaphore_mem>>) {add = true}
        %dma_wait3A_441 = arith.constant 0 : i32
        %dma_wait3A_442 = tpu.memref_slice %arg12[%run_scoped3A_312, %dma_wait3A_441] : memref<2x64xi32, #tpu.memory_space<vmem>> -> memref<1x64xi32, #tpu.memory_space<vmem>>
        %dma_wait3A_443 = tpu.memref_squeeze %dma_wait3A_442 : memref<1x64xi32, #tpu.memory_space<vmem>> -> memref<64xi32, #tpu.memory_space<vmem>>
        %dma_wait3A_444 = arith.constant 0 : i32
        %dma_wait3A_445 = arith.constant 0 : i32
        %dma_wait3A_446 = tpu.memref_slice %arg21[%dma_wait3A_444, %dma_wait3A_445] : memref<10240x128xf32, #tpu.memory_space<vmem_shared>> -> memref<10240x128xf32, #tpu.memory_space<vmem_shared>>
        tpu.wait_indirect_dma semaphore(%run_scoped3A_434 : memref<!tpu.dma_semaphore, #tpu.memory_space<semaphore_mem>>) src(%arg20 : memref<64x128xf32, #tpu.memory_space<vmem>>) dst(%dma_wait3A_446 : memref<10240x128xf32, #tpu.memory_space<vmem_shared>>)
        tpu.yield
      }) : () -> ()
      %run_scoped3A_313 = arith.constant 1 : i32
      "tpu.region"() ({
        %run_scoped3A_434 = tpu.sem_alloc : memref<!tpu.dma_semaphore, #tpu.memory_space<semaphore_mem>>
        %dma_start3A_435 = arith.constant 0 : i32
        %dma_start3A_436 = tpu.memref_slice %arg12[%run_scoped3A_313, %dma_start3A_435] : memref<2x64xi32, #tpu.memory_space<vmem>> -> memref<1x64xi32, #tpu.memory_space<vmem>>
        %dma_start3A_437 = tpu.memref_squeeze %dma_start3A_436 : memref<1x64xi32, #tpu.memory_space<vmem>> -> memref<64xi32, #tpu.memory_space<vmem>>
        %dma_start3A_438 = arith.constant 0 : i32
        %dma_start3A_439 = arith.constant 0 : i32
        %dma_start3A_440 = tpu.memref_slice %arg35[%dma_start3A_438, %dma_start3A_439] : memref<10240x16xf32, #tpu.memory_space<vmem_shared>> -> memref<10240x16xf32, #tpu.memory_space<vmem_shared>>
        tpu.enqueue_indirect_dma source(%arg34 : memref<64x16xf32, #tpu.memory_space<vmem>>) target(%dma_start3A_440 : memref<10240x16xf32, #tpu.memory_space<vmem_shared>>) offsets(%dma_start3A_437 : memref<64xi32, #tpu.memory_space<vmem>>) semaphore(%run_scoped3A_434 : memref<!tpu.dma_semaphore, #tpu.memory_space<semaphore_mem>>) {add = true}
        %dma_wait3A_441 = arith.constant 0 : i32
        %dma_wait3A_442 = tpu.memref_slice %arg12[%run_scoped3A_313, %dma_wait3A_441] : memref<2x64xi32, #tpu.memory_space<vmem>> -> memref<1x64xi32, #tpu.memory_space<vmem>>
        %dma_wait3A_443 = tpu.memref_squeeze %dma_wait3A_442 : memref<1x64xi32, #tpu.memory_space<vmem>> -> memref<64xi32, #tpu.memory_space<vmem>>
        %dma_wait3A_444 = arith.constant 0 : i32
        %dma_wait3A_445 = arith.constant 0 : i32
        %dma_wait3A_446 = tpu.memref_slice %arg35[%dma_wait3A_444, %dma_wait3A_445] : memref<10240x16xf32, #tpu.memory_space<vmem_shared>> -> memref<10240x16xf32, #tpu.memory_space<vmem_shared>>
        tpu.wait_indirect_dma semaphore(%run_scoped3A_434 : memref<!tpu.dma_semaphore, #tpu.memory_space<semaphore_mem>>) src(%arg34 : memref<64x16xf32, #tpu.memory_space<vmem>>) dst(%dma_wait3A_446 : memref<10240x16xf32, #tpu.memory_space<vmem_shared>>)
        tpu.yield
      }) : () -> ()
      %add3A_314 = arith.constant 2 : i32
      %add3A_315 = arith.addi %mul3A_197, %add3A_314 : i32
      %lt3A_316 = arith.constant 40 : i32
      %lt3A_317 = arith.cmpi slt, %add3A_315, %lt3A_316 : i32
      %convert_element_type3A_318 = arith.extui %lt3A_317 : i1 to i32
      %cond3A_319 = arith.constant 0 : i32
      %cond3A_320 = arith.cmpi ne, %convert_element_type3A_318, %cond3A_319 : i32
      scf.if %cond3A_320 {
        %add3A_434 = arith.constant 2 : i32
        %add3A_435 = arith.addi %mul3A_197, %add3A_434 : i32
        %mul3A_436 = arith.constant 4 : i32
        %mul3A_437 = arith.muli %add3A_435, %mul3A_436 : i32
        %add3A_438 = arith.constant 3 : i32
        %add3A_439 = arith.addi %mul3A_437, %add3A_438 : i32
        %dma_start3A_440 = arith.constant 0 : i32
        %dma_start3A_441 = arith.constant 0 : i32
        %dma_start3A_442 = tpu.memref_slice %arg3[%add3A, %add3A_439, %dma_start3A_440, %dma_start3A_441] : memref<32x160x2x64xi32, #tpu.memory_space<hbm>> -> memref<1x1x2x64xi32, #tpu.memory_space<hbm>>
        %dma_start3A_443 = tpu.memref_squeeze %dma_start3A_442 : memref<1x1x2x64xi32, #tpu.memory_space<hbm>> -> memref<2x64xi32, #tpu.memory_space<hbm>>
        %dma_start3A_444 = arith.constant 0 : i32
        %dma_start3A_445 = arith.constant 0 : i32
        %dma_start3A_446 = tpu.memref_slice %arg3[%add3A, %add3A_439, %dma_start3A_444, %dma_start3A_445] : memref<32x160x2x64xi32, #tpu.memory_space<hbm>> -> memref<1x1x2x64xi32, #tpu.memory_space<hbm>>
        %dma_start3A_447 = tpu.memref_squeeze %dma_start3A_446 : memref<1x1x2x64xi32, #tpu.memory_space<hbm>> -> memref<2x64xi32, #tpu.memory_space<hbm>>
        tpu.enqueue_dma source(%dma_start3A_447 : memref<2x64xi32, #tpu.memory_space<hbm>>) target(%arg12 : memref<2x64xi32, #tpu.memory_space<vmem>>) target_semaphore(%arg25 : memref<!tpu.dma_semaphore, #tpu.memory_space<semaphore_mem>>)
      } else {
      }
      %add3A_321 = arith.constant 1 : i32
      %add3A_322 = arith.addi %mul3A_197, %add3A_321 : i32
      %mul3A_323 = arith.constant 4 : i32
      %mul3A_324 = arith.muli %add3A_322, %mul3A_323 : i32
      %add3A_325 = arith.constant 3 : i32
      %add3A_326 = arith.addi %mul3A_324, %add3A_325 : i32
      %dma_wait3A_327 = arith.constant 0 : i32
      %dma_wait3A_328 = arith.constant 0 : i32
      %dma_wait3A_329 = tpu.memref_slice %arg3[%add3A, %add3A_326, %dma_wait3A_327, %dma_wait3A_328] : memref<32x160x2x64xi32, #tpu.memory_space<hbm>> -> memref<1x1x2x64xi32, #tpu.memory_space<hbm>>
      %dma_wait3A_330 = tpu.memref_squeeze %dma_wait3A_329 : memref<1x1x2x64xi32, #tpu.memory_space<hbm>> -> memref<2x64xi32, #tpu.memory_space<hbm>>
      %dma_wait3A_331 = arith.constant 0 : i32
      %dma_wait3A_332 = arith.constant 0 : i32
      %dma_wait3A_333 = tpu.memref_slice %arg3[%add3A, %add3A_326, %dma_wait3A_331, %dma_wait3A_332] : memref<32x160x2x64xi32, #tpu.memory_space<hbm>> -> memref<1x1x2x64xi32, #tpu.memory_space<hbm>>
      %dma_wait3A_334 = tpu.memref_squeeze %dma_wait3A_333 : memref<1x1x2x64xi32, #tpu.memory_space<hbm>> -> memref<2x64xi32, #tpu.memory_space<hbm>>
      tpu.wait_dma2 semaphore(%arg29 : memref<!tpu.dma_semaphore, #tpu.memory_space<semaphore_mem>>) src(%dma_wait3A_334 : memref<2x64xi32, #tpu.memory_space<hbm>>) dst(%arg16 : memref<2x64xi32, #tpu.memory_space<vmem>>)
      %dma_start3A_335 = arith.constant 0 : i32
      %dma_start3A_336 = arith.constant 0 : i32
      %dma_start3A_337 = tpu.memref_slice %arg16[%dma_start3A_335, %dma_start3A_336] : memref<2x64xi32, #tpu.memory_space<vmem>> -> memref<1x64xi32, #tpu.memory_space<vmem>>
      %dma_start3A_338 = tpu.memref_squeeze %dma_start3A_337 : memref<1x64xi32, #tpu.memory_space<vmem>> -> memref<64xi32, #tpu.memory_space<vmem>>
      %dma_start3A_339 = arith.constant 0 : i32
      %dma_start3A_340 = arith.constant 0 : i32
      %dma_start3A_341 = tpu.memref_slice %arg2[%dma_start3A_339, %dma_start3A_340] : memref<160000x128xf32, #tpu.memory_space<hbm>> -> memref<160000x128xf32, #tpu.memory_space<hbm>>
      tpu.enqueue_indirect_dma source(%dma_start3A_341 : memref<160000x128xf32, #tpu.memory_space<hbm>>) target(%arg20 : memref<64x128xf32, #tpu.memory_space<vmem>>) offsets(%dma_start3A_338 : memref<64xi32, #tpu.memory_space<vmem>>) semaphore(%arg33 : memref<!tpu.dma_semaphore, #tpu.memory_space<semaphore_mem>>)
      %dma_wait3A_342 = arith.constant 0 : i32
      %dma_wait3A_343 = arith.constant 0 : i32
      %dma_wait3A_344 = tpu.memref_slice %arg13[%dma_wait3A_342, %dma_wait3A_343] : memref<2x64xi32, #tpu.memory_space<vmem>> -> memref<1x64xi32, #tpu.memory_space<vmem>>
      %dma_wait3A_345 = tpu.memref_squeeze %dma_wait3A_344 : memref<1x64xi32, #tpu.memory_space<vmem>> -> memref<64xi32, #tpu.memory_space<vmem>>
      %dma_wait3A_346 = arith.constant 0 : i32
      %dma_wait3A_347 = arith.constant 0 : i32
      %dma_wait3A_348 = tpu.memref_slice %arg2[%dma_wait3A_346, %dma_wait3A_347] : memref<160000x128xf32, #tpu.memory_space<hbm>> -> memref<160000x128xf32, #tpu.memory_space<hbm>>
      tpu.wait_indirect_dma semaphore(%arg30 : memref<!tpu.dma_semaphore, #tpu.memory_space<semaphore_mem>>) src(%dma_wait3A_348 : memref<160000x128xf32, #tpu.memory_space<hbm>>) dst(%arg17 : memref<64x128xf32, #tpu.memory_space<vmem>>)
      %run_scoped3A_349 = arith.constant 1 : i32
      "tpu.region"() ({
        %run_scoped3A_434 = tpu.sem_alloc : memref<!tpu.dma_semaphore, #tpu.memory_space<semaphore_mem>>
        %dma_start3A_435 = arith.constant 0 : i32
        %dma_start3A_436 = tpu.memref_slice %arg13[%run_scoped3A_349, %dma_start3A_435] : memref<2x64xi32, #tpu.memory_space<vmem>> -> memref<1x64xi32, #tpu.memory_space<vmem>>
        %dma_start3A_437 = tpu.memref_squeeze %dma_start3A_436 : memref<1x64xi32, #tpu.memory_space<vmem>> -> memref<64xi32, #tpu.memory_space<vmem>>
        %dma_start3A_438 = arith.constant 0 : i32
        %dma_start3A_439 = arith.constant 0 : i32
        %dma_start3A_440 = tpu.memref_slice %arg21[%dma_start3A_438, %dma_start3A_439] : memref<10240x128xf32, #tpu.memory_space<vmem_shared>> -> memref<10240x128xf32, #tpu.memory_space<vmem_shared>>
        tpu.enqueue_indirect_dma source(%arg17 : memref<64x128xf32, #tpu.memory_space<vmem>>) target(%dma_start3A_440 : memref<10240x128xf32, #tpu.memory_space<vmem_shared>>) offsets(%dma_start3A_437 : memref<64xi32, #tpu.memory_space<vmem>>) semaphore(%run_scoped3A_434 : memref<!tpu.dma_semaphore, #tpu.memory_space<semaphore_mem>>) {add = true}
        %dma_wait3A_441 = arith.constant 0 : i32
        %dma_wait3A_442 = tpu.memref_slice %arg13[%run_scoped3A_349, %dma_wait3A_441] : memref<2x64xi32, #tpu.memory_space<vmem>> -> memref<1x64xi32, #tpu.memory_space<vmem>>
        %dma_wait3A_443 = tpu.memref_squeeze %dma_wait3A_442 : memref<1x64xi32, #tpu.memory_space<vmem>> -> memref<64xi32, #tpu.memory_space<vmem>>
        %dma_wait3A_444 = arith.constant 0 : i32
        %dma_wait3A_445 = arith.constant 0 : i32
        %dma_wait3A_446 = tpu.memref_slice %arg21[%dma_wait3A_444, %dma_wait3A_445] : memref<10240x128xf32, #tpu.memory_space<vmem_shared>> -> memref<10240x128xf32, #tpu.memory_space<vmem_shared>>
        tpu.wait_indirect_dma semaphore(%run_scoped3A_434 : memref<!tpu.dma_semaphore, #tpu.memory_space<semaphore_mem>>) src(%arg17 : memref<64x128xf32, #tpu.memory_space<vmem>>) dst(%dma_wait3A_446 : memref<10240x128xf32, #tpu.memory_space<vmem_shared>>)
        tpu.yield
      }) : () -> ()
      %run_scoped3A_350 = arith.constant 1 : i32
      "tpu.region"() ({
        %run_scoped3A_434 = tpu.sem_alloc : memref<!tpu.dma_semaphore, #tpu.memory_space<semaphore_mem>>
        %dma_start3A_435 = arith.constant 0 : i32
        %dma_start3A_436 = tpu.memref_slice %arg13[%run_scoped3A_350, %dma_start3A_435] : memref<2x64xi32, #tpu.memory_space<vmem>> -> memref<1x64xi32, #tpu.memory_space<vmem>>
        %dma_start3A_437 = tpu.memref_squeeze %dma_start3A_436 : memref<1x64xi32, #tpu.memory_space<vmem>> -> memref<64xi32, #tpu.memory_space<vmem>>
        %dma_start3A_438 = arith.constant 0 : i32
        %dma_start3A_439 = arith.constant 0 : i32
        %dma_start3A_440 = tpu.memref_slice %arg35[%dma_start3A_438, %dma_start3A_439] : memref<10240x16xf32, #tpu.memory_space<vmem_shared>> -> memref<10240x16xf32, #tpu.memory_space<vmem_shared>>
        tpu.enqueue_indirect_dma source(%arg34 : memref<64x16xf32, #tpu.memory_space<vmem>>) target(%dma_start3A_440 : memref<10240x16xf32, #tpu.memory_space<vmem_shared>>) offsets(%dma_start3A_437 : memref<64xi32, #tpu.memory_space<vmem>>) semaphore(%run_scoped3A_434 : memref<!tpu.dma_semaphore, #tpu.memory_space<semaphore_mem>>) {add = true}
        %dma_wait3A_441 = arith.constant 0 : i32
        %dma_wait3A_442 = tpu.memref_slice %arg13[%run_scoped3A_350, %dma_wait3A_441] : memref<2x64xi32, #tpu.memory_space<vmem>> -> memref<1x64xi32, #tpu.memory_space<vmem>>
        %dma_wait3A_443 = tpu.memref_squeeze %dma_wait3A_442 : memref<1x64xi32, #tpu.memory_space<vmem>> -> memref<64xi32, #tpu.memory_space<vmem>>
        %dma_wait3A_444 = arith.constant 0 : i32
        %dma_wait3A_445 = arith.constant 0 : i32
        %dma_wait3A_446 = tpu.memref_slice %arg35[%dma_wait3A_444, %dma_wait3A_445] : memref<10240x16xf32, #tpu.memory_space<vmem_shared>> -> memref<10240x16xf32, #tpu.memory_space<vmem_shared>>
        tpu.wait_indirect_dma semaphore(%run_scoped3A_434 : memref<!tpu.dma_semaphore, #tpu.memory_space<semaphore_mem>>) src(%arg34 : memref<64x16xf32, #tpu.memory_space<vmem>>) dst(%dma_wait3A_446 : memref<10240x16xf32, #tpu.memory_space<vmem_shared>>)
        tpu.yield
      }) : () -> ()
      %add3A_351 = arith.constant 3 : i32
      %add3A_352 = arith.addi %mul3A_197, %add3A_351 : i32
      %lt3A_353 = arith.constant 40 : i32
      %lt3A_354 = arith.cmpi slt, %add3A_352, %lt3A_353 : i32
      %convert_element_type3A_355 = arith.extui %lt3A_354 : i1 to i32
      %cond3A_356 = arith.constant 0 : i32
      %cond3A_357 = arith.cmpi ne, %convert_element_type3A_355, %cond3A_356 : i32
      scf.if %cond3A_357 {
        %add3A_434 = arith.constant 3 : i32
        %add3A_435 = arith.addi %mul3A_197, %add3A_434 : i32
        %mul3A_436 = arith.constant 4 : i32
        %mul3A_437 = arith.muli %add3A_435, %mul3A_436 : i32
        %add3A_438 = arith.constant 0 : i32
        %add3A_439 = arith.addi %mul3A_437, %add3A_438 : i32
        %dma_start3A_440 = arith.constant 0 : i32
        %dma_start3A_441 = arith.constant 0 : i32
        %dma_start3A_442 = tpu.memref_slice %arg3[%add3A, %add3A_439, %dma_start3A_440, %dma_start3A_441] : memref<32x160x2x64xi32, #tpu.memory_space<hbm>> -> memref<1x1x2x64xi32, #tpu.memory_space<hbm>>
        %dma_start3A_443 = tpu.memref_squeeze %dma_start3A_442 : memref<1x1x2x64xi32, #tpu.memory_space<hbm>> -> memref<2x64xi32, #tpu.memory_space<hbm>>
        %dma_start3A_444 = arith.constant 0 : i32
        %dma_start3A_445 = arith.constant 0 : i32
        %dma_start3A_446 = tpu.memref_slice %arg3[%add3A, %add3A_439, %dma_start3A_444, %dma_start3A_445] : memref<32x160x2x64xi32, #tpu.memory_space<hbm>> -> memref<1x1x2x64xi32, #tpu.memory_space<hbm>>
        %dma_start3A_447 = tpu.memref_squeeze %dma_start3A_446 : memref<1x1x2x64xi32, #tpu.memory_space<hbm>> -> memref<2x64xi32, #tpu.memory_space<hbm>>
        tpu.enqueue_dma source(%dma_start3A_447 : memref<2x64xi32, #tpu.memory_space<hbm>>) target(%arg13 : memref<2x64xi32, #tpu.memory_space<vmem>>) target_semaphore(%arg26 : memref<!tpu.dma_semaphore, #tpu.memory_space<semaphore_mem>>)
      } else {
      }
      %add3A_358 = arith.constant 2 : i32
      %add3A_359 = arith.addi %mul3A_197, %add3A_358 : i32
      %lt3A_360 = arith.constant 40 : i32
      %lt3A_361 = arith.cmpi slt, %add3A_359, %lt3A_360 : i32
      %convert_element_type3A_362 = arith.extui %lt3A_361 : i1 to i32
      %cond3A_363 = arith.constant 0 : i32
      %cond3A_364 = arith.cmpi ne, %convert_element_type3A_362, %cond3A_363 : i32
      scf.if %cond3A_364 {
        %add3A_434 = arith.constant 2 : i32
        %add3A_435 = arith.addi %mul3A_197, %add3A_434 : i32
        %mul3A_436 = arith.constant 4 : i32
        %mul3A_437 = arith.muli %add3A_435, %mul3A_436 : i32
        %add3A_438 = arith.constant 0 : i32
        %add3A_439 = arith.addi %mul3A_437, %add3A_438 : i32
        %dma_wait3A_440 = arith.constant 0 : i32
        %dma_wait3A_441 = arith.constant 0 : i32
        %dma_wait3A_442 = tpu.memref_slice %arg3[%add3A, %add3A_439, %dma_wait3A_440, %dma_wait3A_441] : memref<32x160x2x64xi32, #tpu.memory_space<hbm>> -> memref<1x1x2x64xi32, #tpu.memory_space<hbm>>
        %dma_wait3A_443 = tpu.memref_squeeze %dma_wait3A_442 : memref<1x1x2x64xi32, #tpu.memory_space<hbm>> -> memref<2x64xi32, #tpu.memory_space<hbm>>
        %dma_wait3A_444 = arith.constant 0 : i32
        %dma_wait3A_445 = arith.constant 0 : i32
        %dma_wait3A_446 = tpu.memref_slice %arg3[%add3A, %add3A_439, %dma_wait3A_444, %dma_wait3A_445] : memref<32x160x2x64xi32, #tpu.memory_space<hbm>> -> memref<1x1x2x64xi32, #tpu.memory_space<hbm>>
        %dma_wait3A_447 = tpu.memref_squeeze %dma_wait3A_446 : memref<1x1x2x64xi32, #tpu.memory_space<hbm>> -> memref<2x64xi32, #tpu.memory_space<hbm>>
        tpu.wait_dma2 semaphore(%arg22 : memref<!tpu.dma_semaphore, #tpu.memory_space<semaphore_mem>>) src(%dma_wait3A_447 : memref<2x64xi32, #tpu.memory_space<hbm>>) dst(%arg9 : memref<2x64xi32, #tpu.memory_space<vmem>>)
        %dma_start3A_448 = arith.constant 0 : i32
        %dma_start3A_449 = arith.constant 0 : i32
        %dma_start3A_450 = tpu.memref_slice %arg9[%dma_start3A_448, %dma_start3A_449] : memref<2x64xi32, #tpu.memory_space<vmem>> -> memref<1x64xi32, #tpu.memory_space<vmem>>
        %dma_start3A_451 = tpu.memref_squeeze %dma_start3A_450 : memref<1x64xi32, #tpu.memory_space<vmem>> -> memref<64xi32, #tpu.memory_space<vmem>>
        %dma_start3A_452 = arith.constant 0 : i32
        %dma_start3A_453 = arith.constant 0 : i32
        %dma_start3A_454 = tpu.memref_slice %arg2[%dma_start3A_452, %dma_start3A_453] : memref<160000x128xf32, #tpu.memory_space<hbm>> -> memref<160000x128xf32, #tpu.memory_space<hbm>>
        tpu.enqueue_indirect_dma source(%dma_start3A_454 : memref<160000x128xf32, #tpu.memory_space<hbm>>) target(%arg17 : memref<64x128xf32, #tpu.memory_space<vmem>>) offsets(%dma_start3A_451 : memref<64xi32, #tpu.memory_space<vmem>>) semaphore(%arg30 : memref<!tpu.dma_semaphore, #tpu.memory_space<semaphore_mem>>)
      } else {
      }
      %dma_wait3A_365 = arith.constant 0 : i32
      %dma_wait3A_366 = arith.constant 0 : i32
      %dma_wait3A_367 = tpu.memref_slice %arg14[%dma_wait3A_365, %dma_wait3A_366] : memref<2x64xi32, #tpu.memory_space<vmem>> -> memref<1x64xi32, #tpu.memory_space<vmem>>
      %dma_wait3A_368 = tpu.memref_squeeze %dma_wait3A_367 : memref<1x64xi32, #tpu.memory_space<vmem>> -> memref<64xi32, #tpu.memory_space<vmem>>
      %dma_wait3A_369 = arith.constant 0 : i32
      %dma_wait3A_370 = arith.constant 0 : i32
      %dma_wait3A_371 = tpu.memref_slice %arg2[%dma_wait3A_369, %dma_wait3A_370] : memref<160000x128xf32, #tpu.memory_space<hbm>> -> memref<160000x128xf32, #tpu.memory_space<hbm>>
      tpu.wait_indirect_dma semaphore(%arg31 : memref<!tpu.dma_semaphore, #tpu.memory_space<semaphore_mem>>) src(%dma_wait3A_371 : memref<160000x128xf32, #tpu.memory_space<hbm>>) dst(%arg18 : memref<64x128xf32, #tpu.memory_space<vmem>>)
      %run_scoped3A_372 = arith.constant 1 : i32
      "tpu.region"() ({
        %run_scoped3A_434 = tpu.sem_alloc : memref<!tpu.dma_semaphore, #tpu.memory_space<semaphore_mem>>
        %dma_start3A_435 = arith.constant 0 : i32
        %dma_start3A_436 = tpu.memref_slice %arg14[%run_scoped3A_372, %dma_start3A_435] : memref<2x64xi32, #tpu.memory_space<vmem>> -> memref<1x64xi32, #tpu.memory_space<vmem>>
        %dma_start3A_437 = tpu.memref_squeeze %dma_start3A_436 : memref<1x64xi32, #tpu.memory_space<vmem>> -> memref<64xi32, #tpu.memory_space<vmem>>
        %dma_start3A_438 = arith.constant 0 : i32
        %dma_start3A_439 = arith.constant 0 : i32
        %dma_start3A_440 = tpu.memref_slice %arg21[%dma_start3A_438, %dma_start3A_439] : memref<10240x128xf32, #tpu.memory_space<vmem_shared>> -> memref<10240x128xf32, #tpu.memory_space<vmem_shared>>
        tpu.enqueue_indirect_dma source(%arg18 : memref<64x128xf32, #tpu.memory_space<vmem>>) target(%dma_start3A_440 : memref<10240x128xf32, #tpu.memory_space<vmem_shared>>) offsets(%dma_start3A_437 : memref<64xi32, #tpu.memory_space<vmem>>) semaphore(%run_scoped3A_434 : memref<!tpu.dma_semaphore, #tpu.memory_space<semaphore_mem>>) {add = true}
        %dma_wait3A_441 = arith.constant 0 : i32
        %dma_wait3A_442 = tpu.memref_slice %arg14[%run_scoped3A_372, %dma_wait3A_441] : memref<2x64xi32, #tpu.memory_space<vmem>> -> memref<1x64xi32, #tpu.memory_space<vmem>>
        %dma_wait3A_443 = tpu.memref_squeeze %dma_wait3A_442 : memref<1x64xi32, #tpu.memory_space<vmem>> -> memref<64xi32, #tpu.memory_space<vmem>>
        %dma_wait3A_444 = arith.constant 0 : i32
        %dma_wait3A_445 = arith.constant 0 : i32
        %dma_wait3A_446 = tpu.memref_slice %arg21[%dma_wait3A_444, %dma_wait3A_445] : memref<10240x128xf32, #tpu.memory_space<vmem_shared>> -> memref<10240x128xf32, #tpu.memory_space<vmem_shared>>
        tpu.wait_indirect_dma semaphore(%run_scoped3A_434 : memref<!tpu.dma_semaphore, #tpu.memory_space<semaphore_mem>>) src(%arg18 : memref<64x128xf32, #tpu.memory_space<vmem>>) dst(%dma_wait3A_446 : memref<10240x128xf32, #tpu.memory_space<vmem_shared>>)
        tpu.yield
      }) : () -> ()
      %run_scoped3A_373 = arith.constant 1 : i32
      "tpu.region"() ({
        %run_scoped3A_434 = tpu.sem_alloc : memref<!tpu.dma_semaphore, #tpu.memory_space<semaphore_mem>>
        %dma_start3A_435 = arith.constant 0 : i32
        %dma_start3A_436 = tpu.memref_slice %arg14[%run_scoped3A_373, %dma_start3A_435] : memref<2x64xi32, #tpu.memory_space<vmem>> -> memref<1x64xi32, #tpu.memory_space<vmem>>
        %dma_start3A_437 = tpu.memref_squeeze %dma_start3A_436 : memref<1x64xi32, #tpu.memory_space<vmem>> -> memref<64xi32, #tpu.memory_space<vmem>>
        %dma_start3A_438 = arith.constant 0 : i32
        %dma_start3A_439 = arith.constant 0 : i32
        %dma_start3A_440 = tpu.memref_slice %arg35[%dma_start3A_438, %dma_start3A_439] : memref<10240x16xf32, #tpu.memory_space<vmem_shared>> -> memref<10240x16xf32, #tpu.memory_space<vmem_shared>>
        tpu.enqueue_indirect_dma source(%arg34 : memref<64x16xf32, #tpu.memory_space<vmem>>) target(%dma_start3A_440 : memref<10240x16xf32, #tpu.memory_space<vmem_shared>>) offsets(%dma_start3A_437 : memref<64xi32, #tpu.memory_space<vmem>>) semaphore(%run_scoped3A_434 : memref<!tpu.dma_semaphore, #tpu.memory_space<semaphore_mem>>) {add = true}
        %dma_wait3A_441 = arith.constant 0 : i32
        %dma_wait3A_442 = tpu.memref_slice %arg14[%run_scoped3A_373, %dma_wait3A_441] : memref<2x64xi32, #tpu.memory_space<vmem>> -> memref<1x64xi32, #tpu.memory_space<vmem>>
        %dma_wait3A_443 = tpu.memref_squeeze %dma_wait3A_442 : memref<1x64xi32, #tpu.memory_space<vmem>> -> memref<64xi32, #tpu.memory_space<vmem>>
        %dma_wait3A_444 = arith.constant 0 : i32
        %dma_wait3A_445 = arith.constant 0 : i32
        %dma_wait3A_446 = tpu.memref_slice %arg35[%dma_wait3A_444, %dma_wait3A_445] : memref<10240x16xf32, #tpu.memory_space<vmem_shared>> -> memref<10240x16xf32, #tpu.memory_space<vmem_shared>>
        tpu.wait_indirect_dma semaphore(%run_scoped3A_434 : memref<!tpu.dma_semaphore, #tpu.memory_space<semaphore_mem>>) src(%arg34 : memref<64x16xf32, #tpu.memory_space<vmem>>) dst(%dma_wait3A_446 : memref<10240x16xf32, #tpu.memory_space<vmem_shared>>)
        tpu.yield
      }) : () -> ()
      %add3A_374 = arith.constant 3 : i32
      %add3A_375 = arith.addi %mul3A_197, %add3A_374 : i32
      %lt3A_376 = arith.constant 40 : i32
      %lt3A_377 = arith.cmpi slt, %add3A_375, %lt3A_376 : i32
      %convert_element_type3A_378 = arith.extui %lt3A_377 : i1 to i32
      %cond3A_379 = arith.constant 0 : i32
      %cond3A_380 = arith.cmpi ne, %convert_element_type3A_378, %cond3A_379 : i32
      scf.if %cond3A_380 {
        %add3A_434 = arith.constant 3 : i32
        %add3A_435 = arith.addi %mul3A_197, %add3A_434 : i32
        %mul3A_436 = arith.constant 4 : i32
        %mul3A_437 = arith.muli %add3A_435, %mul3A_436 : i32
        %add3A_438 = arith.constant 1 : i32
        %add3A_439 = arith.addi %mul3A_437, %add3A_438 : i32
        %dma_start3A_440 = arith.constant 0 : i32
        %dma_start3A_441 = arith.constant 0 : i32
        %dma_start3A_442 = tpu.memref_slice %arg3[%add3A, %add3A_439, %dma_start3A_440, %dma_start3A_441] : memref<32x160x2x64xi32, #tpu.memory_space<hbm>> -> memref<1x1x2x64xi32, #tpu.memory_space<hbm>>
        %dma_start3A_443 = tpu.memref_squeeze %dma_start3A_442 : memref<1x1x2x64xi32, #tpu.memory_space<hbm>> -> memref<2x64xi32, #tpu.memory_space<hbm>>
        %dma_start3A_444 = arith.constant 0 : i32
        %dma_start3A_445 = arith.constant 0 : i32
        %dma_start3A_446 = tpu.memref_slice %arg3[%add3A, %add3A_439, %dma_start3A_444, %dma_start3A_445] : memref<32x160x2x64xi32, #tpu.memory_space<hbm>> -> memref<1x1x2x64xi32, #tpu.memory_space<hbm>>
        %dma_start3A_447 = tpu.memref_squeeze %dma_start3A_446 : memref<1x1x2x64xi32, #tpu.memory_space<hbm>> -> memref<2x64xi32, #tpu.memory_space<hbm>>
        tpu.enqueue_dma source(%dma_start3A_447 : memref<2x64xi32, #tpu.memory_space<hbm>>) target(%arg14 : memref<2x64xi32, #tpu.memory_space<vmem>>) target_semaphore(%arg27 : memref<!tpu.dma_semaphore, #tpu.memory_space<semaphore_mem>>)
      } else {
      }
      %add3A_381 = arith.constant 2 : i32
      %add3A_382 = arith.addi %mul3A_197, %add3A_381 : i32
      %lt3A_383 = arith.constant 40 : i32
      %lt3A_384 = arith.cmpi slt, %add3A_382, %lt3A_383 : i32
      %convert_element_type3A_385 = arith.extui %lt3A_384 : i1 to i32
      %cond3A_386 = arith.constant 0 : i32
      %cond3A_387 = arith.cmpi ne, %convert_element_type3A_385, %cond3A_386 : i32
      scf.if %cond3A_387 {
        %add3A_434 = arith.constant 2 : i32
        %add3A_435 = arith.addi %mul3A_197, %add3A_434 : i32
        %mul3A_436 = arith.constant 4 : i32
        %mul3A_437 = arith.muli %add3A_435, %mul3A_436 : i32
        %add3A_438 = arith.constant 1 : i32
        %add3A_439 = arith.addi %mul3A_437, %add3A_438 : i32
        %dma_wait3A_440 = arith.constant 0 : i32
        %dma_wait3A_441 = arith.constant 0 : i32
        %dma_wait3A_442 = tpu.memref_slice %arg3[%add3A, %add3A_439, %dma_wait3A_440, %dma_wait3A_441] : memref<32x160x2x64xi32, #tpu.memory_space<hbm>> -> memref<1x1x2x64xi32, #tpu.memory_space<hbm>>
        %dma_wait3A_443 = tpu.memref_squeeze %dma_wait3A_442 : memref<1x1x2x64xi32, #tpu.memory_space<hbm>> -> memref<2x64xi32, #tpu.memory_space<hbm>>
        %dma_wait3A_444 = arith.constant 0 : i32
        %dma_wait3A_445 = arith.constant 0 : i32
        %dma_wait3A_446 = tpu.memref_slice %arg3[%add3A, %add3A_439, %dma_wait3A_444, %dma_wait3A_445] : memref<32x160x2x64xi32, #tpu.memory_space<hbm>> -> memref<1x1x2x64xi32, #tpu.memory_space<hbm>>
        %dma_wait3A_447 = tpu.memref_squeeze %dma_wait3A_446 : memref<1x1x2x64xi32, #tpu.memory_space<hbm>> -> memref<2x64xi32, #tpu.memory_space<hbm>>
        tpu.wait_dma2 semaphore(%arg23 : memref<!tpu.dma_semaphore, #tpu.memory_space<semaphore_mem>>) src(%dma_wait3A_447 : memref<2x64xi32, #tpu.memory_space<hbm>>) dst(%arg10 : memref<2x64xi32, #tpu.memory_space<vmem>>)
        %dma_start3A_448 = arith.constant 0 : i32
        %dma_start3A_449 = arith.constant 0 : i32
        %dma_start3A_450 = tpu.memref_slice %arg10[%dma_start3A_448, %dma_start3A_449] : memref<2x64xi32, #tpu.memory_space<vmem>> -> memref<1x64xi32, #tpu.memory_space<vmem>>
        %dma_start3A_451 = tpu.memref_squeeze %dma_start3A_450 : memref<1x64xi32, #tpu.memory_space<vmem>> -> memref<64xi32, #tpu.memory_space<vmem>>
        %dma_start3A_452 = arith.constant 0 : i32
        %dma_start3A_453 = arith.constant 0 : i32
        %dma_start3A_454 = tpu.memref_slice %arg2[%dma_start3A_452, %dma_start3A_453] : memref<160000x128xf32, #tpu.memory_space<hbm>> -> memref<160000x128xf32, #tpu.memory_space<hbm>>
        tpu.enqueue_indirect_dma source(%dma_start3A_454 : memref<160000x128xf32, #tpu.memory_space<hbm>>) target(%arg18 : memref<64x128xf32, #tpu.memory_space<vmem>>) offsets(%dma_start3A_451 : memref<64xi32, #tpu.memory_space<vmem>>) semaphore(%arg31 : memref<!tpu.dma_semaphore, #tpu.memory_space<semaphore_mem>>)
      } else {
      }
      %dma_wait3A_388 = arith.constant 0 : i32
      %dma_wait3A_389 = arith.constant 0 : i32
      %dma_wait3A_390 = tpu.memref_slice %arg15[%dma_wait3A_388, %dma_wait3A_389] : memref<2x64xi32, #tpu.memory_space<vmem>> -> memref<1x64xi32, #tpu.memory_space<vmem>>
      %dma_wait3A_391 = tpu.memref_squeeze %dma_wait3A_390 : memref<1x64xi32, #tpu.memory_space<vmem>> -> memref<64xi32, #tpu.memory_space<vmem>>
      %dma_wait3A_392 = arith.constant 0 : i32
      %dma_wait3A_393 = arith.constant 0 : i32
      %dma_wait3A_394 = tpu.memref_slice %arg2[%dma_wait3A_392, %dma_wait3A_393] : memref<160000x128xf32, #tpu.memory_space<hbm>> -> memref<160000x128xf32, #tpu.memory_space<hbm>>
      tpu.wait_indirect_dma semaphore(%arg32 : memref<!tpu.dma_semaphore, #tpu.memory_space<semaphore_mem>>) src(%dma_wait3A_394 : memref<160000x128xf32, #tpu.memory_space<hbm>>) dst(%arg19 : memref<64x128xf32, #tpu.memory_space<vmem>>)
      %run_scoped3A_395 = arith.constant 1 : i32
      "tpu.region"() ({
        %run_scoped3A_434 = tpu.sem_alloc : memref<!tpu.dma_semaphore, #tpu.memory_space<semaphore_mem>>
        %dma_start3A_435 = arith.constant 0 : i32
        %dma_start3A_436 = tpu.memref_slice %arg15[%run_scoped3A_395, %dma_start3A_435] : memref<2x64xi32, #tpu.memory_space<vmem>> -> memref<1x64xi32, #tpu.memory_space<vmem>>
        %dma_start3A_437 = tpu.memref_squeeze %dma_start3A_436 : memref<1x64xi32, #tpu.memory_space<vmem>> -> memref<64xi32, #tpu.memory_space<vmem>>
        %dma_start3A_438 = arith.constant 0 : i32
        %dma_start3A_439 = arith.constant 0 : i32
        %dma_start3A_440 = tpu.memref_slice %arg21[%dma_start3A_438, %dma_start3A_439] : memref<10240x128xf32, #tpu.memory_space<vmem_shared>> -> memref<10240x128xf32, #tpu.memory_space<vmem_shared>>
        tpu.enqueue_indirect_dma source(%arg19 : memref<64x128xf32, #tpu.memory_space<vmem>>) target(%dma_start3A_440 : memref<10240x128xf32, #tpu.memory_space<vmem_shared>>) offsets(%dma_start3A_437 : memref<64xi32, #tpu.memory_space<vmem>>) semaphore(%run_scoped3A_434 : memref<!tpu.dma_semaphore, #tpu.memory_space<semaphore_mem>>) {add = true}
        %dma_wait3A_441 = arith.constant 0 : i32
        %dma_wait3A_442 = tpu.memref_slice %arg15[%run_scoped3A_395, %dma_wait3A_441] : memref<2x64xi32, #tpu.memory_space<vmem>> -> memref<1x64xi32, #tpu.memory_space<vmem>>
        %dma_wait3A_443 = tpu.memref_squeeze %dma_wait3A_442 : memref<1x64xi32, #tpu.memory_space<vmem>> -> memref<64xi32, #tpu.memory_space<vmem>>
        %dma_wait3A_444 = arith.constant 0 : i32
        %dma_wait3A_445 = arith.constant 0 : i32
        %dma_wait3A_446 = tpu.memref_slice %arg21[%dma_wait3A_444, %dma_wait3A_445] : memref<10240x128xf32, #tpu.memory_space<vmem_shared>> -> memref<10240x128xf32, #tpu.memory_space<vmem_shared>>
        tpu.wait_indirect_dma semaphore(%run_scoped3A_434 : memref<!tpu.dma_semaphore, #tpu.memory_space<semaphore_mem>>) src(%arg19 : memref<64x128xf32, #tpu.memory_space<vmem>>) dst(%dma_wait3A_446 : memref<10240x128xf32, #tpu.memory_space<vmem_shared>>)
        tpu.yield
      }) : () -> ()
      %run_scoped3A_396 = arith.constant 1 : i32
      "tpu.region"() ({
        %run_scoped3A_434 = tpu.sem_alloc : memref<!tpu.dma_semaphore, #tpu.memory_space<semaphore_mem>>
        %dma_start3A_435 = arith.constant 0 : i32
        %dma_start3A_436 = tpu.memref_slice %arg15[%run_scoped3A_396, %dma_start3A_435] : memref<2x64xi32, #tpu.memory_space<vmem>> -> memref<1x64xi32, #tpu.memory_space<vmem>>
        %dma_start3A_437 = tpu.memref_squeeze %dma_start3A_436 : memref<1x64xi32, #tpu.memory_space<vmem>> -> memref<64xi32, #tpu.memory_space<vmem>>
        %dma_start3A_438 = arith.constant 0 : i32
        %dma_start3A_439 = arith.constant 0 : i32
        %dma_start3A_440 = tpu.memref_slice %arg35[%dma_start3A_438, %dma_start3A_439] : memref<10240x16xf32, #tpu.memory_space<vmem_shared>> -> memref<10240x16xf32, #tpu.memory_space<vmem_shared>>
        tpu.enqueue_indirect_dma source(%arg34 : memref<64x16xf32, #tpu.memory_space<vmem>>) target(%dma_start3A_440 : memref<10240x16xf32, #tpu.memory_space<vmem_shared>>) offsets(%dma_start3A_437 : memref<64xi32, #tpu.memory_space<vmem>>) semaphore(%run_scoped3A_434 : memref<!tpu.dma_semaphore, #tpu.memory_space<semaphore_mem>>) {add = true}
        %dma_wait3A_441 = arith.constant 0 : i32
        %dma_wait3A_442 = tpu.memref_slice %arg15[%run_scoped3A_396, %dma_wait3A_441] : memref<2x64xi32, #tpu.memory_space<vmem>> -> memref<1x64xi32, #tpu.memory_space<vmem>>
        %dma_wait3A_443 = tpu.memref_squeeze %dma_wait3A_442 : memref<1x64xi32, #tpu.memory_space<vmem>> -> memref<64xi32, #tpu.memory_space<vmem>>
        %dma_wait3A_444 = arith.constant 0 : i32
        %dma_wait3A_445 = arith.constant 0 : i32
        %dma_wait3A_446 = tpu.memref_slice %arg35[%dma_wait3A_444, %dma_wait3A_445] : memref<10240x16xf32, #tpu.memory_space<vmem_shared>> -> memref<10240x16xf32, #tpu.memory_space<vmem_shared>>
        tpu.wait_indirect_dma semaphore(%run_scoped3A_434 : memref<!tpu.dma_semaphore, #tpu.memory_space<semaphore_mem>>) src(%arg34 : memref<64x16xf32, #tpu.memory_space<vmem>>) dst(%dma_wait3A_446 : memref<10240x16xf32, #tpu.memory_space<vmem_shared>>)
        tpu.yield
      }) : () -> ()
      %add3A_397 = arith.constant 3 : i32
      %add3A_398 = arith.addi %mul3A_197, %add3A_397 : i32
      %lt3A_399 = arith.constant 40 : i32
      %lt3A_400 = arith.cmpi slt, %add3A_398, %lt3A_399 : i32
      %convert_element_type3A_401 = arith.extui %lt3A_400 : i1 to i32
      %cond3A_402 = arith.constant 0 : i32
      %cond3A_403 = arith.cmpi ne, %convert_element_type3A_401, %cond3A_402 : i32
      scf.if %cond3A_403 {
        %add3A_434 = arith.constant 3 : i32
        %add3A_435 = arith.addi %mul3A_197, %add3A_434 : i32
        %mul3A_436 = arith.constant 4 : i32
        %mul3A_437 = arith.muli %add3A_435, %mul3A_436 : i32
        %add3A_438 = arith.constant 2 : i32
        %add3A_439 = arith.addi %mul3A_437, %add3A_438 : i32
        %dma_start3A_440 = arith.constant 0 : i32
        %dma_start3A_441 = arith.constant 0 : i32
        %dma_start3A_442 = tpu.memref_slice %arg3[%add3A, %add3A_439, %dma_start3A_440, %dma_start3A_441] : memref<32x160x2x64xi32, #tpu.memory_space<hbm>> -> memref<1x1x2x64xi32, #tpu.memory_space<hbm>>
        %dma_start3A_443 = tpu.memref_squeeze %dma_start3A_442 : memref<1x1x2x64xi32, #tpu.memory_space<hbm>> -> memref<2x64xi32, #tpu.memory_space<hbm>>
        %dma_start3A_444 = arith.constant 0 : i32
        %dma_start3A_445 = arith.constant 0 : i32
        %dma_start3A_446 = tpu.memref_slice %arg3[%add3A, %add3A_439, %dma_start3A_444, %dma_start3A_445] : memref<32x160x2x64xi32, #tpu.memory_space<hbm>> -> memref<1x1x2x64xi32, #tpu.memory_space<hbm>>
        %dma_start3A_447 = tpu.memref_squeeze %dma_start3A_446 : memref<1x1x2x64xi32, #tpu.memory_space<hbm>> -> memref<2x64xi32, #tpu.memory_space<hbm>>
        tpu.enqueue_dma source(%dma_start3A_447 : memref<2x64xi32, #tpu.memory_space<hbm>>) target(%arg15 : memref<2x64xi32, #tpu.memory_space<vmem>>) target_semaphore(%arg28 : memref<!tpu.dma_semaphore, #tpu.memory_space<semaphore_mem>>)
      } else {
      }
      %add3A_404 = arith.constant 2 : i32
      %add3A_405 = arith.addi %mul3A_197, %add3A_404 : i32
      %lt3A_406 = arith.constant 40 : i32
      %lt3A_407 = arith.cmpi slt, %add3A_405, %lt3A_406 : i32
      %convert_element_type3A_408 = arith.extui %lt3A_407 : i1 to i32
      %cond3A_409 = arith.constant 0 : i32
      %cond3A_410 = arith.cmpi ne, %convert_element_type3A_408, %cond3A_409 : i32
      scf.if %cond3A_410 {
        %add3A_434 = arith.constant 2 : i32
        %add3A_435 = arith.addi %mul3A_197, %add3A_434 : i32
        %mul3A_436 = arith.constant 4 : i32
        %mul3A_437 = arith.muli %add3A_435, %mul3A_436 : i32
        %add3A_438 = arith.constant 2 : i32
        %add3A_439 = arith.addi %mul3A_437, %add3A_438 : i32
        %dma_wait3A_440 = arith.constant 0 : i32
        %dma_wait3A_441 = arith.constant 0 : i32
        %dma_wait3A_442 = tpu.memref_slice %arg3[%add3A, %add3A_439, %dma_wait3A_440, %dma_wait3A_441] : memref<32x160x2x64xi32, #tpu.memory_space<hbm>> -> memref<1x1x2x64xi32, #tpu.memory_space<hbm>>
        %dma_wait3A_443 = tpu.memref_squeeze %dma_wait3A_442 : memref<1x1x2x64xi32, #tpu.memory_space<hbm>> -> memref<2x64xi32, #tpu.memory_space<hbm>>
        %dma_wait3A_444 = arith.constant 0 : i32
        %dma_wait3A_445 = arith.constant 0 : i32
        %dma_wait3A_446 = tpu.memref_slice %arg3[%add3A, %add3A_439, %dma_wait3A_444, %dma_wait3A_445] : memref<32x160x2x64xi32, #tpu.memory_space<hbm>> -> memref<1x1x2x64xi32, #tpu.memory_space<hbm>>
        %dma_wait3A_447 = tpu.memref_squeeze %dma_wait3A_446 : memref<1x1x2x64xi32, #tpu.memory_space<hbm>> -> memref<2x64xi32, #tpu.memory_space<hbm>>
        tpu.wait_dma2 semaphore(%arg24 : memref<!tpu.dma_semaphore, #tpu.memory_space<semaphore_mem>>) src(%dma_wait3A_447 : memref<2x64xi32, #tpu.memory_space<hbm>>) dst(%arg11 : memref<2x64xi32, #tpu.memory_space<vmem>>)
        %dma_start3A_448 = arith.constant 0 : i32
        %dma_start3A_449 = arith.constant 0 : i32
        %dma_start3A_450 = tpu.memref_slice %arg11[%dma_start3A_448, %dma_start3A_449] : memref<2x64xi32, #tpu.memory_space<vmem>> -> memref<1x64xi32, #tpu.memory_space<vmem>>
        %dma_start3A_451 = tpu.memref_squeeze %dma_start3A_450 : memref<1x64xi32, #tpu.memory_space<vmem>> -> memref<64xi32, #tpu.memory_space<vmem>>
        %dma_start3A_452 = arith.constant 0 : i32
        %dma_start3A_453 = arith.constant 0 : i32
        %dma_start3A_454 = tpu.memref_slice %arg2[%dma_start3A_452, %dma_start3A_453] : memref<160000x128xf32, #tpu.memory_space<hbm>> -> memref<160000x128xf32, #tpu.memory_space<hbm>>
        tpu.enqueue_indirect_dma source(%dma_start3A_454 : memref<160000x128xf32, #tpu.memory_space<hbm>>) target(%arg19 : memref<64x128xf32, #tpu.memory_space<vmem>>) offsets(%dma_start3A_451 : memref<64xi32, #tpu.memory_space<vmem>>) semaphore(%arg32 : memref<!tpu.dma_semaphore, #tpu.memory_space<semaphore_mem>>)
      } else {
      }
      %dma_wait3A_411 = arith.constant 0 : i32
      %dma_wait3A_412 = arith.constant 0 : i32
      %dma_wait3A_413 = tpu.memref_slice %arg16[%dma_wait3A_411, %dma_wait3A_412] : memref<2x64xi32, #tpu.memory_space<vmem>> -> memref<1x64xi32, #tpu.memory_space<vmem>>
      %dma_wait3A_414 = tpu.memref_squeeze %dma_wait3A_413 : memref<1x64xi32, #tpu.memory_space<vmem>> -> memref<64xi32, #tpu.memory_space<vmem>>
      %dma_wait3A_415 = arith.constant 0 : i32
      %dma_wait3A_416 = arith.constant 0 : i32
      %dma_wait3A_417 = tpu.memref_slice %arg2[%dma_wait3A_415, %dma_wait3A_416] : memref<160000x128xf32, #tpu.memory_space<hbm>> -> memref<160000x128xf32, #tpu.memory_space<hbm>>
      tpu.wait_indirect_dma semaphore(%arg33 : memref<!tpu.dma_semaphore, #tpu.memory_space<semaphore_mem>>) src(%dma_wait3A_417 : memref<160000x128xf32, #tpu.memory_space<hbm>>) dst(%arg20 : memref<64x128xf32, #tpu.memory_space<vmem>>)
      %run_scoped3A_418 = arith.constant 1 : i32
      "tpu.region"() ({
        %run_scoped3A_434 = tpu.sem_alloc : memref<!tpu.dma_semaphore, #tpu.memory_space<semaphore_mem>>
        %dma_start3A_435 = arith.constant 0 : i32
        %dma_start3A_436 = tpu.memref_slice %arg16[%run_scoped3A_418, %dma_start3A_435] : memref<2x64xi32, #tpu.memory_space<vmem>> -> memref<1x64xi32, #tpu.memory_space<vmem>>
        %dma_start3A_437 = tpu.memref_squeeze %dma_start3A_436 : memref<1x64xi32, #tpu.memory_space<vmem>> -> memref<64xi32, #tpu.memory_space<vmem>>
        %dma_start3A_438 = arith.constant 0 : i32
        %dma_start3A_439 = arith.constant 0 : i32
        %dma_start3A_440 = tpu.memref_slice %arg21[%dma_start3A_438, %dma_start3A_439] : memref<10240x128xf32, #tpu.memory_space<vmem_shared>> -> memref<10240x128xf32, #tpu.memory_space<vmem_shared>>
        tpu.enqueue_indirect_dma source(%arg20 : memref<64x128xf32, #tpu.memory_space<vmem>>) target(%dma_start3A_440 : memref<10240x128xf32, #tpu.memory_space<vmem_shared>>) offsets(%dma_start3A_437 : memref<64xi32, #tpu.memory_space<vmem>>) semaphore(%run_scoped3A_434 : memref<!tpu.dma_semaphore, #tpu.memory_space<semaphore_mem>>) {add = true}
        %dma_wait3A_441 = arith.constant 0 : i32
        %dma_wait3A_442 = tpu.memref_slice %arg16[%run_scoped3A_418, %dma_wait3A_441] : memref<2x64xi32, #tpu.memory_space<vmem>> -> memref<1x64xi32, #tpu.memory_space<vmem>>
        %dma_wait3A_443 = tpu.memref_squeeze %dma_wait3A_442 : memref<1x64xi32, #tpu.memory_space<vmem>> -> memref<64xi32, #tpu.memory_space<vmem>>
        %dma_wait3A_444 = arith.constant 0 : i32
        %dma_wait3A_445 = arith.constant 0 : i32
        %dma_wait3A_446 = tpu.memref_slice %arg21[%dma_wait3A_444, %dma_wait3A_445] : memref<10240x128xf32, #tpu.memory_space<vmem_shared>> -> memref<10240x128xf32, #tpu.memory_space<vmem_shared>>
        tpu.wait_indirect_dma semaphore(%run_scoped3A_434 : memref<!tpu.dma_semaphore, #tpu.memory_space<semaphore_mem>>) src(%arg20 : memref<64x128xf32, #tpu.memory_space<vmem>>) dst(%dma_wait3A_446 : memref<10240x128xf32, #tpu.memory_space<vmem_shared>>)
        tpu.yield
      }) : () -> ()
      %run_scoped3A_419 = arith.constant 1 : i32
      "tpu.region"() ({
        %run_scoped3A_434 = tpu.sem_alloc : memref<!tpu.dma_semaphore, #tpu.memory_space<semaphore_mem>>
        %dma_start3A_435 = arith.constant 0 : i32
        %dma_start3A_436 = tpu.memref_slice %arg16[%run_scoped3A_419, %dma_start3A_435] : memref<2x64xi32, #tpu.memory_space<vmem>> -> memref<1x64xi32, #tpu.memory_space<vmem>>
        %dma_start3A_437 = tpu.memref_squeeze %dma_start3A_436 : memref<1x64xi32, #tpu.memory_space<vmem>> -> memref<64xi32, #tpu.memory_space<vmem>>
        %dma_start3A_438 = arith.constant 0 : i32
        %dma_start3A_439 = arith.constant 0 : i32
        %dma_start3A_440 = tpu.memref_slice %arg35[%dma_start3A_438, %dma_start3A_439] : memref<10240x16xf32, #tpu.memory_space<vmem_shared>> -> memref<10240x16xf32, #tpu.memory_space<vmem_shared>>
        tpu.enqueue_indirect_dma source(%arg34 : memref<64x16xf32, #tpu.memory_space<vmem>>) target(%dma_start3A_440 : memref<10240x16xf32, #tpu.memory_space<vmem_shared>>) offsets(%dma_start3A_437 : memref<64xi32, #tpu.memory_space<vmem>>) semaphore(%run_scoped3A_434 : memref<!tpu.dma_semaphore, #tpu.memory_space<semaphore_mem>>) {add = true}
        %dma_wait3A_441 = arith.constant 0 : i32
        %dma_wait3A_442 = tpu.memref_slice %arg16[%run_scoped3A_419, %dma_wait3A_441] : memref<2x64xi32, #tpu.memory_space<vmem>> -> memref<1x64xi32, #tpu.memory_space<vmem>>
        %dma_wait3A_443 = tpu.memref_squeeze %dma_wait3A_442 : memref<1x64xi32, #tpu.memory_space<vmem>> -> memref<64xi32, #tpu.memory_space<vmem>>
        %dma_wait3A_444 = arith.constant 0 : i32
        %dma_wait3A_445 = arith.constant 0 : i32
        %dma_wait3A_446 = tpu.memref_slice %arg35[%dma_wait3A_444, %dma_wait3A_445] : memref<10240x16xf32, #tpu.memory_space<vmem_shared>> -> memref<10240x16xf32, #tpu.memory_space<vmem_shared>>
        tpu.wait_indirect_dma semaphore(%run_scoped3A_434 : memref<!tpu.dma_semaphore, #tpu.memory_space<semaphore_mem>>) src(%arg34 : memref<64x16xf32, #tpu.memory_space<vmem>>) dst(%dma_wait3A_446 : memref<10240x16xf32, #tpu.memory_space<vmem_shared>>)
        tpu.yield
      }) : () -> ()
      %add3A_420 = arith.constant 3 : i32
      %add3A_421 = arith.addi %mul3A_197, %add3A_420 : i32
      %lt3A_422 = arith.constant 40 : i32
      %lt3A_423 = arith.cmpi slt, %add3A_421, %lt3A_422 : i32
      %convert_element_type3A_424 = arith.extui %lt3A_423 : i1 to i32
      %cond3A_425 = arith.constant 0 : i32
      %cond3A_426 = arith.cmpi ne, %convert_element_type3A_424, %cond3A_425 : i32
      scf.if %cond3A_426 {
        %add3A_434 = arith.constant 3 : i32
        %add3A_435 = arith.addi %mul3A_197, %add3A_434 : i32
        %mul3A_436 = arith.constant 4 : i32
        %mul3A_437 = arith.muli %add3A_435, %mul3A_436 : i32
        %add3A_438 = arith.constant 3 : i32
        %add3A_439 = arith.addi %mul3A_437, %add3A_438 : i32
        %dma_start3A_440 = arith.constant 0 : i32
        %dma_start3A_441 = arith.constant 0 : i32
        %dma_start3A_442 = tpu.memref_slice %arg3[%add3A, %add3A_439, %dma_start3A_440, %dma_start3A_441] : memref<32x160x2x64xi32, #tpu.memory_space<hbm>> -> memref<1x1x2x64xi32, #tpu.memory_space<hbm>>
        %dma_start3A_443 = tpu.memref_squeeze %dma_start3A_442 : memref<1x1x2x64xi32, #tpu.memory_space<hbm>> -> memref<2x64xi32, #tpu.memory_space<hbm>>
        %dma_start3A_444 = arith.constant 0 : i32
        %dma_start3A_445 = arith.constant 0 : i32
        %dma_start3A_446 = tpu.memref_slice %arg3[%add3A, %add3A_439, %dma_start3A_444, %dma_start3A_445] : memref<32x160x2x64xi32, #tpu.memory_space<hbm>> -> memref<1x1x2x64xi32, #tpu.memory_space<hbm>>
        %dma_start3A_447 = tpu.memref_squeeze %dma_start3A_446 : memref<1x1x2x64xi32, #tpu.memory_space<hbm>> -> memref<2x64xi32, #tpu.memory_space<hbm>>
        tpu.enqueue_dma source(%dma_start3A_447 : memref<2x64xi32, #tpu.memory_space<hbm>>) target(%arg16 : memref<2x64xi32, #tpu.memory_space<vmem>>) target_semaphore(%arg29 : memref<!tpu.dma_semaphore, #tpu.memory_space<semaphore_mem>>)
      } else {
      }
      %add3A_427 = arith.constant 2 : i32
      %add3A_428 = arith.addi %mul3A_197, %add3A_427 : i32
      %lt3A_429 = arith.constant 40 : i32
      %lt3A_430 = arith.cmpi slt, %add3A_428, %lt3A_429 : i32
      %convert_element_type3A_431 = arith.extui %lt3A_430 : i1 to i32
      %cond3A_432 = arith.constant 0 : i32
      %cond3A_433 = arith.cmpi ne, %convert_element_type3A_431, %cond3A_432 : i32
      scf.if %cond3A_433 {
        %add3A_434 = arith.constant 2 : i32
        %add3A_435 = arith.addi %mul3A_197, %add3A_434 : i32
        %mul3A_436 = arith.constant 4 : i32
        %mul3A_437 = arith.muli %add3A_435, %mul3A_436 : i32
        %add3A_438 = arith.constant 3 : i32
        %add3A_439 = arith.addi %mul3A_437, %add3A_438 : i32
        %dma_wait3A_440 = arith.constant 0 : i32
        %dma_wait3A_441 = arith.constant 0 : i32
        %dma_wait3A_442 = tpu.memref_slice %arg3[%add3A, %add3A_439, %dma_wait3A_440, %dma_wait3A_441] : memref<32x160x2x64xi32, #tpu.memory_space<hbm>> -> memref<1x1x2x64xi32, #tpu.memory_space<hbm>>
        %dma_wait3A_443 = tpu.memref_squeeze %dma_wait3A_442 : memref<1x1x2x64xi32, #tpu.memory_space<hbm>> -> memref<2x64xi32, #tpu.memory_space<hbm>>
        %dma_wait3A_444 = arith.constant 0 : i32
        %dma_wait3A_445 = arith.constant 0 : i32
        %dma_wait3A_446 = tpu.memref_slice %arg3[%add3A, %add3A_439, %dma_wait3A_444, %dma_wait3A_445] : memref<32x160x2x64xi32, #tpu.memory_space<hbm>> -> memref<1x1x2x64xi32, #tpu.memory_space<hbm>>
        %dma_wait3A_447 = tpu.memref_squeeze %dma_wait3A_446 : memref<1x1x2x64xi32, #tpu.memory_space<hbm>> -> memref<2x64xi32, #tpu.memory_space<hbm>>
        tpu.wait_dma2 semaphore(%arg25 : memref<!tpu.dma_semaphore, #tpu.memory_space<semaphore_mem>>) src(%dma_wait3A_447 : memref<2x64xi32, #tpu.memory_space<hbm>>) dst(%arg12 : memref<2x64xi32, #tpu.memory_space<vmem>>)
        %dma_start3A_448 = arith.constant 0 : i32
        %dma_start3A_449 = arith.constant 0 : i32
        %dma_start3A_450 = tpu.memref_slice %arg12[%dma_start3A_448, %dma_start3A_449] : memref<2x64xi32, #tpu.memory_space<vmem>> -> memref<1x64xi32, #tpu.memory_space<vmem>>
        %dma_start3A_451 = tpu.memref_squeeze %dma_start3A_450 : memref<1x64xi32, #tpu.memory_space<vmem>> -> memref<64xi32, #tpu.memory_space<vmem>>
        %dma_start3A_452 = arith.constant 0 : i32
        %dma_start3A_453 = arith.constant 0 : i32
        %dma_start3A_454 = tpu.memref_slice %arg2[%dma_start3A_452, %dma_start3A_453] : memref<160000x128xf32, #tpu.memory_space<hbm>> -> memref<160000x128xf32, #tpu.memory_space<hbm>>
        tpu.enqueue_indirect_dma source(%dma_start3A_454 : memref<160000x128xf32, #tpu.memory_space<hbm>>) target(%arg20 : memref<64x128xf32, #tpu.memory_space<vmem>>) offsets(%dma_start3A_451 : memref<64xi32, #tpu.memory_space<vmem>>) semaphore(%arg33 : memref<!tpu.dma_semaphore, #tpu.memory_space<semaphore_mem>>)
      } else {
      }
    }
    %scan3A_113 = arith.constant 20 : i32
    %barrier3A_114 = arith.constant 0 : index
    tpu.barrier barrier_id(%barrier3A_114)
    %add3A_115 = arith.constant 0 : i32
    %add3A_116 = arith.addi %mul3A_2, %add3A_115 : i32
    "tpu.region"() ({
      %run_scoped3A_195 = tpu.sem_alloc : memref<!tpu.dma_semaphore, #tpu.memory_space<semaphore_mem>>
      %dma_start3A_196 = arith.constant 0 : i32
      %dma_start3A_197 = tpu.memref_slice %arg21[%add3A_116, %dma_start3A_196] : memref<10240x128xf32, #tpu.memory_space<vmem_shared>> -> memref<64x128xf32, #tpu.memory_space<vmem_shared>>
      %dma_start3A_198 = arith.constant 0 : i32
      %dma_start3A_199 = tpu.memref_slice %arg21[%add3A_116, %dma_start3A_198] : memref<10240x128xf32, #tpu.memory_space<vmem_shared>> -> memref<64x128xf32, #tpu.memory_space<vmem_shared>>
      tpu.enqueue_dma source(%dma_start3A_199 : memref<64x128xf32, #tpu.memory_space<vmem_shared>>) target(%arg17 : memref<64x128xf32, #tpu.memory_space<vmem>>) target_semaphore(%run_scoped3A_195 : memref<!tpu.dma_semaphore, #tpu.memory_space<semaphore_mem>>)
      %dma_wait3A = arith.constant 0 : i32
      %dma_wait3A_200 = tpu.memref_slice %arg21[%add3A_116, %dma_wait3A] : memref<10240x128xf32, #tpu.memory_space<vmem_shared>> -> memref<64x128xf32, #tpu.memory_space<vmem_shared>>
      %dma_wait3A_201 = arith.constant 0 : i32
      %dma_wait3A_202 = tpu.memref_slice %arg21[%add3A_116, %dma_wait3A_201] : memref<10240x128xf32, #tpu.memory_space<vmem_shared>> -> memref<64x128xf32, #tpu.memory_space<vmem_shared>>
      tpu.wait_dma2 semaphore(%run_scoped3A_195 : memref<!tpu.dma_semaphore, #tpu.memory_space<semaphore_mem>>) src(%dma_wait3A_202 : memref<64x128xf32, #tpu.memory_space<vmem_shared>>) dst(%arg17 : memref<64x128xf32, #tpu.memory_space<vmem>>)
      tpu.yield
    }) : () -> ()
    %add3A_117 = arith.constant 0 : i32
    %add3A_118 = arith.addi %mul3A_2, %add3A_117 : i32
    "tpu.region"() ({
      %run_scoped3A_195 = tpu.sem_alloc : memref<!tpu.dma_semaphore, #tpu.memory_space<semaphore_mem>>
      %dma_start3A_196 = arith.constant 0 : i32
      %dma_start3A_197 = tpu.memref_slice %arg7[%arg0, %add3A_118, %dma_start3A_196] : memref<2x10240x128xf32, #tpu.memory_space<hbm>> -> memref<1x64x128xf32, #tpu.memory_space<hbm>>
      %dma_start3A_198 = tpu.memref_squeeze %dma_start3A_197 : memref<1x64x128xf32, #tpu.memory_space<hbm>> -> memref<64x128xf32, #tpu.memory_space<hbm>>
      %dma_start3A_199 = arith.constant 0 : i32
      %dma_start3A_200 = tpu.memref_slice %arg7[%arg0, %add3A_118, %dma_start3A_199] : memref<2x10240x128xf32, #tpu.memory_space<hbm>> -> memref<1x64x128xf32, #tpu.memory_space<hbm>>
      %dma_start3A_201 = tpu.memref_squeeze %dma_start3A_200 : memref<1x64x128xf32, #tpu.memory_space<hbm>> -> memref<64x128xf32, #tpu.memory_space<hbm>>
      tpu.enqueue_dma source(%arg17 : memref<64x128xf32, #tpu.memory_space<vmem>>) target(%dma_start3A_201 : memref<64x128xf32, #tpu.memory_space<hbm>>) target_semaphore(%run_scoped3A_195 : memref<!tpu.dma_semaphore, #tpu.memory_space<semaphore_mem>>)
      %dma_wait3A = arith.constant 0 : i32
      %dma_wait3A_202 = tpu.memref_slice %arg7[%arg0, %add3A_118, %dma_wait3A] : memref<2x10240x128xf32, #tpu.memory_space<hbm>> -> memref<1x64x128xf32, #tpu.memory_space<hbm>>
      %dma_wait3A_203 = tpu.memref_squeeze %dma_wait3A_202 : memref<1x64x128xf32, #tpu.memory_space<hbm>> -> memref<64x128xf32, #tpu.memory_space<hbm>>
      %dma_wait3A_204 = arith.constant 0 : i32
      %dma_wait3A_205 = tpu.memref_slice %arg7[%arg0, %add3A_118, %dma_wait3A_204] : memref<2x10240x128xf32, #tpu.memory_space<hbm>> -> memref<1x64x128xf32, #tpu.memory_space<hbm>>
      %dma_wait3A_206 = tpu.memref_squeeze %dma_wait3A_205 : memref<1x64x128xf32, #tpu.memory_space<hbm>> -> memref<64x128xf32, #tpu.memory_space<hbm>>
      tpu.wait_dma2 semaphore(%run_scoped3A_195 : memref<!tpu.dma_semaphore, #tpu.memory_space<semaphore_mem>>) src(%arg17 : memref<64x128xf32, #tpu.memory_space<vmem>>) dst(%dma_wait3A_206 : memref<64x128xf32, #tpu.memory_space<hbm>>)
      tpu.yield
    }) : () -> ()
    %add3A_119 = arith.constant 64 : i32
    %add3A_120 = arith.addi %mul3A_2, %add3A_119 : i32
    "tpu.region"() ({
      %run_scoped3A_195 = tpu.sem_alloc : memref<!tpu.dma_semaphore, #tpu.memory_space<semaphore_mem>>
      %dma_start3A_196 = arith.constant 0 : i32
      %dma_start3A_197 = tpu.memref_slice %arg21[%add3A_120, %dma_start3A_196] : memref<10240x128xf32, #tpu.memory_space<vmem_shared>> -> memref<64x128xf32, #tpu.memory_space<vmem_shared>>
      %dma_start3A_198 = arith.constant 0 : i32
      %dma_start3A_199 = tpu.memref_slice %arg21[%add3A_120, %dma_start3A_198] : memref<10240x128xf32, #tpu.memory_space<vmem_shared>> -> memref<64x128xf32, #tpu.memory_space<vmem_shared>>
      tpu.enqueue_dma source(%dma_start3A_199 : memref<64x128xf32, #tpu.memory_space<vmem_shared>>) target(%arg17 : memref<64x128xf32, #tpu.memory_space<vmem>>) target_semaphore(%run_scoped3A_195 : memref<!tpu.dma_semaphore, #tpu.memory_space<semaphore_mem>>)
      %dma_wait3A = arith.constant 0 : i32
      %dma_wait3A_200 = tpu.memref_slice %arg21[%add3A_120, %dma_wait3A] : memref<10240x128xf32, #tpu.memory_space<vmem_shared>> -> memref<64x128xf32, #tpu.memory_space<vmem_shared>>
      %dma_wait3A_201 = arith.constant 0 : i32
      %dma_wait3A_202 = tpu.memref_slice %arg21[%add3A_120, %dma_wait3A_201] : memref<10240x128xf32, #tpu.memory_space<vmem_shared>> -> memref<64x128xf32, #tpu.memory_space<vmem_shared>>
      tpu.wait_dma2 semaphore(%run_scoped3A_195 : memref<!tpu.dma_semaphore, #tpu.memory_space<semaphore_mem>>) src(%dma_wait3A_202 : memref<64x128xf32, #tpu.memory_space<vmem_shared>>) dst(%arg17 : memref<64x128xf32, #tpu.memory_space<vmem>>)
      tpu.yield
    }) : () -> ()
    %add3A_121 = arith.constant 64 : i32
    %add3A_122 = arith.addi %mul3A_2, %add3A_121 : i32
    "tpu.region"() ({
      %run_scoped3A_195 = tpu.sem_alloc : memref<!tpu.dma_semaphore, #tpu.memory_space<semaphore_mem>>
      %dma_start3A_196 = arith.constant 0 : i32
      %dma_start3A_197 = tpu.memref_slice %arg7[%arg0, %add3A_122, %dma_start3A_196] : memref<2x10240x128xf32, #tpu.memory_space<hbm>> -> memref<1x64x128xf32, #tpu.memory_space<hbm>>
      %dma_start3A_198 = tpu.memref_squeeze %dma_start3A_197 : memref<1x64x128xf32, #tpu.memory_space<hbm>> -> memref<64x128xf32, #tpu.memory_space<hbm>>
      %dma_start3A_199 = arith.constant 0 : i32
      %dma_start3A_200 = tpu.memref_slice %arg7[%arg0, %add3A_122, %dma_start3A_199] : memref<2x10240x128xf32, #tpu.memory_space<hbm>> -> memref<1x64x128xf32, #tpu.memory_space<hbm>>
      %dma_start3A_201 = tpu.memref_squeeze %dma_start3A_200 : memref<1x64x128xf32, #tpu.memory_space<hbm>> -> memref<64x128xf32, #tpu.memory_space<hbm>>
      tpu.enqueue_dma source(%arg17 : memref<64x128xf32, #tpu.memory_space<vmem>>) target(%dma_start3A_201 : memref<64x128xf32, #tpu.memory_space<hbm>>) target_semaphore(%run_scoped3A_195 : memref<!tpu.dma_semaphore, #tpu.memory_space<semaphore_mem>>)
      %dma_wait3A = arith.constant 0 : i32
      %dma_wait3A_202 = tpu.memref_slice %arg7[%arg0, %add3A_122, %dma_wait3A] : memref<2x10240x128xf32, #tpu.memory_space<hbm>> -> memref<1x64x128xf32, #tpu.memory_space<hbm>>
      %dma_wait3A_203 = tpu.memref_squeeze %dma_wait3A_202 : memref<1x64x128xf32, #tpu.memory_space<hbm>> -> memref<64x128xf32, #tpu.memory_space<hbm>>
      %dma_wait3A_204 = arith.constant 0 : i32
      %dma_wait3A_205 = tpu.memref_slice %arg7[%arg0, %add3A_122, %dma_wait3A_204] : memref<2x10240x128xf32, #tpu.memory_space<hbm>> -> memref<1x64x128xf32, #tpu.memory_space<hbm>>
      %dma_wait3A_206 = tpu.memref_squeeze %dma_wait3A_205 : memref<1x64x128xf32, #tpu.memory_space<hbm>> -> memref<64x128xf32, #tpu.memory_space<hbm>>
      tpu.wait_dma2 semaphore(%run_scoped3A_195 : memref<!tpu.dma_semaphore, #tpu.memory_space<semaphore_mem>>) src(%arg17 : memref<64x128xf32, #tpu.memory_space<vmem>>) dst(%dma_wait3A_206 : memref<64x128xf32, #tpu.memory_space<hbm>>)
      tpu.yield
    }) : () -> ()
    %add3A_123 = arith.constant 128 : i32
    %add3A_124 = arith.addi %mul3A_2, %add3A_123 : i32
    "tpu.region"() ({
      %run_scoped3A_195 = tpu.sem_alloc : memref<!tpu.dma_semaphore, #tpu.memory_space<semaphore_mem>>
      %dma_start3A_196 = arith.constant 0 : i32
      %dma_start3A_197 = tpu.memref_slice %arg21[%add3A_124, %dma_start3A_196] : memref<10240x128xf32, #tpu.memory_space<vmem_shared>> -> memref<64x128xf32, #tpu.memory_space<vmem_shared>>
      %dma_start3A_198 = arith.constant 0 : i32
      %dma_start3A_199 = tpu.memref_slice %arg21[%add3A_124, %dma_start3A_198] : memref<10240x128xf32, #tpu.memory_space<vmem_shared>> -> memref<64x128xf32, #tpu.memory_space<vmem_shared>>
      tpu.enqueue_dma source(%dma_start3A_199 : memref<64x128xf32, #tpu.memory_space<vmem_shared>>) target(%arg17 : memref<64x128xf32, #tpu.memory_space<vmem>>) target_semaphore(%run_scoped3A_195 : memref<!tpu.dma_semaphore, #tpu.memory_space<semaphore_mem>>)
      %dma_wait3A = arith.constant 0 : i32
      %dma_wait3A_200 = tpu.memref_slice %arg21[%add3A_124, %dma_wait3A] : memref<10240x128xf32, #tpu.memory_space<vmem_shared>> -> memref<64x128xf32, #tpu.memory_space<vmem_shared>>
      %dma_wait3A_201 = arith.constant 0 : i32
      %dma_wait3A_202 = tpu.memref_slice %arg21[%add3A_124, %dma_wait3A_201] : memref<10240x128xf32, #tpu.memory_space<vmem_shared>> -> memref<64x128xf32, #tpu.memory_space<vmem_shared>>
      tpu.wait_dma2 semaphore(%run_scoped3A_195 : memref<!tpu.dma_semaphore, #tpu.memory_space<semaphore_mem>>) src(%dma_wait3A_202 : memref<64x128xf32, #tpu.memory_space<vmem_shared>>) dst(%arg17 : memref<64x128xf32, #tpu.memory_space<vmem>>)
      tpu.yield
    }) : () -> ()
    %add3A_125 = arith.constant 128 : i32
    %add3A_126 = arith.addi %mul3A_2, %add3A_125 : i32
    "tpu.region"() ({
      %run_scoped3A_195 = tpu.sem_alloc : memref<!tpu.dma_semaphore, #tpu.memory_space<semaphore_mem>>
      %dma_start3A_196 = arith.constant 0 : i32
      %dma_start3A_197 = tpu.memref_slice %arg7[%arg0, %add3A_126, %dma_start3A_196] : memref<2x10240x128xf32, #tpu.memory_space<hbm>> -> memref<1x64x128xf32, #tpu.memory_space<hbm>>
      %dma_start3A_198 = tpu.memref_squeeze %dma_start3A_197 : memref<1x64x128xf32, #tpu.memory_space<hbm>> -> memref<64x128xf32, #tpu.memory_space<hbm>>
      %dma_start3A_199 = arith.constant 0 : i32
      %dma_start3A_200 = tpu.memref_slice %arg7[%arg0, %add3A_126, %dma_start3A_199] : memref<2x10240x128xf32, #tpu.memory_space<hbm>> -> memref<1x64x128xf32, #tpu.memory_space<hbm>>
      %dma_start3A_201 = tpu.memref_squeeze %dma_start3A_200 : memref<1x64x128xf32, #tpu.memory_space<hbm>> -> memref<64x128xf32, #tpu.memory_space<hbm>>
      tpu.enqueue_dma source(%arg17 : memref<64x128xf32, #tpu.memory_space<vmem>>) target(%dma_start3A_201 : memref<64x128xf32, #tpu.memory_space<hbm>>) target_semaphore(%run_scoped3A_195 : memref<!tpu.dma_semaphore, #tpu.memory_space<semaphore_mem>>)
      %dma_wait3A = arith.constant 0 : i32
      %dma_wait3A_202 = tpu.memref_slice %arg7[%arg0, %add3A_126, %dma_wait3A] : memref<2x10240x128xf32, #tpu.memory_space<hbm>> -> memref<1x64x128xf32, #tpu.memory_space<hbm>>
      %dma_wait3A_203 = tpu.memref_squeeze %dma_wait3A_202 : memref<1x64x128xf32, #tpu.memory_space<hbm>> -> memref<64x128xf32, #tpu.memory_space<hbm>>
      %dma_wait3A_204 = arith.constant 0 : i32
      %dma_wait3A_205 = tpu.memref_slice %arg7[%arg0, %add3A_126, %dma_wait3A_204] : memref<2x10240x128xf32, #tpu.memory_space<hbm>> -> memref<1x64x128xf32, #tpu.memory_space<hbm>>
      %dma_wait3A_206 = tpu.memref_squeeze %dma_wait3A_205 : memref<1x64x128xf32, #tpu.memory_space<hbm>> -> memref<64x128xf32, #tpu.memory_space<hbm>>
      tpu.wait_dma2 semaphore(%run_scoped3A_195 : memref<!tpu.dma_semaphore, #tpu.memory_space<semaphore_mem>>) src(%arg17 : memref<64x128xf32, #tpu.memory_space<vmem>>) dst(%dma_wait3A_206 : memref<64x128xf32, #tpu.memory_space<hbm>>)
      tpu.yield
    }) : () -> ()
    %add3A_127 = arith.constant 192 : i32
    %add3A_128 = arith.addi %mul3A_2, %add3A_127 : i32
    "tpu.region"() ({
      %run_scoped3A_195 = tpu.sem_alloc : memref<!tpu.dma_semaphore, #tpu.memory_space<semaphore_mem>>
      %dma_start3A_196 = arith.constant 0 : i32
      %dma_start3A_197 = tpu.memref_slice %arg21[%add3A_128, %dma_start3A_196] : memref<10240x128xf32, #tpu.memory_space<vmem_shared>> -> memref<64x128xf32, #tpu.memory_space<vmem_shared>>
      %dma_start3A_198 = arith.constant 0 : i32
      %dma_start3A_199 = tpu.memref_slice %arg21[%add3A_128, %dma_start3A_198] : memref<10240x128xf32, #tpu.memory_space<vmem_shared>> -> memref<64x128xf32, #tpu.memory_space<vmem_shared>>
      tpu.enqueue_dma source(%dma_start3A_199 : memref<64x128xf32, #tpu.memory_space<vmem_shared>>) target(%arg17 : memref<64x128xf32, #tpu.memory_space<vmem>>) target_semaphore(%run_scoped3A_195 : memref<!tpu.dma_semaphore, #tpu.memory_space<semaphore_mem>>)
      %dma_wait3A = arith.constant 0 : i32
      %dma_wait3A_200 = tpu.memref_slice %arg21[%add3A_128, %dma_wait3A] : memref<10240x128xf32, #tpu.memory_space<vmem_shared>> -> memref<64x128xf32, #tpu.memory_space<vmem_shared>>
      %dma_wait3A_201 = arith.constant 0 : i32
      %dma_wait3A_202 = tpu.memref_slice %arg21[%add3A_128, %dma_wait3A_201] : memref<10240x128xf32, #tpu.memory_space<vmem_shared>> -> memref<64x128xf32, #tpu.memory_space<vmem_shared>>
      tpu.wait_dma2 semaphore(%run_scoped3A_195 : memref<!tpu.dma_semaphore, #tpu.memory_space<semaphore_mem>>) src(%dma_wait3A_202 : memref<64x128xf32, #tpu.memory_space<vmem_shared>>) dst(%arg17 : memref<64x128xf32, #tpu.memory_space<vmem>>)
      tpu.yield
    }) : () -> ()
    %add3A_129 = arith.constant 192 : i32
    %add3A_130 = arith.addi %mul3A_2, %add3A_129 : i32
    "tpu.region"() ({
      %run_scoped3A_195 = tpu.sem_alloc : memref<!tpu.dma_semaphore, #tpu.memory_space<semaphore_mem>>
      %dma_start3A_196 = arith.constant 0 : i32
      %dma_start3A_197 = tpu.memref_slice %arg7[%arg0, %add3A_130, %dma_start3A_196] : memref<2x10240x128xf32, #tpu.memory_space<hbm>> -> memref<1x64x128xf32, #tpu.memory_space<hbm>>
      %dma_start3A_198 = tpu.memref_squeeze %dma_start3A_197 : memref<1x64x128xf32, #tpu.memory_space<hbm>> -> memref<64x128xf32, #tpu.memory_space<hbm>>
      %dma_start3A_199 = arith.constant 0 : i32
      %dma_start3A_200 = tpu.memref_slice %arg7[%arg0, %add3A_130, %dma_start3A_199] : memref<2x10240x128xf32, #tpu.memory_space<hbm>> -> memref<1x64x128xf32, #tpu.memory_space<hbm>>
      %dma_start3A_201 = tpu.memref_squeeze %dma_start3A_200 : memref<1x64x128xf32, #tpu.memory_space<hbm>> -> memref<64x128xf32, #tpu.memory_space<hbm>>
      tpu.enqueue_dma source(%arg17 : memref<64x128xf32, #tpu.memory_space<vmem>>) target(%dma_start3A_201 : memref<64x128xf32, #tpu.memory_space<hbm>>) target_semaphore(%run_scoped3A_195 : memref<!tpu.dma_semaphore, #tpu.memory_space<semaphore_mem>>)
      %dma_wait3A = arith.constant 0 : i32
      %dma_wait3A_202 = tpu.memref_slice %arg7[%arg0, %add3A_130, %dma_wait3A] : memref<2x10240x128xf32, #tpu.memory_space<hbm>> -> memref<1x64x128xf32, #tpu.memory_space<hbm>>
      %dma_wait3A_203 = tpu.memref_squeeze %dma_wait3A_202 : memref<1x64x128xf32, #tpu.memory_space<hbm>> -> memref<64x128xf32, #tpu.memory_space<hbm>>
      %dma_wait3A_204 = arith.constant 0 : i32
      %dma_wait3A_205 = tpu.memref_slice %arg7[%arg0, %add3A_130, %dma_wait3A_204] : memref<2x10240x128xf32, #tpu.memory_space<hbm>> -> memref<1x64x128xf32, #tpu.memory_space<hbm>>
      %dma_wait3A_206 = tpu.memref_squeeze %dma_wait3A_205 : memref<1x64x128xf32, #tpu.memory_space<hbm>> -> memref<64x128xf32, #tpu.memory_space<hbm>>
      tpu.wait_dma2 semaphore(%run_scoped3A_195 : memref<!tpu.dma_semaphore, #tpu.memory_space<semaphore_mem>>) src(%arg17 : memref<64x128xf32, #tpu.memory_space<vmem>>) dst(%dma_wait3A_206 : memref<64x128xf32, #tpu.memory_space<hbm>>)
      tpu.yield
    }) : () -> ()
    %add3A_131 = arith.constant 256 : i32
    %add3A_132 = arith.addi %mul3A_2, %add3A_131 : i32
    "tpu.region"() ({
      %run_scoped3A_195 = tpu.sem_alloc : memref<!tpu.dma_semaphore, #tpu.memory_space<semaphore_mem>>
      %dma_start3A_196 = arith.constant 0 : i32
      %dma_start3A_197 = tpu.memref_slice %arg21[%add3A_132, %dma_start3A_196] : memref<10240x128xf32, #tpu.memory_space<vmem_shared>> -> memref<64x128xf32, #tpu.memory_space<vmem_shared>>
      %dma_start3A_198 = arith.constant 0 : i32
      %dma_start3A_199 = tpu.memref_slice %arg21[%add3A_132, %dma_start3A_198] : memref<10240x128xf32, #tpu.memory_space<vmem_shared>> -> memref<64x128xf32, #tpu.memory_space<vmem_shared>>
      tpu.enqueue_dma source(%dma_start3A_199 : memref<64x128xf32, #tpu.memory_space<vmem_shared>>) target(%arg17 : memref<64x128xf32, #tpu.memory_space<vmem>>) target_semaphore(%run_scoped3A_195 : memref<!tpu.dma_semaphore, #tpu.memory_space<semaphore_mem>>)
      %dma_wait3A = arith.constant 0 : i32
      %dma_wait3A_200 = tpu.memref_slice %arg21[%add3A_132, %dma_wait3A] : memref<10240x128xf32, #tpu.memory_space<vmem_shared>> -> memref<64x128xf32, #tpu.memory_space<vmem_shared>>
      %dma_wait3A_201 = arith.constant 0 : i32
      %dma_wait3A_202 = tpu.memref_slice %arg21[%add3A_132, %dma_wait3A_201] : memref<10240x128xf32, #tpu.memory_space<vmem_shared>> -> memref<64x128xf32, #tpu.memory_space<vmem_shared>>
      tpu.wait_dma2 semaphore(%run_scoped3A_195 : memref<!tpu.dma_semaphore, #tpu.memory_space<semaphore_mem>>) src(%dma_wait3A_202 : memref<64x128xf32, #tpu.memory_space<vmem_shared>>) dst(%arg17 : memref<64x128xf32, #tpu.memory_space<vmem>>)
      tpu.yield
    }) : () -> ()
    %add3A_133 = arith.constant 256 : i32
    %add3A_134 = arith.addi %mul3A_2, %add3A_133 : i32
    "tpu.region"() ({
      %run_scoped3A_195 = tpu.sem_alloc : memref<!tpu.dma_semaphore, #tpu.memory_space<semaphore_mem>>
      %dma_start3A_196 = arith.constant 0 : i32
      %dma_start3A_197 = tpu.memref_slice %arg7[%arg0, %add3A_134, %dma_start3A_196] : memref<2x10240x128xf32, #tpu.memory_space<hbm>> -> memref<1x64x128xf32, #tpu.memory_space<hbm>>
      %dma_start3A_198 = tpu.memref_squeeze %dma_start3A_197 : memref<1x64x128xf32, #tpu.memory_space<hbm>> -> memref<64x128xf32, #tpu.memory_space<hbm>>
      %dma_start3A_199 = arith.constant 0 : i32
      %dma_start3A_200 = tpu.memref_slice %arg7[%arg0, %add3A_134, %dma_start3A_199] : memref<2x10240x128xf32, #tpu.memory_space<hbm>> -> memref<1x64x128xf32, #tpu.memory_space<hbm>>
      %dma_start3A_201 = tpu.memref_squeeze %dma_start3A_200 : memref<1x64x128xf32, #tpu.memory_space<hbm>> -> memref<64x128xf32, #tpu.memory_space<hbm>>
      tpu.enqueue_dma source(%arg17 : memref<64x128xf32, #tpu.memory_space<vmem>>) target(%dma_start3A_201 : memref<64x128xf32, #tpu.memory_space<hbm>>) target_semaphore(%run_scoped3A_195 : memref<!tpu.dma_semaphore, #tpu.memory_space<semaphore_mem>>)
      %dma_wait3A = arith.constant 0 : i32
      %dma_wait3A_202 = tpu.memref_slice %arg7[%arg0, %add3A_134, %dma_wait3A] : memref<2x10240x128xf32, #tpu.memory_space<hbm>> -> memref<1x64x128xf32, #tpu.memory_space<hbm>>
      %dma_wait3A_203 = tpu.memref_squeeze %dma_wait3A_202 : memref<1x64x128xf32, #tpu.memory_space<hbm>> -> memref<64x128xf32, #tpu.memory_space<hbm>>
      %dma_wait3A_204 = arith.constant 0 : i32
      %dma_wait3A_205 = tpu.memref_slice %arg7[%arg0, %add3A_134, %dma_wait3A_204] : memref<2x10240x128xf32, #tpu.memory_space<hbm>> -> memref<1x64x128xf32, #tpu.memory_space<hbm>>
      %dma_wait3A_206 = tpu.memref_squeeze %dma_wait3A_205 : memref<1x64x128xf32, #tpu.memory_space<hbm>> -> memref<64x128xf32, #tpu.memory_space<hbm>>
      tpu.wait_dma2 semaphore(%run_scoped3A_195 : memref<!tpu.dma_semaphore, #tpu.memory_space<semaphore_mem>>) src(%arg17 : memref<64x128xf32, #tpu.memory_space<vmem>>) dst(%dma_wait3A_206 : memref<64x128xf32, #tpu.memory_space<hbm>>)
      tpu.yield
    }) : () -> ()
    %add3A_135 = arith.constant 320 : i32
    %add3A_136 = arith.addi %mul3A_2, %add3A_135 : i32
    "tpu.region"() ({
      %run_scoped3A_195 = tpu.sem_alloc : memref<!tpu.dma_semaphore, #tpu.memory_space<semaphore_mem>>
      %dma_start3A_196 = arith.constant 0 : i32
      %dma_start3A_197 = tpu.memref_slice %arg21[%add3A_136, %dma_start3A_196] : memref<10240x128xf32, #tpu.memory_space<vmem_shared>> -> memref<64x128xf32, #tpu.memory_space<vmem_shared>>
      %dma_start3A_198 = arith.constant 0 : i32
      %dma_start3A_199 = tpu.memref_slice %arg21[%add3A_136, %dma_start3A_198] : memref<10240x128xf32, #tpu.memory_space<vmem_shared>> -> memref<64x128xf32, #tpu.memory_space<vmem_shared>>
      tpu.enqueue_dma source(%dma_start3A_199 : memref<64x128xf32, #tpu.memory_space<vmem_shared>>) target(%arg17 : memref<64x128xf32, #tpu.memory_space<vmem>>) target_semaphore(%run_scoped3A_195 : memref<!tpu.dma_semaphore, #tpu.memory_space<semaphore_mem>>)
      %dma_wait3A = arith.constant 0 : i32
      %dma_wait3A_200 = tpu.memref_slice %arg21[%add3A_136, %dma_wait3A] : memref<10240x128xf32, #tpu.memory_space<vmem_shared>> -> memref<64x128xf32, #tpu.memory_space<vmem_shared>>
      %dma_wait3A_201 = arith.constant 0 : i32
      %dma_wait3A_202 = tpu.memref_slice %arg21[%add3A_136, %dma_wait3A_201] : memref<10240x128xf32, #tpu.memory_space<vmem_shared>> -> memref<64x128xf32, #tpu.memory_space<vmem_shared>>
      tpu.wait_dma2 semaphore(%run_scoped3A_195 : memref<!tpu.dma_semaphore, #tpu.memory_space<semaphore_mem>>) src(%dma_wait3A_202 : memref<64x128xf32, #tpu.memory_space<vmem_shared>>) dst(%arg17 : memref<64x128xf32, #tpu.memory_space<vmem>>)
      tpu.yield
    }) : () -> ()
    %add3A_137 = arith.constant 320 : i32
    %add3A_138 = arith.addi %mul3A_2, %add3A_137 : i32
    "tpu.region"() ({
      %run_scoped3A_195 = tpu.sem_alloc : memref<!tpu.dma_semaphore, #tpu.memory_space<semaphore_mem>>
      %dma_start3A_196 = arith.constant 0 : i32
      %dma_start3A_197 = tpu.memref_slice %arg7[%arg0, %add3A_138, %dma_start3A_196] : memref<2x10240x128xf32, #tpu.memory_space<hbm>> -> memref<1x64x128xf32, #tpu.memory_space<hbm>>
      %dma_start3A_198 = tpu.memref_squeeze %dma_start3A_197 : memref<1x64x128xf32, #tpu.memory_space<hbm>> -> memref<64x128xf32, #tpu.memory_space<hbm>>
      %dma_start3A_199 = arith.constant 0 : i32
      %dma_start3A_200 = tpu.memref_slice %arg7[%arg0, %add3A_138, %dma_start3A_199] : memref<2x10240x128xf32, #tpu.memory_space<hbm>> -> memref<1x64x128xf32, #tpu.memory_space<hbm>>
      %dma_start3A_201 = tpu.memref_squeeze %dma_start3A_200 : memref<1x64x128xf32, #tpu.memory_space<hbm>> -> memref<64x128xf32, #tpu.memory_space<hbm>>
      tpu.enqueue_dma source(%arg17 : memref<64x128xf32, #tpu.memory_space<vmem>>) target(%dma_start3A_201 : memref<64x128xf32, #tpu.memory_space<hbm>>) target_semaphore(%run_scoped3A_195 : memref<!tpu.dma_semaphore, #tpu.memory_space<semaphore_mem>>)
      %dma_wait3A = arith.constant 0 : i32
      %dma_wait3A_202 = tpu.memref_slice %arg7[%arg0, %add3A_138, %dma_wait3A] : memref<2x10240x128xf32, #tpu.memory_space<hbm>> -> memref<1x64x128xf32, #tpu.memory_space<hbm>>
      %dma_wait3A_203 = tpu.memref_squeeze %dma_wait3A_202 : memref<1x64x128xf32, #tpu.memory_space<hbm>> -> memref<64x128xf32, #tpu.memory_space<hbm>>
      %dma_wait3A_204 = arith.constant 0 : i32
      %dma_wait3A_205 = tpu.memref_slice %arg7[%arg0, %add3A_138, %dma_wait3A_204] : memref<2x10240x128xf32, #tpu.memory_space<hbm>> -> memref<1x64x128xf32, #tpu.memory_space<hbm>>
      %dma_wait3A_206 = tpu.memref_squeeze %dma_wait3A_205 : memref<1x64x128xf32, #tpu.memory_space<hbm>> -> memref<64x128xf32, #tpu.memory_space<hbm>>
      tpu.wait_dma2 semaphore(%run_scoped3A_195 : memref<!tpu.dma_semaphore, #tpu.memory_space<semaphore_mem>>) src(%arg17 : memref<64x128xf32, #tpu.memory_space<vmem>>) dst(%dma_wait3A_206 : memref<64x128xf32, #tpu.memory_space<hbm>>)
      tpu.yield
    }) : () -> ()
    %add3A_139 = arith.constant 384 : i32
    %add3A_140 = arith.addi %mul3A_2, %add3A_139 : i32
    "tpu.region"() ({
      %run_scoped3A_195 = tpu.sem_alloc : memref<!tpu.dma_semaphore, #tpu.memory_space<semaphore_mem>>
      %dma_start3A_196 = arith.constant 0 : i32
      %dma_start3A_197 = tpu.memref_slice %arg21[%add3A_140, %dma_start3A_196] : memref<10240x128xf32, #tpu.memory_space<vmem_shared>> -> memref<64x128xf32, #tpu.memory_space<vmem_shared>>
      %dma_start3A_198 = arith.constant 0 : i32
      %dma_start3A_199 = tpu.memref_slice %arg21[%add3A_140, %dma_start3A_198] : memref<10240x128xf32, #tpu.memory_space<vmem_shared>> -> memref<64x128xf32, #tpu.memory_space<vmem_shared>>
      tpu.enqueue_dma source(%dma_start3A_199 : memref<64x128xf32, #tpu.memory_space<vmem_shared>>) target(%arg17 : memref<64x128xf32, #tpu.memory_space<vmem>>) target_semaphore(%run_scoped3A_195 : memref<!tpu.dma_semaphore, #tpu.memory_space<semaphore_mem>>)
      %dma_wait3A = arith.constant 0 : i32
      %dma_wait3A_200 = tpu.memref_slice %arg21[%add3A_140, %dma_wait3A] : memref<10240x128xf32, #tpu.memory_space<vmem_shared>> -> memref<64x128xf32, #tpu.memory_space<vmem_shared>>
      %dma_wait3A_201 = arith.constant 0 : i32
      %dma_wait3A_202 = tpu.memref_slice %arg21[%add3A_140, %dma_wait3A_201] : memref<10240x128xf32, #tpu.memory_space<vmem_shared>> -> memref<64x128xf32, #tpu.memory_space<vmem_shared>>
      tpu.wait_dma2 semaphore(%run_scoped3A_195 : memref<!tpu.dma_semaphore, #tpu.memory_space<semaphore_mem>>) src(%dma_wait3A_202 : memref<64x128xf32, #tpu.memory_space<vmem_shared>>) dst(%arg17 : memref<64x128xf32, #tpu.memory_space<vmem>>)
      tpu.yield
    }) : () -> ()
    %add3A_141 = arith.constant 384 : i32
    %add3A_142 = arith.addi %mul3A_2, %add3A_141 : i32
    "tpu.region"() ({
      %run_scoped3A_195 = tpu.sem_alloc : memref<!tpu.dma_semaphore, #tpu.memory_space<semaphore_mem>>
      %dma_start3A_196 = arith.constant 0 : i32
      %dma_start3A_197 = tpu.memref_slice %arg7[%arg0, %add3A_142, %dma_start3A_196] : memref<2x10240x128xf32, #tpu.memory_space<hbm>> -> memref<1x64x128xf32, #tpu.memory_space<hbm>>
      %dma_start3A_198 = tpu.memref_squeeze %dma_start3A_197 : memref<1x64x128xf32, #tpu.memory_space<hbm>> -> memref<64x128xf32, #tpu.memory_space<hbm>>
      %dma_start3A_199 = arith.constant 0 : i32
      %dma_start3A_200 = tpu.memref_slice %arg7[%arg0, %add3A_142, %dma_start3A_199] : memref<2x10240x128xf32, #tpu.memory_space<hbm>> -> memref<1x64x128xf32, #tpu.memory_space<hbm>>
      %dma_start3A_201 = tpu.memref_squeeze %dma_start3A_200 : memref<1x64x128xf32, #tpu.memory_space<hbm>> -> memref<64x128xf32, #tpu.memory_space<hbm>>
      tpu.enqueue_dma source(%arg17 : memref<64x128xf32, #tpu.memory_space<vmem>>) target(%dma_start3A_201 : memref<64x128xf32, #tpu.memory_space<hbm>>) target_semaphore(%run_scoped3A_195 : memref<!tpu.dma_semaphore, #tpu.memory_space<semaphore_mem>>)
      %dma_wait3A = arith.constant 0 : i32
      %dma_wait3A_202 = tpu.memref_slice %arg7[%arg0, %add3A_142, %dma_wait3A] : memref<2x10240x128xf32, #tpu.memory_space<hbm>> -> memref<1x64x128xf32, #tpu.memory_space<hbm>>
      %dma_wait3A_203 = tpu.memref_squeeze %dma_wait3A_202 : memref<1x64x128xf32, #tpu.memory_space<hbm>> -> memref<64x128xf32, #tpu.memory_space<hbm>>
      %dma_wait3A_204 = arith.constant 0 : i32
      %dma_wait3A_205 = tpu.memref_slice %arg7[%arg0, %add3A_142, %dma_wait3A_204] : memref<2x10240x128xf32, #tpu.memory_space<hbm>> -> memref<1x64x128xf32, #tpu.memory_space<hbm>>
      %dma_wait3A_206 = tpu.memref_squeeze %dma_wait3A_205 : memref<1x64x128xf32, #tpu.memory_space<hbm>> -> memref<64x128xf32, #tpu.memory_space<hbm>>
      tpu.wait_dma2 semaphore(%run_scoped3A_195 : memref<!tpu.dma_semaphore, #tpu.memory_space<semaphore_mem>>) src(%arg17 : memref<64x128xf32, #tpu.memory_space<vmem>>) dst(%dma_wait3A_206 : memref<64x128xf32, #tpu.memory_space<hbm>>)
      tpu.yield
    }) : () -> ()
    %add3A_143 = arith.constant 448 : i32
    %add3A_144 = arith.addi %mul3A_2, %add3A_143 : i32
    "tpu.region"() ({
      %run_scoped3A_195 = tpu.sem_alloc : memref<!tpu.dma_semaphore, #tpu.memory_space<semaphore_mem>>
      %dma_start3A_196 = arith.constant 0 : i32
      %dma_start3A_197 = tpu.memref_slice %arg21[%add3A_144, %dma_start3A_196] : memref<10240x128xf32, #tpu.memory_space<vmem_shared>> -> memref<64x128xf32, #tpu.memory_space<vmem_shared>>
      %dma_start3A_198 = arith.constant 0 : i32
      %dma_start3A_199 = tpu.memref_slice %arg21[%add3A_144, %dma_start3A_198] : memref<10240x128xf32, #tpu.memory_space<vmem_shared>> -> memref<64x128xf32, #tpu.memory_space<vmem_shared>>
      tpu.enqueue_dma source(%dma_start3A_199 : memref<64x128xf32, #tpu.memory_space<vmem_shared>>) target(%arg17 : memref<64x128xf32, #tpu.memory_space<vmem>>) target_semaphore(%run_scoped3A_195 : memref<!tpu.dma_semaphore, #tpu.memory_space<semaphore_mem>>)
      %dma_wait3A = arith.constant 0 : i32
      %dma_wait3A_200 = tpu.memref_slice %arg21[%add3A_144, %dma_wait3A] : memref<10240x128xf32, #tpu.memory_space<vmem_shared>> -> memref<64x128xf32, #tpu.memory_space<vmem_shared>>
      %dma_wait3A_201 = arith.constant 0 : i32
      %dma_wait3A_202 = tpu.memref_slice %arg21[%add3A_144, %dma_wait3A_201] : memref<10240x128xf32, #tpu.memory_space<vmem_shared>> -> memref<64x128xf32, #tpu.memory_space<vmem_shared>>
      tpu.wait_dma2 semaphore(%run_scoped3A_195 : memref<!tpu.dma_semaphore, #tpu.memory_space<semaphore_mem>>) src(%dma_wait3A_202 : memref<64x128xf32, #tpu.memory_space<vmem_shared>>) dst(%arg17 : memref<64x128xf32, #tpu.memory_space<vmem>>)
      tpu.yield
    }) : () -> ()
    %add3A_145 = arith.constant 448 : i32
    %add3A_146 = arith.addi %mul3A_2, %add3A_145 : i32
    "tpu.region"() ({
      %run_scoped3A_195 = tpu.sem_alloc : memref<!tpu.dma_semaphore, #tpu.memory_space<semaphore_mem>>
      %dma_start3A_196 = arith.constant 0 : i32
      %dma_start3A_197 = tpu.memref_slice %arg7[%arg0, %add3A_146, %dma_start3A_196] : memref<2x10240x128xf32, #tpu.memory_space<hbm>> -> memref<1x64x128xf32, #tpu.memory_space<hbm>>
      %dma_start3A_198 = tpu.memref_squeeze %dma_start3A_197 : memref<1x64x128xf32, #tpu.memory_space<hbm>> -> memref<64x128xf32, #tpu.memory_space<hbm>>
      %dma_start3A_199 = arith.constant 0 : i32
      %dma_start3A_200 = tpu.memref_slice %arg7[%arg0, %add3A_146, %dma_start3A_199] : memref<2x10240x128xf32, #tpu.memory_space<hbm>> -> memref<1x64x128xf32, #tpu.memory_space<hbm>>
      %dma_start3A_201 = tpu.memref_squeeze %dma_start3A_200 : memref<1x64x128xf32, #tpu.memory_space<hbm>> -> memref<64x128xf32, #tpu.memory_space<hbm>>
      tpu.enqueue_dma source(%arg17 : memref<64x128xf32, #tpu.memory_space<vmem>>) target(%dma_start3A_201 : memref<64x128xf32, #tpu.memory_space<hbm>>) target_semaphore(%run_scoped3A_195 : memref<!tpu.dma_semaphore, #tpu.memory_space<semaphore_mem>>)
      %dma_wait3A = arith.constant 0 : i32
      %dma_wait3A_202 = tpu.memref_slice %arg7[%arg0, %add3A_146, %dma_wait3A] : memref<2x10240x128xf32, #tpu.memory_space<hbm>> -> memref<1x64x128xf32, #tpu.memory_space<hbm>>
      %dma_wait3A_203 = tpu.memref_squeeze %dma_wait3A_202 : memref<1x64x128xf32, #tpu.memory_space<hbm>> -> memref<64x128xf32, #tpu.memory_space<hbm>>
      %dma_wait3A_204 = arith.constant 0 : i32
      %dma_wait3A_205 = tpu.memref_slice %arg7[%arg0, %add3A_146, %dma_wait3A_204] : memref<2x10240x128xf32, #tpu.memory_space<hbm>> -> memref<1x64x128xf32, #tpu.memory_space<hbm>>
      %dma_wait3A_206 = tpu.memref_squeeze %dma_wait3A_205 : memref<1x64x128xf32, #tpu.memory_space<hbm>> -> memref<64x128xf32, #tpu.memory_space<hbm>>
      tpu.wait_dma2 semaphore(%run_scoped3A_195 : memref<!tpu.dma_semaphore, #tpu.memory_space<semaphore_mem>>) src(%arg17 : memref<64x128xf32, #tpu.memory_space<vmem>>) dst(%dma_wait3A_206 : memref<64x128xf32, #tpu.memory_space<hbm>>)
      tpu.yield
    }) : () -> ()
    %add3A_147 = arith.constant 512 : i32
    %add3A_148 = arith.addi %mul3A_2, %add3A_147 : i32
    "tpu.region"() ({
      %run_scoped3A_195 = tpu.sem_alloc : memref<!tpu.dma_semaphore, #tpu.memory_space<semaphore_mem>>
      %dma_start3A_196 = arith.constant 0 : i32
      %dma_start3A_197 = tpu.memref_slice %arg21[%add3A_148, %dma_start3A_196] : memref<10240x128xf32, #tpu.memory_space<vmem_shared>> -> memref<64x128xf32, #tpu.memory_space<vmem_shared>>
      %dma_start3A_198 = arith.constant 0 : i32
      %dma_start3A_199 = tpu.memref_slice %arg21[%add3A_148, %dma_start3A_198] : memref<10240x128xf32, #tpu.memory_space<vmem_shared>> -> memref<64x128xf32, #tpu.memory_space<vmem_shared>>
      tpu.enqueue_dma source(%dma_start3A_199 : memref<64x128xf32, #tpu.memory_space<vmem_shared>>) target(%arg17 : memref<64x128xf32, #tpu.memory_space<vmem>>) target_semaphore(%run_scoped3A_195 : memref<!tpu.dma_semaphore, #tpu.memory_space<semaphore_mem>>)
      %dma_wait3A = arith.constant 0 : i32
      %dma_wait3A_200 = tpu.memref_slice %arg21[%add3A_148, %dma_wait3A] : memref<10240x128xf32, #tpu.memory_space<vmem_shared>> -> memref<64x128xf32, #tpu.memory_space<vmem_shared>>
      %dma_wait3A_201 = arith.constant 0 : i32
      %dma_wait3A_202 = tpu.memref_slice %arg21[%add3A_148, %dma_wait3A_201] : memref<10240x128xf32, #tpu.memory_space<vmem_shared>> -> memref<64x128xf32, #tpu.memory_space<vmem_shared>>
      tpu.wait_dma2 semaphore(%run_scoped3A_195 : memref<!tpu.dma_semaphore, #tpu.memory_space<semaphore_mem>>) src(%dma_wait3A_202 : memref<64x128xf32, #tpu.memory_space<vmem_shared>>) dst(%arg17 : memref<64x128xf32, #tpu.memory_space<vmem>>)
      tpu.yield
    }) : () -> ()
    %add3A_149 = arith.constant 512 : i32
    %add3A_150 = arith.addi %mul3A_2, %add3A_149 : i32
    "tpu.region"() ({
      %run_scoped3A_195 = tpu.sem_alloc : memref<!tpu.dma_semaphore, #tpu.memory_space<semaphore_mem>>
      %dma_start3A_196 = arith.constant 0 : i32
      %dma_start3A_197 = tpu.memref_slice %arg7[%arg0, %add3A_150, %dma_start3A_196] : memref<2x10240x128xf32, #tpu.memory_space<hbm>> -> memref<1x64x128xf32, #tpu.memory_space<hbm>>
      %dma_start3A_198 = tpu.memref_squeeze %dma_start3A_197 : memref<1x64x128xf32, #tpu.memory_space<hbm>> -> memref<64x128xf32, #tpu.memory_space<hbm>>
      %dma_start3A_199 = arith.constant 0 : i32
      %dma_start3A_200 = tpu.memref_slice %arg7[%arg0, %add3A_150, %dma_start3A_199] : memref<2x10240x128xf32, #tpu.memory_space<hbm>> -> memref<1x64x128xf32, #tpu.memory_space<hbm>>
      %dma_start3A_201 = tpu.memref_squeeze %dma_start3A_200 : memref<1x64x128xf32, #tpu.memory_space<hbm>> -> memref<64x128xf32, #tpu.memory_space<hbm>>
      tpu.enqueue_dma source(%arg17 : memref<64x128xf32, #tpu.memory_space<vmem>>) target(%dma_start3A_201 : memref<64x128xf32, #tpu.memory_space<hbm>>) target_semaphore(%run_scoped3A_195 : memref<!tpu.dma_semaphore, #tpu.memory_space<semaphore_mem>>)
      %dma_wait3A = arith.constant 0 : i32
      %dma_wait3A_202 = tpu.memref_slice %arg7[%arg0, %add3A_150, %dma_wait3A] : memref<2x10240x128xf32, #tpu.memory_space<hbm>> -> memref<1x64x128xf32, #tpu.memory_space<hbm>>
      %dma_wait3A_203 = tpu.memref_squeeze %dma_wait3A_202 : memref<1x64x128xf32, #tpu.memory_space<hbm>> -> memref<64x128xf32, #tpu.memory_space<hbm>>
      %dma_wait3A_204 = arith.constant 0 : i32
      %dma_wait3A_205 = tpu.memref_slice %arg7[%arg0, %add3A_150, %dma_wait3A_204] : memref<2x10240x128xf32, #tpu.memory_space<hbm>> -> memref<1x64x128xf32, #tpu.memory_space<hbm>>
      %dma_wait3A_206 = tpu.memref_squeeze %dma_wait3A_205 : memref<1x64x128xf32, #tpu.memory_space<hbm>> -> memref<64x128xf32, #tpu.memory_space<hbm>>
      tpu.wait_dma2 semaphore(%run_scoped3A_195 : memref<!tpu.dma_semaphore, #tpu.memory_space<semaphore_mem>>) src(%arg17 : memref<64x128xf32, #tpu.memory_space<vmem>>) dst(%dma_wait3A_206 : memref<64x128xf32, #tpu.memory_space<hbm>>)
      tpu.yield
    }) : () -> ()
    %add3A_151 = arith.constant 576 : i32
    %add3A_152 = arith.addi %mul3A_2, %add3A_151 : i32
    "tpu.region"() ({
      %run_scoped3A_195 = tpu.sem_alloc : memref<!tpu.dma_semaphore, #tpu.memory_space<semaphore_mem>>
      %dma_start3A_196 = arith.constant 0 : i32
      %dma_start3A_197 = tpu.memref_slice %arg21[%add3A_152, %dma_start3A_196] : memref<10240x128xf32, #tpu.memory_space<vmem_shared>> -> memref<64x128xf32, #tpu.memory_space<vmem_shared>>
      %dma_start3A_198 = arith.constant 0 : i32
      %dma_start3A_199 = tpu.memref_slice %arg21[%add3A_152, %dma_start3A_198] : memref<10240x128xf32, #tpu.memory_space<vmem_shared>> -> memref<64x128xf32, #tpu.memory_space<vmem_shared>>
      tpu.enqueue_dma source(%dma_start3A_199 : memref<64x128xf32, #tpu.memory_space<vmem_shared>>) target(%arg17 : memref<64x128xf32, #tpu.memory_space<vmem>>) target_semaphore(%run_scoped3A_195 : memref<!tpu.dma_semaphore, #tpu.memory_space<semaphore_mem>>)
      %dma_wait3A = arith.constant 0 : i32
      %dma_wait3A_200 = tpu.memref_slice %arg21[%add3A_152, %dma_wait3A] : memref<10240x128xf32, #tpu.memory_space<vmem_shared>> -> memref<64x128xf32, #tpu.memory_space<vmem_shared>>
      %dma_wait3A_201 = arith.constant 0 : i32
      %dma_wait3A_202 = tpu.memref_slice %arg21[%add3A_152, %dma_wait3A_201] : memref<10240x128xf32, #tpu.memory_space<vmem_shared>> -> memref<64x128xf32, #tpu.memory_space<vmem_shared>>
      tpu.wait_dma2 semaphore(%run_scoped3A_195 : memref<!tpu.dma_semaphore, #tpu.memory_space<semaphore_mem>>) src(%dma_wait3A_202 : memref<64x128xf32, #tpu.memory_space<vmem_shared>>) dst(%arg17 : memref<64x128xf32, #tpu.memory_space<vmem>>)
      tpu.yield
    }) : () -> ()
    %add3A_153 = arith.constant 576 : i32
    %add3A_154 = arith.addi %mul3A_2, %add3A_153 : i32
    "tpu.region"() ({
      %run_scoped3A_195 = tpu.sem_alloc : memref<!tpu.dma_semaphore, #tpu.memory_space<semaphore_mem>>
      %dma_start3A_196 = arith.constant 0 : i32
      %dma_start3A_197 = tpu.memref_slice %arg7[%arg0, %add3A_154, %dma_start3A_196] : memref<2x10240x128xf32, #tpu.memory_space<hbm>> -> memref<1x64x128xf32, #tpu.memory_space<hbm>>
      %dma_start3A_198 = tpu.memref_squeeze %dma_start3A_197 : memref<1x64x128xf32, #tpu.memory_space<hbm>> -> memref<64x128xf32, #tpu.memory_space<hbm>>
      %dma_start3A_199 = arith.constant 0 : i32
      %dma_start3A_200 = tpu.memref_slice %arg7[%arg0, %add3A_154, %dma_start3A_199] : memref<2x10240x128xf32, #tpu.memory_space<hbm>> -> memref<1x64x128xf32, #tpu.memory_space<hbm>>
      %dma_start3A_201 = tpu.memref_squeeze %dma_start3A_200 : memref<1x64x128xf32, #tpu.memory_space<hbm>> -> memref<64x128xf32, #tpu.memory_space<hbm>>
      tpu.enqueue_dma source(%arg17 : memref<64x128xf32, #tpu.memory_space<vmem>>) target(%dma_start3A_201 : memref<64x128xf32, #tpu.memory_space<hbm>>) target_semaphore(%run_scoped3A_195 : memref<!tpu.dma_semaphore, #tpu.memory_space<semaphore_mem>>)
      %dma_wait3A = arith.constant 0 : i32
      %dma_wait3A_202 = tpu.memref_slice %arg7[%arg0, %add3A_154, %dma_wait3A] : memref<2x10240x128xf32, #tpu.memory_space<hbm>> -> memref<1x64x128xf32, #tpu.memory_space<hbm>>
      %dma_wait3A_203 = tpu.memref_squeeze %dma_wait3A_202 : memref<1x64x128xf32, #tpu.memory_space<hbm>> -> memref<64x128xf32, #tpu.memory_space<hbm>>
      %dma_wait3A_204 = arith.constant 0 : i32
      %dma_wait3A_205 = tpu.memref_slice %arg7[%arg0, %add3A_154, %dma_wait3A_204] : memref<2x10240x128xf32, #tpu.memory_space<hbm>> -> memref<1x64x128xf32, #tpu.memory_space<hbm>>
      %dma_wait3A_206 = tpu.memref_squeeze %dma_wait3A_205 : memref<1x64x128xf32, #tpu.memory_space<hbm>> -> memref<64x128xf32, #tpu.memory_space<hbm>>
      tpu.wait_dma2 semaphore(%run_scoped3A_195 : memref<!tpu.dma_semaphore, #tpu.memory_space<semaphore_mem>>) src(%arg17 : memref<64x128xf32, #tpu.memory_space<vmem>>) dst(%dma_wait3A_206 : memref<64x128xf32, #tpu.memory_space<hbm>>)
      tpu.yield
    }) : () -> ()
    %add3A_155 = arith.constant 0 : i32
    %add3A_156 = arith.addi %mul3A_2, %add3A_155 : i32
    "tpu.region"() ({
      %run_scoped3A_195 = tpu.sem_alloc : memref<!tpu.dma_semaphore, #tpu.memory_space<semaphore_mem>>
      %dma_start3A_196 = arith.constant 0 : i32
      %dma_start3A_197 = tpu.memref_slice %arg35[%add3A_156, %dma_start3A_196] : memref<10240x16xf32, #tpu.memory_space<vmem_shared>> -> memref<64x16xf32, #tpu.memory_space<vmem_shared>>
      %dma_start3A_198 = arith.constant 0 : i32
      %dma_start3A_199 = tpu.memref_slice %arg35[%add3A_156, %dma_start3A_198] : memref<10240x16xf32, #tpu.memory_space<vmem_shared>> -> memref<64x16xf32, #tpu.memory_space<vmem_shared>>
      tpu.enqueue_dma source(%dma_start3A_199 : memref<64x16xf32, #tpu.memory_space<vmem_shared>>) target(%arg34 : memref<64x16xf32, #tpu.memory_space<vmem>>) target_semaphore(%run_scoped3A_195 : memref<!tpu.dma_semaphore, #tpu.memory_space<semaphore_mem>>)
      %dma_wait3A = arith.constant 0 : i32
      %dma_wait3A_200 = tpu.memref_slice %arg35[%add3A_156, %dma_wait3A] : memref<10240x16xf32, #tpu.memory_space<vmem_shared>> -> memref<64x16xf32, #tpu.memory_space<vmem_shared>>
      %dma_wait3A_201 = arith.constant 0 : i32
      %dma_wait3A_202 = tpu.memref_slice %arg35[%add3A_156, %dma_wait3A_201] : memref<10240x16xf32, #tpu.memory_space<vmem_shared>> -> memref<64x16xf32, #tpu.memory_space<vmem_shared>>
      tpu.wait_dma2 semaphore(%run_scoped3A_195 : memref<!tpu.dma_semaphore, #tpu.memory_space<semaphore_mem>>) src(%dma_wait3A_202 : memref<64x16xf32, #tpu.memory_space<vmem_shared>>) dst(%arg34 : memref<64x16xf32, #tpu.memory_space<vmem>>)
      tpu.yield
    }) : () -> ()
    %add3A_157 = arith.constant 0 : i32
    %add3A_158 = arith.addi %mul3A_2, %add3A_157 : i32
    "tpu.region"() ({
      %run_scoped3A_195 = tpu.sem_alloc : memref<!tpu.dma_semaphore, #tpu.memory_space<semaphore_mem>>
      %dma_start3A_196 = arith.constant 0 : i32
      %dma_start3A_197 = tpu.memref_slice %arg8[%arg0, %add3A_158, %dma_start3A_196] : memref<2x10240x16xf32, #tpu.memory_space<hbm>> -> memref<1x64x16xf32, #tpu.memory_space<hbm>>
      %dma_start3A_198 = tpu.memref_squeeze %dma_start3A_197 : memref<1x64x16xf32, #tpu.memory_space<hbm>> -> memref<64x16xf32, #tpu.memory_space<hbm>>
      %dma_start3A_199 = arith.constant 0 : i32
      %dma_start3A_200 = tpu.memref_slice %arg8[%arg0, %add3A_158, %dma_start3A_199] : memref<2x10240x16xf32, #tpu.memory_space<hbm>> -> memref<1x64x16xf32, #tpu.memory_space<hbm>>
      %dma_start3A_201 = tpu.memref_squeeze %dma_start3A_200 : memref<1x64x16xf32, #tpu.memory_space<hbm>> -> memref<64x16xf32, #tpu.memory_space<hbm>>
      tpu.enqueue_dma source(%arg34 : memref<64x16xf32, #tpu.memory_space<vmem>>) target(%dma_start3A_201 : memref<64x16xf32, #tpu.memory_space<hbm>>) target_semaphore(%run_scoped3A_195 : memref<!tpu.dma_semaphore, #tpu.memory_space<semaphore_mem>>)
      %dma_wait3A = arith.constant 0 : i32
      %dma_wait3A_202 = tpu.memref_slice %arg8[%arg0, %add3A_158, %dma_wait3A] : memref<2x10240x16xf32, #tpu.memory_space<hbm>> -> memref<1x64x16xf32, #tpu.memory_space<hbm>>
      %dma_wait3A_203 = tpu.memref_squeeze %dma_wait3A_202 : memref<1x64x16xf32, #tpu.memory_space<hbm>> -> memref<64x16xf32, #tpu.memory_space<hbm>>
      %dma_wait3A_204 = arith.constant 0 : i32
      %dma_wait3A_205 = tpu.memref_slice %arg8[%arg0, %add3A_158, %dma_wait3A_204] : memref<2x10240x16xf32, #tpu.memory_space<hbm>> -> memref<1x64x16xf32, #tpu.memory_space<hbm>>
      %dma_wait3A_206 = tpu.memref_squeeze %dma_wait3A_205 : memref<1x64x16xf32, #tpu.memory_space<hbm>> -> memref<64x16xf32, #tpu.memory_space<hbm>>
      tpu.wait_dma2 semaphore(%run_scoped3A_195 : memref<!tpu.dma_semaphore, #tpu.memory_space<semaphore_mem>>) src(%arg34 : memref<64x16xf32, #tpu.memory_space<vmem>>) dst(%dma_wait3A_206 : memref<64x16xf32, #tpu.memory_space<hbm>>)
      tpu.yield
    }) : () -> ()
    %add3A_159 = arith.constant 64 : i32
    %add3A_160 = arith.addi %mul3A_2, %add3A_159 : i32
    "tpu.region"() ({
      %run_scoped3A_195 = tpu.sem_alloc : memref<!tpu.dma_semaphore, #tpu.memory_space<semaphore_mem>>
      %dma_start3A_196 = arith.constant 0 : i32
      %dma_start3A_197 = tpu.memref_slice %arg35[%add3A_160, %dma_start3A_196] : memref<10240x16xf32, #tpu.memory_space<vmem_shared>> -> memref<64x16xf32, #tpu.memory_space<vmem_shared>>
      %dma_start3A_198 = arith.constant 0 : i32
      %dma_start3A_199 = tpu.memref_slice %arg35[%add3A_160, %dma_start3A_198] : memref<10240x16xf32, #tpu.memory_space<vmem_shared>> -> memref<64x16xf32, #tpu.memory_space<vmem_shared>>
      tpu.enqueue_dma source(%dma_start3A_199 : memref<64x16xf32, #tpu.memory_space<vmem_shared>>) target(%arg34 : memref<64x16xf32, #tpu.memory_space<vmem>>) target_semaphore(%run_scoped3A_195 : memref<!tpu.dma_semaphore, #tpu.memory_space<semaphore_mem>>)
      %dma_wait3A = arith.constant 0 : i32
      %dma_wait3A_200 = tpu.memref_slice %arg35[%add3A_160, %dma_wait3A] : memref<10240x16xf32, #tpu.memory_space<vmem_shared>> -> memref<64x16xf32, #tpu.memory_space<vmem_shared>>
      %dma_wait3A_201 = arith.constant 0 : i32
      %dma_wait3A_202 = tpu.memref_slice %arg35[%add3A_160, %dma_wait3A_201] : memref<10240x16xf32, #tpu.memory_space<vmem_shared>> -> memref<64x16xf32, #tpu.memory_space<vmem_shared>>
      tpu.wait_dma2 semaphore(%run_scoped3A_195 : memref<!tpu.dma_semaphore, #tpu.memory_space<semaphore_mem>>) src(%dma_wait3A_202 : memref<64x16xf32, #tpu.memory_space<vmem_shared>>) dst(%arg34 : memref<64x16xf32, #tpu.memory_space<vmem>>)
      tpu.yield
    }) : () -> ()
    %add3A_161 = arith.constant 64 : i32
    %add3A_162 = arith.addi %mul3A_2, %add3A_161 : i32
    "tpu.region"() ({
      %run_scoped3A_195 = tpu.sem_alloc : memref<!tpu.dma_semaphore, #tpu.memory_space<semaphore_mem>>
      %dma_start3A_196 = arith.constant 0 : i32
      %dma_start3A_197 = tpu.memref_slice %arg8[%arg0, %add3A_162, %dma_start3A_196] : memref<2x10240x16xf32, #tpu.memory_space<hbm>> -> memref<1x64x16xf32, #tpu.memory_space<hbm>>
      %dma_start3A_198 = tpu.memref_squeeze %dma_start3A_197 : memref<1x64x16xf32, #tpu.memory_space<hbm>> -> memref<64x16xf32, #tpu.memory_space<hbm>>
      %dma_start3A_199 = arith.constant 0 : i32
      %dma_start3A_200 = tpu.memref_slice %arg8[%arg0, %add3A_162, %dma_start3A_199] : memref<2x10240x16xf32, #tpu.memory_space<hbm>> -> memref<1x64x16xf32, #tpu.memory_space<hbm>>
      %dma_start3A_201 = tpu.memref_squeeze %dma_start3A_200 : memref<1x64x16xf32, #tpu.memory_space<hbm>> -> memref<64x16xf32, #tpu.memory_space<hbm>>
      tpu.enqueue_dma source(%arg34 : memref<64x16xf32, #tpu.memory_space<vmem>>) target(%dma_start3A_201 : memref<64x16xf32, #tpu.memory_space<hbm>>) target_semaphore(%run_scoped3A_195 : memref<!tpu.dma_semaphore, #tpu.memory_space<semaphore_mem>>)
      %dma_wait3A = arith.constant 0 : i32
      %dma_wait3A_202 = tpu.memref_slice %arg8[%arg0, %add3A_162, %dma_wait3A] : memref<2x10240x16xf32, #tpu.memory_space<hbm>> -> memref<1x64x16xf32, #tpu.memory_space<hbm>>
      %dma_wait3A_203 = tpu.memref_squeeze %dma_wait3A_202 : memref<1x64x16xf32, #tpu.memory_space<hbm>> -> memref<64x16xf32, #tpu.memory_space<hbm>>
      %dma_wait3A_204 = arith.constant 0 : i32
      %dma_wait3A_205 = tpu.memref_slice %arg8[%arg0, %add3A_162, %dma_wait3A_204] : memref<2x10240x16xf32, #tpu.memory_space<hbm>> -> memref<1x64x16xf32, #tpu.memory_space<hbm>>
      %dma_wait3A_206 = tpu.memref_squeeze %dma_wait3A_205 : memref<1x64x16xf32, #tpu.memory_space<hbm>> -> memref<64x16xf32, #tpu.memory_space<hbm>>
      tpu.wait_dma2 semaphore(%run_scoped3A_195 : memref<!tpu.dma_semaphore, #tpu.memory_space<semaphore_mem>>) src(%arg34 : memref<64x16xf32, #tpu.memory_space<vmem>>) dst(%dma_wait3A_206 : memref<64x16xf32, #tpu.memory_space<hbm>>)
      tpu.yield
    }) : () -> ()
    %add3A_163 = arith.constant 128 : i32
    %add3A_164 = arith.addi %mul3A_2, %add3A_163 : i32
    "tpu.region"() ({
      %run_scoped3A_195 = tpu.sem_alloc : memref<!tpu.dma_semaphore, #tpu.memory_space<semaphore_mem>>
      %dma_start3A_196 = arith.constant 0 : i32
      %dma_start3A_197 = tpu.memref_slice %arg35[%add3A_164, %dma_start3A_196] : memref<10240x16xf32, #tpu.memory_space<vmem_shared>> -> memref<64x16xf32, #tpu.memory_space<vmem_shared>>
      %dma_start3A_198 = arith.constant 0 : i32
      %dma_start3A_199 = tpu.memref_slice %arg35[%add3A_164, %dma_start3A_198] : memref<10240x16xf32, #tpu.memory_space<vmem_shared>> -> memref<64x16xf32, #tpu.memory_space<vmem_shared>>
      tpu.enqueue_dma source(%dma_start3A_199 : memref<64x16xf32, #tpu.memory_space<vmem_shared>>) target(%arg34 : memref<64x16xf32, #tpu.memory_space<vmem>>) target_semaphore(%run_scoped3A_195 : memref<!tpu.dma_semaphore, #tpu.memory_space<semaphore_mem>>)
      %dma_wait3A = arith.constant 0 : i32
      %dma_wait3A_200 = tpu.memref_slice %arg35[%add3A_164, %dma_wait3A] : memref<10240x16xf32, #tpu.memory_space<vmem_shared>> -> memref<64x16xf32, #tpu.memory_space<vmem_shared>>
      %dma_wait3A_201 = arith.constant 0 : i32
      %dma_wait3A_202 = tpu.memref_slice %arg35[%add3A_164, %dma_wait3A_201] : memref<10240x16xf32, #tpu.memory_space<vmem_shared>> -> memref<64x16xf32, #tpu.memory_space<vmem_shared>>
      tpu.wait_dma2 semaphore(%run_scoped3A_195 : memref<!tpu.dma_semaphore, #tpu.memory_space<semaphore_mem>>) src(%dma_wait3A_202 : memref<64x16xf32, #tpu.memory_space<vmem_shared>>) dst(%arg34 : memref<64x16xf32, #tpu.memory_space<vmem>>)
      tpu.yield
    }) : () -> ()
    %add3A_165 = arith.constant 128 : i32
    %add3A_166 = arith.addi %mul3A_2, %add3A_165 : i32
    "tpu.region"() ({
      %run_scoped3A_195 = tpu.sem_alloc : memref<!tpu.dma_semaphore, #tpu.memory_space<semaphore_mem>>
      %dma_start3A_196 = arith.constant 0 : i32
      %dma_start3A_197 = tpu.memref_slice %arg8[%arg0, %add3A_166, %dma_start3A_196] : memref<2x10240x16xf32, #tpu.memory_space<hbm>> -> memref<1x64x16xf32, #tpu.memory_space<hbm>>
      %dma_start3A_198 = tpu.memref_squeeze %dma_start3A_197 : memref<1x64x16xf32, #tpu.memory_space<hbm>> -> memref<64x16xf32, #tpu.memory_space<hbm>>
      %dma_start3A_199 = arith.constant 0 : i32
      %dma_start3A_200 = tpu.memref_slice %arg8[%arg0, %add3A_166, %dma_start3A_199] : memref<2x10240x16xf32, #tpu.memory_space<hbm>> -> memref<1x64x16xf32, #tpu.memory_space<hbm>>
      %dma_start3A_201 = tpu.memref_squeeze %dma_start3A_200 : memref<1x64x16xf32, #tpu.memory_space<hbm>> -> memref<64x16xf32, #tpu.memory_space<hbm>>
      tpu.enqueue_dma source(%arg34 : memref<64x16xf32, #tpu.memory_space<vmem>>) target(%dma_start3A_201 : memref<64x16xf32, #tpu.memory_space<hbm>>) target_semaphore(%run_scoped3A_195 : memref<!tpu.dma_semaphore, #tpu.memory_space<semaphore_mem>>)
      %dma_wait3A = arith.constant 0 : i32
      %dma_wait3A_202 = tpu.memref_slice %arg8[%arg0, %add3A_166, %dma_wait3A] : memref<2x10240x16xf32, #tpu.memory_space<hbm>> -> memref<1x64x16xf32, #tpu.memory_space<hbm>>
      %dma_wait3A_203 = tpu.memref_squeeze %dma_wait3A_202 : memref<1x64x16xf32, #tpu.memory_space<hbm>> -> memref<64x16xf32, #tpu.memory_space<hbm>>
      %dma_wait3A_204 = arith.constant 0 : i32
      %dma_wait3A_205 = tpu.memref_slice %arg8[%arg0, %add3A_166, %dma_wait3A_204] : memref<2x10240x16xf32, #tpu.memory_space<hbm>> -> memref<1x64x16xf32, #tpu.memory_space<hbm>>
      %dma_wait3A_206 = tpu.memref_squeeze %dma_wait3A_205 : memref<1x64x16xf32, #tpu.memory_space<hbm>> -> memref<64x16xf32, #tpu.memory_space<hbm>>
      tpu.wait_dma2 semaphore(%run_scoped3A_195 : memref<!tpu.dma_semaphore, #tpu.memory_space<semaphore_mem>>) src(%arg34 : memref<64x16xf32, #tpu.memory_space<vmem>>) dst(%dma_wait3A_206 : memref<64x16xf32, #tpu.memory_space<hbm>>)
      tpu.yield
    }) : () -> ()
    %add3A_167 = arith.constant 192 : i32
    %add3A_168 = arith.addi %mul3A_2, %add3A_167 : i32
    "tpu.region"() ({
      %run_scoped3A_195 = tpu.sem_alloc : memref<!tpu.dma_semaphore, #tpu.memory_space<semaphore_mem>>
      %dma_start3A_196 = arith.constant 0 : i32
      %dma_start3A_197 = tpu.memref_slice %arg35[%add3A_168, %dma_start3A_196] : memref<10240x16xf32, #tpu.memory_space<vmem_shared>> -> memref<64x16xf32, #tpu.memory_space<vmem_shared>>
      %dma_start3A_198 = arith.constant 0 : i32
      %dma_start3A_199 = tpu.memref_slice %arg35[%add3A_168, %dma_start3A_198] : memref<10240x16xf32, #tpu.memory_space<vmem_shared>> -> memref<64x16xf32, #tpu.memory_space<vmem_shared>>
      tpu.enqueue_dma source(%dma_start3A_199 : memref<64x16xf32, #tpu.memory_space<vmem_shared>>) target(%arg34 : memref<64x16xf32, #tpu.memory_space<vmem>>) target_semaphore(%run_scoped3A_195 : memref<!tpu.dma_semaphore, #tpu.memory_space<semaphore_mem>>)
      %dma_wait3A = arith.constant 0 : i32
      %dma_wait3A_200 = tpu.memref_slice %arg35[%add3A_168, %dma_wait3A] : memref<10240x16xf32, #tpu.memory_space<vmem_shared>> -> memref<64x16xf32, #tpu.memory_space<vmem_shared>>
      %dma_wait3A_201 = arith.constant 0 : i32
      %dma_wait3A_202 = tpu.memref_slice %arg35[%add3A_168, %dma_wait3A_201] : memref<10240x16xf32, #tpu.memory_space<vmem_shared>> -> memref<64x16xf32, #tpu.memory_space<vmem_shared>>
      tpu.wait_dma2 semaphore(%run_scoped3A_195 : memref<!tpu.dma_semaphore, #tpu.memory_space<semaphore_mem>>) src(%dma_wait3A_202 : memref<64x16xf32, #tpu.memory_space<vmem_shared>>) dst(%arg34 : memref<64x16xf32, #tpu.memory_space<vmem>>)
      tpu.yield
    }) : () -> ()
    %add3A_169 = arith.constant 192 : i32
    %add3A_170 = arith.addi %mul3A_2, %add3A_169 : i32
    "tpu.region"() ({
      %run_scoped3A_195 = tpu.sem_alloc : memref<!tpu.dma_semaphore, #tpu.memory_space<semaphore_mem>>
      %dma_start3A_196 = arith.constant 0 : i32
      %dma_start3A_197 = tpu.memref_slice %arg8[%arg0, %add3A_170, %dma_start3A_196] : memref<2x10240x16xf32, #tpu.memory_space<hbm>> -> memref<1x64x16xf32, #tpu.memory_space<hbm>>
      %dma_start3A_198 = tpu.memref_squeeze %dma_start3A_197 : memref<1x64x16xf32, #tpu.memory_space<hbm>> -> memref<64x16xf32, #tpu.memory_space<hbm>>
      %dma_start3A_199 = arith.constant 0 : i32
      %dma_start3A_200 = tpu.memref_slice %arg8[%arg0, %add3A_170, %dma_start3A_199] : memref<2x10240x16xf32, #tpu.memory_space<hbm>> -> memref<1x64x16xf32, #tpu.memory_space<hbm>>
      %dma_start3A_201 = tpu.memref_squeeze %dma_start3A_200 : memref<1x64x16xf32, #tpu.memory_space<hbm>> -> memref<64x16xf32, #tpu.memory_space<hbm>>
      tpu.enqueue_dma source(%arg34 : memref<64x16xf32, #tpu.memory_space<vmem>>) target(%dma_start3A_201 : memref<64x16xf32, #tpu.memory_space<hbm>>) target_semaphore(%run_scoped3A_195 : memref<!tpu.dma_semaphore, #tpu.memory_space<semaphore_mem>>)
      %dma_wait3A = arith.constant 0 : i32
      %dma_wait3A_202 = tpu.memref_slice %arg8[%arg0, %add3A_170, %dma_wait3A] : memref<2x10240x16xf32, #tpu.memory_space<hbm>> -> memref<1x64x16xf32, #tpu.memory_space<hbm>>
      %dma_wait3A_203 = tpu.memref_squeeze %dma_wait3A_202 : memref<1x64x16xf32, #tpu.memory_space<hbm>> -> memref<64x16xf32, #tpu.memory_space<hbm>>
      %dma_wait3A_204 = arith.constant 0 : i32
      %dma_wait3A_205 = tpu.memref_slice %arg8[%arg0, %add3A_170, %dma_wait3A_204] : memref<2x10240x16xf32, #tpu.memory_space<hbm>> -> memref<1x64x16xf32, #tpu.memory_space<hbm>>
      %dma_wait3A_206 = tpu.memref_squeeze %dma_wait3A_205 : memref<1x64x16xf32, #tpu.memory_space<hbm>> -> memref<64x16xf32, #tpu.memory_space<hbm>>
      tpu.wait_dma2 semaphore(%run_scoped3A_195 : memref<!tpu.dma_semaphore, #tpu.memory_space<semaphore_mem>>) src(%arg34 : memref<64x16xf32, #tpu.memory_space<vmem>>) dst(%dma_wait3A_206 : memref<64x16xf32, #tpu.memory_space<hbm>>)
      tpu.yield
    }) : () -> ()
    %add3A_171 = arith.constant 256 : i32
    %add3A_172 = arith.addi %mul3A_2, %add3A_171 : i32
    "tpu.region"() ({
      %run_scoped3A_195 = tpu.sem_alloc : memref<!tpu.dma_semaphore, #tpu.memory_space<semaphore_mem>>
      %dma_start3A_196 = arith.constant 0 : i32
      %dma_start3A_197 = tpu.memref_slice %arg35[%add3A_172, %dma_start3A_196] : memref<10240x16xf32, #tpu.memory_space<vmem_shared>> -> memref<64x16xf32, #tpu.memory_space<vmem_shared>>
      %dma_start3A_198 = arith.constant 0 : i32
      %dma_start3A_199 = tpu.memref_slice %arg35[%add3A_172, %dma_start3A_198] : memref<10240x16xf32, #tpu.memory_space<vmem_shared>> -> memref<64x16xf32, #tpu.memory_space<vmem_shared>>
      tpu.enqueue_dma source(%dma_start3A_199 : memref<64x16xf32, #tpu.memory_space<vmem_shared>>) target(%arg34 : memref<64x16xf32, #tpu.memory_space<vmem>>) target_semaphore(%run_scoped3A_195 : memref<!tpu.dma_semaphore, #tpu.memory_space<semaphore_mem>>)
      %dma_wait3A = arith.constant 0 : i32
      %dma_wait3A_200 = tpu.memref_slice %arg35[%add3A_172, %dma_wait3A] : memref<10240x16xf32, #tpu.memory_space<vmem_shared>> -> memref<64x16xf32, #tpu.memory_space<vmem_shared>>
      %dma_wait3A_201 = arith.constant 0 : i32
      %dma_wait3A_202 = tpu.memref_slice %arg35[%add3A_172, %dma_wait3A_201] : memref<10240x16xf32, #tpu.memory_space<vmem_shared>> -> memref<64x16xf32, #tpu.memory_space<vmem_shared>>
      tpu.wait_dma2 semaphore(%run_scoped3A_195 : memref<!tpu.dma_semaphore, #tpu.memory_space<semaphore_mem>>) src(%dma_wait3A_202 : memref<64x16xf32, #tpu.memory_space<vmem_shared>>) dst(%arg34 : memref<64x16xf32, #tpu.memory_space<vmem>>)
      tpu.yield
    }) : () -> ()
    %add3A_173 = arith.constant 256 : i32
    %add3A_174 = arith.addi %mul3A_2, %add3A_173 : i32
    "tpu.region"() ({
      %run_scoped3A_195 = tpu.sem_alloc : memref<!tpu.dma_semaphore, #tpu.memory_space<semaphore_mem>>
      %dma_start3A_196 = arith.constant 0 : i32
      %dma_start3A_197 = tpu.memref_slice %arg8[%arg0, %add3A_174, %dma_start3A_196] : memref<2x10240x16xf32, #tpu.memory_space<hbm>> -> memref<1x64x16xf32, #tpu.memory_space<hbm>>
      %dma_start3A_198 = tpu.memref_squeeze %dma_start3A_197 : memref<1x64x16xf32, #tpu.memory_space<hbm>> -> memref<64x16xf32, #tpu.memory_space<hbm>>
      %dma_start3A_199 = arith.constant 0 : i32
      %dma_start3A_200 = tpu.memref_slice %arg8[%arg0, %add3A_174, %dma_start3A_199] : memref<2x10240x16xf32, #tpu.memory_space<hbm>> -> memref<1x64x16xf32, #tpu.memory_space<hbm>>
      %dma_start3A_201 = tpu.memref_squeeze %dma_start3A_200 : memref<1x64x16xf32, #tpu.memory_space<hbm>> -> memref<64x16xf32, #tpu.memory_space<hbm>>
      tpu.enqueue_dma source(%arg34 : memref<64x16xf32, #tpu.memory_space<vmem>>) target(%dma_start3A_201 : memref<64x16xf32, #tpu.memory_space<hbm>>) target_semaphore(%run_scoped3A_195 : memref<!tpu.dma_semaphore, #tpu.memory_space<semaphore_mem>>)
      %dma_wait3A = arith.constant 0 : i32
      %dma_wait3A_202 = tpu.memref_slice %arg8[%arg0, %add3A_174, %dma_wait3A] : memref<2x10240x16xf32, #tpu.memory_space<hbm>> -> memref<1x64x16xf32, #tpu.memory_space<hbm>>
      %dma_wait3A_203 = tpu.memref_squeeze %dma_wait3A_202 : memref<1x64x16xf32, #tpu.memory_space<hbm>> -> memref<64x16xf32, #tpu.memory_space<hbm>>
      %dma_wait3A_204 = arith.constant 0 : i32
      %dma_wait3A_205 = tpu.memref_slice %arg8[%arg0, %add3A_174, %dma_wait3A_204] : memref<2x10240x16xf32, #tpu.memory_space<hbm>> -> memref<1x64x16xf32, #tpu.memory_space<hbm>>
      %dma_wait3A_206 = tpu.memref_squeeze %dma_wait3A_205 : memref<1x64x16xf32, #tpu.memory_space<hbm>> -> memref<64x16xf32, #tpu.memory_space<hbm>>
      tpu.wait_dma2 semaphore(%run_scoped3A_195 : memref<!tpu.dma_semaphore, #tpu.memory_space<semaphore_mem>>) src(%arg34 : memref<64x16xf32, #tpu.memory_space<vmem>>) dst(%dma_wait3A_206 : memref<64x16xf32, #tpu.memory_space<hbm>>)
      tpu.yield
    }) : () -> ()
    %add3A_175 = arith.constant 320 : i32
    %add3A_176 = arith.addi %mul3A_2, %add3A_175 : i32
    "tpu.region"() ({
      %run_scoped3A_195 = tpu.sem_alloc : memref<!tpu.dma_semaphore, #tpu.memory_space<semaphore_mem>>
      %dma_start3A_196 = arith.constant 0 : i32
      %dma_start3A_197 = tpu.memref_slice %arg35[%add3A_176, %dma_start3A_196] : memref<10240x16xf32, #tpu.memory_space<vmem_shared>> -> memref<64x16xf32, #tpu.memory_space<vmem_shared>>
      %dma_start3A_198 = arith.constant 0 : i32
      %dma_start3A_199 = tpu.memref_slice %arg35[%add3A_176, %dma_start3A_198] : memref<10240x16xf32, #tpu.memory_space<vmem_shared>> -> memref<64x16xf32, #tpu.memory_space<vmem_shared>>
      tpu.enqueue_dma source(%dma_start3A_199 : memref<64x16xf32, #tpu.memory_space<vmem_shared>>) target(%arg34 : memref<64x16xf32, #tpu.memory_space<vmem>>) target_semaphore(%run_scoped3A_195 : memref<!tpu.dma_semaphore, #tpu.memory_space<semaphore_mem>>)
      %dma_wait3A = arith.constant 0 : i32
      %dma_wait3A_200 = tpu.memref_slice %arg35[%add3A_176, %dma_wait3A] : memref<10240x16xf32, #tpu.memory_space<vmem_shared>> -> memref<64x16xf32, #tpu.memory_space<vmem_shared>>
      %dma_wait3A_201 = arith.constant 0 : i32
      %dma_wait3A_202 = tpu.memref_slice %arg35[%add3A_176, %dma_wait3A_201] : memref<10240x16xf32, #tpu.memory_space<vmem_shared>> -> memref<64x16xf32, #tpu.memory_space<vmem_shared>>
      tpu.wait_dma2 semaphore(%run_scoped3A_195 : memref<!tpu.dma_semaphore, #tpu.memory_space<semaphore_mem>>) src(%dma_wait3A_202 : memref<64x16xf32, #tpu.memory_space<vmem_shared>>) dst(%arg34 : memref<64x16xf32, #tpu.memory_space<vmem>>)
      tpu.yield
    }) : () -> ()
    %add3A_177 = arith.constant 320 : i32
    %add3A_178 = arith.addi %mul3A_2, %add3A_177 : i32
    "tpu.region"() ({
      %run_scoped3A_195 = tpu.sem_alloc : memref<!tpu.dma_semaphore, #tpu.memory_space<semaphore_mem>>
      %dma_start3A_196 = arith.constant 0 : i32
      %dma_start3A_197 = tpu.memref_slice %arg8[%arg0, %add3A_178, %dma_start3A_196] : memref<2x10240x16xf32, #tpu.memory_space<hbm>> -> memref<1x64x16xf32, #tpu.memory_space<hbm>>
      %dma_start3A_198 = tpu.memref_squeeze %dma_start3A_197 : memref<1x64x16xf32, #tpu.memory_space<hbm>> -> memref<64x16xf32, #tpu.memory_space<hbm>>
      %dma_start3A_199 = arith.constant 0 : i32
      %dma_start3A_200 = tpu.memref_slice %arg8[%arg0, %add3A_178, %dma_start3A_199] : memref<2x10240x16xf32, #tpu.memory_space<hbm>> -> memref<1x64x16xf32, #tpu.memory_space<hbm>>
      %dma_start3A_201 = tpu.memref_squeeze %dma_start3A_200 : memref<1x64x16xf32, #tpu.memory_space<hbm>> -> memref<64x16xf32, #tpu.memory_space<hbm>>
      tpu.enqueue_dma source(%arg34 : memref<64x16xf32, #tpu.memory_space<vmem>>) target(%dma_start3A_201 : memref<64x16xf32, #tpu.memory_space<hbm>>) target_semaphore(%run_scoped3A_195 : memref<!tpu.dma_semaphore, #tpu.memory_space<semaphore_mem>>)
      %dma_wait3A = arith.constant 0 : i32
      %dma_wait3A_202 = tpu.memref_slice %arg8[%arg0, %add3A_178, %dma_wait3A] : memref<2x10240x16xf32, #tpu.memory_space<hbm>> -> memref<1x64x16xf32, #tpu.memory_space<hbm>>
      %dma_wait3A_203 = tpu.memref_squeeze %dma_wait3A_202 : memref<1x64x16xf32, #tpu.memory_space<hbm>> -> memref<64x16xf32, #tpu.memory_space<hbm>>
      %dma_wait3A_204 = arith.constant 0 : i32
      %dma_wait3A_205 = tpu.memref_slice %arg8[%arg0, %add3A_178, %dma_wait3A_204] : memref<2x10240x16xf32, #tpu.memory_space<hbm>> -> memref<1x64x16xf32, #tpu.memory_space<hbm>>
      %dma_wait3A_206 = tpu.memref_squeeze %dma_wait3A_205 : memref<1x64x16xf32, #tpu.memory_space<hbm>> -> memref<64x16xf32, #tpu.memory_space<hbm>>
      tpu.wait_dma2 semaphore(%run_scoped3A_195 : memref<!tpu.dma_semaphore, #tpu.memory_space<semaphore_mem>>) src(%arg34 : memref<64x16xf32, #tpu.memory_space<vmem>>) dst(%dma_wait3A_206 : memref<64x16xf32, #tpu.memory_space<hbm>>)
      tpu.yield
    }) : () -> ()
    %add3A_179 = arith.constant 384 : i32
    %add3A_180 = arith.addi %mul3A_2, %add3A_179 : i32
    "tpu.region"() ({
      %run_scoped3A_195 = tpu.sem_alloc : memref<!tpu.dma_semaphore, #tpu.memory_space<semaphore_mem>>
      %dma_start3A_196 = arith.constant 0 : i32
      %dma_start3A_197 = tpu.memref_slice %arg35[%add3A_180, %dma_start3A_196] : memref<10240x16xf32, #tpu.memory_space<vmem_shared>> -> memref<64x16xf32, #tpu.memory_space<vmem_shared>>
      %dma_start3A_198 = arith.constant 0 : i32
      %dma_start3A_199 = tpu.memref_slice %arg35[%add3A_180, %dma_start3A_198] : memref<10240x16xf32, #tpu.memory_space<vmem_shared>> -> memref<64x16xf32, #tpu.memory_space<vmem_shared>>
      tpu.enqueue_dma source(%dma_start3A_199 : memref<64x16xf32, #tpu.memory_space<vmem_shared>>) target(%arg34 : memref<64x16xf32, #tpu.memory_space<vmem>>) target_semaphore(%run_scoped3A_195 : memref<!tpu.dma_semaphore, #tpu.memory_space<semaphore_mem>>)
      %dma_wait3A = arith.constant 0 : i32
      %dma_wait3A_200 = tpu.memref_slice %arg35[%add3A_180, %dma_wait3A] : memref<10240x16xf32, #tpu.memory_space<vmem_shared>> -> memref<64x16xf32, #tpu.memory_space<vmem_shared>>
      %dma_wait3A_201 = arith.constant 0 : i32
      %dma_wait3A_202 = tpu.memref_slice %arg35[%add3A_180, %dma_wait3A_201] : memref<10240x16xf32, #tpu.memory_space<vmem_shared>> -> memref<64x16xf32, #tpu.memory_space<vmem_shared>>
      tpu.wait_dma2 semaphore(%run_scoped3A_195 : memref<!tpu.dma_semaphore, #tpu.memory_space<semaphore_mem>>) src(%dma_wait3A_202 : memref<64x16xf32, #tpu.memory_space<vmem_shared>>) dst(%arg34 : memref<64x16xf32, #tpu.memory_space<vmem>>)
      tpu.yield
    }) : () -> ()
    %add3A_181 = arith.constant 384 : i32
    %add3A_182 = arith.addi %mul3A_2, %add3A_181 : i32
    "tpu.region"() ({
      %run_scoped3A_195 = tpu.sem_alloc : memref<!tpu.dma_semaphore, #tpu.memory_space<semaphore_mem>>
      %dma_start3A_196 = arith.constant 0 : i32
      %dma_start3A_197 = tpu.memref_slice %arg8[%arg0, %add3A_182, %dma_start3A_196] : memref<2x10240x16xf32, #tpu.memory_space<hbm>> -> memref<1x64x16xf32, #tpu.memory_space<hbm>>
      %dma_start3A_198 = tpu.memref_squeeze %dma_start3A_197 : memref<1x64x16xf32, #tpu.memory_space<hbm>> -> memref<64x16xf32, #tpu.memory_space<hbm>>
      %dma_start3A_199 = arith.constant 0 : i32
      %dma_start3A_200 = tpu.memref_slice %arg8[%arg0, %add3A_182, %dma_start3A_199] : memref<2x10240x16xf32, #tpu.memory_space<hbm>> -> memref<1x64x16xf32, #tpu.memory_space<hbm>>
      %dma_start3A_201 = tpu.memref_squeeze %dma_start3A_200 : memref<1x64x16xf32, #tpu.memory_space<hbm>> -> memref<64x16xf32, #tpu.memory_space<hbm>>
      tpu.enqueue_dma source(%arg34 : memref<64x16xf32, #tpu.memory_space<vmem>>) target(%dma_start3A_201 : memref<64x16xf32, #tpu.memory_space<hbm>>) target_semaphore(%run_scoped3A_195 : memref<!tpu.dma_semaphore, #tpu.memory_space<semaphore_mem>>)
      %dma_wait3A = arith.constant 0 : i32
      %dma_wait3A_202 = tpu.memref_slice %arg8[%arg0, %add3A_182, %dma_wait3A] : memref<2x10240x16xf32, #tpu.memory_space<hbm>> -> memref<1x64x16xf32, #tpu.memory_space<hbm>>
      %dma_wait3A_203 = tpu.memref_squeeze %dma_wait3A_202 : memref<1x64x16xf32, #tpu.memory_space<hbm>> -> memref<64x16xf32, #tpu.memory_space<hbm>>
      %dma_wait3A_204 = arith.constant 0 : i32
      %dma_wait3A_205 = tpu.memref_slice %arg8[%arg0, %add3A_182, %dma_wait3A_204] : memref<2x10240x16xf32, #tpu.memory_space<hbm>> -> memref<1x64x16xf32, #tpu.memory_space<hbm>>
      %dma_wait3A_206 = tpu.memref_squeeze %dma_wait3A_205 : memref<1x64x16xf32, #tpu.memory_space<hbm>> -> memref<64x16xf32, #tpu.memory_space<hbm>>
      tpu.wait_dma2 semaphore(%run_scoped3A_195 : memref<!tpu.dma_semaphore, #tpu.memory_space<semaphore_mem>>) src(%arg34 : memref<64x16xf32, #tpu.memory_space<vmem>>) dst(%dma_wait3A_206 : memref<64x16xf32, #tpu.memory_space<hbm>>)
      tpu.yield
    }) : () -> ()
    %add3A_183 = arith.constant 448 : i32
    %add3A_184 = arith.addi %mul3A_2, %add3A_183 : i32
    "tpu.region"() ({
      %run_scoped3A_195 = tpu.sem_alloc : memref<!tpu.dma_semaphore, #tpu.memory_space<semaphore_mem>>
      %dma_start3A_196 = arith.constant 0 : i32
      %dma_start3A_197 = tpu.memref_slice %arg35[%add3A_184, %dma_start3A_196] : memref<10240x16xf32, #tpu.memory_space<vmem_shared>> -> memref<64x16xf32, #tpu.memory_space<vmem_shared>>
      %dma_start3A_198 = arith.constant 0 : i32
      %dma_start3A_199 = tpu.memref_slice %arg35[%add3A_184, %dma_start3A_198] : memref<10240x16xf32, #tpu.memory_space<vmem_shared>> -> memref<64x16xf32, #tpu.memory_space<vmem_shared>>
      tpu.enqueue_dma source(%dma_start3A_199 : memref<64x16xf32, #tpu.memory_space<vmem_shared>>) target(%arg34 : memref<64x16xf32, #tpu.memory_space<vmem>>) target_semaphore(%run_scoped3A_195 : memref<!tpu.dma_semaphore, #tpu.memory_space<semaphore_mem>>)
      %dma_wait3A = arith.constant 0 : i32
      %dma_wait3A_200 = tpu.memref_slice %arg35[%add3A_184, %dma_wait3A] : memref<10240x16xf32, #tpu.memory_space<vmem_shared>> -> memref<64x16xf32, #tpu.memory_space<vmem_shared>>
      %dma_wait3A_201 = arith.constant 0 : i32
      %dma_wait3A_202 = tpu.memref_slice %arg35[%add3A_184, %dma_wait3A_201] : memref<10240x16xf32, #tpu.memory_space<vmem_shared>> -> memref<64x16xf32, #tpu.memory_space<vmem_shared>>
      tpu.wait_dma2 semaphore(%run_scoped3A_195 : memref<!tpu.dma_semaphore, #tpu.memory_space<semaphore_mem>>) src(%dma_wait3A_202 : memref<64x16xf32, #tpu.memory_space<vmem_shared>>) dst(%arg34 : memref<64x16xf32, #tpu.memory_space<vmem>>)
      tpu.yield
    }) : () -> ()
    %add3A_185 = arith.constant 448 : i32
    %add3A_186 = arith.addi %mul3A_2, %add3A_185 : i32
    "tpu.region"() ({
      %run_scoped3A_195 = tpu.sem_alloc : memref<!tpu.dma_semaphore, #tpu.memory_space<semaphore_mem>>
      %dma_start3A_196 = arith.constant 0 : i32
      %dma_start3A_197 = tpu.memref_slice %arg8[%arg0, %add3A_186, %dma_start3A_196] : memref<2x10240x16xf32, #tpu.memory_space<hbm>> -> memref<1x64x16xf32, #tpu.memory_space<hbm>>
      %dma_start3A_198 = tpu.memref_squeeze %dma_start3A_197 : memref<1x64x16xf32, #tpu.memory_space<hbm>> -> memref<64x16xf32, #tpu.memory_space<hbm>>
      %dma_start3A_199 = arith.constant 0 : i32
      %dma_start3A_200 = tpu.memref_slice %arg8[%arg0, %add3A_186, %dma_start3A_199] : memref<2x10240x16xf32, #tpu.memory_space<hbm>> -> memref<1x64x16xf32, #tpu.memory_space<hbm>>
      %dma_start3A_201 = tpu.memref_squeeze %dma_start3A_200 : memref<1x64x16xf32, #tpu.memory_space<hbm>> -> memref<64x16xf32, #tpu.memory_space<hbm>>
      tpu.enqueue_dma source(%arg34 : memref<64x16xf32, #tpu.memory_space<vmem>>) target(%dma_start3A_201 : memref<64x16xf32, #tpu.memory_space<hbm>>) target_semaphore(%run_scoped3A_195 : memref<!tpu.dma_semaphore, #tpu.memory_space<semaphore_mem>>)
      %dma_wait3A = arith.constant 0 : i32
      %dma_wait3A_202 = tpu.memref_slice %arg8[%arg0, %add3A_186, %dma_wait3A] : memref<2x10240x16xf32, #tpu.memory_space<hbm>> -> memref<1x64x16xf32, #tpu.memory_space<hbm>>
      %dma_wait3A_203 = tpu.memref_squeeze %dma_wait3A_202 : memref<1x64x16xf32, #tpu.memory_space<hbm>> -> memref<64x16xf32, #tpu.memory_space<hbm>>
      %dma_wait3A_204 = arith.constant 0 : i32
      %dma_wait3A_205 = tpu.memref_slice %arg8[%arg0, %add3A_186, %dma_wait3A_204] : memref<2x10240x16xf32, #tpu.memory_space<hbm>> -> memref<1x64x16xf32, #tpu.memory_space<hbm>>
      %dma_wait3A_206 = tpu.memref_squeeze %dma_wait3A_205 : memref<1x64x16xf32, #tpu.memory_space<hbm>> -> memref<64x16xf32, #tpu.memory_space<hbm>>
      tpu.wait_dma2 semaphore(%run_scoped3A_195 : memref<!tpu.dma_semaphore, #tpu.memory_space<semaphore_mem>>) src(%arg34 : memref<64x16xf32, #tpu.memory_space<vmem>>) dst(%dma_wait3A_206 : memref<64x16xf32, #tpu.memory_space<hbm>>)
      tpu.yield
    }) : () -> ()
    %add3A_187 = arith.constant 512 : i32
    %add3A_188 = arith.addi %mul3A_2, %add3A_187 : i32
    "tpu.region"() ({
      %run_scoped3A_195 = tpu.sem_alloc : memref<!tpu.dma_semaphore, #tpu.memory_space<semaphore_mem>>
      %dma_start3A_196 = arith.constant 0 : i32
      %dma_start3A_197 = tpu.memref_slice %arg35[%add3A_188, %dma_start3A_196] : memref<10240x16xf32, #tpu.memory_space<vmem_shared>> -> memref<64x16xf32, #tpu.memory_space<vmem_shared>>
      %dma_start3A_198 = arith.constant 0 : i32
      %dma_start3A_199 = tpu.memref_slice %arg35[%add3A_188, %dma_start3A_198] : memref<10240x16xf32, #tpu.memory_space<vmem_shared>> -> memref<64x16xf32, #tpu.memory_space<vmem_shared>>
      tpu.enqueue_dma source(%dma_start3A_199 : memref<64x16xf32, #tpu.memory_space<vmem_shared>>) target(%arg34 : memref<64x16xf32, #tpu.memory_space<vmem>>) target_semaphore(%run_scoped3A_195 : memref<!tpu.dma_semaphore, #tpu.memory_space<semaphore_mem>>)
      %dma_wait3A = arith.constant 0 : i32
      %dma_wait3A_200 = tpu.memref_slice %arg35[%add3A_188, %dma_wait3A] : memref<10240x16xf32, #tpu.memory_space<vmem_shared>> -> memref<64x16xf32, #tpu.memory_space<vmem_shared>>
      %dma_wait3A_201 = arith.constant 0 : i32
      %dma_wait3A_202 = tpu.memref_slice %arg35[%add3A_188, %dma_wait3A_201] : memref<10240x16xf32, #tpu.memory_space<vmem_shared>> -> memref<64x16xf32, #tpu.memory_space<vmem_shared>>
      tpu.wait_dma2 semaphore(%run_scoped3A_195 : memref<!tpu.dma_semaphore, #tpu.memory_space<semaphore_mem>>) src(%dma_wait3A_202 : memref<64x16xf32, #tpu.memory_space<vmem_shared>>) dst(%arg34 : memref<64x16xf32, #tpu.memory_space<vmem>>)
      tpu.yield
    }) : () -> ()
    %add3A_189 = arith.constant 512 : i32
    %add3A_190 = arith.addi %mul3A_2, %add3A_189 : i32
    "tpu.region"() ({
      %run_scoped3A_195 = tpu.sem_alloc : memref<!tpu.dma_semaphore, #tpu.memory_space<semaphore_mem>>
      %dma_start3A_196 = arith.constant 0 : i32
      %dma_start3A_197 = tpu.memref_slice %arg8[%arg0, %add3A_190, %dma_start3A_196] : memref<2x10240x16xf32, #tpu.memory_space<hbm>> -> memref<1x64x16xf32, #tpu.memory_space<hbm>>
      %dma_start3A_198 = tpu.memref_squeeze %dma_start3A_197 : memref<1x64x16xf32, #tpu.memory_space<hbm>> -> memref<64x16xf32, #tpu.memory_space<hbm>>
      %dma_start3A_199 = arith.constant 0 : i32
      %dma_start3A_200 = tpu.memref_slice %arg8[%arg0, %add3A_190, %dma_start3A_199] : memref<2x10240x16xf32, #tpu.memory_space<hbm>> -> memref<1x64x16xf32, #tpu.memory_space<hbm>>
      %dma_start3A_201 = tpu.memref_squeeze %dma_start3A_200 : memref<1x64x16xf32, #tpu.memory_space<hbm>> -> memref<64x16xf32, #tpu.memory_space<hbm>>
      tpu.enqueue_dma source(%arg34 : memref<64x16xf32, #tpu.memory_space<vmem>>) target(%dma_start3A_201 : memref<64x16xf32, #tpu.memory_space<hbm>>) target_semaphore(%run_scoped3A_195 : memref<!tpu.dma_semaphore, #tpu.memory_space<semaphore_mem>>)
      %dma_wait3A = arith.constant 0 : i32
      %dma_wait3A_202 = tpu.memref_slice %arg8[%arg0, %add3A_190, %dma_wait3A] : memref<2x10240x16xf32, #tpu.memory_space<hbm>> -> memref<1x64x16xf32, #tpu.memory_space<hbm>>
      %dma_wait3A_203 = tpu.memref_squeeze %dma_wait3A_202 : memref<1x64x16xf32, #tpu.memory_space<hbm>> -> memref<64x16xf32, #tpu.memory_space<hbm>>
      %dma_wait3A_204 = arith.constant 0 : i32
      %dma_wait3A_205 = tpu.memref_slice %arg8[%arg0, %add3A_190, %dma_wait3A_204] : memref<2x10240x16xf32, #tpu.memory_space<hbm>> -> memref<1x64x16xf32, #tpu.memory_space<hbm>>
      %dma_wait3A_206 = tpu.memref_squeeze %dma_wait3A_205 : memref<1x64x16xf32, #tpu.memory_space<hbm>> -> memref<64x16xf32, #tpu.memory_space<hbm>>
      tpu.wait_dma2 semaphore(%run_scoped3A_195 : memref<!tpu.dma_semaphore, #tpu.memory_space<semaphore_mem>>) src(%arg34 : memref<64x16xf32, #tpu.memory_space<vmem>>) dst(%dma_wait3A_206 : memref<64x16xf32, #tpu.memory_space<hbm>>)
      tpu.yield
    }) : () -> ()
    %add3A_191 = arith.constant 576 : i32
    %add3A_192 = arith.addi %mul3A_2, %add3A_191 : i32
    "tpu.region"() ({
      %run_scoped3A_195 = tpu.sem_alloc : memref<!tpu.dma_semaphore, #tpu.memory_space<semaphore_mem>>
      %dma_start3A_196 = arith.constant 0 : i32
      %dma_start3A_197 = tpu.memref_slice %arg35[%add3A_192, %dma_start3A_196] : memref<10240x16xf32, #tpu.memory_space<vmem_shared>> -> memref<64x16xf32, #tpu.memory_space<vmem_shared>>
      %dma_start3A_198 = arith.constant 0 : i32
      %dma_start3A_199 = tpu.memref_slice %arg35[%add3A_192, %dma_start3A_198] : memref<10240x16xf32, #tpu.memory_space<vmem_shared>> -> memref<64x16xf32, #tpu.memory_space<vmem_shared>>
      tpu.enqueue_dma source(%dma_start3A_199 : memref<64x16xf32, #tpu.memory_space<vmem_shared>>) target(%arg34 : memref<64x16xf32, #tpu.memory_space<vmem>>) target_semaphore(%run_scoped3A_195 : memref<!tpu.dma_semaphore, #tpu.memory_space<semaphore_mem>>)
      %dma_wait3A = arith.constant 0 : i32
      %dma_wait3A_200 = tpu.memref_slice %arg35[%add3A_192, %dma_wait3A] : memref<10240x16xf32, #tpu.memory_space<vmem_shared>> -> memref<64x16xf32, #tpu.memory_space<vmem_shared>>
      %dma_wait3A_201 = arith.constant 0 : i32
      %dma_wait3A_202 = tpu.memref_slice %arg35[%add3A_192, %dma_wait3A_201] : memref<10240x16xf32, #tpu.memory_space<vmem_shared>> -> memref<64x16xf32, #tpu.memory_space<vmem_shared>>
      tpu.wait_dma2 semaphore(%run_scoped3A_195 : memref<!tpu.dma_semaphore, #tpu.memory_space<semaphore_mem>>) src(%dma_wait3A_202 : memref<64x16xf32, #tpu.memory_space<vmem_shared>>) dst(%arg34 : memref<64x16xf32, #tpu.memory_space<vmem>>)
      tpu.yield
    }) : () -> ()
    %add3A_193 = arith.constant 576 : i32
    %add3A_194 = arith.addi %mul3A_2, %add3A_193 : i32
    "tpu.region"() ({
      %run_scoped3A_195 = tpu.sem_alloc : memref<!tpu.dma_semaphore, #tpu.memory_space<semaphore_mem>>
      %dma_start3A_196 = arith.constant 0 : i32
      %dma_start3A_197 = tpu.memref_slice %arg8[%arg0, %add3A_194, %dma_start3A_196] : memref<2x10240x16xf32, #tpu.memory_space<hbm>> -> memref<1x64x16xf32, #tpu.memory_space<hbm>>
      %dma_start3A_198 = tpu.memref_squeeze %dma_start3A_197 : memref<1x64x16xf32, #tpu.memory_space<hbm>> -> memref<64x16xf32, #tpu.memory_space<hbm>>
      %dma_start3A_199 = arith.constant 0 : i32
      %dma_start3A_200 = tpu.memref_slice %arg8[%arg0, %add3A_194, %dma_start3A_199] : memref<2x10240x16xf32, #tpu.memory_space<hbm>> -> memref<1x64x16xf32, #tpu.memory_space<hbm>>
      %dma_start3A_201 = tpu.memref_squeeze %dma_start3A_200 : memref<1x64x16xf32, #tpu.memory_space<hbm>> -> memref<64x16xf32, #tpu.memory_space<hbm>>
      tpu.enqueue_dma source(%arg34 : memref<64x16xf32, #tpu.memory_space<vmem>>) target(%dma_start3A_201 : memref<64x16xf32, #tpu.memory_space<hbm>>) target_semaphore(%run_scoped3A_195 : memref<!tpu.dma_semaphore, #tpu.memory_space<semaphore_mem>>)
      %dma_wait3A = arith.constant 0 : i32
      %dma_wait3A_202 = tpu.memref_slice %arg8[%arg0, %add3A_194, %dma_wait3A] : memref<2x10240x16xf32, #tpu.memory_space<hbm>> -> memref<1x64x16xf32, #tpu.memory_space<hbm>>
      %dma_wait3A_203 = tpu.memref_squeeze %dma_wait3A_202 : memref<1x64x16xf32, #tpu.memory_space<hbm>> -> memref<64x16xf32, #tpu.memory_space<hbm>>
      %dma_wait3A_204 = arith.constant 0 : i32
      %dma_wait3A_205 = tpu.memref_slice %arg8[%arg0, %add3A_194, %dma_wait3A_204] : memref<2x10240x16xf32, #tpu.memory_space<hbm>> -> memref<1x64x16xf32, #tpu.memory_space<hbm>>
      %dma_wait3A_206 = tpu.memref_squeeze %dma_wait3A_205 : memref<1x64x16xf32, #tpu.memory_space<hbm>> -> memref<64x16xf32, #tpu.memory_space<hbm>>
      tpu.wait_dma2 semaphore(%run_scoped3A_195 : memref<!tpu.dma_semaphore, #tpu.memory_space<semaphore_mem>>) src(%arg34 : memref<64x16xf32, #tpu.memory_space<vmem>>) dst(%dma_wait3A_206 : memref<64x16xf32, #tpu.memory_space<hbm>>)
      tpu.yield
    }) : () -> ()
    return
  }
}

#map = affine_map<(d0, d1) -> (0, 0)>
#map1 = affine_map<(d0, d1) -> (0, 0, 0, 0)>
#map2 = affine_map<(d0, d1) -> (0, 0, 0)>
module attributes {stable_mosaic.version = 14 : i64} {
  func.func @body(%arg0: i32, %arg1: i32, %arg2: memref<160000x128xf32, #tpu.memory_space<hbm>>, %arg3: memref<32x160x2x64xi32, #tpu.memory_space<hbm>>, %arg4: memref<64x128xf32, #tpu.memory_space<hbm>>, %arg5: memref<64x16xf32, #tpu.memory_space<hbm>>, %arg6: memref<64x16xf32, #tpu.memory_space<hbm>>, %arg7: memref<2x10240x128xf32, #tpu.memory_space<hbm>>, %arg8: memref<2x64xi32, #tpu.memory_space<vmem>>, %arg9: memref<2x64xi32, #tpu.memory_space<vmem>>, %arg10: memref<2x64xi32, #tpu.memory_space<vmem>>, %arg11: memref<2x64xi32, #tpu.memory_space<vmem>>, %arg12: memref<2x64xi32, #tpu.memory_space<vmem>>, %arg13: memref<2x64xi32, #tpu.memory_space<vmem>>, %arg14: memref<2x64xi32, #tpu.memory_space<vmem>>, %arg15: memref<2x64xi32, #tpu.memory_space<vmem>>, %arg16: memref<64x128xf32, #tpu.memory_space<vmem>>, %arg17: memref<64x128xf32, #tpu.memory_space<vmem>>, %arg18: memref<64x128xf32, #tpu.memory_space<vmem>>, %arg19: memref<64x128xf32, #tpu.memory_space<vmem>>, %arg20: memref<10240x128xf32, #tpu.memory_space<vmem_shared>>, %arg21: memref<!tpu.dma_semaphore, #tpu.memory_space<semaphore_mem>>, %arg22: memref<!tpu.dma_semaphore, #tpu.memory_space<semaphore_mem>>, %arg23: memref<!tpu.dma_semaphore, #tpu.memory_space<semaphore_mem>>, %arg24: memref<!tpu.dma_semaphore, #tpu.memory_space<semaphore_mem>>, %arg25: memref<!tpu.dma_semaphore, #tpu.memory_space<semaphore_mem>>, %arg26: memref<!tpu.dma_semaphore, #tpu.memory_space<semaphore_mem>>, %arg27: memref<!tpu.dma_semaphore, #tpu.memory_space<semaphore_mem>>, %arg28: memref<!tpu.dma_semaphore, #tpu.memory_space<semaphore_mem>>, %arg29: memref<!tpu.dma_semaphore, #tpu.memory_space<semaphore_mem>>, %arg30: memref<!tpu.dma_semaphore, #tpu.memory_space<semaphore_mem>>, %arg31: memref<!tpu.dma_semaphore, #tpu.memory_space<semaphore_mem>>, %arg32: memref<!tpu.dma_semaphore, #tpu.memory_space<semaphore_mem>>) attributes {dimension_semantics = [#tpu.dimension_semantics<core_parallel>, #tpu.dimension_semantics<subcore_parallel>], iteration_bounds = array<i64: 2, 16>, scalar_prefetch = 0 : i64, scratch_operands = 25 : i64, tpu.core_type = #tpu.core_type<sc_vector_subcore>, window_params = [{transform_indices = #map}, {transform_indices = #map1}, {transform_indices = #map}, {transform_indices = #map}, {transform_indices = #map}, {transform_indices = #map2}]} {
    %mul3A = arith.constant 2 : i32
    %mul3A_0 = arith.muli %arg1, %mul3A : i32
    %add3A = arith.addi %mul3A_0, %arg0 : i32
    %mul3A_1 = arith.constant 640 : i32
    %mul3A_2 = arith.muli %arg1, %mul3A_1 : i32
    "tpu.region"() ({
      %run_scoped3A_135 = tpu.sem_alloc : memref<!tpu.dma_semaphore, #tpu.memory_space<semaphore_mem>>
      tpu.enqueue_dma source(%arg4 : memref<64x128xf32, #tpu.memory_space<hbm>>) target(%arg16 : memref<64x128xf32, #tpu.memory_space<vmem>>) target_semaphore(%run_scoped3A_135 : memref<!tpu.dma_semaphore, #tpu.memory_space<semaphore_mem>>)
      tpu.wait_dma2 semaphore(%run_scoped3A_135 : memref<!tpu.dma_semaphore, #tpu.memory_space<semaphore_mem>>) src(%arg4 : memref<64x128xf32, #tpu.memory_space<hbm>>) dst(%arg16 : memref<64x128xf32, #tpu.memory_space<vmem>>)
      tpu.yield
    }) : () -> ()
    %add3A_3 = arith.constant 0 : i32
    %add3A_4 = arith.addi %mul3A_2, %add3A_3 : i32
    "tpu.region"() ({
      %run_scoped3A_135 = tpu.sem_alloc : memref<!tpu.dma_semaphore, #tpu.memory_space<semaphore_mem>>
      %dma_start3A_136 = arith.constant 0 : i32
      %dma_start3A_137 = tpu.memref_slice %arg20[%add3A_4, %dma_start3A_136] : memref<10240x128xf32, #tpu.memory_space<vmem_shared>> -> memref<64x128xf32, #tpu.memory_space<vmem_shared>>
      %dma_start3A_138 = arith.constant 0 : i32
      %dma_start3A_139 = tpu.memref_slice %arg20[%add3A_4, %dma_start3A_138] : memref<10240x128xf32, #tpu.memory_space<vmem_shared>> -> memref<64x128xf32, #tpu.memory_space<vmem_shared>>
      tpu.enqueue_dma source(%arg16 : memref<64x128xf32, #tpu.memory_space<vmem>>) target(%dma_start3A_139 : memref<64x128xf32, #tpu.memory_space<vmem_shared>>) target_semaphore(%run_scoped3A_135 : memref<!tpu.dma_semaphore, #tpu.memory_space<semaphore_mem>>)
      %dma_wait3A = arith.constant 0 : i32
      %dma_wait3A_140 = tpu.memref_slice %arg20[%add3A_4, %dma_wait3A] : memref<10240x128xf32, #tpu.memory_space<vmem_shared>> -> memref<64x128xf32, #tpu.memory_space<vmem_shared>>
      %dma_wait3A_141 = arith.constant 0 : i32
      %dma_wait3A_142 = tpu.memref_slice %arg20[%add3A_4, %dma_wait3A_141] : memref<10240x128xf32, #tpu.memory_space<vmem_shared>> -> memref<64x128xf32, #tpu.memory_space<vmem_shared>>
      tpu.wait_dma2 semaphore(%run_scoped3A_135 : memref<!tpu.dma_semaphore, #tpu.memory_space<semaphore_mem>>) src(%arg16 : memref<64x128xf32, #tpu.memory_space<vmem>>) dst(%dma_wait3A_142 : memref<64x128xf32, #tpu.memory_space<vmem_shared>>)
      tpu.yield
    }) : () -> ()
    %add3A_5 = arith.constant 64 : i32
    %add3A_6 = arith.addi %mul3A_2, %add3A_5 : i32
    "tpu.region"() ({
      %run_scoped3A_135 = tpu.sem_alloc : memref<!tpu.dma_semaphore, #tpu.memory_space<semaphore_mem>>
      %dma_start3A_136 = arith.constant 0 : i32
      %dma_start3A_137 = tpu.memref_slice %arg20[%add3A_6, %dma_start3A_136] : memref<10240x128xf32, #tpu.memory_space<vmem_shared>> -> memref<64x128xf32, #tpu.memory_space<vmem_shared>>
      %dma_start3A_138 = arith.constant 0 : i32
      %dma_start3A_139 = tpu.memref_slice %arg20[%add3A_6, %dma_start3A_138] : memref<10240x128xf32, #tpu.memory_space<vmem_shared>> -> memref<64x128xf32, #tpu.memory_space<vmem_shared>>
      tpu.enqueue_dma source(%arg16 : memref<64x128xf32, #tpu.memory_space<vmem>>) target(%dma_start3A_139 : memref<64x128xf32, #tpu.memory_space<vmem_shared>>) target_semaphore(%run_scoped3A_135 : memref<!tpu.dma_semaphore, #tpu.memory_space<semaphore_mem>>)
      %dma_wait3A = arith.constant 0 : i32
      %dma_wait3A_140 = tpu.memref_slice %arg20[%add3A_6, %dma_wait3A] : memref<10240x128xf32, #tpu.memory_space<vmem_shared>> -> memref<64x128xf32, #tpu.memory_space<vmem_shared>>
      %dma_wait3A_141 = arith.constant 0 : i32
      %dma_wait3A_142 = tpu.memref_slice %arg20[%add3A_6, %dma_wait3A_141] : memref<10240x128xf32, #tpu.memory_space<vmem_shared>> -> memref<64x128xf32, #tpu.memory_space<vmem_shared>>
      tpu.wait_dma2 semaphore(%run_scoped3A_135 : memref<!tpu.dma_semaphore, #tpu.memory_space<semaphore_mem>>) src(%arg16 : memref<64x128xf32, #tpu.memory_space<vmem>>) dst(%dma_wait3A_142 : memref<64x128xf32, #tpu.memory_space<vmem_shared>>)
      tpu.yield
    }) : () -> ()
    %add3A_7 = arith.constant 128 : i32
    %add3A_8 = arith.addi %mul3A_2, %add3A_7 : i32
    "tpu.region"() ({
      %run_scoped3A_135 = tpu.sem_alloc : memref<!tpu.dma_semaphore, #tpu.memory_space<semaphore_mem>>
      %dma_start3A_136 = arith.constant 0 : i32
      %dma_start3A_137 = tpu.memref_slice %arg20[%add3A_8, %dma_start3A_136] : memref<10240x128xf32, #tpu.memory_space<vmem_shared>> -> memref<64x128xf32, #tpu.memory_space<vmem_shared>>
      %dma_start3A_138 = arith.constant 0 : i32
      %dma_start3A_139 = tpu.memref_slice %arg20[%add3A_8, %dma_start3A_138] : memref<10240x128xf32, #tpu.memory_space<vmem_shared>> -> memref<64x128xf32, #tpu.memory_space<vmem_shared>>
      tpu.enqueue_dma source(%arg16 : memref<64x128xf32, #tpu.memory_space<vmem>>) target(%dma_start3A_139 : memref<64x128xf32, #tpu.memory_space<vmem_shared>>) target_semaphore(%run_scoped3A_135 : memref<!tpu.dma_semaphore, #tpu.memory_space<semaphore_mem>>)
      %dma_wait3A = arith.constant 0 : i32
      %dma_wait3A_140 = tpu.memref_slice %arg20[%add3A_8, %dma_wait3A] : memref<10240x128xf32, #tpu.memory_space<vmem_shared>> -> memref<64x128xf32, #tpu.memory_space<vmem_shared>>
      %dma_wait3A_141 = arith.constant 0 : i32
      %dma_wait3A_142 = tpu.memref_slice %arg20[%add3A_8, %dma_wait3A_141] : memref<10240x128xf32, #tpu.memory_space<vmem_shared>> -> memref<64x128xf32, #tpu.memory_space<vmem_shared>>
      tpu.wait_dma2 semaphore(%run_scoped3A_135 : memref<!tpu.dma_semaphore, #tpu.memory_space<semaphore_mem>>) src(%arg16 : memref<64x128xf32, #tpu.memory_space<vmem>>) dst(%dma_wait3A_142 : memref<64x128xf32, #tpu.memory_space<vmem_shared>>)
      tpu.yield
    }) : () -> ()
    %add3A_9 = arith.constant 192 : i32
    %add3A_10 = arith.addi %mul3A_2, %add3A_9 : i32
    "tpu.region"() ({
      %run_scoped3A_135 = tpu.sem_alloc : memref<!tpu.dma_semaphore, #tpu.memory_space<semaphore_mem>>
      %dma_start3A_136 = arith.constant 0 : i32
      %dma_start3A_137 = tpu.memref_slice %arg20[%add3A_10, %dma_start3A_136] : memref<10240x128xf32, #tpu.memory_space<vmem_shared>> -> memref<64x128xf32, #tpu.memory_space<vmem_shared>>
      %dma_start3A_138 = arith.constant 0 : i32
      %dma_start3A_139 = tpu.memref_slice %arg20[%add3A_10, %dma_start3A_138] : memref<10240x128xf32, #tpu.memory_space<vmem_shared>> -> memref<64x128xf32, #tpu.memory_space<vmem_shared>>
      tpu.enqueue_dma source(%arg16 : memref<64x128xf32, #tpu.memory_space<vmem>>) target(%dma_start3A_139 : memref<64x128xf32, #tpu.memory_space<vmem_shared>>) target_semaphore(%run_scoped3A_135 : memref<!tpu.dma_semaphore, #tpu.memory_space<semaphore_mem>>)
      %dma_wait3A = arith.constant 0 : i32
      %dma_wait3A_140 = tpu.memref_slice %arg20[%add3A_10, %dma_wait3A] : memref<10240x128xf32, #tpu.memory_space<vmem_shared>> -> memref<64x128xf32, #tpu.memory_space<vmem_shared>>
      %dma_wait3A_141 = arith.constant 0 : i32
      %dma_wait3A_142 = tpu.memref_slice %arg20[%add3A_10, %dma_wait3A_141] : memref<10240x128xf32, #tpu.memory_space<vmem_shared>> -> memref<64x128xf32, #tpu.memory_space<vmem_shared>>
      tpu.wait_dma2 semaphore(%run_scoped3A_135 : memref<!tpu.dma_semaphore, #tpu.memory_space<semaphore_mem>>) src(%arg16 : memref<64x128xf32, #tpu.memory_space<vmem>>) dst(%dma_wait3A_142 : memref<64x128xf32, #tpu.memory_space<vmem_shared>>)
      tpu.yield
    }) : () -> ()
    %add3A_11 = arith.constant 256 : i32
    %add3A_12 = arith.addi %mul3A_2, %add3A_11 : i32
    "tpu.region"() ({
      %run_scoped3A_135 = tpu.sem_alloc : memref<!tpu.dma_semaphore, #tpu.memory_space<semaphore_mem>>
      %dma_start3A_136 = arith.constant 0 : i32
      %dma_start3A_137 = tpu.memref_slice %arg20[%add3A_12, %dma_start3A_136] : memref<10240x128xf32, #tpu.memory_space<vmem_shared>> -> memref<64x128xf32, #tpu.memory_space<vmem_shared>>
      %dma_start3A_138 = arith.constant 0 : i32
      %dma_start3A_139 = tpu.memref_slice %arg20[%add3A_12, %dma_start3A_138] : memref<10240x128xf32, #tpu.memory_space<vmem_shared>> -> memref<64x128xf32, #tpu.memory_space<vmem_shared>>
      tpu.enqueue_dma source(%arg16 : memref<64x128xf32, #tpu.memory_space<vmem>>) target(%dma_start3A_139 : memref<64x128xf32, #tpu.memory_space<vmem_shared>>) target_semaphore(%run_scoped3A_135 : memref<!tpu.dma_semaphore, #tpu.memory_space<semaphore_mem>>)
      %dma_wait3A = arith.constant 0 : i32
      %dma_wait3A_140 = tpu.memref_slice %arg20[%add3A_12, %dma_wait3A] : memref<10240x128xf32, #tpu.memory_space<vmem_shared>> -> memref<64x128xf32, #tpu.memory_space<vmem_shared>>
      %dma_wait3A_141 = arith.constant 0 : i32
      %dma_wait3A_142 = tpu.memref_slice %arg20[%add3A_12, %dma_wait3A_141] : memref<10240x128xf32, #tpu.memory_space<vmem_shared>> -> memref<64x128xf32, #tpu.memory_space<vmem_shared>>
      tpu.wait_dma2 semaphore(%run_scoped3A_135 : memref<!tpu.dma_semaphore, #tpu.memory_space<semaphore_mem>>) src(%arg16 : memref<64x128xf32, #tpu.memory_space<vmem>>) dst(%dma_wait3A_142 : memref<64x128xf32, #tpu.memory_space<vmem_shared>>)
      tpu.yield
    }) : () -> ()
    %add3A_13 = arith.constant 320 : i32
    %add3A_14 = arith.addi %mul3A_2, %add3A_13 : i32
    "tpu.region"() ({
      %run_scoped3A_135 = tpu.sem_alloc : memref<!tpu.dma_semaphore, #tpu.memory_space<semaphore_mem>>
      %dma_start3A_136 = arith.constant 0 : i32
      %dma_start3A_137 = tpu.memref_slice %arg20[%add3A_14, %dma_start3A_136] : memref<10240x128xf32, #tpu.memory_space<vmem_shared>> -> memref<64x128xf32, #tpu.memory_space<vmem_shared>>
      %dma_start3A_138 = arith.constant 0 : i32
      %dma_start3A_139 = tpu.memref_slice %arg20[%add3A_14, %dma_start3A_138] : memref<10240x128xf32, #tpu.memory_space<vmem_shared>> -> memref<64x128xf32, #tpu.memory_space<vmem_shared>>
      tpu.enqueue_dma source(%arg16 : memref<64x128xf32, #tpu.memory_space<vmem>>) target(%dma_start3A_139 : memref<64x128xf32, #tpu.memory_space<vmem_shared>>) target_semaphore(%run_scoped3A_135 : memref<!tpu.dma_semaphore, #tpu.memory_space<semaphore_mem>>)
      %dma_wait3A = arith.constant 0 : i32
      %dma_wait3A_140 = tpu.memref_slice %arg20[%add3A_14, %dma_wait3A] : memref<10240x128xf32, #tpu.memory_space<vmem_shared>> -> memref<64x128xf32, #tpu.memory_space<vmem_shared>>
      %dma_wait3A_141 = arith.constant 0 : i32
      %dma_wait3A_142 = tpu.memref_slice %arg20[%add3A_14, %dma_wait3A_141] : memref<10240x128xf32, #tpu.memory_space<vmem_shared>> -> memref<64x128xf32, #tpu.memory_space<vmem_shared>>
      tpu.wait_dma2 semaphore(%run_scoped3A_135 : memref<!tpu.dma_semaphore, #tpu.memory_space<semaphore_mem>>) src(%arg16 : memref<64x128xf32, #tpu.memory_space<vmem>>) dst(%dma_wait3A_142 : memref<64x128xf32, #tpu.memory_space<vmem_shared>>)
      tpu.yield
    }) : () -> ()
    %add3A_15 = arith.constant 384 : i32
    %add3A_16 = arith.addi %mul3A_2, %add3A_15 : i32
    "tpu.region"() ({
      %run_scoped3A_135 = tpu.sem_alloc : memref<!tpu.dma_semaphore, #tpu.memory_space<semaphore_mem>>
      %dma_start3A_136 = arith.constant 0 : i32
      %dma_start3A_137 = tpu.memref_slice %arg20[%add3A_16, %dma_start3A_136] : memref<10240x128xf32, #tpu.memory_space<vmem_shared>> -> memref<64x128xf32, #tpu.memory_space<vmem_shared>>
      %dma_start3A_138 = arith.constant 0 : i32
      %dma_start3A_139 = tpu.memref_slice %arg20[%add3A_16, %dma_start3A_138] : memref<10240x128xf32, #tpu.memory_space<vmem_shared>> -> memref<64x128xf32, #tpu.memory_space<vmem_shared>>
      tpu.enqueue_dma source(%arg16 : memref<64x128xf32, #tpu.memory_space<vmem>>) target(%dma_start3A_139 : memref<64x128xf32, #tpu.memory_space<vmem_shared>>) target_semaphore(%run_scoped3A_135 : memref<!tpu.dma_semaphore, #tpu.memory_space<semaphore_mem>>)
      %dma_wait3A = arith.constant 0 : i32
      %dma_wait3A_140 = tpu.memref_slice %arg20[%add3A_16, %dma_wait3A] : memref<10240x128xf32, #tpu.memory_space<vmem_shared>> -> memref<64x128xf32, #tpu.memory_space<vmem_shared>>
      %dma_wait3A_141 = arith.constant 0 : i32
      %dma_wait3A_142 = tpu.memref_slice %arg20[%add3A_16, %dma_wait3A_141] : memref<10240x128xf32, #tpu.memory_space<vmem_shared>> -> memref<64x128xf32, #tpu.memory_space<vmem_shared>>
      tpu.wait_dma2 semaphore(%run_scoped3A_135 : memref<!tpu.dma_semaphore, #tpu.memory_space<semaphore_mem>>) src(%arg16 : memref<64x128xf32, #tpu.memory_space<vmem>>) dst(%dma_wait3A_142 : memref<64x128xf32, #tpu.memory_space<vmem_shared>>)
      tpu.yield
    }) : () -> ()
    %add3A_17 = arith.constant 448 : i32
    %add3A_18 = arith.addi %mul3A_2, %add3A_17 : i32
    "tpu.region"() ({
      %run_scoped3A_135 = tpu.sem_alloc : memref<!tpu.dma_semaphore, #tpu.memory_space<semaphore_mem>>
      %dma_start3A_136 = arith.constant 0 : i32
      %dma_start3A_137 = tpu.memref_slice %arg20[%add3A_18, %dma_start3A_136] : memref<10240x128xf32, #tpu.memory_space<vmem_shared>> -> memref<64x128xf32, #tpu.memory_space<vmem_shared>>
      %dma_start3A_138 = arith.constant 0 : i32
      %dma_start3A_139 = tpu.memref_slice %arg20[%add3A_18, %dma_start3A_138] : memref<10240x128xf32, #tpu.memory_space<vmem_shared>> -> memref<64x128xf32, #tpu.memory_space<vmem_shared>>
      tpu.enqueue_dma source(%arg16 : memref<64x128xf32, #tpu.memory_space<vmem>>) target(%dma_start3A_139 : memref<64x128xf32, #tpu.memory_space<vmem_shared>>) target_semaphore(%run_scoped3A_135 : memref<!tpu.dma_semaphore, #tpu.memory_space<semaphore_mem>>)
      %dma_wait3A = arith.constant 0 : i32
      %dma_wait3A_140 = tpu.memref_slice %arg20[%add3A_18, %dma_wait3A] : memref<10240x128xf32, #tpu.memory_space<vmem_shared>> -> memref<64x128xf32, #tpu.memory_space<vmem_shared>>
      %dma_wait3A_141 = arith.constant 0 : i32
      %dma_wait3A_142 = tpu.memref_slice %arg20[%add3A_18, %dma_wait3A_141] : memref<10240x128xf32, #tpu.memory_space<vmem_shared>> -> memref<64x128xf32, #tpu.memory_space<vmem_shared>>
      tpu.wait_dma2 semaphore(%run_scoped3A_135 : memref<!tpu.dma_semaphore, #tpu.memory_space<semaphore_mem>>) src(%arg16 : memref<64x128xf32, #tpu.memory_space<vmem>>) dst(%dma_wait3A_142 : memref<64x128xf32, #tpu.memory_space<vmem_shared>>)
      tpu.yield
    }) : () -> ()
    %add3A_19 = arith.constant 512 : i32
    %add3A_20 = arith.addi %mul3A_2, %add3A_19 : i32
    "tpu.region"() ({
      %run_scoped3A_135 = tpu.sem_alloc : memref<!tpu.dma_semaphore, #tpu.memory_space<semaphore_mem>>
      %dma_start3A_136 = arith.constant 0 : i32
      %dma_start3A_137 = tpu.memref_slice %arg20[%add3A_20, %dma_start3A_136] : memref<10240x128xf32, #tpu.memory_space<vmem_shared>> -> memref<64x128xf32, #tpu.memory_space<vmem_shared>>
      %dma_start3A_138 = arith.constant 0 : i32
      %dma_start3A_139 = tpu.memref_slice %arg20[%add3A_20, %dma_start3A_138] : memref<10240x128xf32, #tpu.memory_space<vmem_shared>> -> memref<64x128xf32, #tpu.memory_space<vmem_shared>>
      tpu.enqueue_dma source(%arg16 : memref<64x128xf32, #tpu.memory_space<vmem>>) target(%dma_start3A_139 : memref<64x128xf32, #tpu.memory_space<vmem_shared>>) target_semaphore(%run_scoped3A_135 : memref<!tpu.dma_semaphore, #tpu.memory_space<semaphore_mem>>)
      %dma_wait3A = arith.constant 0 : i32
      %dma_wait3A_140 = tpu.memref_slice %arg20[%add3A_20, %dma_wait3A] : memref<10240x128xf32, #tpu.memory_space<vmem_shared>> -> memref<64x128xf32, #tpu.memory_space<vmem_shared>>
      %dma_wait3A_141 = arith.constant 0 : i32
      %dma_wait3A_142 = tpu.memref_slice %arg20[%add3A_20, %dma_wait3A_141] : memref<10240x128xf32, #tpu.memory_space<vmem_shared>> -> memref<64x128xf32, #tpu.memory_space<vmem_shared>>
      tpu.wait_dma2 semaphore(%run_scoped3A_135 : memref<!tpu.dma_semaphore, #tpu.memory_space<semaphore_mem>>) src(%arg16 : memref<64x128xf32, #tpu.memory_space<vmem>>) dst(%dma_wait3A_142 : memref<64x128xf32, #tpu.memory_space<vmem_shared>>)
      tpu.yield
    }) : () -> ()
    %add3A_21 = arith.constant 576 : i32
    %add3A_22 = arith.addi %mul3A_2, %add3A_21 : i32
    "tpu.region"() ({
      %run_scoped3A_135 = tpu.sem_alloc : memref<!tpu.dma_semaphore, #tpu.memory_space<semaphore_mem>>
      %dma_start3A_136 = arith.constant 0 : i32
      %dma_start3A_137 = tpu.memref_slice %arg20[%add3A_22, %dma_start3A_136] : memref<10240x128xf32, #tpu.memory_space<vmem_shared>> -> memref<64x128xf32, #tpu.memory_space<vmem_shared>>
      %dma_start3A_138 = arith.constant 0 : i32
      %dma_start3A_139 = tpu.memref_slice %arg20[%add3A_22, %dma_start3A_138] : memref<10240x128xf32, #tpu.memory_space<vmem_shared>> -> memref<64x128xf32, #tpu.memory_space<vmem_shared>>
      tpu.enqueue_dma source(%arg16 : memref<64x128xf32, #tpu.memory_space<vmem>>) target(%dma_start3A_139 : memref<64x128xf32, #tpu.memory_space<vmem_shared>>) target_semaphore(%run_scoped3A_135 : memref<!tpu.dma_semaphore, #tpu.memory_space<semaphore_mem>>)
      %dma_wait3A = arith.constant 0 : i32
      %dma_wait3A_140 = tpu.memref_slice %arg20[%add3A_22, %dma_wait3A] : memref<10240x128xf32, #tpu.memory_space<vmem_shared>> -> memref<64x128xf32, #tpu.memory_space<vmem_shared>>
      %dma_wait3A_141 = arith.constant 0 : i32
      %dma_wait3A_142 = tpu.memref_slice %arg20[%add3A_22, %dma_wait3A_141] : memref<10240x128xf32, #tpu.memory_space<vmem_shared>> -> memref<64x128xf32, #tpu.memory_space<vmem_shared>>
      tpu.wait_dma2 semaphore(%run_scoped3A_135 : memref<!tpu.dma_semaphore, #tpu.memory_space<semaphore_mem>>) src(%arg16 : memref<64x128xf32, #tpu.memory_space<vmem>>) dst(%dma_wait3A_142 : memref<64x128xf32, #tpu.memory_space<vmem_shared>>)
      tpu.yield
    }) : () -> ()
    %run_scoped3A = arith.constant 0 : i32
    "tpu.region"() ({
      %run_scoped3A_135 = tpu.sem_alloc : memref<!tpu.dma_semaphore, #tpu.memory_space<semaphore_mem>>
      %dma_start3A_136 = arith.constant 0 : i32
      %dma_start3A_137 = arith.constant 0 : i32
      %dma_start3A_138 = tpu.memref_slice %arg3[%add3A, %run_scoped3A, %dma_start3A_136, %dma_start3A_137] : memref<32x160x2x64xi32, #tpu.memory_space<hbm>> -> memref<1x1x2x64xi32, #tpu.memory_space<hbm>>
      %dma_start3A_139 = tpu.memref_squeeze %dma_start3A_138 : memref<1x1x2x64xi32, #tpu.memory_space<hbm>> -> memref<2x64xi32, #tpu.memory_space<hbm>>
      %dma_start3A_140 = arith.constant 0 : i32
      %dma_start3A_141 = arith.constant 0 : i32
      %dma_start3A_142 = tpu.memref_slice %arg3[%add3A, %run_scoped3A, %dma_start3A_140, %dma_start3A_141] : memref<32x160x2x64xi32, #tpu.memory_space<hbm>> -> memref<1x1x2x64xi32, #tpu.memory_space<hbm>>
      %dma_start3A_143 = tpu.memref_squeeze %dma_start3A_142 : memref<1x1x2x64xi32, #tpu.memory_space<hbm>> -> memref<2x64xi32, #tpu.memory_space<hbm>>
      tpu.enqueue_dma source(%dma_start3A_143 : memref<2x64xi32, #tpu.memory_space<hbm>>) target(%arg8 : memref<2x64xi32, #tpu.memory_space<vmem>>) target_semaphore(%run_scoped3A_135 : memref<!tpu.dma_semaphore, #tpu.memory_space<semaphore_mem>>)
      %dma_wait3A = arith.constant 0 : i32
      %dma_wait3A_144 = arith.constant 0 : i32
      %dma_wait3A_145 = tpu.memref_slice %arg3[%add3A, %run_scoped3A, %dma_wait3A, %dma_wait3A_144] : memref<32x160x2x64xi32, #tpu.memory_space<hbm>> -> memref<1x1x2x64xi32, #tpu.memory_space<hbm>>
      %dma_wait3A_146 = tpu.memref_squeeze %dma_wait3A_145 : memref<1x1x2x64xi32, #tpu.memory_space<hbm>> -> memref<2x64xi32, #tpu.memory_space<hbm>>
      %dma_wait3A_147 = arith.constant 0 : i32
      %dma_wait3A_148 = arith.constant 0 : i32
      %dma_wait3A_149 = tpu.memref_slice %arg3[%add3A, %run_scoped3A, %dma_wait3A_147, %dma_wait3A_148] : memref<32x160x2x64xi32, #tpu.memory_space<hbm>> -> memref<1x1x2x64xi32, #tpu.memory_space<hbm>>
      %dma_wait3A_150 = tpu.memref_squeeze %dma_wait3A_149 : memref<1x1x2x64xi32, #tpu.memory_space<hbm>> -> memref<2x64xi32, #tpu.memory_space<hbm>>
      tpu.wait_dma2 semaphore(%run_scoped3A_135 : memref<!tpu.dma_semaphore, #tpu.memory_space<semaphore_mem>>) src(%dma_wait3A_150 : memref<2x64xi32, #tpu.memory_space<hbm>>) dst(%arg8 : memref<2x64xi32, #tpu.memory_space<vmem>>)
      tpu.yield
    }) : () -> ()
    %dma_start3A = arith.constant 4 : i32
    %dma_start3A_23 = arith.constant 0 : i32
    %dma_start3A_24 = arith.constant 0 : i32
    %dma_start3A_25 = tpu.memref_slice %arg3[%add3A, %dma_start3A, %dma_start3A_23, %dma_start3A_24] : memref<32x160x2x64xi32, #tpu.memory_space<hbm>> -> memref<1x1x2x64xi32, #tpu.memory_space<hbm>>
    %dma_start3A_26 = tpu.memref_squeeze %dma_start3A_25 : memref<1x1x2x64xi32, #tpu.memory_space<hbm>> -> memref<2x64xi32, #tpu.memory_space<hbm>>
    %dma_start3A_27 = arith.constant 0 : i32
    %dma_start3A_28 = arith.constant 0 : i32
    %dma_start3A_29 = tpu.memref_slice %arg3[%add3A, %dma_start3A, %dma_start3A_27, %dma_start3A_28] : memref<32x160x2x64xi32, #tpu.memory_space<hbm>> -> memref<1x1x2x64xi32, #tpu.memory_space<hbm>>
    %dma_start3A_30 = tpu.memref_squeeze %dma_start3A_29 : memref<1x1x2x64xi32, #tpu.memory_space<hbm>> -> memref<2x64xi32, #tpu.memory_space<hbm>>
    tpu.enqueue_dma source(%dma_start3A_30 : memref<2x64xi32, #tpu.memory_space<hbm>>) target(%arg12 : memref<2x64xi32, #tpu.memory_space<vmem>>) target_semaphore(%arg25 : memref<!tpu.dma_semaphore, #tpu.memory_space<semaphore_mem>>)
    %run_scoped3A_31 = arith.constant 1 : i32
    "tpu.region"() ({
      %run_scoped3A_135 = tpu.sem_alloc : memref<!tpu.dma_semaphore, #tpu.memory_space<semaphore_mem>>
      %dma_start3A_136 = arith.constant 0 : i32
      %dma_start3A_137 = arith.constant 0 : i32
      %dma_start3A_138 = tpu.memref_slice %arg3[%add3A, %run_scoped3A_31, %dma_start3A_136, %dma_start3A_137] : memref<32x160x2x64xi32, #tpu.memory_space<hbm>> -> memref<1x1x2x64xi32, #tpu.memory_space<hbm>>
      %dma_start3A_139 = tpu.memref_squeeze %dma_start3A_138 : memref<1x1x2x64xi32, #tpu.memory_space<hbm>> -> memref<2x64xi32, #tpu.memory_space<hbm>>
      %dma_start3A_140 = arith.constant 0 : i32
      %dma_start3A_141 = arith.constant 0 : i32
      %dma_start3A_142 = tpu.memref_slice %arg3[%add3A, %run_scoped3A_31, %dma_start3A_140, %dma_start3A_141] : memref<32x160x2x64xi32, #tpu.memory_space<hbm>> -> memref<1x1x2x64xi32, #tpu.memory_space<hbm>>
      %dma_start3A_143 = tpu.memref_squeeze %dma_start3A_142 : memref<1x1x2x64xi32, #tpu.memory_space<hbm>> -> memref<2x64xi32, #tpu.memory_space<hbm>>
      tpu.enqueue_dma source(%dma_start3A_143 : memref<2x64xi32, #tpu.memory_space<hbm>>) target(%arg9 : memref<2x64xi32, #tpu.memory_space<vmem>>) target_semaphore(%run_scoped3A_135 : memref<!tpu.dma_semaphore, #tpu.memory_space<semaphore_mem>>)
      %dma_wait3A = arith.constant 0 : i32
      %dma_wait3A_144 = arith.constant 0 : i32
      %dma_wait3A_145 = tpu.memref_slice %arg3[%add3A, %run_scoped3A_31, %dma_wait3A, %dma_wait3A_144] : memref<32x160x2x64xi32, #tpu.memory_space<hbm>> -> memref<1x1x2x64xi32, #tpu.memory_space<hbm>>
      %dma_wait3A_146 = tpu.memref_squeeze %dma_wait3A_145 : memref<1x1x2x64xi32, #tpu.memory_space<hbm>> -> memref<2x64xi32, #tpu.memory_space<hbm>>
      %dma_wait3A_147 = arith.constant 0 : i32
      %dma_wait3A_148 = arith.constant 0 : i32
      %dma_wait3A_149 = tpu.memref_slice %arg3[%add3A, %run_scoped3A_31, %dma_wait3A_147, %dma_wait3A_148] : memref<32x160x2x64xi32, #tpu.memory_space<hbm>> -> memref<1x1x2x64xi32, #tpu.memory_space<hbm>>
      %dma_wait3A_150 = tpu.memref_squeeze %dma_wait3A_149 : memref<1x1x2x64xi32, #tpu.memory_space<hbm>> -> memref<2x64xi32, #tpu.memory_space<hbm>>
      tpu.wait_dma2 semaphore(%run_scoped3A_135 : memref<!tpu.dma_semaphore, #tpu.memory_space<semaphore_mem>>) src(%dma_wait3A_150 : memref<2x64xi32, #tpu.memory_space<hbm>>) dst(%arg9 : memref<2x64xi32, #tpu.memory_space<vmem>>)
      tpu.yield
    }) : () -> ()
    %dma_start3A_32 = arith.constant 5 : i32
    %dma_start3A_33 = arith.constant 0 : i32
    %dma_start3A_34 = arith.constant 0 : i32
    %dma_start3A_35 = tpu.memref_slice %arg3[%add3A, %dma_start3A_32, %dma_start3A_33, %dma_start3A_34] : memref<32x160x2x64xi32, #tpu.memory_space<hbm>> -> memref<1x1x2x64xi32, #tpu.memory_space<hbm>>
    %dma_start3A_36 = tpu.memref_squeeze %dma_start3A_35 : memref<1x1x2x64xi32, #tpu.memory_space<hbm>> -> memref<2x64xi32, #tpu.memory_space<hbm>>
    %dma_start3A_37 = arith.constant 0 : i32
    %dma_start3A_38 = arith.constant 0 : i32
    %dma_start3A_39 = tpu.memref_slice %arg3[%add3A, %dma_start3A_32, %dma_start3A_37, %dma_start3A_38] : memref<32x160x2x64xi32, #tpu.memory_space<hbm>> -> memref<1x1x2x64xi32, #tpu.memory_space<hbm>>
    %dma_start3A_40 = tpu.memref_squeeze %dma_start3A_39 : memref<1x1x2x64xi32, #tpu.memory_space<hbm>> -> memref<2x64xi32, #tpu.memory_space<hbm>>
    tpu.enqueue_dma source(%dma_start3A_40 : memref<2x64xi32, #tpu.memory_space<hbm>>) target(%arg13 : memref<2x64xi32, #tpu.memory_space<vmem>>) target_semaphore(%arg26 : memref<!tpu.dma_semaphore, #tpu.memory_space<semaphore_mem>>)
    %run_scoped3A_41 = arith.constant 2 : i32
    "tpu.region"() ({
      %run_scoped3A_135 = tpu.sem_alloc : memref<!tpu.dma_semaphore, #tpu.memory_space<semaphore_mem>>
      %dma_start3A_136 = arith.constant 0 : i32
      %dma_start3A_137 = arith.constant 0 : i32
      %dma_start3A_138 = tpu.memref_slice %arg3[%add3A, %run_scoped3A_41, %dma_start3A_136, %dma_start3A_137] : memref<32x160x2x64xi32, #tpu.memory_space<hbm>> -> memref<1x1x2x64xi32, #tpu.memory_space<hbm>>
      %dma_start3A_139 = tpu.memref_squeeze %dma_start3A_138 : memref<1x1x2x64xi32, #tpu.memory_space<hbm>> -> memref<2x64xi32, #tpu.memory_space<hbm>>
      %dma_start3A_140 = arith.constant 0 : i32
      %dma_start3A_141 = arith.constant 0 : i32
      %dma_start3A_142 = tpu.memref_slice %arg3[%add3A, %run_scoped3A_41, %dma_start3A_140, %dma_start3A_141] : memref<32x160x2x64xi32, #tpu.memory_space<hbm>> -> memref<1x1x2x64xi32, #tpu.memory_space<hbm>>
      %dma_start3A_143 = tpu.memref_squeeze %dma_start3A_142 : memref<1x1x2x64xi32, #tpu.memory_space<hbm>> -> memref<2x64xi32, #tpu.memory_space<hbm>>
      tpu.enqueue_dma source(%dma_start3A_143 : memref<2x64xi32, #tpu.memory_space<hbm>>) target(%arg10 : memref<2x64xi32, #tpu.memory_space<vmem>>) target_semaphore(%run_scoped3A_135 : memref<!tpu.dma_semaphore, #tpu.memory_space<semaphore_mem>>)
      %dma_wait3A = arith.constant 0 : i32
      %dma_wait3A_144 = arith.constant 0 : i32
      %dma_wait3A_145 = tpu.memref_slice %arg3[%add3A, %run_scoped3A_41, %dma_wait3A, %dma_wait3A_144] : memref<32x160x2x64xi32, #tpu.memory_space<hbm>> -> memref<1x1x2x64xi32, #tpu.memory_space<hbm>>
      %dma_wait3A_146 = tpu.memref_squeeze %dma_wait3A_145 : memref<1x1x2x64xi32, #tpu.memory_space<hbm>> -> memref<2x64xi32, #tpu.memory_space<hbm>>
      %dma_wait3A_147 = arith.constant 0 : i32
      %dma_wait3A_148 = arith.constant 0 : i32
      %dma_wait3A_149 = tpu.memref_slice %arg3[%add3A, %run_scoped3A_41, %dma_wait3A_147, %dma_wait3A_148] : memref<32x160x2x64xi32, #tpu.memory_space<hbm>> -> memref<1x1x2x64xi32, #tpu.memory_space<hbm>>
      %dma_wait3A_150 = tpu.memref_squeeze %dma_wait3A_149 : memref<1x1x2x64xi32, #tpu.memory_space<hbm>> -> memref<2x64xi32, #tpu.memory_space<hbm>>
      tpu.wait_dma2 semaphore(%run_scoped3A_135 : memref<!tpu.dma_semaphore, #tpu.memory_space<semaphore_mem>>) src(%dma_wait3A_150 : memref<2x64xi32, #tpu.memory_space<hbm>>) dst(%arg10 : memref<2x64xi32, #tpu.memory_space<vmem>>)
      tpu.yield
    }) : () -> ()
    %dma_start3A_42 = arith.constant 6 : i32
    %dma_start3A_43 = arith.constant 0 : i32
    %dma_start3A_44 = arith.constant 0 : i32
    %dma_start3A_45 = tpu.memref_slice %arg3[%add3A, %dma_start3A_42, %dma_start3A_43, %dma_start3A_44] : memref<32x160x2x64xi32, #tpu.memory_space<hbm>> -> memref<1x1x2x64xi32, #tpu.memory_space<hbm>>
    %dma_start3A_46 = tpu.memref_squeeze %dma_start3A_45 : memref<1x1x2x64xi32, #tpu.memory_space<hbm>> -> memref<2x64xi32, #tpu.memory_space<hbm>>
    %dma_start3A_47 = arith.constant 0 : i32
    %dma_start3A_48 = arith.constant 0 : i32
    %dma_start3A_49 = tpu.memref_slice %arg3[%add3A, %dma_start3A_42, %dma_start3A_47, %dma_start3A_48] : memref<32x160x2x64xi32, #tpu.memory_space<hbm>> -> memref<1x1x2x64xi32, #tpu.memory_space<hbm>>
    %dma_start3A_50 = tpu.memref_squeeze %dma_start3A_49 : memref<1x1x2x64xi32, #tpu.memory_space<hbm>> -> memref<2x64xi32, #tpu.memory_space<hbm>>
    tpu.enqueue_dma source(%dma_start3A_50 : memref<2x64xi32, #tpu.memory_space<hbm>>) target(%arg14 : memref<2x64xi32, #tpu.memory_space<vmem>>) target_semaphore(%arg27 : memref<!tpu.dma_semaphore, #tpu.memory_space<semaphore_mem>>)
    %run_scoped3A_51 = arith.constant 3 : i32
    "tpu.region"() ({
      %run_scoped3A_135 = tpu.sem_alloc : memref<!tpu.dma_semaphore, #tpu.memory_space<semaphore_mem>>
      %dma_start3A_136 = arith.constant 0 : i32
      %dma_start3A_137 = arith.constant 0 : i32
      %dma_start3A_138 = tpu.memref_slice %arg3[%add3A, %run_scoped3A_51, %dma_start3A_136, %dma_start3A_137] : memref<32x160x2x64xi32, #tpu.memory_space<hbm>> -> memref<1x1x2x64xi32, #tpu.memory_space<hbm>>
      %dma_start3A_139 = tpu.memref_squeeze %dma_start3A_138 : memref<1x1x2x64xi32, #tpu.memory_space<hbm>> -> memref<2x64xi32, #tpu.memory_space<hbm>>
      %dma_start3A_140 = arith.constant 0 : i32
      %dma_start3A_141 = arith.constant 0 : i32
      %dma_start3A_142 = tpu.memref_slice %arg3[%add3A, %run_scoped3A_51, %dma_start3A_140, %dma_start3A_141] : memref<32x160x2x64xi32, #tpu.memory_space<hbm>> -> memref<1x1x2x64xi32, #tpu.memory_space<hbm>>
      %dma_start3A_143 = tpu.memref_squeeze %dma_start3A_142 : memref<1x1x2x64xi32, #tpu.memory_space<hbm>> -> memref<2x64xi32, #tpu.memory_space<hbm>>
      tpu.enqueue_dma source(%dma_start3A_143 : memref<2x64xi32, #tpu.memory_space<hbm>>) target(%arg11 : memref<2x64xi32, #tpu.memory_space<vmem>>) target_semaphore(%run_scoped3A_135 : memref<!tpu.dma_semaphore, #tpu.memory_space<semaphore_mem>>)
      %dma_wait3A = arith.constant 0 : i32
      %dma_wait3A_144 = arith.constant 0 : i32
      %dma_wait3A_145 = tpu.memref_slice %arg3[%add3A, %run_scoped3A_51, %dma_wait3A, %dma_wait3A_144] : memref<32x160x2x64xi32, #tpu.memory_space<hbm>> -> memref<1x1x2x64xi32, #tpu.memory_space<hbm>>
      %dma_wait3A_146 = tpu.memref_squeeze %dma_wait3A_145 : memref<1x1x2x64xi32, #tpu.memory_space<hbm>> -> memref<2x64xi32, #tpu.memory_space<hbm>>
      %dma_wait3A_147 = arith.constant 0 : i32
      %dma_wait3A_148 = arith.constant 0 : i32
      %dma_wait3A_149 = tpu.memref_slice %arg3[%add3A, %run_scoped3A_51, %dma_wait3A_147, %dma_wait3A_148] : memref<32x160x2x64xi32, #tpu.memory_space<hbm>> -> memref<1x1x2x64xi32, #tpu.memory_space<hbm>>
      %dma_wait3A_150 = tpu.memref_squeeze %dma_wait3A_149 : memref<1x1x2x64xi32, #tpu.memory_space<hbm>> -> memref<2x64xi32, #tpu.memory_space<hbm>>
      tpu.wait_dma2 semaphore(%run_scoped3A_135 : memref<!tpu.dma_semaphore, #tpu.memory_space<semaphore_mem>>) src(%dma_wait3A_150 : memref<2x64xi32, #tpu.memory_space<hbm>>) dst(%arg11 : memref<2x64xi32, #tpu.memory_space<vmem>>)
      tpu.yield
    }) : () -> ()
    %dma_start3A_52 = arith.constant 7 : i32
    %dma_start3A_53 = arith.constant 0 : i32
    %dma_start3A_54 = arith.constant 0 : i32
    %dma_start3A_55 = tpu.memref_slice %arg3[%add3A, %dma_start3A_52, %dma_start3A_53, %dma_start3A_54] : memref<32x160x2x64xi32, #tpu.memory_space<hbm>> -> memref<1x1x2x64xi32, #tpu.memory_space<hbm>>
    %dma_start3A_56 = tpu.memref_squeeze %dma_start3A_55 : memref<1x1x2x64xi32, #tpu.memory_space<hbm>> -> memref<2x64xi32, #tpu.memory_space<hbm>>
    %dma_start3A_57 = arith.constant 0 : i32
    %dma_start3A_58 = arith.constant 0 : i32
    %dma_start3A_59 = tpu.memref_slice %arg3[%add3A, %dma_start3A_52, %dma_start3A_57, %dma_start3A_58] : memref<32x160x2x64xi32, #tpu.memory_space<hbm>> -> memref<1x1x2x64xi32, #tpu.memory_space<hbm>>
    %dma_start3A_60 = tpu.memref_squeeze %dma_start3A_59 : memref<1x1x2x64xi32, #tpu.memory_space<hbm>> -> memref<2x64xi32, #tpu.memory_space<hbm>>
    tpu.enqueue_dma source(%dma_start3A_60 : memref<2x64xi32, #tpu.memory_space<hbm>>) target(%arg15 : memref<2x64xi32, #tpu.memory_space<vmem>>) target_semaphore(%arg28 : memref<!tpu.dma_semaphore, #tpu.memory_space<semaphore_mem>>)
    %barrier3A = arith.constant 0 : index
    tpu.barrier barrier_id(%barrier3A)
    %dma_start3A_61 = arith.constant 0 : i32
    %dma_start3A_62 = arith.constant 0 : i32
    %dma_start3A_63 = tpu.memref_slice %arg8[%dma_start3A_61, %dma_start3A_62] : memref<2x64xi32, #tpu.memory_space<vmem>> -> memref<1x64xi32, #tpu.memory_space<vmem>>
    %dma_start3A_64 = tpu.memref_squeeze %dma_start3A_63 : memref<1x64xi32, #tpu.memory_space<vmem>> -> memref<64xi32, #tpu.memory_space<vmem>>
    %dma_start3A_65 = arith.constant 0 : i32
    %dma_start3A_66 = arith.constant 0 : i32
    %dma_start3A_67 = tpu.memref_slice %arg2[%dma_start3A_65, %dma_start3A_66] : memref<160000x128xf32, #tpu.memory_space<hbm>> -> memref<160000x128xf32, #tpu.memory_space<hbm>>
    tpu.enqueue_indirect_dma source(%dma_start3A_67 : memref<160000x128xf32, #tpu.memory_space<hbm>>) target(%arg16 : memref<64x128xf32, #tpu.memory_space<vmem>>) offsets(%dma_start3A_64 : memref<64xi32, #tpu.memory_space<vmem>>) semaphore(%arg29 : memref<!tpu.dma_semaphore, #tpu.memory_space<semaphore_mem>>)
    %dma_start3A_68 = arith.constant 0 : i32
    %dma_start3A_69 = arith.constant 0 : i32
    %dma_start3A_70 = tpu.memref_slice %arg9[%dma_start3A_68, %dma_start3A_69] : memref<2x64xi32, #tpu.memory_space<vmem>> -> memref<1x64xi32, #tpu.memory_space<vmem>>
    %dma_start3A_71 = tpu.memref_squeeze %dma_start3A_70 : memref<1x64xi32, #tpu.memory_space<vmem>> -> memref<64xi32, #tpu.memory_space<vmem>>
    %dma_start3A_72 = arith.constant 0 : i32
    %dma_start3A_73 = arith.constant 0 : i32
    %dma_start3A_74 = tpu.memref_slice %arg2[%dma_start3A_72, %dma_start3A_73] : memref<160000x128xf32, #tpu.memory_space<hbm>> -> memref<160000x128xf32, #tpu.memory_space<hbm>>
    tpu.enqueue_indirect_dma source(%dma_start3A_74 : memref<160000x128xf32, #tpu.memory_space<hbm>>) target(%arg17 : memref<64x128xf32, #tpu.memory_space<vmem>>) offsets(%dma_start3A_71 : memref<64xi32, #tpu.memory_space<vmem>>) semaphore(%arg30 : memref<!tpu.dma_semaphore, #tpu.memory_space<semaphore_mem>>)
    %dma_start3A_75 = arith.constant 0 : i32
    %dma_start3A_76 = arith.constant 0 : i32
    %dma_start3A_77 = tpu.memref_slice %arg10[%dma_start3A_75, %dma_start3A_76] : memref<2x64xi32, #tpu.memory_space<vmem>> -> memref<1x64xi32, #tpu.memory_space<vmem>>
    %dma_start3A_78 = tpu.memref_squeeze %dma_start3A_77 : memref<1x64xi32, #tpu.memory_space<vmem>> -> memref<64xi32, #tpu.memory_space<vmem>>
    %dma_start3A_79 = arith.constant 0 : i32
    %dma_start3A_80 = arith.constant 0 : i32
    %dma_start3A_81 = tpu.memref_slice %arg2[%dma_start3A_79, %dma_start3A_80] : memref<160000x128xf32, #tpu.memory_space<hbm>> -> memref<160000x128xf32, #tpu.memory_space<hbm>>
    tpu.enqueue_indirect_dma source(%dma_start3A_81 : memref<160000x128xf32, #tpu.memory_space<hbm>>) target(%arg18 : memref<64x128xf32, #tpu.memory_space<vmem>>) offsets(%dma_start3A_78 : memref<64xi32, #tpu.memory_space<vmem>>) semaphore(%arg31 : memref<!tpu.dma_semaphore, #tpu.memory_space<semaphore_mem>>)
    %dma_start3A_82 = arith.constant 0 : i32
    %dma_start3A_83 = arith.constant 0 : i32
    %dma_start3A_84 = tpu.memref_slice %arg11[%dma_start3A_82, %dma_start3A_83] : memref<2x64xi32, #tpu.memory_space<vmem>> -> memref<1x64xi32, #tpu.memory_space<vmem>>
    %dma_start3A_85 = tpu.memref_squeeze %dma_start3A_84 : memref<1x64xi32, #tpu.memory_space<vmem>> -> memref<64xi32, #tpu.memory_space<vmem>>
    %dma_start3A_86 = arith.constant 0 : i32
    %dma_start3A_87 = arith.constant 0 : i32
    %dma_start3A_88 = tpu.memref_slice %arg2[%dma_start3A_86, %dma_start3A_87] : memref<160000x128xf32, #tpu.memory_space<hbm>> -> memref<160000x128xf32, #tpu.memory_space<hbm>>
    tpu.enqueue_indirect_dma source(%dma_start3A_88 : memref<160000x128xf32, #tpu.memory_space<hbm>>) target(%arg19 : memref<64x128xf32, #tpu.memory_space<vmem>>) offsets(%dma_start3A_85 : memref<64xi32, #tpu.memory_space<vmem>>) semaphore(%arg32 : memref<!tpu.dma_semaphore, #tpu.memory_space<semaphore_mem>>)
    %scan3A = arith.constant 0 : i32
    %scan3A_89 = arith.constant 0 : i32
    %scan3A_90 = arith.constant 20 : i32
    %scan3A_91 = arith.addi %scan3A_89, %scan3A_90 : i32
    %scan3A_92 = arith.constant 1 : i32
    scf.for %scan3A_135 = %scan3A_89 to %scan3A_91 step %scan3A_92  : i32 {
      %mul3A_136 = arith.constant 2 : i32
      %mul3A_137 = arith.muli %mul3A_136, %scan3A_135 : i32
      %dma_wait3A = arith.constant 0 : i32
      %dma_wait3A_138 = arith.constant 0 : i32
      %dma_wait3A_139 = tpu.memref_slice %arg8[%dma_wait3A, %dma_wait3A_138] : memref<2x64xi32, #tpu.memory_space<vmem>> -> memref<1x64xi32, #tpu.memory_space<vmem>>
      %dma_wait3A_140 = tpu.memref_squeeze %dma_wait3A_139 : memref<1x64xi32, #tpu.memory_space<vmem>> -> memref<64xi32, #tpu.memory_space<vmem>>
      %dma_wait3A_141 = arith.constant 0 : i32
      %dma_wait3A_142 = arith.constant 0 : i32
      %dma_wait3A_143 = tpu.memref_slice %arg2[%dma_wait3A_141, %dma_wait3A_142] : memref<160000x128xf32, #tpu.memory_space<hbm>> -> memref<160000x128xf32, #tpu.memory_space<hbm>>
      tpu.wait_indirect_dma semaphore(%arg29 : memref<!tpu.dma_semaphore, #tpu.memory_space<semaphore_mem>>) src(%dma_wait3A_143 : memref<160000x128xf32, #tpu.memory_space<hbm>>) dst(%arg16 : memref<64x128xf32, #tpu.memory_space<vmem>>)
      %run_scoped3A_144 = arith.constant 1 : i32
      "tpu.region"() ({
        %run_scoped3A_366 = tpu.sem_alloc : memref<!tpu.dma_semaphore, #tpu.memory_space<semaphore_mem>>
        %dma_start3A_367 = arith.constant 0 : i32
        %dma_start3A_368 = tpu.memref_slice %arg8[%run_scoped3A_144, %dma_start3A_367] : memref<2x64xi32, #tpu.memory_space<vmem>> -> memref<1x64xi32, #tpu.memory_space<vmem>>
        %dma_start3A_369 = tpu.memref_squeeze %dma_start3A_368 : memref<1x64xi32, #tpu.memory_space<vmem>> -> memref<64xi32, #tpu.memory_space<vmem>>
        %dma_start3A_370 = arith.constant 0 : i32
        %dma_start3A_371 = arith.constant 0 : i32
        %dma_start3A_372 = tpu.memref_slice %arg20[%dma_start3A_370, %dma_start3A_371] : memref<10240x128xf32, #tpu.memory_space<vmem_shared>> -> memref<10240x128xf32, #tpu.memory_space<vmem_shared>>
        tpu.enqueue_indirect_dma source(%arg16 : memref<64x128xf32, #tpu.memory_space<vmem>>) target(%dma_start3A_372 : memref<10240x128xf32, #tpu.memory_space<vmem_shared>>) offsets(%dma_start3A_369 : memref<64xi32, #tpu.memory_space<vmem>>) semaphore(%run_scoped3A_366 : memref<!tpu.dma_semaphore, #tpu.memory_space<semaphore_mem>>) {add = true}
        %dma_wait3A_373 = arith.constant 0 : i32
        %dma_wait3A_374 = tpu.memref_slice %arg8[%run_scoped3A_144, %dma_wait3A_373] : memref<2x64xi32, #tpu.memory_space<vmem>> -> memref<1x64xi32, #tpu.memory_space<vmem>>
        %dma_wait3A_375 = tpu.memref_squeeze %dma_wait3A_374 : memref<1x64xi32, #tpu.memory_space<vmem>> -> memref<64xi32, #tpu.memory_space<vmem>>
        %dma_wait3A_376 = arith.constant 0 : i32
        %dma_wait3A_377 = arith.constant 0 : i32
        %dma_wait3A_378 = tpu.memref_slice %arg20[%dma_wait3A_376, %dma_wait3A_377] : memref<10240x128xf32, #tpu.memory_space<vmem_shared>> -> memref<10240x128xf32, #tpu.memory_space<vmem_shared>>
        tpu.wait_indirect_dma semaphore(%run_scoped3A_366 : memref<!tpu.dma_semaphore, #tpu.memory_space<semaphore_mem>>) src(%arg16 : memref<64x128xf32, #tpu.memory_space<vmem>>) dst(%dma_wait3A_378 : memref<10240x128xf32, #tpu.memory_space<vmem_shared>>)
        tpu.yield
      }) : () -> ()
      %add3A_145 = arith.constant 2 : i32
      %add3A_146 = arith.addi %mul3A_137, %add3A_145 : i32
      %lt3A = arith.constant 40 : i32
      %lt3A_147 = arith.cmpi slt, %add3A_146, %lt3A : i32
      %convert_element_type3A = arith.extui %lt3A_147 : i1 to i32
      %cond3A = arith.constant 0 : i32
      %cond3A_148 = arith.cmpi ne, %convert_element_type3A, %cond3A : i32
      scf.if %cond3A_148 {
        %add3A_366 = arith.constant 2 : i32
        %add3A_367 = arith.addi %mul3A_137, %add3A_366 : i32
        %mul3A_368 = arith.constant 4 : i32
        %mul3A_369 = arith.muli %add3A_367, %mul3A_368 : i32
        %add3A_370 = arith.constant 0 : i32
        %add3A_371 = arith.addi %mul3A_369, %add3A_370 : i32
        %dma_start3A_372 = arith.constant 0 : i32
        %dma_start3A_373 = arith.constant 0 : i32
        %dma_start3A_374 = tpu.memref_slice %arg3[%add3A, %add3A_371, %dma_start3A_372, %dma_start3A_373] : memref<32x160x2x64xi32, #tpu.memory_space<hbm>> -> memref<1x1x2x64xi32, #tpu.memory_space<hbm>>
        %dma_start3A_375 = tpu.memref_squeeze %dma_start3A_374 : memref<1x1x2x64xi32, #tpu.memory_space<hbm>> -> memref<2x64xi32, #tpu.memory_space<hbm>>
        %dma_start3A_376 = arith.constant 0 : i32
        %dma_start3A_377 = arith.constant 0 : i32
        %dma_start3A_378 = tpu.memref_slice %arg3[%add3A, %add3A_371, %dma_start3A_376, %dma_start3A_377] : memref<32x160x2x64xi32, #tpu.memory_space<hbm>> -> memref<1x1x2x64xi32, #tpu.memory_space<hbm>>
        %dma_start3A_379 = tpu.memref_squeeze %dma_start3A_378 : memref<1x1x2x64xi32, #tpu.memory_space<hbm>> -> memref<2x64xi32, #tpu.memory_space<hbm>>
        tpu.enqueue_dma source(%dma_start3A_379 : memref<2x64xi32, #tpu.memory_space<hbm>>) target(%arg8 : memref<2x64xi32, #tpu.memory_space<vmem>>) target_semaphore(%arg21 : memref<!tpu.dma_semaphore, #tpu.memory_space<semaphore_mem>>)
      } else {
      }
      %add3A_149 = arith.constant 1 : i32
      %add3A_150 = arith.addi %mul3A_137, %add3A_149 : i32
      %mul3A_151 = arith.constant 4 : i32
      %mul3A_152 = arith.muli %add3A_150, %mul3A_151 : i32
      %add3A_153 = arith.constant 0 : i32
      %add3A_154 = arith.addi %mul3A_152, %add3A_153 : i32
      %dma_wait3A_155 = arith.constant 0 : i32
      %dma_wait3A_156 = arith.constant 0 : i32
      %dma_wait3A_157 = tpu.memref_slice %arg3[%add3A, %add3A_154, %dma_wait3A_155, %dma_wait3A_156] : memref<32x160x2x64xi32, #tpu.memory_space<hbm>> -> memref<1x1x2x64xi32, #tpu.memory_space<hbm>>
      %dma_wait3A_158 = tpu.memref_squeeze %dma_wait3A_157 : memref<1x1x2x64xi32, #tpu.memory_space<hbm>> -> memref<2x64xi32, #tpu.memory_space<hbm>>
      %dma_wait3A_159 = arith.constant 0 : i32
      %dma_wait3A_160 = arith.constant 0 : i32
      %dma_wait3A_161 = tpu.memref_slice %arg3[%add3A, %add3A_154, %dma_wait3A_159, %dma_wait3A_160] : memref<32x160x2x64xi32, #tpu.memory_space<hbm>> -> memref<1x1x2x64xi32, #tpu.memory_space<hbm>>
      %dma_wait3A_162 = tpu.memref_squeeze %dma_wait3A_161 : memref<1x1x2x64xi32, #tpu.memory_space<hbm>> -> memref<2x64xi32, #tpu.memory_space<hbm>>
      tpu.wait_dma2 semaphore(%arg25 : memref<!tpu.dma_semaphore, #tpu.memory_space<semaphore_mem>>) src(%dma_wait3A_162 : memref<2x64xi32, #tpu.memory_space<hbm>>) dst(%arg12 : memref<2x64xi32, #tpu.memory_space<vmem>>)
      %dma_start3A_163 = arith.constant 0 : i32
      %dma_start3A_164 = arith.constant 0 : i32
      %dma_start3A_165 = tpu.memref_slice %arg12[%dma_start3A_163, %dma_start3A_164] : memref<2x64xi32, #tpu.memory_space<vmem>> -> memref<1x64xi32, #tpu.memory_space<vmem>>
      %dma_start3A_166 = tpu.memref_squeeze %dma_start3A_165 : memref<1x64xi32, #tpu.memory_space<vmem>> -> memref<64xi32, #tpu.memory_space<vmem>>
      %dma_start3A_167 = arith.constant 0 : i32
      %dma_start3A_168 = arith.constant 0 : i32
      %dma_start3A_169 = tpu.memref_slice %arg2[%dma_start3A_167, %dma_start3A_168] : memref<160000x128xf32, #tpu.memory_space<hbm>> -> memref<160000x128xf32, #tpu.memory_space<hbm>>
      tpu.enqueue_indirect_dma source(%dma_start3A_169 : memref<160000x128xf32, #tpu.memory_space<hbm>>) target(%arg16 : memref<64x128xf32, #tpu.memory_space<vmem>>) offsets(%dma_start3A_166 : memref<64xi32, #tpu.memory_space<vmem>>) semaphore(%arg29 : memref<!tpu.dma_semaphore, #tpu.memory_space<semaphore_mem>>)
      %dma_wait3A_170 = arith.constant 0 : i32
      %dma_wait3A_171 = arith.constant 0 : i32
      %dma_wait3A_172 = tpu.memref_slice %arg9[%dma_wait3A_170, %dma_wait3A_171] : memref<2x64xi32, #tpu.memory_space<vmem>> -> memref<1x64xi32, #tpu.memory_space<vmem>>
      %dma_wait3A_173 = tpu.memref_squeeze %dma_wait3A_172 : memref<1x64xi32, #tpu.memory_space<vmem>> -> memref<64xi32, #tpu.memory_space<vmem>>
      %dma_wait3A_174 = arith.constant 0 : i32
      %dma_wait3A_175 = arith.constant 0 : i32
      %dma_wait3A_176 = tpu.memref_slice %arg2[%dma_wait3A_174, %dma_wait3A_175] : memref<160000x128xf32, #tpu.memory_space<hbm>> -> memref<160000x128xf32, #tpu.memory_space<hbm>>
      tpu.wait_indirect_dma semaphore(%arg30 : memref<!tpu.dma_semaphore, #tpu.memory_space<semaphore_mem>>) src(%dma_wait3A_176 : memref<160000x128xf32, #tpu.memory_space<hbm>>) dst(%arg17 : memref<64x128xf32, #tpu.memory_space<vmem>>)
      %run_scoped3A_177 = arith.constant 1 : i32
      "tpu.region"() ({
        %run_scoped3A_366 = tpu.sem_alloc : memref<!tpu.dma_semaphore, #tpu.memory_space<semaphore_mem>>
        %dma_start3A_367 = arith.constant 0 : i32
        %dma_start3A_368 = tpu.memref_slice %arg9[%run_scoped3A_177, %dma_start3A_367] : memref<2x64xi32, #tpu.memory_space<vmem>> -> memref<1x64xi32, #tpu.memory_space<vmem>>
        %dma_start3A_369 = tpu.memref_squeeze %dma_start3A_368 : memref<1x64xi32, #tpu.memory_space<vmem>> -> memref<64xi32, #tpu.memory_space<vmem>>
        %dma_start3A_370 = arith.constant 0 : i32
        %dma_start3A_371 = arith.constant 0 : i32
        %dma_start3A_372 = tpu.memref_slice %arg20[%dma_start3A_370, %dma_start3A_371] : memref<10240x128xf32, #tpu.memory_space<vmem_shared>> -> memref<10240x128xf32, #tpu.memory_space<vmem_shared>>
        tpu.enqueue_indirect_dma source(%arg17 : memref<64x128xf32, #tpu.memory_space<vmem>>) target(%dma_start3A_372 : memref<10240x128xf32, #tpu.memory_space<vmem_shared>>) offsets(%dma_start3A_369 : memref<64xi32, #tpu.memory_space<vmem>>) semaphore(%run_scoped3A_366 : memref<!tpu.dma_semaphore, #tpu.memory_space<semaphore_mem>>) {add = true}
        %dma_wait3A_373 = arith.constant 0 : i32
        %dma_wait3A_374 = tpu.memref_slice %arg9[%run_scoped3A_177, %dma_wait3A_373] : memref<2x64xi32, #tpu.memory_space<vmem>> -> memref<1x64xi32, #tpu.memory_space<vmem>>
        %dma_wait3A_375 = tpu.memref_squeeze %dma_wait3A_374 : memref<1x64xi32, #tpu.memory_space<vmem>> -> memref<64xi32, #tpu.memory_space<vmem>>
        %dma_wait3A_376 = arith.constant 0 : i32
        %dma_wait3A_377 = arith.constant 0 : i32
        %dma_wait3A_378 = tpu.memref_slice %arg20[%dma_wait3A_376, %dma_wait3A_377] : memref<10240x128xf32, #tpu.memory_space<vmem_shared>> -> memref<10240x128xf32, #tpu.memory_space<vmem_shared>>
        tpu.wait_indirect_dma semaphore(%run_scoped3A_366 : memref<!tpu.dma_semaphore, #tpu.memory_space<semaphore_mem>>) src(%arg17 : memref<64x128xf32, #tpu.memory_space<vmem>>) dst(%dma_wait3A_378 : memref<10240x128xf32, #tpu.memory_space<vmem_shared>>)
        tpu.yield
      }) : () -> ()
      %add3A_178 = arith.constant 2 : i32
      %add3A_179 = arith.addi %mul3A_137, %add3A_178 : i32
      %lt3A_180 = arith.constant 40 : i32
      %lt3A_181 = arith.cmpi slt, %add3A_179, %lt3A_180 : i32
      %convert_element_type3A_182 = arith.extui %lt3A_181 : i1 to i32
      %cond3A_183 = arith.constant 0 : i32
      %cond3A_184 = arith.cmpi ne, %convert_element_type3A_182, %cond3A_183 : i32
      scf.if %cond3A_184 {
        %add3A_366 = arith.constant 2 : i32
        %add3A_367 = arith.addi %mul3A_137, %add3A_366 : i32
        %mul3A_368 = arith.constant 4 : i32
        %mul3A_369 = arith.muli %add3A_367, %mul3A_368 : i32
        %add3A_370 = arith.constant 1 : i32
        %add3A_371 = arith.addi %mul3A_369, %add3A_370 : i32
        %dma_start3A_372 = arith.constant 0 : i32
        %dma_start3A_373 = arith.constant 0 : i32
        %dma_start3A_374 = tpu.memref_slice %arg3[%add3A, %add3A_371, %dma_start3A_372, %dma_start3A_373] : memref<32x160x2x64xi32, #tpu.memory_space<hbm>> -> memref<1x1x2x64xi32, #tpu.memory_space<hbm>>
        %dma_start3A_375 = tpu.memref_squeeze %dma_start3A_374 : memref<1x1x2x64xi32, #tpu.memory_space<hbm>> -> memref<2x64xi32, #tpu.memory_space<hbm>>
        %dma_start3A_376 = arith.constant 0 : i32
        %dma_start3A_377 = arith.constant 0 : i32
        %dma_start3A_378 = tpu.memref_slice %arg3[%add3A, %add3A_371, %dma_start3A_376, %dma_start3A_377] : memref<32x160x2x64xi32, #tpu.memory_space<hbm>> -> memref<1x1x2x64xi32, #tpu.memory_space<hbm>>
        %dma_start3A_379 = tpu.memref_squeeze %dma_start3A_378 : memref<1x1x2x64xi32, #tpu.memory_space<hbm>> -> memref<2x64xi32, #tpu.memory_space<hbm>>
        tpu.enqueue_dma source(%dma_start3A_379 : memref<2x64xi32, #tpu.memory_space<hbm>>) target(%arg9 : memref<2x64xi32, #tpu.memory_space<vmem>>) target_semaphore(%arg22 : memref<!tpu.dma_semaphore, #tpu.memory_space<semaphore_mem>>)
      } else {
      }
      %add3A_185 = arith.constant 1 : i32
      %add3A_186 = arith.addi %mul3A_137, %add3A_185 : i32
      %mul3A_187 = arith.constant 4 : i32
      %mul3A_188 = arith.muli %add3A_186, %mul3A_187 : i32
      %add3A_189 = arith.constant 1 : i32
      %add3A_190 = arith.addi %mul3A_188, %add3A_189 : i32
      %dma_wait3A_191 = arith.constant 0 : i32
      %dma_wait3A_192 = arith.constant 0 : i32
      %dma_wait3A_193 = tpu.memref_slice %arg3[%add3A, %add3A_190, %dma_wait3A_191, %dma_wait3A_192] : memref<32x160x2x64xi32, #tpu.memory_space<hbm>> -> memref<1x1x2x64xi32, #tpu.memory_space<hbm>>
      %dma_wait3A_194 = tpu.memref_squeeze %dma_wait3A_193 : memref<1x1x2x64xi32, #tpu.memory_space<hbm>> -> memref<2x64xi32, #tpu.memory_space<hbm>>
      %dma_wait3A_195 = arith.constant 0 : i32
      %dma_wait3A_196 = arith.constant 0 : i32
      %dma_wait3A_197 = tpu.memref_slice %arg3[%add3A, %add3A_190, %dma_wait3A_195, %dma_wait3A_196] : memref<32x160x2x64xi32, #tpu.memory_space<hbm>> -> memref<1x1x2x64xi32, #tpu.memory_space<hbm>>
      %dma_wait3A_198 = tpu.memref_squeeze %dma_wait3A_197 : memref<1x1x2x64xi32, #tpu.memory_space<hbm>> -> memref<2x64xi32, #tpu.memory_space<hbm>>
      tpu.wait_dma2 semaphore(%arg26 : memref<!tpu.dma_semaphore, #tpu.memory_space<semaphore_mem>>) src(%dma_wait3A_198 : memref<2x64xi32, #tpu.memory_space<hbm>>) dst(%arg13 : memref<2x64xi32, #tpu.memory_space<vmem>>)
      %dma_start3A_199 = arith.constant 0 : i32
      %dma_start3A_200 = arith.constant 0 : i32
      %dma_start3A_201 = tpu.memref_slice %arg13[%dma_start3A_199, %dma_start3A_200] : memref<2x64xi32, #tpu.memory_space<vmem>> -> memref<1x64xi32, #tpu.memory_space<vmem>>
      %dma_start3A_202 = tpu.memref_squeeze %dma_start3A_201 : memref<1x64xi32, #tpu.memory_space<vmem>> -> memref<64xi32, #tpu.memory_space<vmem>>
      %dma_start3A_203 = arith.constant 0 : i32
      %dma_start3A_204 = arith.constant 0 : i32
      %dma_start3A_205 = tpu.memref_slice %arg2[%dma_start3A_203, %dma_start3A_204] : memref<160000x128xf32, #tpu.memory_space<hbm>> -> memref<160000x128xf32, #tpu.memory_space<hbm>>
      tpu.enqueue_indirect_dma source(%dma_start3A_205 : memref<160000x128xf32, #tpu.memory_space<hbm>>) target(%arg17 : memref<64x128xf32, #tpu.memory_space<vmem>>) offsets(%dma_start3A_202 : memref<64xi32, #tpu.memory_space<vmem>>) semaphore(%arg30 : memref<!tpu.dma_semaphore, #tpu.memory_space<semaphore_mem>>)
      %dma_wait3A_206 = arith.constant 0 : i32
      %dma_wait3A_207 = arith.constant 0 : i32
      %dma_wait3A_208 = tpu.memref_slice %arg10[%dma_wait3A_206, %dma_wait3A_207] : memref<2x64xi32, #tpu.memory_space<vmem>> -> memref<1x64xi32, #tpu.memory_space<vmem>>
      %dma_wait3A_209 = tpu.memref_squeeze %dma_wait3A_208 : memref<1x64xi32, #tpu.memory_space<vmem>> -> memref<64xi32, #tpu.memory_space<vmem>>
      %dma_wait3A_210 = arith.constant 0 : i32
      %dma_wait3A_211 = arith.constant 0 : i32
      %dma_wait3A_212 = tpu.memref_slice %arg2[%dma_wait3A_210, %dma_wait3A_211] : memref<160000x128xf32, #tpu.memory_space<hbm>> -> memref<160000x128xf32, #tpu.memory_space<hbm>>
      tpu.wait_indirect_dma semaphore(%arg31 : memref<!tpu.dma_semaphore, #tpu.memory_space<semaphore_mem>>) src(%dma_wait3A_212 : memref<160000x128xf32, #tpu.memory_space<hbm>>) dst(%arg18 : memref<64x128xf32, #tpu.memory_space<vmem>>)
      %run_scoped3A_213 = arith.constant 1 : i32
      "tpu.region"() ({
        %run_scoped3A_366 = tpu.sem_alloc : memref<!tpu.dma_semaphore, #tpu.memory_space<semaphore_mem>>
        %dma_start3A_367 = arith.constant 0 : i32
        %dma_start3A_368 = tpu.memref_slice %arg10[%run_scoped3A_213, %dma_start3A_367] : memref<2x64xi32, #tpu.memory_space<vmem>> -> memref<1x64xi32, #tpu.memory_space<vmem>>
        %dma_start3A_369 = tpu.memref_squeeze %dma_start3A_368 : memref<1x64xi32, #tpu.memory_space<vmem>> -> memref<64xi32, #tpu.memory_space<vmem>>
        %dma_start3A_370 = arith.constant 0 : i32
        %dma_start3A_371 = arith.constant 0 : i32
        %dma_start3A_372 = tpu.memref_slice %arg20[%dma_start3A_370, %dma_start3A_371] : memref<10240x128xf32, #tpu.memory_space<vmem_shared>> -> memref<10240x128xf32, #tpu.memory_space<vmem_shared>>
        tpu.enqueue_indirect_dma source(%arg18 : memref<64x128xf32, #tpu.memory_space<vmem>>) target(%dma_start3A_372 : memref<10240x128xf32, #tpu.memory_space<vmem_shared>>) offsets(%dma_start3A_369 : memref<64xi32, #tpu.memory_space<vmem>>) semaphore(%run_scoped3A_366 : memref<!tpu.dma_semaphore, #tpu.memory_space<semaphore_mem>>) {add = true}
        %dma_wait3A_373 = arith.constant 0 : i32
        %dma_wait3A_374 = tpu.memref_slice %arg10[%run_scoped3A_213, %dma_wait3A_373] : memref<2x64xi32, #tpu.memory_space<vmem>> -> memref<1x64xi32, #tpu.memory_space<vmem>>
        %dma_wait3A_375 = tpu.memref_squeeze %dma_wait3A_374 : memref<1x64xi32, #tpu.memory_space<vmem>> -> memref<64xi32, #tpu.memory_space<vmem>>
        %dma_wait3A_376 = arith.constant 0 : i32
        %dma_wait3A_377 = arith.constant 0 : i32
        %dma_wait3A_378 = tpu.memref_slice %arg20[%dma_wait3A_376, %dma_wait3A_377] : memref<10240x128xf32, #tpu.memory_space<vmem_shared>> -> memref<10240x128xf32, #tpu.memory_space<vmem_shared>>
        tpu.wait_indirect_dma semaphore(%run_scoped3A_366 : memref<!tpu.dma_semaphore, #tpu.memory_space<semaphore_mem>>) src(%arg18 : memref<64x128xf32, #tpu.memory_space<vmem>>) dst(%dma_wait3A_378 : memref<10240x128xf32, #tpu.memory_space<vmem_shared>>)
        tpu.yield
      }) : () -> ()
      %add3A_214 = arith.constant 2 : i32
      %add3A_215 = arith.addi %mul3A_137, %add3A_214 : i32
      %lt3A_216 = arith.constant 40 : i32
      %lt3A_217 = arith.cmpi slt, %add3A_215, %lt3A_216 : i32
      %convert_element_type3A_218 = arith.extui %lt3A_217 : i1 to i32
      %cond3A_219 = arith.constant 0 : i32
      %cond3A_220 = arith.cmpi ne, %convert_element_type3A_218, %cond3A_219 : i32
      scf.if %cond3A_220 {
        %add3A_366 = arith.constant 2 : i32
        %add3A_367 = arith.addi %mul3A_137, %add3A_366 : i32
        %mul3A_368 = arith.constant 4 : i32
        %mul3A_369 = arith.muli %add3A_367, %mul3A_368 : i32
        %add3A_370 = arith.constant 2 : i32
        %add3A_371 = arith.addi %mul3A_369, %add3A_370 : i32
        %dma_start3A_372 = arith.constant 0 : i32
        %dma_start3A_373 = arith.constant 0 : i32
        %dma_start3A_374 = tpu.memref_slice %arg3[%add3A, %add3A_371, %dma_start3A_372, %dma_start3A_373] : memref<32x160x2x64xi32, #tpu.memory_space<hbm>> -> memref<1x1x2x64xi32, #tpu.memory_space<hbm>>
        %dma_start3A_375 = tpu.memref_squeeze %dma_start3A_374 : memref<1x1x2x64xi32, #tpu.memory_space<hbm>> -> memref<2x64xi32, #tpu.memory_space<hbm>>
        %dma_start3A_376 = arith.constant 0 : i32
        %dma_start3A_377 = arith.constant 0 : i32
        %dma_start3A_378 = tpu.memref_slice %arg3[%add3A, %add3A_371, %dma_start3A_376, %dma_start3A_377] : memref<32x160x2x64xi32, #tpu.memory_space<hbm>> -> memref<1x1x2x64xi32, #tpu.memory_space<hbm>>
        %dma_start3A_379 = tpu.memref_squeeze %dma_start3A_378 : memref<1x1x2x64xi32, #tpu.memory_space<hbm>> -> memref<2x64xi32, #tpu.memory_space<hbm>>
        tpu.enqueue_dma source(%dma_start3A_379 : memref<2x64xi32, #tpu.memory_space<hbm>>) target(%arg10 : memref<2x64xi32, #tpu.memory_space<vmem>>) target_semaphore(%arg23 : memref<!tpu.dma_semaphore, #tpu.memory_space<semaphore_mem>>)
      } else {
      }
      %add3A_221 = arith.constant 1 : i32
      %add3A_222 = arith.addi %mul3A_137, %add3A_221 : i32
      %mul3A_223 = arith.constant 4 : i32
      %mul3A_224 = arith.muli %add3A_222, %mul3A_223 : i32
      %add3A_225 = arith.constant 2 : i32
      %add3A_226 = arith.addi %mul3A_224, %add3A_225 : i32
      %dma_wait3A_227 = arith.constant 0 : i32
      %dma_wait3A_228 = arith.constant 0 : i32
      %dma_wait3A_229 = tpu.memref_slice %arg3[%add3A, %add3A_226, %dma_wait3A_227, %dma_wait3A_228] : memref<32x160x2x64xi32, #tpu.memory_space<hbm>> -> memref<1x1x2x64xi32, #tpu.memory_space<hbm>>
      %dma_wait3A_230 = tpu.memref_squeeze %dma_wait3A_229 : memref<1x1x2x64xi32, #tpu.memory_space<hbm>> -> memref<2x64xi32, #tpu.memory_space<hbm>>
      %dma_wait3A_231 = arith.constant 0 : i32
      %dma_wait3A_232 = arith.constant 0 : i32
      %dma_wait3A_233 = tpu.memref_slice %arg3[%add3A, %add3A_226, %dma_wait3A_231, %dma_wait3A_232] : memref<32x160x2x64xi32, #tpu.memory_space<hbm>> -> memref<1x1x2x64xi32, #tpu.memory_space<hbm>>
      %dma_wait3A_234 = tpu.memref_squeeze %dma_wait3A_233 : memref<1x1x2x64xi32, #tpu.memory_space<hbm>> -> memref<2x64xi32, #tpu.memory_space<hbm>>
      tpu.wait_dma2 semaphore(%arg27 : memref<!tpu.dma_semaphore, #tpu.memory_space<semaphore_mem>>) src(%dma_wait3A_234 : memref<2x64xi32, #tpu.memory_space<hbm>>) dst(%arg14 : memref<2x64xi32, #tpu.memory_space<vmem>>)
      %dma_start3A_235 = arith.constant 0 : i32
      %dma_start3A_236 = arith.constant 0 : i32
      %dma_start3A_237 = tpu.memref_slice %arg14[%dma_start3A_235, %dma_start3A_236] : memref<2x64xi32, #tpu.memory_space<vmem>> -> memref<1x64xi32, #tpu.memory_space<vmem>>
      %dma_start3A_238 = tpu.memref_squeeze %dma_start3A_237 : memref<1x64xi32, #tpu.memory_space<vmem>> -> memref<64xi32, #tpu.memory_space<vmem>>
      %dma_start3A_239 = arith.constant 0 : i32
      %dma_start3A_240 = arith.constant 0 : i32
      %dma_start3A_241 = tpu.memref_slice %arg2[%dma_start3A_239, %dma_start3A_240] : memref<160000x128xf32, #tpu.memory_space<hbm>> -> memref<160000x128xf32, #tpu.memory_space<hbm>>
      tpu.enqueue_indirect_dma source(%dma_start3A_241 : memref<160000x128xf32, #tpu.memory_space<hbm>>) target(%arg18 : memref<64x128xf32, #tpu.memory_space<vmem>>) offsets(%dma_start3A_238 : memref<64xi32, #tpu.memory_space<vmem>>) semaphore(%arg31 : memref<!tpu.dma_semaphore, #tpu.memory_space<semaphore_mem>>)
      %dma_wait3A_242 = arith.constant 0 : i32
      %dma_wait3A_243 = arith.constant 0 : i32
      %dma_wait3A_244 = tpu.memref_slice %arg11[%dma_wait3A_242, %dma_wait3A_243] : memref<2x64xi32, #tpu.memory_space<vmem>> -> memref<1x64xi32, #tpu.memory_space<vmem>>
      %dma_wait3A_245 = tpu.memref_squeeze %dma_wait3A_244 : memref<1x64xi32, #tpu.memory_space<vmem>> -> memref<64xi32, #tpu.memory_space<vmem>>
      %dma_wait3A_246 = arith.constant 0 : i32
      %dma_wait3A_247 = arith.constant 0 : i32
      %dma_wait3A_248 = tpu.memref_slice %arg2[%dma_wait3A_246, %dma_wait3A_247] : memref<160000x128xf32, #tpu.memory_space<hbm>> -> memref<160000x128xf32, #tpu.memory_space<hbm>>
      tpu.wait_indirect_dma semaphore(%arg32 : memref<!tpu.dma_semaphore, #tpu.memory_space<semaphore_mem>>) src(%dma_wait3A_248 : memref<160000x128xf32, #tpu.memory_space<hbm>>) dst(%arg19 : memref<64x128xf32, #tpu.memory_space<vmem>>)
      %run_scoped3A_249 = arith.constant 1 : i32
      "tpu.region"() ({
        %run_scoped3A_366 = tpu.sem_alloc : memref<!tpu.dma_semaphore, #tpu.memory_space<semaphore_mem>>
        %dma_start3A_367 = arith.constant 0 : i32
        %dma_start3A_368 = tpu.memref_slice %arg11[%run_scoped3A_249, %dma_start3A_367] : memref<2x64xi32, #tpu.memory_space<vmem>> -> memref<1x64xi32, #tpu.memory_space<vmem>>
        %dma_start3A_369 = tpu.memref_squeeze %dma_start3A_368 : memref<1x64xi32, #tpu.memory_space<vmem>> -> memref<64xi32, #tpu.memory_space<vmem>>
        %dma_start3A_370 = arith.constant 0 : i32
        %dma_start3A_371 = arith.constant 0 : i32
        %dma_start3A_372 = tpu.memref_slice %arg20[%dma_start3A_370, %dma_start3A_371] : memref<10240x128xf32, #tpu.memory_space<vmem_shared>> -> memref<10240x128xf32, #tpu.memory_space<vmem_shared>>
        tpu.enqueue_indirect_dma source(%arg19 : memref<64x128xf32, #tpu.memory_space<vmem>>) target(%dma_start3A_372 : memref<10240x128xf32, #tpu.memory_space<vmem_shared>>) offsets(%dma_start3A_369 : memref<64xi32, #tpu.memory_space<vmem>>) semaphore(%run_scoped3A_366 : memref<!tpu.dma_semaphore, #tpu.memory_space<semaphore_mem>>) {add = true}
        %dma_wait3A_373 = arith.constant 0 : i32
        %dma_wait3A_374 = tpu.memref_slice %arg11[%run_scoped3A_249, %dma_wait3A_373] : memref<2x64xi32, #tpu.memory_space<vmem>> -> memref<1x64xi32, #tpu.memory_space<vmem>>
        %dma_wait3A_375 = tpu.memref_squeeze %dma_wait3A_374 : memref<1x64xi32, #tpu.memory_space<vmem>> -> memref<64xi32, #tpu.memory_space<vmem>>
        %dma_wait3A_376 = arith.constant 0 : i32
        %dma_wait3A_377 = arith.constant 0 : i32
        %dma_wait3A_378 = tpu.memref_slice %arg20[%dma_wait3A_376, %dma_wait3A_377] : memref<10240x128xf32, #tpu.memory_space<vmem_shared>> -> memref<10240x128xf32, #tpu.memory_space<vmem_shared>>
        tpu.wait_indirect_dma semaphore(%run_scoped3A_366 : memref<!tpu.dma_semaphore, #tpu.memory_space<semaphore_mem>>) src(%arg19 : memref<64x128xf32, #tpu.memory_space<vmem>>) dst(%dma_wait3A_378 : memref<10240x128xf32, #tpu.memory_space<vmem_shared>>)
        tpu.yield
      }) : () -> ()
      %add3A_250 = arith.constant 2 : i32
      %add3A_251 = arith.addi %mul3A_137, %add3A_250 : i32
      %lt3A_252 = arith.constant 40 : i32
      %lt3A_253 = arith.cmpi slt, %add3A_251, %lt3A_252 : i32
      %convert_element_type3A_254 = arith.extui %lt3A_253 : i1 to i32
      %cond3A_255 = arith.constant 0 : i32
      %cond3A_256 = arith.cmpi ne, %convert_element_type3A_254, %cond3A_255 : i32
      scf.if %cond3A_256 {
        %add3A_366 = arith.constant 2 : i32
        %add3A_367 = arith.addi %mul3A_137, %add3A_366 : i32
        %mul3A_368 = arith.constant 4 : i32
        %mul3A_369 = arith.muli %add3A_367, %mul3A_368 : i32
        %add3A_370 = arith.constant 3 : i32
        %add3A_371 = arith.addi %mul3A_369, %add3A_370 : i32
        %dma_start3A_372 = arith.constant 0 : i32
        %dma_start3A_373 = arith.constant 0 : i32
        %dma_start3A_374 = tpu.memref_slice %arg3[%add3A, %add3A_371, %dma_start3A_372, %dma_start3A_373] : memref<32x160x2x64xi32, #tpu.memory_space<hbm>> -> memref<1x1x2x64xi32, #tpu.memory_space<hbm>>
        %dma_start3A_375 = tpu.memref_squeeze %dma_start3A_374 : memref<1x1x2x64xi32, #tpu.memory_space<hbm>> -> memref<2x64xi32, #tpu.memory_space<hbm>>
        %dma_start3A_376 = arith.constant 0 : i32
        %dma_start3A_377 = arith.constant 0 : i32
        %dma_start3A_378 = tpu.memref_slice %arg3[%add3A, %add3A_371, %dma_start3A_376, %dma_start3A_377] : memref<32x160x2x64xi32, #tpu.memory_space<hbm>> -> memref<1x1x2x64xi32, #tpu.memory_space<hbm>>
        %dma_start3A_379 = tpu.memref_squeeze %dma_start3A_378 : memref<1x1x2x64xi32, #tpu.memory_space<hbm>> -> memref<2x64xi32, #tpu.memory_space<hbm>>
        tpu.enqueue_dma source(%dma_start3A_379 : memref<2x64xi32, #tpu.memory_space<hbm>>) target(%arg11 : memref<2x64xi32, #tpu.memory_space<vmem>>) target_semaphore(%arg24 : memref<!tpu.dma_semaphore, #tpu.memory_space<semaphore_mem>>)
      } else {
      }
      %add3A_257 = arith.constant 1 : i32
      %add3A_258 = arith.addi %mul3A_137, %add3A_257 : i32
      %mul3A_259 = arith.constant 4 : i32
      %mul3A_260 = arith.muli %add3A_258, %mul3A_259 : i32
      %add3A_261 = arith.constant 3 : i32
      %add3A_262 = arith.addi %mul3A_260, %add3A_261 : i32
      %dma_wait3A_263 = arith.constant 0 : i32
      %dma_wait3A_264 = arith.constant 0 : i32
      %dma_wait3A_265 = tpu.memref_slice %arg3[%add3A, %add3A_262, %dma_wait3A_263, %dma_wait3A_264] : memref<32x160x2x64xi32, #tpu.memory_space<hbm>> -> memref<1x1x2x64xi32, #tpu.memory_space<hbm>>
      %dma_wait3A_266 = tpu.memref_squeeze %dma_wait3A_265 : memref<1x1x2x64xi32, #tpu.memory_space<hbm>> -> memref<2x64xi32, #tpu.memory_space<hbm>>
      %dma_wait3A_267 = arith.constant 0 : i32
      %dma_wait3A_268 = arith.constant 0 : i32
      %dma_wait3A_269 = tpu.memref_slice %arg3[%add3A, %add3A_262, %dma_wait3A_267, %dma_wait3A_268] : memref<32x160x2x64xi32, #tpu.memory_space<hbm>> -> memref<1x1x2x64xi32, #tpu.memory_space<hbm>>
      %dma_wait3A_270 = tpu.memref_squeeze %dma_wait3A_269 : memref<1x1x2x64xi32, #tpu.memory_space<hbm>> -> memref<2x64xi32, #tpu.memory_space<hbm>>
      tpu.wait_dma2 semaphore(%arg28 : memref<!tpu.dma_semaphore, #tpu.memory_space<semaphore_mem>>) src(%dma_wait3A_270 : memref<2x64xi32, #tpu.memory_space<hbm>>) dst(%arg15 : memref<2x64xi32, #tpu.memory_space<vmem>>)
      %dma_start3A_271 = arith.constant 0 : i32
      %dma_start3A_272 = arith.constant 0 : i32
      %dma_start3A_273 = tpu.memref_slice %arg15[%dma_start3A_271, %dma_start3A_272] : memref<2x64xi32, #tpu.memory_space<vmem>> -> memref<1x64xi32, #tpu.memory_space<vmem>>
      %dma_start3A_274 = tpu.memref_squeeze %dma_start3A_273 : memref<1x64xi32, #tpu.memory_space<vmem>> -> memref<64xi32, #tpu.memory_space<vmem>>
      %dma_start3A_275 = arith.constant 0 : i32
      %dma_start3A_276 = arith.constant 0 : i32
      %dma_start3A_277 = tpu.memref_slice %arg2[%dma_start3A_275, %dma_start3A_276] : memref<160000x128xf32, #tpu.memory_space<hbm>> -> memref<160000x128xf32, #tpu.memory_space<hbm>>
      tpu.enqueue_indirect_dma source(%dma_start3A_277 : memref<160000x128xf32, #tpu.memory_space<hbm>>) target(%arg19 : memref<64x128xf32, #tpu.memory_space<vmem>>) offsets(%dma_start3A_274 : memref<64xi32, #tpu.memory_space<vmem>>) semaphore(%arg32 : memref<!tpu.dma_semaphore, #tpu.memory_space<semaphore_mem>>)
      %dma_wait3A_278 = arith.constant 0 : i32
      %dma_wait3A_279 = arith.constant 0 : i32
      %dma_wait3A_280 = tpu.memref_slice %arg12[%dma_wait3A_278, %dma_wait3A_279] : memref<2x64xi32, #tpu.memory_space<vmem>> -> memref<1x64xi32, #tpu.memory_space<vmem>>
      %dma_wait3A_281 = tpu.memref_squeeze %dma_wait3A_280 : memref<1x64xi32, #tpu.memory_space<vmem>> -> memref<64xi32, #tpu.memory_space<vmem>>
      %dma_wait3A_282 = arith.constant 0 : i32
      %dma_wait3A_283 = arith.constant 0 : i32
      %dma_wait3A_284 = tpu.memref_slice %arg2[%dma_wait3A_282, %dma_wait3A_283] : memref<160000x128xf32, #tpu.memory_space<hbm>> -> memref<160000x128xf32, #tpu.memory_space<hbm>>
      tpu.wait_indirect_dma semaphore(%arg29 : memref<!tpu.dma_semaphore, #tpu.memory_space<semaphore_mem>>) src(%dma_wait3A_284 : memref<160000x128xf32, #tpu.memory_space<hbm>>) dst(%arg16 : memref<64x128xf32, #tpu.memory_space<vmem>>)
      %run_scoped3A_285 = arith.constant 1 : i32
      "tpu.region"() ({
        %run_scoped3A_366 = tpu.sem_alloc : memref<!tpu.dma_semaphore, #tpu.memory_space<semaphore_mem>>
        %dma_start3A_367 = arith.constant 0 : i32
        %dma_start3A_368 = tpu.memref_slice %arg12[%run_scoped3A_285, %dma_start3A_367] : memref<2x64xi32, #tpu.memory_space<vmem>> -> memref<1x64xi32, #tpu.memory_space<vmem>>
        %dma_start3A_369 = tpu.memref_squeeze %dma_start3A_368 : memref<1x64xi32, #tpu.memory_space<vmem>> -> memref<64xi32, #tpu.memory_space<vmem>>
        %dma_start3A_370 = arith.constant 0 : i32
        %dma_start3A_371 = arith.constant 0 : i32
        %dma_start3A_372 = tpu.memref_slice %arg20[%dma_start3A_370, %dma_start3A_371] : memref<10240x128xf32, #tpu.memory_space<vmem_shared>> -> memref<10240x128xf32, #tpu.memory_space<vmem_shared>>
        tpu.enqueue_indirect_dma source(%arg16 : memref<64x128xf32, #tpu.memory_space<vmem>>) target(%dma_start3A_372 : memref<10240x128xf32, #tpu.memory_space<vmem_shared>>) offsets(%dma_start3A_369 : memref<64xi32, #tpu.memory_space<vmem>>) semaphore(%run_scoped3A_366 : memref<!tpu.dma_semaphore, #tpu.memory_space<semaphore_mem>>) {add = true}
        %dma_wait3A_373 = arith.constant 0 : i32
        %dma_wait3A_374 = tpu.memref_slice %arg12[%run_scoped3A_285, %dma_wait3A_373] : memref<2x64xi32, #tpu.memory_space<vmem>> -> memref<1x64xi32, #tpu.memory_space<vmem>>
        %dma_wait3A_375 = tpu.memref_squeeze %dma_wait3A_374 : memref<1x64xi32, #tpu.memory_space<vmem>> -> memref<64xi32, #tpu.memory_space<vmem>>
        %dma_wait3A_376 = arith.constant 0 : i32
        %dma_wait3A_377 = arith.constant 0 : i32
        %dma_wait3A_378 = tpu.memref_slice %arg20[%dma_wait3A_376, %dma_wait3A_377] : memref<10240x128xf32, #tpu.memory_space<vmem_shared>> -> memref<10240x128xf32, #tpu.memory_space<vmem_shared>>
        tpu.wait_indirect_dma semaphore(%run_scoped3A_366 : memref<!tpu.dma_semaphore, #tpu.memory_space<semaphore_mem>>) src(%arg16 : memref<64x128xf32, #tpu.memory_space<vmem>>) dst(%dma_wait3A_378 : memref<10240x128xf32, #tpu.memory_space<vmem_shared>>)
        tpu.yield
      }) : () -> ()
      %add3A_286 = arith.constant 3 : i32
      %add3A_287 = arith.addi %mul3A_137, %add3A_286 : i32
      %lt3A_288 = arith.constant 40 : i32
      %lt3A_289 = arith.cmpi slt, %add3A_287, %lt3A_288 : i32
      %convert_element_type3A_290 = arith.extui %lt3A_289 : i1 to i32
      %cond3A_291 = arith.constant 0 : i32
      %cond3A_292 = arith.cmpi ne, %convert_element_type3A_290, %cond3A_291 : i32
      scf.if %cond3A_292 {
        %add3A_366 = arith.constant 3 : i32
        %add3A_367 = arith.addi %mul3A_137, %add3A_366 : i32
        %mul3A_368 = arith.constant 4 : i32
        %mul3A_369 = arith.muli %add3A_367, %mul3A_368 : i32
        %add3A_370 = arith.constant 0 : i32
        %add3A_371 = arith.addi %mul3A_369, %add3A_370 : i32
        %dma_start3A_372 = arith.constant 0 : i32
        %dma_start3A_373 = arith.constant 0 : i32
        %dma_start3A_374 = tpu.memref_slice %arg3[%add3A, %add3A_371, %dma_start3A_372, %dma_start3A_373] : memref<32x160x2x64xi32, #tpu.memory_space<hbm>> -> memref<1x1x2x64xi32, #tpu.memory_space<hbm>>
        %dma_start3A_375 = tpu.memref_squeeze %dma_start3A_374 : memref<1x1x2x64xi32, #tpu.memory_space<hbm>> -> memref<2x64xi32, #tpu.memory_space<hbm>>
        %dma_start3A_376 = arith.constant 0 : i32
        %dma_start3A_377 = arith.constant 0 : i32
        %dma_start3A_378 = tpu.memref_slice %arg3[%add3A, %add3A_371, %dma_start3A_376, %dma_start3A_377] : memref<32x160x2x64xi32, #tpu.memory_space<hbm>> -> memref<1x1x2x64xi32, #tpu.memory_space<hbm>>
        %dma_start3A_379 = tpu.memref_squeeze %dma_start3A_378 : memref<1x1x2x64xi32, #tpu.memory_space<hbm>> -> memref<2x64xi32, #tpu.memory_space<hbm>>
        tpu.enqueue_dma source(%dma_start3A_379 : memref<2x64xi32, #tpu.memory_space<hbm>>) target(%arg12 : memref<2x64xi32, #tpu.memory_space<vmem>>) target_semaphore(%arg25 : memref<!tpu.dma_semaphore, #tpu.memory_space<semaphore_mem>>)
      } else {
      }
      %add3A_293 = arith.constant 2 : i32
      %add3A_294 = arith.addi %mul3A_137, %add3A_293 : i32
      %lt3A_295 = arith.constant 40 : i32
      %lt3A_296 = arith.cmpi slt, %add3A_294, %lt3A_295 : i32
      %convert_element_type3A_297 = arith.extui %lt3A_296 : i1 to i32
      %cond3A_298 = arith.constant 0 : i32
      %cond3A_299 = arith.cmpi ne, %convert_element_type3A_297, %cond3A_298 : i32
      scf.if %cond3A_299 {
        %add3A_366 = arith.constant 2 : i32
        %add3A_367 = arith.addi %mul3A_137, %add3A_366 : i32
        %mul3A_368 = arith.constant 4 : i32
        %mul3A_369 = arith.muli %add3A_367, %mul3A_368 : i32
        %add3A_370 = arith.constant 0 : i32
        %add3A_371 = arith.addi %mul3A_369, %add3A_370 : i32
        %dma_wait3A_372 = arith.constant 0 : i32
        %dma_wait3A_373 = arith.constant 0 : i32
        %dma_wait3A_374 = tpu.memref_slice %arg3[%add3A, %add3A_371, %dma_wait3A_372, %dma_wait3A_373] : memref<32x160x2x64xi32, #tpu.memory_space<hbm>> -> memref<1x1x2x64xi32, #tpu.memory_space<hbm>>
        %dma_wait3A_375 = tpu.memref_squeeze %dma_wait3A_374 : memref<1x1x2x64xi32, #tpu.memory_space<hbm>> -> memref<2x64xi32, #tpu.memory_space<hbm>>
        %dma_wait3A_376 = arith.constant 0 : i32
        %dma_wait3A_377 = arith.constant 0 : i32
        %dma_wait3A_378 = tpu.memref_slice %arg3[%add3A, %add3A_371, %dma_wait3A_376, %dma_wait3A_377] : memref<32x160x2x64xi32, #tpu.memory_space<hbm>> -> memref<1x1x2x64xi32, #tpu.memory_space<hbm>>
        %dma_wait3A_379 = tpu.memref_squeeze %dma_wait3A_378 : memref<1x1x2x64xi32, #tpu.memory_space<hbm>> -> memref<2x64xi32, #tpu.memory_space<hbm>>
        tpu.wait_dma2 semaphore(%arg21 : memref<!tpu.dma_semaphore, #tpu.memory_space<semaphore_mem>>) src(%dma_wait3A_379 : memref<2x64xi32, #tpu.memory_space<hbm>>) dst(%arg8 : memref<2x64xi32, #tpu.memory_space<vmem>>)
        %dma_start3A_380 = arith.constant 0 : i32
        %dma_start3A_381 = arith.constant 0 : i32
        %dma_start3A_382 = tpu.memref_slice %arg8[%dma_start3A_380, %dma_start3A_381] : memref<2x64xi32, #tpu.memory_space<vmem>> -> memref<1x64xi32, #tpu.memory_space<vmem>>
        %dma_start3A_383 = tpu.memref_squeeze %dma_start3A_382 : memref<1x64xi32, #tpu.memory_space<vmem>> -> memref<64xi32, #tpu.memory_space<vmem>>
        %dma_start3A_384 = arith.constant 0 : i32
        %dma_start3A_385 = arith.constant 0 : i32
        %dma_start3A_386 = tpu.memref_slice %arg2[%dma_start3A_384, %dma_start3A_385] : memref<160000x128xf32, #tpu.memory_space<hbm>> -> memref<160000x128xf32, #tpu.memory_space<hbm>>
        tpu.enqueue_indirect_dma source(%dma_start3A_386 : memref<160000x128xf32, #tpu.memory_space<hbm>>) target(%arg16 : memref<64x128xf32, #tpu.memory_space<vmem>>) offsets(%dma_start3A_383 : memref<64xi32, #tpu.memory_space<vmem>>) semaphore(%arg29 : memref<!tpu.dma_semaphore, #tpu.memory_space<semaphore_mem>>)
      } else {
      }
      %dma_wait3A_300 = arith.constant 0 : i32
      %dma_wait3A_301 = arith.constant 0 : i32
      %dma_wait3A_302 = tpu.memref_slice %arg13[%dma_wait3A_300, %dma_wait3A_301] : memref<2x64xi32, #tpu.memory_space<vmem>> -> memref<1x64xi32, #tpu.memory_space<vmem>>
      %dma_wait3A_303 = tpu.memref_squeeze %dma_wait3A_302 : memref<1x64xi32, #tpu.memory_space<vmem>> -> memref<64xi32, #tpu.memory_space<vmem>>
      %dma_wait3A_304 = arith.constant 0 : i32
      %dma_wait3A_305 = arith.constant 0 : i32
      %dma_wait3A_306 = tpu.memref_slice %arg2[%dma_wait3A_304, %dma_wait3A_305] : memref<160000x128xf32, #tpu.memory_space<hbm>> -> memref<160000x128xf32, #tpu.memory_space<hbm>>
      tpu.wait_indirect_dma semaphore(%arg30 : memref<!tpu.dma_semaphore, #tpu.memory_space<semaphore_mem>>) src(%dma_wait3A_306 : memref<160000x128xf32, #tpu.memory_space<hbm>>) dst(%arg17 : memref<64x128xf32, #tpu.memory_space<vmem>>)
      %run_scoped3A_307 = arith.constant 1 : i32
      "tpu.region"() ({
        %run_scoped3A_366 = tpu.sem_alloc : memref<!tpu.dma_semaphore, #tpu.memory_space<semaphore_mem>>
        %dma_start3A_367 = arith.constant 0 : i32
        %dma_start3A_368 = tpu.memref_slice %arg13[%run_scoped3A_307, %dma_start3A_367] : memref<2x64xi32, #tpu.memory_space<vmem>> -> memref<1x64xi32, #tpu.memory_space<vmem>>
        %dma_start3A_369 = tpu.memref_squeeze %dma_start3A_368 : memref<1x64xi32, #tpu.memory_space<vmem>> -> memref<64xi32, #tpu.memory_space<vmem>>
        %dma_start3A_370 = arith.constant 0 : i32
        %dma_start3A_371 = arith.constant 0 : i32
        %dma_start3A_372 = tpu.memref_slice %arg20[%dma_start3A_370, %dma_start3A_371] : memref<10240x128xf32, #tpu.memory_space<vmem_shared>> -> memref<10240x128xf32, #tpu.memory_space<vmem_shared>>
        tpu.enqueue_indirect_dma source(%arg17 : memref<64x128xf32, #tpu.memory_space<vmem>>) target(%dma_start3A_372 : memref<10240x128xf32, #tpu.memory_space<vmem_shared>>) offsets(%dma_start3A_369 : memref<64xi32, #tpu.memory_space<vmem>>) semaphore(%run_scoped3A_366 : memref<!tpu.dma_semaphore, #tpu.memory_space<semaphore_mem>>) {add = true}
        %dma_wait3A_373 = arith.constant 0 : i32
        %dma_wait3A_374 = tpu.memref_slice %arg13[%run_scoped3A_307, %dma_wait3A_373] : memref<2x64xi32, #tpu.memory_space<vmem>> -> memref<1x64xi32, #tpu.memory_space<vmem>>
        %dma_wait3A_375 = tpu.memref_squeeze %dma_wait3A_374 : memref<1x64xi32, #tpu.memory_space<vmem>> -> memref<64xi32, #tpu.memory_space<vmem>>
        %dma_wait3A_376 = arith.constant 0 : i32
        %dma_wait3A_377 = arith.constant 0 : i32
        %dma_wait3A_378 = tpu.memref_slice %arg20[%dma_wait3A_376, %dma_wait3A_377] : memref<10240x128xf32, #tpu.memory_space<vmem_shared>> -> memref<10240x128xf32, #tpu.memory_space<vmem_shared>>
        tpu.wait_indirect_dma semaphore(%run_scoped3A_366 : memref<!tpu.dma_semaphore, #tpu.memory_space<semaphore_mem>>) src(%arg17 : memref<64x128xf32, #tpu.memory_space<vmem>>) dst(%dma_wait3A_378 : memref<10240x128xf32, #tpu.memory_space<vmem_shared>>)
        tpu.yield
      }) : () -> ()
      %add3A_308 = arith.constant 3 : i32
      %add3A_309 = arith.addi %mul3A_137, %add3A_308 : i32
      %lt3A_310 = arith.constant 40 : i32
      %lt3A_311 = arith.cmpi slt, %add3A_309, %lt3A_310 : i32
      %convert_element_type3A_312 = arith.extui %lt3A_311 : i1 to i32
      %cond3A_313 = arith.constant 0 : i32
      %cond3A_314 = arith.cmpi ne, %convert_element_type3A_312, %cond3A_313 : i32
      scf.if %cond3A_314 {
        %add3A_366 = arith.constant 3 : i32
        %add3A_367 = arith.addi %mul3A_137, %add3A_366 : i32
        %mul3A_368 = arith.constant 4 : i32
        %mul3A_369 = arith.muli %add3A_367, %mul3A_368 : i32
        %add3A_370 = arith.constant 1 : i32
        %add3A_371 = arith.addi %mul3A_369, %add3A_370 : i32
        %dma_start3A_372 = arith.constant 0 : i32
        %dma_start3A_373 = arith.constant 0 : i32
        %dma_start3A_374 = tpu.memref_slice %arg3[%add3A, %add3A_371, %dma_start3A_372, %dma_start3A_373] : memref<32x160x2x64xi32, #tpu.memory_space<hbm>> -> memref<1x1x2x64xi32, #tpu.memory_space<hbm>>
        %dma_start3A_375 = tpu.memref_squeeze %dma_start3A_374 : memref<1x1x2x64xi32, #tpu.memory_space<hbm>> -> memref<2x64xi32, #tpu.memory_space<hbm>>
        %dma_start3A_376 = arith.constant 0 : i32
        %dma_start3A_377 = arith.constant 0 : i32
        %dma_start3A_378 = tpu.memref_slice %arg3[%add3A, %add3A_371, %dma_start3A_376, %dma_start3A_377] : memref<32x160x2x64xi32, #tpu.memory_space<hbm>> -> memref<1x1x2x64xi32, #tpu.memory_space<hbm>>
        %dma_start3A_379 = tpu.memref_squeeze %dma_start3A_378 : memref<1x1x2x64xi32, #tpu.memory_space<hbm>> -> memref<2x64xi32, #tpu.memory_space<hbm>>
        tpu.enqueue_dma source(%dma_start3A_379 : memref<2x64xi32, #tpu.memory_space<hbm>>) target(%arg13 : memref<2x64xi32, #tpu.memory_space<vmem>>) target_semaphore(%arg26 : memref<!tpu.dma_semaphore, #tpu.memory_space<semaphore_mem>>)
      } else {
      }
      %add3A_315 = arith.constant 2 : i32
      %add3A_316 = arith.addi %mul3A_137, %add3A_315 : i32
      %lt3A_317 = arith.constant 40 : i32
      %lt3A_318 = arith.cmpi slt, %add3A_316, %lt3A_317 : i32
      %convert_element_type3A_319 = arith.extui %lt3A_318 : i1 to i32
      %cond3A_320 = arith.constant 0 : i32
      %cond3A_321 = arith.cmpi ne, %convert_element_type3A_319, %cond3A_320 : i32
      scf.if %cond3A_321 {
        %add3A_366 = arith.constant 2 : i32
        %add3A_367 = arith.addi %mul3A_137, %add3A_366 : i32
        %mul3A_368 = arith.constant 4 : i32
        %mul3A_369 = arith.muli %add3A_367, %mul3A_368 : i32
        %add3A_370 = arith.constant 1 : i32
        %add3A_371 = arith.addi %mul3A_369, %add3A_370 : i32
        %dma_wait3A_372 = arith.constant 0 : i32
        %dma_wait3A_373 = arith.constant 0 : i32
        %dma_wait3A_374 = tpu.memref_slice %arg3[%add3A, %add3A_371, %dma_wait3A_372, %dma_wait3A_373] : memref<32x160x2x64xi32, #tpu.memory_space<hbm>> -> memref<1x1x2x64xi32, #tpu.memory_space<hbm>>
        %dma_wait3A_375 = tpu.memref_squeeze %dma_wait3A_374 : memref<1x1x2x64xi32, #tpu.memory_space<hbm>> -> memref<2x64xi32, #tpu.memory_space<hbm>>
        %dma_wait3A_376 = arith.constant 0 : i32
        %dma_wait3A_377 = arith.constant 0 : i32
        %dma_wait3A_378 = tpu.memref_slice %arg3[%add3A, %add3A_371, %dma_wait3A_376, %dma_wait3A_377] : memref<32x160x2x64xi32, #tpu.memory_space<hbm>> -> memref<1x1x2x64xi32, #tpu.memory_space<hbm>>
        %dma_wait3A_379 = tpu.memref_squeeze %dma_wait3A_378 : memref<1x1x2x64xi32, #tpu.memory_space<hbm>> -> memref<2x64xi32, #tpu.memory_space<hbm>>
        tpu.wait_dma2 semaphore(%arg22 : memref<!tpu.dma_semaphore, #tpu.memory_space<semaphore_mem>>) src(%dma_wait3A_379 : memref<2x64xi32, #tpu.memory_space<hbm>>) dst(%arg9 : memref<2x64xi32, #tpu.memory_space<vmem>>)
        %dma_start3A_380 = arith.constant 0 : i32
        %dma_start3A_381 = arith.constant 0 : i32
        %dma_start3A_382 = tpu.memref_slice %arg9[%dma_start3A_380, %dma_start3A_381] : memref<2x64xi32, #tpu.memory_space<vmem>> -> memref<1x64xi32, #tpu.memory_space<vmem>>
        %dma_start3A_383 = tpu.memref_squeeze %dma_start3A_382 : memref<1x64xi32, #tpu.memory_space<vmem>> -> memref<64xi32, #tpu.memory_space<vmem>>
        %dma_start3A_384 = arith.constant 0 : i32
        %dma_start3A_385 = arith.constant 0 : i32
        %dma_start3A_386 = tpu.memref_slice %arg2[%dma_start3A_384, %dma_start3A_385] : memref<160000x128xf32, #tpu.memory_space<hbm>> -> memref<160000x128xf32, #tpu.memory_space<hbm>>
        tpu.enqueue_indirect_dma source(%dma_start3A_386 : memref<160000x128xf32, #tpu.memory_space<hbm>>) target(%arg17 : memref<64x128xf32, #tpu.memory_space<vmem>>) offsets(%dma_start3A_383 : memref<64xi32, #tpu.memory_space<vmem>>) semaphore(%arg30 : memref<!tpu.dma_semaphore, #tpu.memory_space<semaphore_mem>>)
      } else {
      }
      %dma_wait3A_322 = arith.constant 0 : i32
      %dma_wait3A_323 = arith.constant 0 : i32
      %dma_wait3A_324 = tpu.memref_slice %arg14[%dma_wait3A_322, %dma_wait3A_323] : memref<2x64xi32, #tpu.memory_space<vmem>> -> memref<1x64xi32, #tpu.memory_space<vmem>>
      %dma_wait3A_325 = tpu.memref_squeeze %dma_wait3A_324 : memref<1x64xi32, #tpu.memory_space<vmem>> -> memref<64xi32, #tpu.memory_space<vmem>>
      %dma_wait3A_326 = arith.constant 0 : i32
      %dma_wait3A_327 = arith.constant 0 : i32
      %dma_wait3A_328 = tpu.memref_slice %arg2[%dma_wait3A_326, %dma_wait3A_327] : memref<160000x128xf32, #tpu.memory_space<hbm>> -> memref<160000x128xf32, #tpu.memory_space<hbm>>
      tpu.wait_indirect_dma semaphore(%arg31 : memref<!tpu.dma_semaphore, #tpu.memory_space<semaphore_mem>>) src(%dma_wait3A_328 : memref<160000x128xf32, #tpu.memory_space<hbm>>) dst(%arg18 : memref<64x128xf32, #tpu.memory_space<vmem>>)
      %run_scoped3A_329 = arith.constant 1 : i32
      "tpu.region"() ({
        %run_scoped3A_366 = tpu.sem_alloc : memref<!tpu.dma_semaphore, #tpu.memory_space<semaphore_mem>>
        %dma_start3A_367 = arith.constant 0 : i32
        %dma_start3A_368 = tpu.memref_slice %arg14[%run_scoped3A_329, %dma_start3A_367] : memref<2x64xi32, #tpu.memory_space<vmem>> -> memref<1x64xi32, #tpu.memory_space<vmem>>
        %dma_start3A_369 = tpu.memref_squeeze %dma_start3A_368 : memref<1x64xi32, #tpu.memory_space<vmem>> -> memref<64xi32, #tpu.memory_space<vmem>>
        %dma_start3A_370 = arith.constant 0 : i32
        %dma_start3A_371 = arith.constant 0 : i32
        %dma_start3A_372 = tpu.memref_slice %arg20[%dma_start3A_370, %dma_start3A_371] : memref<10240x128xf32, #tpu.memory_space<vmem_shared>> -> memref<10240x128xf32, #tpu.memory_space<vmem_shared>>
        tpu.enqueue_indirect_dma source(%arg18 : memref<64x128xf32, #tpu.memory_space<vmem>>) target(%dma_start3A_372 : memref<10240x128xf32, #tpu.memory_space<vmem_shared>>) offsets(%dma_start3A_369 : memref<64xi32, #tpu.memory_space<vmem>>) semaphore(%run_scoped3A_366 : memref<!tpu.dma_semaphore, #tpu.memory_space<semaphore_mem>>) {add = true}
        %dma_wait3A_373 = arith.constant 0 : i32
        %dma_wait3A_374 = tpu.memref_slice %arg14[%run_scoped3A_329, %dma_wait3A_373] : memref<2x64xi32, #tpu.memory_space<vmem>> -> memref<1x64xi32, #tpu.memory_space<vmem>>
        %dma_wait3A_375 = tpu.memref_squeeze %dma_wait3A_374 : memref<1x64xi32, #tpu.memory_space<vmem>> -> memref<64xi32, #tpu.memory_space<vmem>>
        %dma_wait3A_376 = arith.constant 0 : i32
        %dma_wait3A_377 = arith.constant 0 : i32
        %dma_wait3A_378 = tpu.memref_slice %arg20[%dma_wait3A_376, %dma_wait3A_377] : memref<10240x128xf32, #tpu.memory_space<vmem_shared>> -> memref<10240x128xf32, #tpu.memory_space<vmem_shared>>
        tpu.wait_indirect_dma semaphore(%run_scoped3A_366 : memref<!tpu.dma_semaphore, #tpu.memory_space<semaphore_mem>>) src(%arg18 : memref<64x128xf32, #tpu.memory_space<vmem>>) dst(%dma_wait3A_378 : memref<10240x128xf32, #tpu.memory_space<vmem_shared>>)
        tpu.yield
      }) : () -> ()
      %add3A_330 = arith.constant 3 : i32
      %add3A_331 = arith.addi %mul3A_137, %add3A_330 : i32
      %lt3A_332 = arith.constant 40 : i32
      %lt3A_333 = arith.cmpi slt, %add3A_331, %lt3A_332 : i32
      %convert_element_type3A_334 = arith.extui %lt3A_333 : i1 to i32
      %cond3A_335 = arith.constant 0 : i32
      %cond3A_336 = arith.cmpi ne, %convert_element_type3A_334, %cond3A_335 : i32
      scf.if %cond3A_336 {
        %add3A_366 = arith.constant 3 : i32
        %add3A_367 = arith.addi %mul3A_137, %add3A_366 : i32
        %mul3A_368 = arith.constant 4 : i32
        %mul3A_369 = arith.muli %add3A_367, %mul3A_368 : i32
        %add3A_370 = arith.constant 2 : i32
        %add3A_371 = arith.addi %mul3A_369, %add3A_370 : i32
        %dma_start3A_372 = arith.constant 0 : i32
        %dma_start3A_373 = arith.constant 0 : i32
        %dma_start3A_374 = tpu.memref_slice %arg3[%add3A, %add3A_371, %dma_start3A_372, %dma_start3A_373] : memref<32x160x2x64xi32, #tpu.memory_space<hbm>> -> memref<1x1x2x64xi32, #tpu.memory_space<hbm>>
        %dma_start3A_375 = tpu.memref_squeeze %dma_start3A_374 : memref<1x1x2x64xi32, #tpu.memory_space<hbm>> -> memref<2x64xi32, #tpu.memory_space<hbm>>
        %dma_start3A_376 = arith.constant 0 : i32
        %dma_start3A_377 = arith.constant 0 : i32
        %dma_start3A_378 = tpu.memref_slice %arg3[%add3A, %add3A_371, %dma_start3A_376, %dma_start3A_377] : memref<32x160x2x64xi32, #tpu.memory_space<hbm>> -> memref<1x1x2x64xi32, #tpu.memory_space<hbm>>
        %dma_start3A_379 = tpu.memref_squeeze %dma_start3A_378 : memref<1x1x2x64xi32, #tpu.memory_space<hbm>> -> memref<2x64xi32, #tpu.memory_space<hbm>>
        tpu.enqueue_dma source(%dma_start3A_379 : memref<2x64xi32, #tpu.memory_space<hbm>>) target(%arg14 : memref<2x64xi32, #tpu.memory_space<vmem>>) target_semaphore(%arg27 : memref<!tpu.dma_semaphore, #tpu.memory_space<semaphore_mem>>)
      } else {
      }
      %add3A_337 = arith.constant 2 : i32
      %add3A_338 = arith.addi %mul3A_137, %add3A_337 : i32
      %lt3A_339 = arith.constant 40 : i32
      %lt3A_340 = arith.cmpi slt, %add3A_338, %lt3A_339 : i32
      %convert_element_type3A_341 = arith.extui %lt3A_340 : i1 to i32
      %cond3A_342 = arith.constant 0 : i32
      %cond3A_343 = arith.cmpi ne, %convert_element_type3A_341, %cond3A_342 : i32
      scf.if %cond3A_343 {
        %add3A_366 = arith.constant 2 : i32
        %add3A_367 = arith.addi %mul3A_137, %add3A_366 : i32
        %mul3A_368 = arith.constant 4 : i32
        %mul3A_369 = arith.muli %add3A_367, %mul3A_368 : i32
        %add3A_370 = arith.constant 2 : i32
        %add3A_371 = arith.addi %mul3A_369, %add3A_370 : i32
        %dma_wait3A_372 = arith.constant 0 : i32
        %dma_wait3A_373 = arith.constant 0 : i32
        %dma_wait3A_374 = tpu.memref_slice %arg3[%add3A, %add3A_371, %dma_wait3A_372, %dma_wait3A_373] : memref<32x160x2x64xi32, #tpu.memory_space<hbm>> -> memref<1x1x2x64xi32, #tpu.memory_space<hbm>>
        %dma_wait3A_375 = tpu.memref_squeeze %dma_wait3A_374 : memref<1x1x2x64xi32, #tpu.memory_space<hbm>> -> memref<2x64xi32, #tpu.memory_space<hbm>>
        %dma_wait3A_376 = arith.constant 0 : i32
        %dma_wait3A_377 = arith.constant 0 : i32
        %dma_wait3A_378 = tpu.memref_slice %arg3[%add3A, %add3A_371, %dma_wait3A_376, %dma_wait3A_377] : memref<32x160x2x64xi32, #tpu.memory_space<hbm>> -> memref<1x1x2x64xi32, #tpu.memory_space<hbm>>
        %dma_wait3A_379 = tpu.memref_squeeze %dma_wait3A_378 : memref<1x1x2x64xi32, #tpu.memory_space<hbm>> -> memref<2x64xi32, #tpu.memory_space<hbm>>
        tpu.wait_dma2 semaphore(%arg23 : memref<!tpu.dma_semaphore, #tpu.memory_space<semaphore_mem>>) src(%dma_wait3A_379 : memref<2x64xi32, #tpu.memory_space<hbm>>) dst(%arg10 : memref<2x64xi32, #tpu.memory_space<vmem>>)
        %dma_start3A_380 = arith.constant 0 : i32
        %dma_start3A_381 = arith.constant 0 : i32
        %dma_start3A_382 = tpu.memref_slice %arg10[%dma_start3A_380, %dma_start3A_381] : memref<2x64xi32, #tpu.memory_space<vmem>> -> memref<1x64xi32, #tpu.memory_space<vmem>>
        %dma_start3A_383 = tpu.memref_squeeze %dma_start3A_382 : memref<1x64xi32, #tpu.memory_space<vmem>> -> memref<64xi32, #tpu.memory_space<vmem>>
        %dma_start3A_384 = arith.constant 0 : i32
        %dma_start3A_385 = arith.constant 0 : i32
        %dma_start3A_386 = tpu.memref_slice %arg2[%dma_start3A_384, %dma_start3A_385] : memref<160000x128xf32, #tpu.memory_space<hbm>> -> memref<160000x128xf32, #tpu.memory_space<hbm>>
        tpu.enqueue_indirect_dma source(%dma_start3A_386 : memref<160000x128xf32, #tpu.memory_space<hbm>>) target(%arg18 : memref<64x128xf32, #tpu.memory_space<vmem>>) offsets(%dma_start3A_383 : memref<64xi32, #tpu.memory_space<vmem>>) semaphore(%arg31 : memref<!tpu.dma_semaphore, #tpu.memory_space<semaphore_mem>>)
      } else {
      }
      %dma_wait3A_344 = arith.constant 0 : i32
      %dma_wait3A_345 = arith.constant 0 : i32
      %dma_wait3A_346 = tpu.memref_slice %arg15[%dma_wait3A_344, %dma_wait3A_345] : memref<2x64xi32, #tpu.memory_space<vmem>> -> memref<1x64xi32, #tpu.memory_space<vmem>>
      %dma_wait3A_347 = tpu.memref_squeeze %dma_wait3A_346 : memref<1x64xi32, #tpu.memory_space<vmem>> -> memref<64xi32, #tpu.memory_space<vmem>>
      %dma_wait3A_348 = arith.constant 0 : i32
      %dma_wait3A_349 = arith.constant 0 : i32
      %dma_wait3A_350 = tpu.memref_slice %arg2[%dma_wait3A_348, %dma_wait3A_349] : memref<160000x128xf32, #tpu.memory_space<hbm>> -> memref<160000x128xf32, #tpu.memory_space<hbm>>
      tpu.wait_indirect_dma semaphore(%arg32 : memref<!tpu.dma_semaphore, #tpu.memory_space<semaphore_mem>>) src(%dma_wait3A_350 : memref<160000x128xf32, #tpu.memory_space<hbm>>) dst(%arg19 : memref<64x128xf32, #tpu.memory_space<vmem>>)
      %run_scoped3A_351 = arith.constant 1 : i32
      "tpu.region"() ({
        %run_scoped3A_366 = tpu.sem_alloc : memref<!tpu.dma_semaphore, #tpu.memory_space<semaphore_mem>>
        %dma_start3A_367 = arith.constant 0 : i32
        %dma_start3A_368 = tpu.memref_slice %arg15[%run_scoped3A_351, %dma_start3A_367] : memref<2x64xi32, #tpu.memory_space<vmem>> -> memref<1x64xi32, #tpu.memory_space<vmem>>
        %dma_start3A_369 = tpu.memref_squeeze %dma_start3A_368 : memref<1x64xi32, #tpu.memory_space<vmem>> -> memref<64xi32, #tpu.memory_space<vmem>>
        %dma_start3A_370 = arith.constant 0 : i32
        %dma_start3A_371 = arith.constant 0 : i32
        %dma_start3A_372 = tpu.memref_slice %arg20[%dma_start3A_370, %dma_start3A_371] : memref<10240x128xf32, #tpu.memory_space<vmem_shared>> -> memref<10240x128xf32, #tpu.memory_space<vmem_shared>>
        tpu.enqueue_indirect_dma source(%arg19 : memref<64x128xf32, #tpu.memory_space<vmem>>) target(%dma_start3A_372 : memref<10240x128xf32, #tpu.memory_space<vmem_shared>>) offsets(%dma_start3A_369 : memref<64xi32, #tpu.memory_space<vmem>>) semaphore(%run_scoped3A_366 : memref<!tpu.dma_semaphore, #tpu.memory_space<semaphore_mem>>) {add = true}
        %dma_wait3A_373 = arith.constant 0 : i32
        %dma_wait3A_374 = tpu.memref_slice %arg15[%run_scoped3A_351, %dma_wait3A_373] : memref<2x64xi32, #tpu.memory_space<vmem>> -> memref<1x64xi32, #tpu.memory_space<vmem>>
        %dma_wait3A_375 = tpu.memref_squeeze %dma_wait3A_374 : memref<1x64xi32, #tpu.memory_space<vmem>> -> memref<64xi32, #tpu.memory_space<vmem>>
        %dma_wait3A_376 = arith.constant 0 : i32
        %dma_wait3A_377 = arith.constant 0 : i32
        %dma_wait3A_378 = tpu.memref_slice %arg20[%dma_wait3A_376, %dma_wait3A_377] : memref<10240x128xf32, #tpu.memory_space<vmem_shared>> -> memref<10240x128xf32, #tpu.memory_space<vmem_shared>>
        tpu.wait_indirect_dma semaphore(%run_scoped3A_366 : memref<!tpu.dma_semaphore, #tpu.memory_space<semaphore_mem>>) src(%arg19 : memref<64x128xf32, #tpu.memory_space<vmem>>) dst(%dma_wait3A_378 : memref<10240x128xf32, #tpu.memory_space<vmem_shared>>)
        tpu.yield
      }) : () -> ()
      %add3A_352 = arith.constant 3 : i32
      %add3A_353 = arith.addi %mul3A_137, %add3A_352 : i32
      %lt3A_354 = arith.constant 40 : i32
      %lt3A_355 = arith.cmpi slt, %add3A_353, %lt3A_354 : i32
      %convert_element_type3A_356 = arith.extui %lt3A_355 : i1 to i32
      %cond3A_357 = arith.constant 0 : i32
      %cond3A_358 = arith.cmpi ne, %convert_element_type3A_356, %cond3A_357 : i32
      scf.if %cond3A_358 {
        %add3A_366 = arith.constant 3 : i32
        %add3A_367 = arith.addi %mul3A_137, %add3A_366 : i32
        %mul3A_368 = arith.constant 4 : i32
        %mul3A_369 = arith.muli %add3A_367, %mul3A_368 : i32
        %add3A_370 = arith.constant 3 : i32
        %add3A_371 = arith.addi %mul3A_369, %add3A_370 : i32
        %dma_start3A_372 = arith.constant 0 : i32
        %dma_start3A_373 = arith.constant 0 : i32
        %dma_start3A_374 = tpu.memref_slice %arg3[%add3A, %add3A_371, %dma_start3A_372, %dma_start3A_373] : memref<32x160x2x64xi32, #tpu.memory_space<hbm>> -> memref<1x1x2x64xi32, #tpu.memory_space<hbm>>
        %dma_start3A_375 = tpu.memref_squeeze %dma_start3A_374 : memref<1x1x2x64xi32, #tpu.memory_space<hbm>> -> memref<2x64xi32, #tpu.memory_space<hbm>>
        %dma_start3A_376 = arith.constant 0 : i32
        %dma_start3A_377 = arith.constant 0 : i32
        %dma_start3A_378 = tpu.memref_slice %arg3[%add3A, %add3A_371, %dma_start3A_376, %dma_start3A_377] : memref<32x160x2x64xi32, #tpu.memory_space<hbm>> -> memref<1x1x2x64xi32, #tpu.memory_space<hbm>>
        %dma_start3A_379 = tpu.memref_squeeze %dma_start3A_378 : memref<1x1x2x64xi32, #tpu.memory_space<hbm>> -> memref<2x64xi32, #tpu.memory_space<hbm>>
        tpu.enqueue_dma source(%dma_start3A_379 : memref<2x64xi32, #tpu.memory_space<hbm>>) target(%arg15 : memref<2x64xi32, #tpu.memory_space<vmem>>) target_semaphore(%arg28 : memref<!tpu.dma_semaphore, #tpu.memory_space<semaphore_mem>>)
      } else {
      }
      %add3A_359 = arith.constant 2 : i32
      %add3A_360 = arith.addi %mul3A_137, %add3A_359 : i32
      %lt3A_361 = arith.constant 40 : i32
      %lt3A_362 = arith.cmpi slt, %add3A_360, %lt3A_361 : i32
      %convert_element_type3A_363 = arith.extui %lt3A_362 : i1 to i32
      %cond3A_364 = arith.constant 0 : i32
      %cond3A_365 = arith.cmpi ne, %convert_element_type3A_363, %cond3A_364 : i32
      scf.if %cond3A_365 {
        %add3A_366 = arith.constant 2 : i32
        %add3A_367 = arith.addi %mul3A_137, %add3A_366 : i32
        %mul3A_368 = arith.constant 4 : i32
        %mul3A_369 = arith.muli %add3A_367, %mul3A_368 : i32
        %add3A_370 = arith.constant 3 : i32
        %add3A_371 = arith.addi %mul3A_369, %add3A_370 : i32
        %dma_wait3A_372 = arith.constant 0 : i32
        %dma_wait3A_373 = arith.constant 0 : i32
        %dma_wait3A_374 = tpu.memref_slice %arg3[%add3A, %add3A_371, %dma_wait3A_372, %dma_wait3A_373] : memref<32x160x2x64xi32, #tpu.memory_space<hbm>> -> memref<1x1x2x64xi32, #tpu.memory_space<hbm>>
        %dma_wait3A_375 = tpu.memref_squeeze %dma_wait3A_374 : memref<1x1x2x64xi32, #tpu.memory_space<hbm>> -> memref<2x64xi32, #tpu.memory_space<hbm>>
        %dma_wait3A_376 = arith.constant 0 : i32
        %dma_wait3A_377 = arith.constant 0 : i32
        %dma_wait3A_378 = tpu.memref_slice %arg3[%add3A, %add3A_371, %dma_wait3A_376, %dma_wait3A_377] : memref<32x160x2x64xi32, #tpu.memory_space<hbm>> -> memref<1x1x2x64xi32, #tpu.memory_space<hbm>>
        %dma_wait3A_379 = tpu.memref_squeeze %dma_wait3A_378 : memref<1x1x2x64xi32, #tpu.memory_space<hbm>> -> memref<2x64xi32, #tpu.memory_space<hbm>>
        tpu.wait_dma2 semaphore(%arg24 : memref<!tpu.dma_semaphore, #tpu.memory_space<semaphore_mem>>) src(%dma_wait3A_379 : memref<2x64xi32, #tpu.memory_space<hbm>>) dst(%arg11 : memref<2x64xi32, #tpu.memory_space<vmem>>)
        %dma_start3A_380 = arith.constant 0 : i32
        %dma_start3A_381 = arith.constant 0 : i32
        %dma_start3A_382 = tpu.memref_slice %arg11[%dma_start3A_380, %dma_start3A_381] : memref<2x64xi32, #tpu.memory_space<vmem>> -> memref<1x64xi32, #tpu.memory_space<vmem>>
        %dma_start3A_383 = tpu.memref_squeeze %dma_start3A_382 : memref<1x64xi32, #tpu.memory_space<vmem>> -> memref<64xi32, #tpu.memory_space<vmem>>
        %dma_start3A_384 = arith.constant 0 : i32
        %dma_start3A_385 = arith.constant 0 : i32
        %dma_start3A_386 = tpu.memref_slice %arg2[%dma_start3A_384, %dma_start3A_385] : memref<160000x128xf32, #tpu.memory_space<hbm>> -> memref<160000x128xf32, #tpu.memory_space<hbm>>
        tpu.enqueue_indirect_dma source(%dma_start3A_386 : memref<160000x128xf32, #tpu.memory_space<hbm>>) target(%arg19 : memref<64x128xf32, #tpu.memory_space<vmem>>) offsets(%dma_start3A_383 : memref<64xi32, #tpu.memory_space<vmem>>) semaphore(%arg32 : memref<!tpu.dma_semaphore, #tpu.memory_space<semaphore_mem>>)
      } else {
      }
    }
    %scan3A_93 = arith.constant 20 : i32
    %barrier3A_94 = arith.constant 0 : index
    tpu.barrier barrier_id(%barrier3A_94)
    %add3A_95 = arith.constant 0 : i32
    %add3A_96 = arith.addi %mul3A_2, %add3A_95 : i32
    "tpu.region"() ({
      %run_scoped3A_135 = tpu.sem_alloc : memref<!tpu.dma_semaphore, #tpu.memory_space<semaphore_mem>>
      %dma_start3A_136 = arith.constant 0 : i32
      %dma_start3A_137 = tpu.memref_slice %arg20[%add3A_96, %dma_start3A_136] : memref<10240x128xf32, #tpu.memory_space<vmem_shared>> -> memref<64x128xf32, #tpu.memory_space<vmem_shared>>
      %dma_start3A_138 = arith.constant 0 : i32
      %dma_start3A_139 = tpu.memref_slice %arg20[%add3A_96, %dma_start3A_138] : memref<10240x128xf32, #tpu.memory_space<vmem_shared>> -> memref<64x128xf32, #tpu.memory_space<vmem_shared>>
      tpu.enqueue_dma source(%dma_start3A_139 : memref<64x128xf32, #tpu.memory_space<vmem_shared>>) target(%arg16 : memref<64x128xf32, #tpu.memory_space<vmem>>) target_semaphore(%run_scoped3A_135 : memref<!tpu.dma_semaphore, #tpu.memory_space<semaphore_mem>>)
      %dma_wait3A = arith.constant 0 : i32
      %dma_wait3A_140 = tpu.memref_slice %arg20[%add3A_96, %dma_wait3A] : memref<10240x128xf32, #tpu.memory_space<vmem_shared>> -> memref<64x128xf32, #tpu.memory_space<vmem_shared>>
      %dma_wait3A_141 = arith.constant 0 : i32
      %dma_wait3A_142 = tpu.memref_slice %arg20[%add3A_96, %dma_wait3A_141] : memref<10240x128xf32, #tpu.memory_space<vmem_shared>> -> memref<64x128xf32, #tpu.memory_space<vmem_shared>>
      tpu.wait_dma2 semaphore(%run_scoped3A_135 : memref<!tpu.dma_semaphore, #tpu.memory_space<semaphore_mem>>) src(%dma_wait3A_142 : memref<64x128xf32, #tpu.memory_space<vmem_shared>>) dst(%arg16 : memref<64x128xf32, #tpu.memory_space<vmem>>)
      tpu.yield
    }) : () -> ()
    %add3A_97 = arith.constant 0 : i32
    %add3A_98 = arith.addi %mul3A_2, %add3A_97 : i32
    "tpu.region"() ({
      %run_scoped3A_135 = tpu.sem_alloc : memref<!tpu.dma_semaphore, #tpu.memory_space<semaphore_mem>>
      %dma_start3A_136 = arith.constant 0 : i32
      %dma_start3A_137 = tpu.memref_slice %arg7[%arg0, %add3A_98, %dma_start3A_136] : memref<2x10240x128xf32, #tpu.memory_space<hbm>> -> memref<1x64x128xf32, #tpu.memory_space<hbm>>
      %dma_start3A_138 = tpu.memref_squeeze %dma_start3A_137 : memref<1x64x128xf32, #tpu.memory_space<hbm>> -> memref<64x128xf32, #tpu.memory_space<hbm>>
      %dma_start3A_139 = arith.constant 0 : i32
      %dma_start3A_140 = tpu.memref_slice %arg7[%arg0, %add3A_98, %dma_start3A_139] : memref<2x10240x128xf32, #tpu.memory_space<hbm>> -> memref<1x64x128xf32, #tpu.memory_space<hbm>>
      %dma_start3A_141 = tpu.memref_squeeze %dma_start3A_140 : memref<1x64x128xf32, #tpu.memory_space<hbm>> -> memref<64x128xf32, #tpu.memory_space<hbm>>
      tpu.enqueue_dma source(%arg16 : memref<64x128xf32, #tpu.memory_space<vmem>>) target(%dma_start3A_141 : memref<64x128xf32, #tpu.memory_space<hbm>>) target_semaphore(%run_scoped3A_135 : memref<!tpu.dma_semaphore, #tpu.memory_space<semaphore_mem>>)
      %dma_wait3A = arith.constant 0 : i32
      %dma_wait3A_142 = tpu.memref_slice %arg7[%arg0, %add3A_98, %dma_wait3A] : memref<2x10240x128xf32, #tpu.memory_space<hbm>> -> memref<1x64x128xf32, #tpu.memory_space<hbm>>
      %dma_wait3A_143 = tpu.memref_squeeze %dma_wait3A_142 : memref<1x64x128xf32, #tpu.memory_space<hbm>> -> memref<64x128xf32, #tpu.memory_space<hbm>>
      %dma_wait3A_144 = arith.constant 0 : i32
      %dma_wait3A_145 = tpu.memref_slice %arg7[%arg0, %add3A_98, %dma_wait3A_144] : memref<2x10240x128xf32, #tpu.memory_space<hbm>> -> memref<1x64x128xf32, #tpu.memory_space<hbm>>
      %dma_wait3A_146 = tpu.memref_squeeze %dma_wait3A_145 : memref<1x64x128xf32, #tpu.memory_space<hbm>> -> memref<64x128xf32, #tpu.memory_space<hbm>>
      tpu.wait_dma2 semaphore(%run_scoped3A_135 : memref<!tpu.dma_semaphore, #tpu.memory_space<semaphore_mem>>) src(%arg16 : memref<64x128xf32, #tpu.memory_space<vmem>>) dst(%dma_wait3A_146 : memref<64x128xf32, #tpu.memory_space<hbm>>)
      tpu.yield
    }) : () -> ()
    %add3A_99 = arith.constant 64 : i32
    %add3A_100 = arith.addi %mul3A_2, %add3A_99 : i32
    "tpu.region"() ({
      %run_scoped3A_135 = tpu.sem_alloc : memref<!tpu.dma_semaphore, #tpu.memory_space<semaphore_mem>>
      %dma_start3A_136 = arith.constant 0 : i32
      %dma_start3A_137 = tpu.memref_slice %arg20[%add3A_100, %dma_start3A_136] : memref<10240x128xf32, #tpu.memory_space<vmem_shared>> -> memref<64x128xf32, #tpu.memory_space<vmem_shared>>
      %dma_start3A_138 = arith.constant 0 : i32
      %dma_start3A_139 = tpu.memref_slice %arg20[%add3A_100, %dma_start3A_138] : memref<10240x128xf32, #tpu.memory_space<vmem_shared>> -> memref<64x128xf32, #tpu.memory_space<vmem_shared>>
      tpu.enqueue_dma source(%dma_start3A_139 : memref<64x128xf32, #tpu.memory_space<vmem_shared>>) target(%arg16 : memref<64x128xf32, #tpu.memory_space<vmem>>) target_semaphore(%run_scoped3A_135 : memref<!tpu.dma_semaphore, #tpu.memory_space<semaphore_mem>>)
      %dma_wait3A = arith.constant 0 : i32
      %dma_wait3A_140 = tpu.memref_slice %arg20[%add3A_100, %dma_wait3A] : memref<10240x128xf32, #tpu.memory_space<vmem_shared>> -> memref<64x128xf32, #tpu.memory_space<vmem_shared>>
      %dma_wait3A_141 = arith.constant 0 : i32
      %dma_wait3A_142 = tpu.memref_slice %arg20[%add3A_100, %dma_wait3A_141] : memref<10240x128xf32, #tpu.memory_space<vmem_shared>> -> memref<64x128xf32, #tpu.memory_space<vmem_shared>>
      tpu.wait_dma2 semaphore(%run_scoped3A_135 : memref<!tpu.dma_semaphore, #tpu.memory_space<semaphore_mem>>) src(%dma_wait3A_142 : memref<64x128xf32, #tpu.memory_space<vmem_shared>>) dst(%arg16 : memref<64x128xf32, #tpu.memory_space<vmem>>)
      tpu.yield
    }) : () -> ()
    %add3A_101 = arith.constant 64 : i32
    %add3A_102 = arith.addi %mul3A_2, %add3A_101 : i32
    "tpu.region"() ({
      %run_scoped3A_135 = tpu.sem_alloc : memref<!tpu.dma_semaphore, #tpu.memory_space<semaphore_mem>>
      %dma_start3A_136 = arith.constant 0 : i32
      %dma_start3A_137 = tpu.memref_slice %arg7[%arg0, %add3A_102, %dma_start3A_136] : memref<2x10240x128xf32, #tpu.memory_space<hbm>> -> memref<1x64x128xf32, #tpu.memory_space<hbm>>
      %dma_start3A_138 = tpu.memref_squeeze %dma_start3A_137 : memref<1x64x128xf32, #tpu.memory_space<hbm>> -> memref<64x128xf32, #tpu.memory_space<hbm>>
      %dma_start3A_139 = arith.constant 0 : i32
      %dma_start3A_140 = tpu.memref_slice %arg7[%arg0, %add3A_102, %dma_start3A_139] : memref<2x10240x128xf32, #tpu.memory_space<hbm>> -> memref<1x64x128xf32, #tpu.memory_space<hbm>>
      %dma_start3A_141 = tpu.memref_squeeze %dma_start3A_140 : memref<1x64x128xf32, #tpu.memory_space<hbm>> -> memref<64x128xf32, #tpu.memory_space<hbm>>
      tpu.enqueue_dma source(%arg16 : memref<64x128xf32, #tpu.memory_space<vmem>>) target(%dma_start3A_141 : memref<64x128xf32, #tpu.memory_space<hbm>>) target_semaphore(%run_scoped3A_135 : memref<!tpu.dma_semaphore, #tpu.memory_space<semaphore_mem>>)
      %dma_wait3A = arith.constant 0 : i32
      %dma_wait3A_142 = tpu.memref_slice %arg7[%arg0, %add3A_102, %dma_wait3A] : memref<2x10240x128xf32, #tpu.memory_space<hbm>> -> memref<1x64x128xf32, #tpu.memory_space<hbm>>
      %dma_wait3A_143 = tpu.memref_squeeze %dma_wait3A_142 : memref<1x64x128xf32, #tpu.memory_space<hbm>> -> memref<64x128xf32, #tpu.memory_space<hbm>>
      %dma_wait3A_144 = arith.constant 0 : i32
      %dma_wait3A_145 = tpu.memref_slice %arg7[%arg0, %add3A_102, %dma_wait3A_144] : memref<2x10240x128xf32, #tpu.memory_space<hbm>> -> memref<1x64x128xf32, #tpu.memory_space<hbm>>
      %dma_wait3A_146 = tpu.memref_squeeze %dma_wait3A_145 : memref<1x64x128xf32, #tpu.memory_space<hbm>> -> memref<64x128xf32, #tpu.memory_space<hbm>>
      tpu.wait_dma2 semaphore(%run_scoped3A_135 : memref<!tpu.dma_semaphore, #tpu.memory_space<semaphore_mem>>) src(%arg16 : memref<64x128xf32, #tpu.memory_space<vmem>>) dst(%dma_wait3A_146 : memref<64x128xf32, #tpu.memory_space<hbm>>)
      tpu.yield
    }) : () -> ()
    %add3A_103 = arith.constant 128 : i32
    %add3A_104 = arith.addi %mul3A_2, %add3A_103 : i32
    "tpu.region"() ({
      %run_scoped3A_135 = tpu.sem_alloc : memref<!tpu.dma_semaphore, #tpu.memory_space<semaphore_mem>>
      %dma_start3A_136 = arith.constant 0 : i32
      %dma_start3A_137 = tpu.memref_slice %arg20[%add3A_104, %dma_start3A_136] : memref<10240x128xf32, #tpu.memory_space<vmem_shared>> -> memref<64x128xf32, #tpu.memory_space<vmem_shared>>
      %dma_start3A_138 = arith.constant 0 : i32
      %dma_start3A_139 = tpu.memref_slice %arg20[%add3A_104, %dma_start3A_138] : memref<10240x128xf32, #tpu.memory_space<vmem_shared>> -> memref<64x128xf32, #tpu.memory_space<vmem_shared>>
      tpu.enqueue_dma source(%dma_start3A_139 : memref<64x128xf32, #tpu.memory_space<vmem_shared>>) target(%arg16 : memref<64x128xf32, #tpu.memory_space<vmem>>) target_semaphore(%run_scoped3A_135 : memref<!tpu.dma_semaphore, #tpu.memory_space<semaphore_mem>>)
      %dma_wait3A = arith.constant 0 : i32
      %dma_wait3A_140 = tpu.memref_slice %arg20[%add3A_104, %dma_wait3A] : memref<10240x128xf32, #tpu.memory_space<vmem_shared>> -> memref<64x128xf32, #tpu.memory_space<vmem_shared>>
      %dma_wait3A_141 = arith.constant 0 : i32
      %dma_wait3A_142 = tpu.memref_slice %arg20[%add3A_104, %dma_wait3A_141] : memref<10240x128xf32, #tpu.memory_space<vmem_shared>> -> memref<64x128xf32, #tpu.memory_space<vmem_shared>>
      tpu.wait_dma2 semaphore(%run_scoped3A_135 : memref<!tpu.dma_semaphore, #tpu.memory_space<semaphore_mem>>) src(%dma_wait3A_142 : memref<64x128xf32, #tpu.memory_space<vmem_shared>>) dst(%arg16 : memref<64x128xf32, #tpu.memory_space<vmem>>)
      tpu.yield
    }) : () -> ()
    %add3A_105 = arith.constant 128 : i32
    %add3A_106 = arith.addi %mul3A_2, %add3A_105 : i32
    "tpu.region"() ({
      %run_scoped3A_135 = tpu.sem_alloc : memref<!tpu.dma_semaphore, #tpu.memory_space<semaphore_mem>>
      %dma_start3A_136 = arith.constant 0 : i32
      %dma_start3A_137 = tpu.memref_slice %arg7[%arg0, %add3A_106, %dma_start3A_136] : memref<2x10240x128xf32, #tpu.memory_space<hbm>> -> memref<1x64x128xf32, #tpu.memory_space<hbm>>
      %dma_start3A_138 = tpu.memref_squeeze %dma_start3A_137 : memref<1x64x128xf32, #tpu.memory_space<hbm>> -> memref<64x128xf32, #tpu.memory_space<hbm>>
      %dma_start3A_139 = arith.constant 0 : i32
      %dma_start3A_140 = tpu.memref_slice %arg7[%arg0, %add3A_106, %dma_start3A_139] : memref<2x10240x128xf32, #tpu.memory_space<hbm>> -> memref<1x64x128xf32, #tpu.memory_space<hbm>>
      %dma_start3A_141 = tpu.memref_squeeze %dma_start3A_140 : memref<1x64x128xf32, #tpu.memory_space<hbm>> -> memref<64x128xf32, #tpu.memory_space<hbm>>
      tpu.enqueue_dma source(%arg16 : memref<64x128xf32, #tpu.memory_space<vmem>>) target(%dma_start3A_141 : memref<64x128xf32, #tpu.memory_space<hbm>>) target_semaphore(%run_scoped3A_135 : memref<!tpu.dma_semaphore, #tpu.memory_space<semaphore_mem>>)
      %dma_wait3A = arith.constant 0 : i32
      %dma_wait3A_142 = tpu.memref_slice %arg7[%arg0, %add3A_106, %dma_wait3A] : memref<2x10240x128xf32, #tpu.memory_space<hbm>> -> memref<1x64x128xf32, #tpu.memory_space<hbm>>
      %dma_wait3A_143 = tpu.memref_squeeze %dma_wait3A_142 : memref<1x64x128xf32, #tpu.memory_space<hbm>> -> memref<64x128xf32, #tpu.memory_space<hbm>>
      %dma_wait3A_144 = arith.constant 0 : i32
      %dma_wait3A_145 = tpu.memref_slice %arg7[%arg0, %add3A_106, %dma_wait3A_144] : memref<2x10240x128xf32, #tpu.memory_space<hbm>> -> memref<1x64x128xf32, #tpu.memory_space<hbm>>
      %dma_wait3A_146 = tpu.memref_squeeze %dma_wait3A_145 : memref<1x64x128xf32, #tpu.memory_space<hbm>> -> memref<64x128xf32, #tpu.memory_space<hbm>>
      tpu.wait_dma2 semaphore(%run_scoped3A_135 : memref<!tpu.dma_semaphore, #tpu.memory_space<semaphore_mem>>) src(%arg16 : memref<64x128xf32, #tpu.memory_space<vmem>>) dst(%dma_wait3A_146 : memref<64x128xf32, #tpu.memory_space<hbm>>)
      tpu.yield
    }) : () -> ()
    %add3A_107 = arith.constant 192 : i32
    %add3A_108 = arith.addi %mul3A_2, %add3A_107 : i32
    "tpu.region"() ({
      %run_scoped3A_135 = tpu.sem_alloc : memref<!tpu.dma_semaphore, #tpu.memory_space<semaphore_mem>>
      %dma_start3A_136 = arith.constant 0 : i32
      %dma_start3A_137 = tpu.memref_slice %arg20[%add3A_108, %dma_start3A_136] : memref<10240x128xf32, #tpu.memory_space<vmem_shared>> -> memref<64x128xf32, #tpu.memory_space<vmem_shared>>
      %dma_start3A_138 = arith.constant 0 : i32
      %dma_start3A_139 = tpu.memref_slice %arg20[%add3A_108, %dma_start3A_138] : memref<10240x128xf32, #tpu.memory_space<vmem_shared>> -> memref<64x128xf32, #tpu.memory_space<vmem_shared>>
      tpu.enqueue_dma source(%dma_start3A_139 : memref<64x128xf32, #tpu.memory_space<vmem_shared>>) target(%arg16 : memref<64x128xf32, #tpu.memory_space<vmem>>) target_semaphore(%run_scoped3A_135 : memref<!tpu.dma_semaphore, #tpu.memory_space<semaphore_mem>>)
      %dma_wait3A = arith.constant 0 : i32
      %dma_wait3A_140 = tpu.memref_slice %arg20[%add3A_108, %dma_wait3A] : memref<10240x128xf32, #tpu.memory_space<vmem_shared>> -> memref<64x128xf32, #tpu.memory_space<vmem_shared>>
      %dma_wait3A_141 = arith.constant 0 : i32
      %dma_wait3A_142 = tpu.memref_slice %arg20[%add3A_108, %dma_wait3A_141] : memref<10240x128xf32, #tpu.memory_space<vmem_shared>> -> memref<64x128xf32, #tpu.memory_space<vmem_shared>>
      tpu.wait_dma2 semaphore(%run_scoped3A_135 : memref<!tpu.dma_semaphore, #tpu.memory_space<semaphore_mem>>) src(%dma_wait3A_142 : memref<64x128xf32, #tpu.memory_space<vmem_shared>>) dst(%arg16 : memref<64x128xf32, #tpu.memory_space<vmem>>)
      tpu.yield
    }) : () -> ()
    %add3A_109 = arith.constant 192 : i32
    %add3A_110 = arith.addi %mul3A_2, %add3A_109 : i32
    "tpu.region"() ({
      %run_scoped3A_135 = tpu.sem_alloc : memref<!tpu.dma_semaphore, #tpu.memory_space<semaphore_mem>>
      %dma_start3A_136 = arith.constant 0 : i32
      %dma_start3A_137 = tpu.memref_slice %arg7[%arg0, %add3A_110, %dma_start3A_136] : memref<2x10240x128xf32, #tpu.memory_space<hbm>> -> memref<1x64x128xf32, #tpu.memory_space<hbm>>
      %dma_start3A_138 = tpu.memref_squeeze %dma_start3A_137 : memref<1x64x128xf32, #tpu.memory_space<hbm>> -> memref<64x128xf32, #tpu.memory_space<hbm>>
      %dma_start3A_139 = arith.constant 0 : i32
      %dma_start3A_140 = tpu.memref_slice %arg7[%arg0, %add3A_110, %dma_start3A_139] : memref<2x10240x128xf32, #tpu.memory_space<hbm>> -> memref<1x64x128xf32, #tpu.memory_space<hbm>>
      %dma_start3A_141 = tpu.memref_squeeze %dma_start3A_140 : memref<1x64x128xf32, #tpu.memory_space<hbm>> -> memref<64x128xf32, #tpu.memory_space<hbm>>
      tpu.enqueue_dma source(%arg16 : memref<64x128xf32, #tpu.memory_space<vmem>>) target(%dma_start3A_141 : memref<64x128xf32, #tpu.memory_space<hbm>>) target_semaphore(%run_scoped3A_135 : memref<!tpu.dma_semaphore, #tpu.memory_space<semaphore_mem>>)
      %dma_wait3A = arith.constant 0 : i32
      %dma_wait3A_142 = tpu.memref_slice %arg7[%arg0, %add3A_110, %dma_wait3A] : memref<2x10240x128xf32, #tpu.memory_space<hbm>> -> memref<1x64x128xf32, #tpu.memory_space<hbm>>
      %dma_wait3A_143 = tpu.memref_squeeze %dma_wait3A_142 : memref<1x64x128xf32, #tpu.memory_space<hbm>> -> memref<64x128xf32, #tpu.memory_space<hbm>>
      %dma_wait3A_144 = arith.constant 0 : i32
      %dma_wait3A_145 = tpu.memref_slice %arg7[%arg0, %add3A_110, %dma_wait3A_144] : memref<2x10240x128xf32, #tpu.memory_space<hbm>> -> memref<1x64x128xf32, #tpu.memory_space<hbm>>
      %dma_wait3A_146 = tpu.memref_squeeze %dma_wait3A_145 : memref<1x64x128xf32, #tpu.memory_space<hbm>> -> memref<64x128xf32, #tpu.memory_space<hbm>>
      tpu.wait_dma2 semaphore(%run_scoped3A_135 : memref<!tpu.dma_semaphore, #tpu.memory_space<semaphore_mem>>) src(%arg16 : memref<64x128xf32, #tpu.memory_space<vmem>>) dst(%dma_wait3A_146 : memref<64x128xf32, #tpu.memory_space<hbm>>)
      tpu.yield
    }) : () -> ()
    %add3A_111 = arith.constant 256 : i32
    %add3A_112 = arith.addi %mul3A_2, %add3A_111 : i32
    "tpu.region"() ({
      %run_scoped3A_135 = tpu.sem_alloc : memref<!tpu.dma_semaphore, #tpu.memory_space<semaphore_mem>>
      %dma_start3A_136 = arith.constant 0 : i32
      %dma_start3A_137 = tpu.memref_slice %arg20[%add3A_112, %dma_start3A_136] : memref<10240x128xf32, #tpu.memory_space<vmem_shared>> -> memref<64x128xf32, #tpu.memory_space<vmem_shared>>
      %dma_start3A_138 = arith.constant 0 : i32
      %dma_start3A_139 = tpu.memref_slice %arg20[%add3A_112, %dma_start3A_138] : memref<10240x128xf32, #tpu.memory_space<vmem_shared>> -> memref<64x128xf32, #tpu.memory_space<vmem_shared>>
      tpu.enqueue_dma source(%dma_start3A_139 : memref<64x128xf32, #tpu.memory_space<vmem_shared>>) target(%arg16 : memref<64x128xf32, #tpu.memory_space<vmem>>) target_semaphore(%run_scoped3A_135 : memref<!tpu.dma_semaphore, #tpu.memory_space<semaphore_mem>>)
      %dma_wait3A = arith.constant 0 : i32
      %dma_wait3A_140 = tpu.memref_slice %arg20[%add3A_112, %dma_wait3A] : memref<10240x128xf32, #tpu.memory_space<vmem_shared>> -> memref<64x128xf32, #tpu.memory_space<vmem_shared>>
      %dma_wait3A_141 = arith.constant 0 : i32
      %dma_wait3A_142 = tpu.memref_slice %arg20[%add3A_112, %dma_wait3A_141] : memref<10240x128xf32, #tpu.memory_space<vmem_shared>> -> memref<64x128xf32, #tpu.memory_space<vmem_shared>>
      tpu.wait_dma2 semaphore(%run_scoped3A_135 : memref<!tpu.dma_semaphore, #tpu.memory_space<semaphore_mem>>) src(%dma_wait3A_142 : memref<64x128xf32, #tpu.memory_space<vmem_shared>>) dst(%arg16 : memref<64x128xf32, #tpu.memory_space<vmem>>)
      tpu.yield
    }) : () -> ()
    %add3A_113 = arith.constant 256 : i32
    %add3A_114 = arith.addi %mul3A_2, %add3A_113 : i32
    "tpu.region"() ({
      %run_scoped3A_135 = tpu.sem_alloc : memref<!tpu.dma_semaphore, #tpu.memory_space<semaphore_mem>>
      %dma_start3A_136 = arith.constant 0 : i32
      %dma_start3A_137 = tpu.memref_slice %arg7[%arg0, %add3A_114, %dma_start3A_136] : memref<2x10240x128xf32, #tpu.memory_space<hbm>> -> memref<1x64x128xf32, #tpu.memory_space<hbm>>
      %dma_start3A_138 = tpu.memref_squeeze %dma_start3A_137 : memref<1x64x128xf32, #tpu.memory_space<hbm>> -> memref<64x128xf32, #tpu.memory_space<hbm>>
      %dma_start3A_139 = arith.constant 0 : i32
      %dma_start3A_140 = tpu.memref_slice %arg7[%arg0, %add3A_114, %dma_start3A_139] : memref<2x10240x128xf32, #tpu.memory_space<hbm>> -> memref<1x64x128xf32, #tpu.memory_space<hbm>>
      %dma_start3A_141 = tpu.memref_squeeze %dma_start3A_140 : memref<1x64x128xf32, #tpu.memory_space<hbm>> -> memref<64x128xf32, #tpu.memory_space<hbm>>
      tpu.enqueue_dma source(%arg16 : memref<64x128xf32, #tpu.memory_space<vmem>>) target(%dma_start3A_141 : memref<64x128xf32, #tpu.memory_space<hbm>>) target_semaphore(%run_scoped3A_135 : memref<!tpu.dma_semaphore, #tpu.memory_space<semaphore_mem>>)
      %dma_wait3A = arith.constant 0 : i32
      %dma_wait3A_142 = tpu.memref_slice %arg7[%arg0, %add3A_114, %dma_wait3A] : memref<2x10240x128xf32, #tpu.memory_space<hbm>> -> memref<1x64x128xf32, #tpu.memory_space<hbm>>
      %dma_wait3A_143 = tpu.memref_squeeze %dma_wait3A_142 : memref<1x64x128xf32, #tpu.memory_space<hbm>> -> memref<64x128xf32, #tpu.memory_space<hbm>>
      %dma_wait3A_144 = arith.constant 0 : i32
      %dma_wait3A_145 = tpu.memref_slice %arg7[%arg0, %add3A_114, %dma_wait3A_144] : memref<2x10240x128xf32, #tpu.memory_space<hbm>> -> memref<1x64x128xf32, #tpu.memory_space<hbm>>
      %dma_wait3A_146 = tpu.memref_squeeze %dma_wait3A_145 : memref<1x64x128xf32, #tpu.memory_space<hbm>> -> memref<64x128xf32, #tpu.memory_space<hbm>>
      tpu.wait_dma2 semaphore(%run_scoped3A_135 : memref<!tpu.dma_semaphore, #tpu.memory_space<semaphore_mem>>) src(%arg16 : memref<64x128xf32, #tpu.memory_space<vmem>>) dst(%dma_wait3A_146 : memref<64x128xf32, #tpu.memory_space<hbm>>)
      tpu.yield
    }) : () -> ()
    %add3A_115 = arith.constant 320 : i32
    %add3A_116 = arith.addi %mul3A_2, %add3A_115 : i32
    "tpu.region"() ({
      %run_scoped3A_135 = tpu.sem_alloc : memref<!tpu.dma_semaphore, #tpu.memory_space<semaphore_mem>>
      %dma_start3A_136 = arith.constant 0 : i32
      %dma_start3A_137 = tpu.memref_slice %arg20[%add3A_116, %dma_start3A_136] : memref<10240x128xf32, #tpu.memory_space<vmem_shared>> -> memref<64x128xf32, #tpu.memory_space<vmem_shared>>
      %dma_start3A_138 = arith.constant 0 : i32
      %dma_start3A_139 = tpu.memref_slice %arg20[%add3A_116, %dma_start3A_138] : memref<10240x128xf32, #tpu.memory_space<vmem_shared>> -> memref<64x128xf32, #tpu.memory_space<vmem_shared>>
      tpu.enqueue_dma source(%dma_start3A_139 : memref<64x128xf32, #tpu.memory_space<vmem_shared>>) target(%arg16 : memref<64x128xf32, #tpu.memory_space<vmem>>) target_semaphore(%run_scoped3A_135 : memref<!tpu.dma_semaphore, #tpu.memory_space<semaphore_mem>>)
      %dma_wait3A = arith.constant 0 : i32
      %dma_wait3A_140 = tpu.memref_slice %arg20[%add3A_116, %dma_wait3A] : memref<10240x128xf32, #tpu.memory_space<vmem_shared>> -> memref<64x128xf32, #tpu.memory_space<vmem_shared>>
      %dma_wait3A_141 = arith.constant 0 : i32
      %dma_wait3A_142 = tpu.memref_slice %arg20[%add3A_116, %dma_wait3A_141] : memref<10240x128xf32, #tpu.memory_space<vmem_shared>> -> memref<64x128xf32, #tpu.memory_space<vmem_shared>>
      tpu.wait_dma2 semaphore(%run_scoped3A_135 : memref<!tpu.dma_semaphore, #tpu.memory_space<semaphore_mem>>) src(%dma_wait3A_142 : memref<64x128xf32, #tpu.memory_space<vmem_shared>>) dst(%arg16 : memref<64x128xf32, #tpu.memory_space<vmem>>)
      tpu.yield
    }) : () -> ()
    %add3A_117 = arith.constant 320 : i32
    %add3A_118 = arith.addi %mul3A_2, %add3A_117 : i32
    "tpu.region"() ({
      %run_scoped3A_135 = tpu.sem_alloc : memref<!tpu.dma_semaphore, #tpu.memory_space<semaphore_mem>>
      %dma_start3A_136 = arith.constant 0 : i32
      %dma_start3A_137 = tpu.memref_slice %arg7[%arg0, %add3A_118, %dma_start3A_136] : memref<2x10240x128xf32, #tpu.memory_space<hbm>> -> memref<1x64x128xf32, #tpu.memory_space<hbm>>
      %dma_start3A_138 = tpu.memref_squeeze %dma_start3A_137 : memref<1x64x128xf32, #tpu.memory_space<hbm>> -> memref<64x128xf32, #tpu.memory_space<hbm>>
      %dma_start3A_139 = arith.constant 0 : i32
      %dma_start3A_140 = tpu.memref_slice %arg7[%arg0, %add3A_118, %dma_start3A_139] : memref<2x10240x128xf32, #tpu.memory_space<hbm>> -> memref<1x64x128xf32, #tpu.memory_space<hbm>>
      %dma_start3A_141 = tpu.memref_squeeze %dma_start3A_140 : memref<1x64x128xf32, #tpu.memory_space<hbm>> -> memref<64x128xf32, #tpu.memory_space<hbm>>
      tpu.enqueue_dma source(%arg16 : memref<64x128xf32, #tpu.memory_space<vmem>>) target(%dma_start3A_141 : memref<64x128xf32, #tpu.memory_space<hbm>>) target_semaphore(%run_scoped3A_135 : memref<!tpu.dma_semaphore, #tpu.memory_space<semaphore_mem>>)
      %dma_wait3A = arith.constant 0 : i32
      %dma_wait3A_142 = tpu.memref_slice %arg7[%arg0, %add3A_118, %dma_wait3A] : memref<2x10240x128xf32, #tpu.memory_space<hbm>> -> memref<1x64x128xf32, #tpu.memory_space<hbm>>
      %dma_wait3A_143 = tpu.memref_squeeze %dma_wait3A_142 : memref<1x64x128xf32, #tpu.memory_space<hbm>> -> memref<64x128xf32, #tpu.memory_space<hbm>>
      %dma_wait3A_144 = arith.constant 0 : i32
      %dma_wait3A_145 = tpu.memref_slice %arg7[%arg0, %add3A_118, %dma_wait3A_144] : memref<2x10240x128xf32, #tpu.memory_space<hbm>> -> memref<1x64x128xf32, #tpu.memory_space<hbm>>
      %dma_wait3A_146 = tpu.memref_squeeze %dma_wait3A_145 : memref<1x64x128xf32, #tpu.memory_space<hbm>> -> memref<64x128xf32, #tpu.memory_space<hbm>>
      tpu.wait_dma2 semaphore(%run_scoped3A_135 : memref<!tpu.dma_semaphore, #tpu.memory_space<semaphore_mem>>) src(%arg16 : memref<64x128xf32, #tpu.memory_space<vmem>>) dst(%dma_wait3A_146 : memref<64x128xf32, #tpu.memory_space<hbm>>)
      tpu.yield
    }) : () -> ()
    %add3A_119 = arith.constant 384 : i32
    %add3A_120 = arith.addi %mul3A_2, %add3A_119 : i32
    "tpu.region"() ({
      %run_scoped3A_135 = tpu.sem_alloc : memref<!tpu.dma_semaphore, #tpu.memory_space<semaphore_mem>>
      %dma_start3A_136 = arith.constant 0 : i32
      %dma_start3A_137 = tpu.memref_slice %arg20[%add3A_120, %dma_start3A_136] : memref<10240x128xf32, #tpu.memory_space<vmem_shared>> -> memref<64x128xf32, #tpu.memory_space<vmem_shared>>
      %dma_start3A_138 = arith.constant 0 : i32
      %dma_start3A_139 = tpu.memref_slice %arg20[%add3A_120, %dma_start3A_138] : memref<10240x128xf32, #tpu.memory_space<vmem_shared>> -> memref<64x128xf32, #tpu.memory_space<vmem_shared>>
      tpu.enqueue_dma source(%dma_start3A_139 : memref<64x128xf32, #tpu.memory_space<vmem_shared>>) target(%arg16 : memref<64x128xf32, #tpu.memory_space<vmem>>) target_semaphore(%run_scoped3A_135 : memref<!tpu.dma_semaphore, #tpu.memory_space<semaphore_mem>>)
      %dma_wait3A = arith.constant 0 : i32
      %dma_wait3A_140 = tpu.memref_slice %arg20[%add3A_120, %dma_wait3A] : memref<10240x128xf32, #tpu.memory_space<vmem_shared>> -> memref<64x128xf32, #tpu.memory_space<vmem_shared>>
      %dma_wait3A_141 = arith.constant 0 : i32
      %dma_wait3A_142 = tpu.memref_slice %arg20[%add3A_120, %dma_wait3A_141] : memref<10240x128xf32, #tpu.memory_space<vmem_shared>> -> memref<64x128xf32, #tpu.memory_space<vmem_shared>>
      tpu.wait_dma2 semaphore(%run_scoped3A_135 : memref<!tpu.dma_semaphore, #tpu.memory_space<semaphore_mem>>) src(%dma_wait3A_142 : memref<64x128xf32, #tpu.memory_space<vmem_shared>>) dst(%arg16 : memref<64x128xf32, #tpu.memory_space<vmem>>)
      tpu.yield
    }) : () -> ()
    %add3A_121 = arith.constant 384 : i32
    %add3A_122 = arith.addi %mul3A_2, %add3A_121 : i32
    "tpu.region"() ({
      %run_scoped3A_135 = tpu.sem_alloc : memref<!tpu.dma_semaphore, #tpu.memory_space<semaphore_mem>>
      %dma_start3A_136 = arith.constant 0 : i32
      %dma_start3A_137 = tpu.memref_slice %arg7[%arg0, %add3A_122, %dma_start3A_136] : memref<2x10240x128xf32, #tpu.memory_space<hbm>> -> memref<1x64x128xf32, #tpu.memory_space<hbm>>
      %dma_start3A_138 = tpu.memref_squeeze %dma_start3A_137 : memref<1x64x128xf32, #tpu.memory_space<hbm>> -> memref<64x128xf32, #tpu.memory_space<hbm>>
      %dma_start3A_139 = arith.constant 0 : i32
      %dma_start3A_140 = tpu.memref_slice %arg7[%arg0, %add3A_122, %dma_start3A_139] : memref<2x10240x128xf32, #tpu.memory_space<hbm>> -> memref<1x64x128xf32, #tpu.memory_space<hbm>>
      %dma_start3A_141 = tpu.memref_squeeze %dma_start3A_140 : memref<1x64x128xf32, #tpu.memory_space<hbm>> -> memref<64x128xf32, #tpu.memory_space<hbm>>
      tpu.enqueue_dma source(%arg16 : memref<64x128xf32, #tpu.memory_space<vmem>>) target(%dma_start3A_141 : memref<64x128xf32, #tpu.memory_space<hbm>>) target_semaphore(%run_scoped3A_135 : memref<!tpu.dma_semaphore, #tpu.memory_space<semaphore_mem>>)
      %dma_wait3A = arith.constant 0 : i32
      %dma_wait3A_142 = tpu.memref_slice %arg7[%arg0, %add3A_122, %dma_wait3A] : memref<2x10240x128xf32, #tpu.memory_space<hbm>> -> memref<1x64x128xf32, #tpu.memory_space<hbm>>
      %dma_wait3A_143 = tpu.memref_squeeze %dma_wait3A_142 : memref<1x64x128xf32, #tpu.memory_space<hbm>> -> memref<64x128xf32, #tpu.memory_space<hbm>>
      %dma_wait3A_144 = arith.constant 0 : i32
      %dma_wait3A_145 = tpu.memref_slice %arg7[%arg0, %add3A_122, %dma_wait3A_144] : memref<2x10240x128xf32, #tpu.memory_space<hbm>> -> memref<1x64x128xf32, #tpu.memory_space<hbm>>
      %dma_wait3A_146 = tpu.memref_squeeze %dma_wait3A_145 : memref<1x64x128xf32, #tpu.memory_space<hbm>> -> memref<64x128xf32, #tpu.memory_space<hbm>>
      tpu.wait_dma2 semaphore(%run_scoped3A_135 : memref<!tpu.dma_semaphore, #tpu.memory_space<semaphore_mem>>) src(%arg16 : memref<64x128xf32, #tpu.memory_space<vmem>>) dst(%dma_wait3A_146 : memref<64x128xf32, #tpu.memory_space<hbm>>)
      tpu.yield
    }) : () -> ()
    %add3A_123 = arith.constant 448 : i32
    %add3A_124 = arith.addi %mul3A_2, %add3A_123 : i32
    "tpu.region"() ({
      %run_scoped3A_135 = tpu.sem_alloc : memref<!tpu.dma_semaphore, #tpu.memory_space<semaphore_mem>>
      %dma_start3A_136 = arith.constant 0 : i32
      %dma_start3A_137 = tpu.memref_slice %arg20[%add3A_124, %dma_start3A_136] : memref<10240x128xf32, #tpu.memory_space<vmem_shared>> -> memref<64x128xf32, #tpu.memory_space<vmem_shared>>
      %dma_start3A_138 = arith.constant 0 : i32
      %dma_start3A_139 = tpu.memref_slice %arg20[%add3A_124, %dma_start3A_138] : memref<10240x128xf32, #tpu.memory_space<vmem_shared>> -> memref<64x128xf32, #tpu.memory_space<vmem_shared>>
      tpu.enqueue_dma source(%dma_start3A_139 : memref<64x128xf32, #tpu.memory_space<vmem_shared>>) target(%arg16 : memref<64x128xf32, #tpu.memory_space<vmem>>) target_semaphore(%run_scoped3A_135 : memref<!tpu.dma_semaphore, #tpu.memory_space<semaphore_mem>>)
      %dma_wait3A = arith.constant 0 : i32
      %dma_wait3A_140 = tpu.memref_slice %arg20[%add3A_124, %dma_wait3A] : memref<10240x128xf32, #tpu.memory_space<vmem_shared>> -> memref<64x128xf32, #tpu.memory_space<vmem_shared>>
      %dma_wait3A_141 = arith.constant 0 : i32
      %dma_wait3A_142 = tpu.memref_slice %arg20[%add3A_124, %dma_wait3A_141] : memref<10240x128xf32, #tpu.memory_space<vmem_shared>> -> memref<64x128xf32, #tpu.memory_space<vmem_shared>>
      tpu.wait_dma2 semaphore(%run_scoped3A_135 : memref<!tpu.dma_semaphore, #tpu.memory_space<semaphore_mem>>) src(%dma_wait3A_142 : memref<64x128xf32, #tpu.memory_space<vmem_shared>>) dst(%arg16 : memref<64x128xf32, #tpu.memory_space<vmem>>)
      tpu.yield
    }) : () -> ()
    %add3A_125 = arith.constant 448 : i32
    %add3A_126 = arith.addi %mul3A_2, %add3A_125 : i32
    "tpu.region"() ({
      %run_scoped3A_135 = tpu.sem_alloc : memref<!tpu.dma_semaphore, #tpu.memory_space<semaphore_mem>>
      %dma_start3A_136 = arith.constant 0 : i32
      %dma_start3A_137 = tpu.memref_slice %arg7[%arg0, %add3A_126, %dma_start3A_136] : memref<2x10240x128xf32, #tpu.memory_space<hbm>> -> memref<1x64x128xf32, #tpu.memory_space<hbm>>
      %dma_start3A_138 = tpu.memref_squeeze %dma_start3A_137 : memref<1x64x128xf32, #tpu.memory_space<hbm>> -> memref<64x128xf32, #tpu.memory_space<hbm>>
      %dma_start3A_139 = arith.constant 0 : i32
      %dma_start3A_140 = tpu.memref_slice %arg7[%arg0, %add3A_126, %dma_start3A_139] : memref<2x10240x128xf32, #tpu.memory_space<hbm>> -> memref<1x64x128xf32, #tpu.memory_space<hbm>>
      %dma_start3A_141 = tpu.memref_squeeze %dma_start3A_140 : memref<1x64x128xf32, #tpu.memory_space<hbm>> -> memref<64x128xf32, #tpu.memory_space<hbm>>
      tpu.enqueue_dma source(%arg16 : memref<64x128xf32, #tpu.memory_space<vmem>>) target(%dma_start3A_141 : memref<64x128xf32, #tpu.memory_space<hbm>>) target_semaphore(%run_scoped3A_135 : memref<!tpu.dma_semaphore, #tpu.memory_space<semaphore_mem>>)
      %dma_wait3A = arith.constant 0 : i32
      %dma_wait3A_142 = tpu.memref_slice %arg7[%arg0, %add3A_126, %dma_wait3A] : memref<2x10240x128xf32, #tpu.memory_space<hbm>> -> memref<1x64x128xf32, #tpu.memory_space<hbm>>
      %dma_wait3A_143 = tpu.memref_squeeze %dma_wait3A_142 : memref<1x64x128xf32, #tpu.memory_space<hbm>> -> memref<64x128xf32, #tpu.memory_space<hbm>>
      %dma_wait3A_144 = arith.constant 0 : i32
      %dma_wait3A_145 = tpu.memref_slice %arg7[%arg0, %add3A_126, %dma_wait3A_144] : memref<2x10240x128xf32, #tpu.memory_space<hbm>> -> memref<1x64x128xf32, #tpu.memory_space<hbm>>
      %dma_wait3A_146 = tpu.memref_squeeze %dma_wait3A_145 : memref<1x64x128xf32, #tpu.memory_space<hbm>> -> memref<64x128xf32, #tpu.memory_space<hbm>>
      tpu.wait_dma2 semaphore(%run_scoped3A_135 : memref<!tpu.dma_semaphore, #tpu.memory_space<semaphore_mem>>) src(%arg16 : memref<64x128xf32, #tpu.memory_space<vmem>>) dst(%dma_wait3A_146 : memref<64x128xf32, #tpu.memory_space<hbm>>)
      tpu.yield
    }) : () -> ()
    %add3A_127 = arith.constant 512 : i32
    %add3A_128 = arith.addi %mul3A_2, %add3A_127 : i32
    "tpu.region"() ({
      %run_scoped3A_135 = tpu.sem_alloc : memref<!tpu.dma_semaphore, #tpu.memory_space<semaphore_mem>>
      %dma_start3A_136 = arith.constant 0 : i32
      %dma_start3A_137 = tpu.memref_slice %arg20[%add3A_128, %dma_start3A_136] : memref<10240x128xf32, #tpu.memory_space<vmem_shared>> -> memref<64x128xf32, #tpu.memory_space<vmem_shared>>
      %dma_start3A_138 = arith.constant 0 : i32
      %dma_start3A_139 = tpu.memref_slice %arg20[%add3A_128, %dma_start3A_138] : memref<10240x128xf32, #tpu.memory_space<vmem_shared>> -> memref<64x128xf32, #tpu.memory_space<vmem_shared>>
      tpu.enqueue_dma source(%dma_start3A_139 : memref<64x128xf32, #tpu.memory_space<vmem_shared>>) target(%arg16 : memref<64x128xf32, #tpu.memory_space<vmem>>) target_semaphore(%run_scoped3A_135 : memref<!tpu.dma_semaphore, #tpu.memory_space<semaphore_mem>>)
      %dma_wait3A = arith.constant 0 : i32
      %dma_wait3A_140 = tpu.memref_slice %arg20[%add3A_128, %dma_wait3A] : memref<10240x128xf32, #tpu.memory_space<vmem_shared>> -> memref<64x128xf32, #tpu.memory_space<vmem_shared>>
      %dma_wait3A_141 = arith.constant 0 : i32
      %dma_wait3A_142 = tpu.memref_slice %arg20[%add3A_128, %dma_wait3A_141] : memref<10240x128xf32, #tpu.memory_space<vmem_shared>> -> memref<64x128xf32, #tpu.memory_space<vmem_shared>>
      tpu.wait_dma2 semaphore(%run_scoped3A_135 : memref<!tpu.dma_semaphore, #tpu.memory_space<semaphore_mem>>) src(%dma_wait3A_142 : memref<64x128xf32, #tpu.memory_space<vmem_shared>>) dst(%arg16 : memref<64x128xf32, #tpu.memory_space<vmem>>)
      tpu.yield
    }) : () -> ()
    %add3A_129 = arith.constant 512 : i32
    %add3A_130 = arith.addi %mul3A_2, %add3A_129 : i32
    "tpu.region"() ({
      %run_scoped3A_135 = tpu.sem_alloc : memref<!tpu.dma_semaphore, #tpu.memory_space<semaphore_mem>>
      %dma_start3A_136 = arith.constant 0 : i32
      %dma_start3A_137 = tpu.memref_slice %arg7[%arg0, %add3A_130, %dma_start3A_136] : memref<2x10240x128xf32, #tpu.memory_space<hbm>> -> memref<1x64x128xf32, #tpu.memory_space<hbm>>
      %dma_start3A_138 = tpu.memref_squeeze %dma_start3A_137 : memref<1x64x128xf32, #tpu.memory_space<hbm>> -> memref<64x128xf32, #tpu.memory_space<hbm>>
      %dma_start3A_139 = arith.constant 0 : i32
      %dma_start3A_140 = tpu.memref_slice %arg7[%arg0, %add3A_130, %dma_start3A_139] : memref<2x10240x128xf32, #tpu.memory_space<hbm>> -> memref<1x64x128xf32, #tpu.memory_space<hbm>>
      %dma_start3A_141 = tpu.memref_squeeze %dma_start3A_140 : memref<1x64x128xf32, #tpu.memory_space<hbm>> -> memref<64x128xf32, #tpu.memory_space<hbm>>
      tpu.enqueue_dma source(%arg16 : memref<64x128xf32, #tpu.memory_space<vmem>>) target(%dma_start3A_141 : memref<64x128xf32, #tpu.memory_space<hbm>>) target_semaphore(%run_scoped3A_135 : memref<!tpu.dma_semaphore, #tpu.memory_space<semaphore_mem>>)
      %dma_wait3A = arith.constant 0 : i32
      %dma_wait3A_142 = tpu.memref_slice %arg7[%arg0, %add3A_130, %dma_wait3A] : memref<2x10240x128xf32, #tpu.memory_space<hbm>> -> memref<1x64x128xf32, #tpu.memory_space<hbm>>
      %dma_wait3A_143 = tpu.memref_squeeze %dma_wait3A_142 : memref<1x64x128xf32, #tpu.memory_space<hbm>> -> memref<64x128xf32, #tpu.memory_space<hbm>>
      %dma_wait3A_144 = arith.constant 0 : i32
      %dma_wait3A_145 = tpu.memref_slice %arg7[%arg0, %add3A_130, %dma_wait3A_144] : memref<2x10240x128xf32, #tpu.memory_space<hbm>> -> memref<1x64x128xf32, #tpu.memory_space<hbm>>
      %dma_wait3A_146 = tpu.memref_squeeze %dma_wait3A_145 : memref<1x64x128xf32, #tpu.memory_space<hbm>> -> memref<64x128xf32, #tpu.memory_space<hbm>>
      tpu.wait_dma2 semaphore(%run_scoped3A_135 : memref<!tpu.dma_semaphore, #tpu.memory_space<semaphore_mem>>) src(%arg16 : memref<64x128xf32, #tpu.memory_space<vmem>>) dst(%dma_wait3A_146 : memref<64x128xf32, #tpu.memory_space<hbm>>)
      tpu.yield
    }) : () -> ()
    %add3A_131 = arith.constant 576 : i32
    %add3A_132 = arith.addi %mul3A_2, %add3A_131 : i32
    "tpu.region"() ({
      %run_scoped3A_135 = tpu.sem_alloc : memref<!tpu.dma_semaphore, #tpu.memory_space<semaphore_mem>>
      %dma_start3A_136 = arith.constant 0 : i32
      %dma_start3A_137 = tpu.memref_slice %arg20[%add3A_132, %dma_start3A_136] : memref<10240x128xf32, #tpu.memory_space<vmem_shared>> -> memref<64x128xf32, #tpu.memory_space<vmem_shared>>
      %dma_start3A_138 = arith.constant 0 : i32
      %dma_start3A_139 = tpu.memref_slice %arg20[%add3A_132, %dma_start3A_138] : memref<10240x128xf32, #tpu.memory_space<vmem_shared>> -> memref<64x128xf32, #tpu.memory_space<vmem_shared>>
      tpu.enqueue_dma source(%dma_start3A_139 : memref<64x128xf32, #tpu.memory_space<vmem_shared>>) target(%arg16 : memref<64x128xf32, #tpu.memory_space<vmem>>) target_semaphore(%run_scoped3A_135 : memref<!tpu.dma_semaphore, #tpu.memory_space<semaphore_mem>>)
      %dma_wait3A = arith.constant 0 : i32
      %dma_wait3A_140 = tpu.memref_slice %arg20[%add3A_132, %dma_wait3A] : memref<10240x128xf32, #tpu.memory_space<vmem_shared>> -> memref<64x128xf32, #tpu.memory_space<vmem_shared>>
      %dma_wait3A_141 = arith.constant 0 : i32
      %dma_wait3A_142 = tpu.memref_slice %arg20[%add3A_132, %dma_wait3A_141] : memref<10240x128xf32, #tpu.memory_space<vmem_shared>> -> memref<64x128xf32, #tpu.memory_space<vmem_shared>>
      tpu.wait_dma2 semaphore(%run_scoped3A_135 : memref<!tpu.dma_semaphore, #tpu.memory_space<semaphore_mem>>) src(%dma_wait3A_142 : memref<64x128xf32, #tpu.memory_space<vmem_shared>>) dst(%arg16 : memref<64x128xf32, #tpu.memory_space<vmem>>)
      tpu.yield
    }) : () -> ()
    %add3A_133 = arith.constant 576 : i32
    %add3A_134 = arith.addi %mul3A_2, %add3A_133 : i32
    "tpu.region"() ({
      %run_scoped3A_135 = tpu.sem_alloc : memref<!tpu.dma_semaphore, #tpu.memory_space<semaphore_mem>>
      %dma_start3A_136 = arith.constant 0 : i32
      %dma_start3A_137 = tpu.memref_slice %arg7[%arg0, %add3A_134, %dma_start3A_136] : memref<2x10240x128xf32, #tpu.memory_space<hbm>> -> memref<1x64x128xf32, #tpu.memory_space<hbm>>
      %dma_start3A_138 = tpu.memref_squeeze %dma_start3A_137 : memref<1x64x128xf32, #tpu.memory_space<hbm>> -> memref<64x128xf32, #tpu.memory_space<hbm>>
      %dma_start3A_139 = arith.constant 0 : i32
      %dma_start3A_140 = tpu.memref_slice %arg7[%arg0, %add3A_134, %dma_start3A_139] : memref<2x10240x128xf32, #tpu.memory_space<hbm>> -> memref<1x64x128xf32, #tpu.memory_space<hbm>>
      %dma_start3A_141 = tpu.memref_squeeze %dma_start3A_140 : memref<1x64x128xf32, #tpu.memory_space<hbm>> -> memref<64x128xf32, #tpu.memory_space<hbm>>
      tpu.enqueue_dma source(%arg16 : memref<64x128xf32, #tpu.memory_space<vmem>>) target(%dma_start3A_141 : memref<64x128xf32, #tpu.memory_space<hbm>>) target_semaphore(%run_scoped3A_135 : memref<!tpu.dma_semaphore, #tpu.memory_space<semaphore_mem>>)
      %dma_wait3A = arith.constant 0 : i32
      %dma_wait3A_142 = tpu.memref_slice %arg7[%arg0, %add3A_134, %dma_wait3A] : memref<2x10240x128xf32, #tpu.memory_space<hbm>> -> memref<1x64x128xf32, #tpu.memory_space<hbm>>
      %dma_wait3A_143 = tpu.memref_squeeze %dma_wait3A_142 : memref<1x64x128xf32, #tpu.memory_space<hbm>> -> memref<64x128xf32, #tpu.memory_space<hbm>>
      %dma_wait3A_144 = arith.constant 0 : i32
      %dma_wait3A_145 = tpu.memref_slice %arg7[%arg0, %add3A_134, %dma_wait3A_144] : memref<2x10240x128xf32, #tpu.memory_space<hbm>> -> memref<1x64x128xf32, #tpu.memory_space<hbm>>
      %dma_wait3A_146 = tpu.memref_squeeze %dma_wait3A_145 : memref<1x64x128xf32, #tpu.memory_space<hbm>> -> memref<64x128xf32, #tpu.memory_space<hbm>>
      tpu.wait_dma2 semaphore(%run_scoped3A_135 : memref<!tpu.dma_semaphore, #tpu.memory_space<semaphore_mem>>) src(%arg16 : memref<64x128xf32, #tpu.memory_space<vmem>>) dst(%dma_wait3A_146 : memref<64x128xf32, #tpu.memory_space<hbm>>)
      tpu.yield
    }) : () -> ()
    return
  }
}

module attributes {stable_mosaic.version = 14 : i64} {
  func.func @body(%arg0: i32, %arg1: i32, %arg2: memref<2000x128xf32, #tpu.memory_space<vmem>>, %arg3: memref<1x128x128xf32, #tpu.memory_space<vmem>>, %arg4: memref<2000x128xf32, #tpu.memory_space<vmem>>) attributes {dimension_semantics = [#tpu.dimension_semantics<arbitrary>, #tpu.dimension_semantics<arbitrary>], iteration_bounds = array<i64: 5, 16>, scalar_prefetch = 0 : i64, scratch_operands = 0 : i64, tpu.core_type = #tpu.core_type<tc>, window_params = [{transform_indices = @transform_0, window_bounds = array<i64: 2000, 128>}, {transform_indices = @transform_1, window_bounds = array<i64: 1, 128, 128>}, {transform_indices = @transform_2, window_bounds = array<i64: 2000, 128>}]} {
    %get3A = arith.constant 0 : index
    %get3A_0 = arith.constant 0 : index
    %get3A_1 = vector.load %arg2[%get3A, %get3A_0] : memref<2000x128xf32, #tpu.memory_space<vmem>>, vector<2000x128xf32>
    %get3A_2 = arith.constant 0 : index
    %get3A_3 = arith.constant 0 : index
    %get3A_4 = arith.constant 0 : index
    %get3A_5 = vector.load %arg3[%get3A_2, %get3A_3, %get3A_4] : memref<1x128x128xf32, #tpu.memory_space<vmem>>, vector<1x128x128xf32>
    %get3A_6 = vector.shape_cast %get3A_5 : vector<1x128x128xf32> to vector<128x128xf32>
    %dot_general3A = arith.constant dense<0.000000e+00> : vector<2000x128xf32>
    %dot_general3A_7 = tpu.matmul %get3A_1, %get3A_6, %dot_general3A {dimension_numbers = #tpu.dot_dimension_numbers<[1], [0], [0], [1], [0, 0, 1, 1], [], []>, transpose_lhs_hint = false} : vector<2000x128xf32>, vector<128x128xf32>, vector<2000x128xf32> -> vector<2000x128xf32>
    %swap3A = arith.constant 0 : index
    %swap3A_8 = arith.constant 0 : index
    %swap3A_9 = vector.load %arg4[%swap3A, %swap3A_8] : memref<2000x128xf32, #tpu.memory_space<vmem>>, vector<2000x128xf32>
    tpu.vector_store %arg4[%swap3A, %swap3A_8], %dot_general3A_7 {strides = array<i32>} : memref<2000x128xf32, #tpu.memory_space<vmem>>, vector<2000x128xf32>,
    return
  }
  func.func @transform_0(%arg0: i32, %arg1: i32) -> (i32, i32) {
    %c0_i32 = arith.constant 0 : i32
    %c0_i32_0 = arith.constant 0 : i32
    return %arg0, %c0_i32 : i32, i32
  }
  func.func @transform_1(%arg0: i32, %arg1: i32) -> (i32, i32, i32) {
    %c0_i32 = arith.constant 0 : i32
    %c0_i32_0 = arith.constant 0 : i32
    %c0_i32_1 = arith.constant 0 : i32
    return %arg1, %c0_i32, %c0_i32_0 : i32, i32, i32
  }
  func.func @transform_2(%arg0: i32, %arg1: i32) -> (i32, i32) {
    %mul3A = arith.constant 5 : i32
    %mul3A_0 = arith.muli %arg1, %mul3A : i32
    %add3A = arith.addi %mul3A_0, %arg0 : i32
    %c0_i32 = arith.constant 0 : i32
    %c0_i32_1 = arith.constant 0 : i32
    return %add3A, %c0_i32 : i32, i32
  }
}

module attributes {stable_mosaic.version = 14 : i64} {
  func.func @body(%arg0: i32, %arg1: memref<2x2000x128xf32, #tpu.memory_space<vmem>>, %arg2: memref<2x2000x16xf32, #tpu.memory_space<vmem>>, %arg3: memref<2000x128xf32, #tpu.memory_space<vmem>>, %arg4: memref<128x128xf32, #tpu.memory_space<vmem>>, %arg5: memref<1x128xf32, #tpu.memory_space<vmem>>, %arg6: memref<2000x128xf32, #tpu.memory_space<vmem>>, %arg7: memref<2000x1xf32, #tpu.memory_space<vmem>>) attributes {dimension_semantics = [#tpu.dimension_semantics<arbitrary>], iteration_bounds = array<i64: 5>, scalar_prefetch = 0 : i64, scratch_operands = 0 : i64, tpu.core_type = #tpu.core_type<tc>, window_params = [{transform_indices = @transform_0, window_bounds = array<i64: 2, 2000, 128>}, {transform_indices = @transform_1, window_bounds = array<i64: 2, 2000, 16>}, {transform_indices = @transform_2, window_bounds = array<i64: 2000, 128>}, {pipeline_mode = #tpu.pipeline_mode<synchronous>, transform_indices = @transform_3, window_bounds = array<i64: 128, 128>}, {pipeline_mode = #tpu.pipeline_mode<synchronous>, transform_indices = @transform_4, window_bounds = array<i64: 1, 128>}, {transform_indices = @transform_5, window_bounds = array<i64: 2000, 128>}, {transform_indices = @transform_6, window_bounds = array<i64: 2000, 1>}]} {
    %get3A = arith.constant 0 : index
    %get3A_0 = arith.constant 0 : index
    %get3A_1 = arith.constant 0 : index
    %get3A_2 = vector.load %arg1[%get3A, %get3A_0, %get3A_1] : memref<2x2000x128xf32, #tpu.memory_space<vmem>>, vector<1x2000x128xf32>
    %get3A_3 = vector.shape_cast %get3A_2 : vector<1x2000x128xf32> to vector<2000x128xf32>
    %get3A_4 = arith.constant 1 : index
    %get3A_5 = arith.constant 0 : index
    %get3A_6 = arith.constant 0 : index
    %get3A_7 = vector.load %arg1[%get3A_4, %get3A_5, %get3A_6] : memref<2x2000x128xf32, #tpu.memory_space<vmem>>, vector<1x2000x128xf32>
    %get3A_8 = vector.shape_cast %get3A_7 : vector<1x2000x128xf32> to vector<2000x128xf32>
    %add3A = arith.addf %get3A_3, %get3A_8 : vector<2000x128xf32>
    %get3A_9 = arith.constant 0 : index
    %get3A_10 = arith.constant 0 : index
    %get3A_11 = arith.constant 0 : index
    %get3A_12 = vector.load %arg2[%get3A_9, %get3A_10, %get3A_11] : memref<2x2000x16xf32, #tpu.memory_space<vmem>>, vector<1x2000x16xf32>
    %get3A_13 = vector.shape_cast %get3A_12 : vector<1x2000x16xf32> to vector<2000x16xf32>
    %slice3A = vector.extract_strided_slice %get3A_13 {offsets = [0, 0], sizes = [2000, 1], strides = [1, 1]} : vector<2000x16xf32> to vector<2000x1xf32>
    %get3A_14 = arith.constant 1 : index
    %get3A_15 = arith.constant 0 : index
    %get3A_16 = arith.constant 0 : index
    %get3A_17 = vector.load %arg2[%get3A_14, %get3A_15, %get3A_16] : memref<2x2000x16xf32, #tpu.memory_space<vmem>>, vector<1x2000x16xf32>
    %get3A_18 = vector.shape_cast %get3A_17 : vector<1x2000x16xf32> to vector<2000x16xf32>
    %slice3A_19 = vector.extract_strided_slice %get3A_18 {offsets = [0, 0], sizes = [2000, 1], strides = [1, 1]} : vector<2000x16xf32> to vector<2000x1xf32>
    %add3A_20 = arith.addf %slice3A, %slice3A_19 : vector<2000x1xf32>
    %max3A = arith.constant 1.000000e+00 : f32
    %max3A_21 = vector.broadcast %max3A : f32 to vector<2000x1xf32>
    %max3A_22 = arith.maximumf %add3A_20, %max3A_21 : vector<2000x1xf32>
    %div3A = arith.constant 1.000000e+00 : f32
    %div3A_23 = vector.broadcast %div3A : f32 to vector<2000x1xf32>
    %div3A_24 = arith.divf %div3A_23, %max3A_22 : vector<2000x1xf32>
    %get3A_25 = arith.constant 0 : index
    %get3A_26 = arith.constant 0 : index
    %get3A_27 = vector.load %arg3[%get3A_25, %get3A_26] : memref<2000x128xf32, #tpu.memory_space<vmem>>, vector<2000x128xf32>
    %get3A_28 = arith.constant 0 : index
    %get3A_29 = arith.constant 0 : index
    %get3A_30 = vector.load %arg4[%get3A_28, %get3A_29] : memref<128x128xf32, #tpu.memory_space<vmem>>, vector<128x128xf32>
    %dot_general3A = arith.constant dense<0.000000e+00> : vector<2000x128xf32>
    %dot_general3A_31 = tpu.matmul %get3A_27, %get3A_30, %dot_general3A {dimension_numbers = #tpu.dot_dimension_numbers<[1], [0], [0], [1], [0, 0, 1, 1], [], []>, transpose_lhs_hint = false} : vector<2000x128xf32>, vector<128x128xf32>, vector<2000x128xf32> -> vector<2000x128xf32>
    %mul3A = vector.broadcast %div3A_24 : vector<2000x1xf32> to vector<2000x128xf32>
    %mul3A_32 = arith.mulf %add3A, %mul3A : vector<2000x128xf32>
    %add3A_33 = arith.addf %mul3A_32, %dot_general3A_31 : vector<2000x128xf32>
    %get3A_34 = arith.constant 0 : index
    %get3A_35 = arith.constant 0 : index
    %get3A_36 = vector.load %arg5[%get3A_34, %get3A_35] : memref<1x128xf32, #tpu.memory_space<vmem>>, vector<1x128xf32>
    %add3A_37 = vector.broadcast %get3A_36 : vector<1x128xf32> to vector<2000x128xf32>
    %add3A_38 = arith.addf %add3A_33, %add3A_37 : vector<2000x128xf32>
    %tanh3A = math.tanh %add3A_38 : vector<2000x128xf32>
    %swap3A = arith.constant 0 : index
    %swap3A_39 = arith.constant 0 : index
    %swap3A_40 = vector.load %arg6[%swap3A, %swap3A_39] : memref<2000x128xf32, #tpu.memory_space<vmem>>, vector<2000x128xf32>
    tpu.vector_store %arg6[%swap3A, %swap3A_39], %tanh3A {strides = array<i32>} : memref<2000x128xf32, #tpu.memory_space<vmem>>, vector<2000x128xf32>,
    %swap3A_41 = arith.constant 0 : index
    %swap3A_42 = arith.constant 0 : index
    %swap3A_43 = vector.load %arg7[%swap3A_41, %swap3A_42] : memref<2000x1xf32, #tpu.memory_space<vmem>>, vector<2000x1xf32>
    tpu.vector_store %arg7[%swap3A_41, %swap3A_42], %div3A_24 {strides = array<i32>} : memref<2000x1xf32, #tpu.memory_space<vmem>>, vector<2000x1xf32>,
    return
  }
  func.func @transform_0(%arg0: i32) -> (i32, i32, i32) {
    %c0_i32 = arith.constant 0 : i32
    %c0_i32_0 = arith.constant 0 : i32
    %c0_i32_1 = arith.constant 0 : i32
    return %c0_i32, %arg0, %c0_i32_0 : i32, i32, i32
  }
  func.func @transform_1(%arg0: i32) -> (i32, i32, i32) {
    %c0_i32 = arith.constant 0 : i32
    %c0_i32_0 = arith.constant 0 : i32
    %c0_i32_1 = arith.constant 0 : i32
    return %c0_i32, %arg0, %c0_i32_0 : i32, i32, i32
  }
  func.func @transform_2(%arg0: i32) -> (i32, i32) {
    %c0_i32 = arith.constant 0 : i32
    %c0_i32_0 = arith.constant 0 : i32
    return %arg0, %c0_i32 : i32, i32
  }
  func.func @transform_3(%arg0: i32) -> (i32, i32) {
    %c0_i32 = arith.constant 0 : i32
    %c0_i32_0 = arith.constant 0 : i32
    %c0_i32_1 = arith.constant 0 : i32
    return %c0_i32, %c0_i32_0 : i32, i32
  }
  func.func @transform_4(%arg0: i32) -> (i32, i32) {
    %c0_i32 = arith.constant 0 : i32
    %c0_i32_0 = arith.constant 0 : i32
    %c0_i32_1 = arith.constant 0 : i32
    return %c0_i32, %c0_i32_0 : i32, i32
  }
  func.func @transform_5(%arg0: i32) -> (i32, i32) {
    %c0_i32 = arith.constant 0 : i32
    %c0_i32_0 = arith.constant 0 : i32
    return %arg0, %c0_i32 : i32, i32
  }
  func.func @transform_6(%arg0: i32) -> (i32, i32) {
    %c0_i32 = arith.constant 0 : i32
    %c0_i32_0 = arith.constant 0 : i32
    return %arg0, %c0_i32 : i32, i32
  }
}

module attributes {stable_mosaic.version = 14 : i64} {
  func.func @body(%arg0: i32, %arg1: memref<2x2000x128xf32, #tpu.memory_space<vmem>>, %arg2: memref<2000x1xf32, #tpu.memory_space<vmem>>, %arg3: memref<2000x128xf32, #tpu.memory_space<vmem>>, %arg4: memref<128x128xf32, #tpu.memory_space<vmem>>, %arg5: memref<1x128xf32, #tpu.memory_space<vmem>>, %arg6: memref<2000x128xf32, #tpu.memory_space<vmem>>) attributes {dimension_semantics = [#tpu.dimension_semantics<arbitrary>], iteration_bounds = array<i64: 5>, scalar_prefetch = 0 : i64, scratch_operands = 0 : i64, tpu.core_type = #tpu.core_type<tc>, window_params = [{transform_indices = @transform_0, window_bounds = array<i64: 2, 2000, 128>}, {transform_indices = @transform_1, window_bounds = array<i64: 2000, 1>}, {transform_indices = @transform_2, window_bounds = array<i64: 2000, 128>}, {pipeline_mode = #tpu.pipeline_mode<synchronous>, transform_indices = @transform_3, window_bounds = array<i64: 128, 128>}, {pipeline_mode = #tpu.pipeline_mode<synchronous>, transform_indices = @transform_4, window_bounds = array<i64: 1, 128>}, {transform_indices = @transform_5, window_bounds = array<i64: 2000, 128>}]} {
    %get3A = arith.constant 0 : index
    %get3A_0 = arith.constant 0 : index
    %get3A_1 = arith.constant 0 : index
    %get3A_2 = vector.load %arg1[%get3A, %get3A_0, %get3A_1] : memref<2x2000x128xf32, #tpu.memory_space<vmem>>, vector<1x2000x128xf32>
    %get3A_3 = vector.shape_cast %get3A_2 : vector<1x2000x128xf32> to vector<2000x128xf32>
    %get3A_4 = arith.constant 1 : index
    %get3A_5 = arith.constant 0 : index
    %get3A_6 = arith.constant 0 : index
    %get3A_7 = vector.load %arg1[%get3A_4, %get3A_5, %get3A_6] : memref<2x2000x128xf32, #tpu.memory_space<vmem>>, vector<1x2000x128xf32>
    %get3A_8 = vector.shape_cast %get3A_7 : vector<1x2000x128xf32> to vector<2000x128xf32>
    %add3A = arith.addf %get3A_3, %get3A_8 : vector<2000x128xf32>
    %get3A_9 = arith.constant 0 : index
    %get3A_10 = arith.constant 0 : index
    %get3A_11 = vector.load %arg3[%get3A_9, %get3A_10] : memref<2000x128xf32, #tpu.memory_space<vmem>>, vector<2000x128xf32>
    %get3A_12 = arith.constant 0 : index
    %get3A_13 = arith.constant 0 : index
    %get3A_14 = vector.load %arg4[%get3A_12, %get3A_13] : memref<128x128xf32, #tpu.memory_space<vmem>>, vector<128x128xf32>
    %dot_general3A = arith.constant dense<0.000000e+00> : vector<2000x128xf32>
    %dot_general3A_15 = tpu.matmul %get3A_11, %get3A_14, %dot_general3A {dimension_numbers = #tpu.dot_dimension_numbers<[1], [0], [0], [1], [0, 0, 1, 1], [], []>, transpose_lhs_hint = false} : vector<2000x128xf32>, vector<128x128xf32>, vector<2000x128xf32> -> vector<2000x128xf32>
    %get3A_16 = arith.constant 0 : index
    %get3A_17 = arith.constant 0 : index
    %get3A_18 = vector.load %arg2[%get3A_16, %get3A_17] : memref<2000x1xf32, #tpu.memory_space<vmem>>, vector<2000x1xf32>
    %mul3A = vector.broadcast %get3A_18 : vector<2000x1xf32> to vector<2000x128xf32>
    %mul3A_19 = arith.mulf %add3A, %mul3A : vector<2000x128xf32>
    %add3A_20 = arith.addf %mul3A_19, %dot_general3A_15 : vector<2000x128xf32>
    %get3A_21 = arith.constant 0 : index
    %get3A_22 = arith.constant 0 : index
    %get3A_23 = vector.load %arg5[%get3A_21, %get3A_22] : memref<1x128xf32, #tpu.memory_space<vmem>>, vector<1x128xf32>
    %add3A_24 = vector.broadcast %get3A_23 : vector<1x128xf32> to vector<2000x128xf32>
    %add3A_25 = arith.addf %add3A_20, %add3A_24 : vector<2000x128xf32>
    %tanh3A = math.tanh %add3A_25 : vector<2000x128xf32>
    %swap3A = arith.constant 0 : index
    %swap3A_26 = arith.constant 0 : index
    %swap3A_27 = vector.load %arg6[%swap3A, %swap3A_26] : memref<2000x128xf32, #tpu.memory_space<vmem>>, vector<2000x128xf32>
    tpu.vector_store %arg6[%swap3A, %swap3A_26], %tanh3A {strides = array<i32>} : memref<2000x128xf32, #tpu.memory_space<vmem>>, vector<2000x128xf32>,
    return
  }
  func.func @transform_0(%arg0: i32) -> (i32, i32, i32) {
    %c0_i32 = arith.constant 0 : i32
    %c0_i32_0 = arith.constant 0 : i32
    %c0_i32_1 = arith.constant 0 : i32
    return %c0_i32, %arg0, %c0_i32_0 : i32, i32, i32
  }
  func.func @transform_1(%arg0: i32) -> (i32, i32) {
    %c0_i32 = arith.constant 0 : i32
    %c0_i32_0 = arith.constant 0 : i32
    return %arg0, %c0_i32 : i32, i32
  }
  func.func @transform_2(%arg0: i32) -> (i32, i32) {
    %c0_i32 = arith.constant 0 : i32
    %c0_i32_0 = arith.constant 0 : i32
    return %arg0, %c0_i32 : i32, i32
  }
  func.func @transform_3(%arg0: i32) -> (i32, i32) {
    %c0_i32 = arith.constant 0 : i32
    %c0_i32_0 = arith.constant 0 : i32
    %c0_i32_1 = arith.constant 0 : i32
    return %c0_i32, %c0_i32_0 : i32, i32
  }
  func.func @transform_4(%arg0: i32) -> (i32, i32) {
    %c0_i32 = arith.constant 0 : i32
    %c0_i32_0 = arith.constant 0 : i32
    %c0_i32_1 = arith.constant 0 : i32
    return %c0_i32, %c0_i32_0 : i32, i32
  }
  func.func @transform_5(%arg0: i32) -> (i32, i32) {
    %c0_i32 = arith.constant 0 : i32
    %c0_i32_0 = arith.constant 0 : i32
    return %arg0, %c0_i32 : i32, i32
  }
}

</mosaic_0001>

<sc_bundles>
// kernel: kernel.11.cloned.1.call-start
scs
__scs_entry_jumppad:
0x0: {  	(pc) =	sbr.rel $0x88, $3  }
0x1: {  	(tag) =	ssettag $0x0;
	lr =	simm.s32 $0x1  }
0x2: {  	[smem:$0x3F98] =	sst lr;
	_ =	strace $0xD0000000  }
0x3: {  	_ = 	snop  }
0x4: {  	_ = 	snop  }
0x5: {  	_ = 	snop  }
0x6: {  	_ = 	snop  }
0x7: {  	_ = 	snop  }
__scs_overlays_trampoline_lowered:
0x8: {  	[smem:$0x3FA7] =	sst s0  }
0x9: {  	[smem:$0x3FA8] =	sst s1  }
0xa: {  	[smem:$0x3FA9] =	sst s2  }
0xb: {  	[smem:$0x3FAA] =	sst s3  }
0xc: {  	[smem:$0x3FAB] =	sst s4  }
0xd: {  	[smem:$0x3FAC] =	sst s5  }
0xe: {  	[smem:$0x3FAD] =	sst s6  }
0xf: {  	[smem:$0x3FAE] =	sst s7  }
0x10: {  	[smem:$0x3FAF] =	sst s8  }
0x11: {  	[smem:$0x3FB0] =	sst s9;
	s0 =	simm.s32 @!p0 $0x0  }
0x12: {  	s1 =	sld [smem:$0x3F96];
	s0 =	simm.s32 @p0 $0x1  }
0x13: {  	[smem:$0x3FB1] =	sst s0;
	s0 =	simm.s32 @!p1 $0x0  }
0x14: {  	s2 =	sld [smem:$0x3F95];
	s0 =	simm.s32 @p1 $0x1  }
0x15: {  	[smem:$0x3FB2] =	sst s0;
	s0 =	simm.s32 @!p2 $0x0  }
0x16: {  	s3 =	sld [smem:$0x3FDB];
	s0 =	simm.s32 @p2 $0x1  }
0x17: {  	s4 =	simm.s32 $0x1BF5;
	[smem:$0x3FB4] =	sst s0  }
0x18: {  	s0 =	sld [smem:$0x3F97];
	_ =	swait.ge [sflag:s4], $0x0  }
0x19: {  	s7 =	sld [smem:$0x3F98]  }
0x1a: {  	s8 =	sadd.s32 $0xFFFFE003, lr  }
0x1b: {  	s9 =	sadd.s32 $0xFFFFFEF7, lr;
	s5 =	simm.s32 $0xFFFFFFFF;
	p2 =	slt.u32 s8, $0xFFFFF086  }
0x1c: {  	p1 =	slt.u32 s9, $0xF7A;
	s5 =	simm.s32 @!p2 $0x0  }
0x1d: {  	s5 =	simm.s32 @p1 $0x1;
	p0 =	seq.s32 s7, s2  }
0x1e: {  	s7 =	smul.u32 @!p0 $0xF7A, s2;
	p2 =	seq.s32 @!p0 s5, $0x0  }
0x1f: {  	s9 =	smul.u32 $0xF7A, s1;
	s8 =	simm.s32 @!p0 $0x1BF5;
	p2 =	por !p2, p0  }
0x20: {  	[sflag:s8] =	ssyncset.s32 @!p0 $0xFFFFF086;
	s6 =	sadd.s32 @!p0 s3, s7;
	s7 =	simm.s32 @!p0 $0x108  }
0x21: {  	s3 =	sadd.s32 s3, s9;
	s6 =	sadd.s32 @!p0 $0x88, s6;
	s7 =	simm.s32 @p2 $0x1082  }
0x22: {  	[simem:s7], [sflag:s8] =	dma.local @!p0 [hbm:s6], $0xF7A  }
0x23: {  	s9 =	sor.u32 $0xD0000000, s2;
	s6 =	simm.s32 $0x108;
	_ =	swait.ge @!p0 [sflag:s8], $0x0  }
0x24: {  	s3 =	sadd.s32 $0x88, s3;
	s6 =	simm.s32 @!p1 $0x1082;
	[sflag:s4] =	ssyncset.s32 $0xFFFFF086  }
0x25: {  	[simem:s6], [sflag:s4] =	dma.local [hbm:s3], $0xF7A  }
0x26: {  	[smem:$0x3F98] =	sst s1;
	(tag) =	ssettag s2;
	_ =	strace s9  }
0x27: {  	s1 =	sld [smem:$0x3FA8]  }
0x28: {  	s2 =	sld [smem:$0x3FA9]  }
0x29: {  	s4 =	sld [smem:$0x3FAB]  }
0x2a: {  	p0 =	seq.s32 s5, $0x0;
	s5 =	sld [smem:$0x3FAC]  }
0x2b: {  	s6 =	sld [smem:$0x3FAD]  }
0x2c: {  	s7 =	sld [smem:$0x3FAE]  }
0x2d: {  	s3 =	simm.s32 $0x108;
	s8 =	sld [smem:$0x3FAF]  }
0x2e: {  	s3 =	simm.s32 @!p0 $0x1082;
	s9 =	sld [smem:$0x3FB0]  }
0x2f: {  	lr =	sadd.s32 s0, s3;
	s0 =	sld [smem:$0x3FA7]  }
0x30: {  	s3 =	sld [smem:$0x3FAA]  }
0x31: {  	[smem:$0x3FB3] =	sst s10  }
0x32: {  	s10 =	sld [smem:$0x3FB1];
	_ =	sdelay $0x3  }
0x33: {  	p0 =	seq.s32 s10, $0x1;
	s10 =	sld [smem:$0x3FB3];
	_ =	sdelay $0x3  }
0x34: {  	[smem:$0x3FB3] =	sst s10  }
0x35: {  	s10 =	sld [smem:$0x3FB2];
	_ =	sdelay $0x3  }
0x36: {  	p1 =	seq.s32 s10, $0x1;
	s10 =	sld [smem:$0x3FB3];
	_ =	sdelay $0x3  }
0x37: {  	[smem:$0x3FB3] =	sst s10  }
0x38: {  	s10 =	sld [smem:$0x3FB4]  }
0x39: {  	_ = 	snop;
	(pc) =	sbr.ind lr, $3  }
0x3a: {  	_ = 	snop  }
0x3b: {  	_ = 	snop  }
0x3c: {  	p2 =	seq.s32 s10, $0x1;
	s10 =	sld [smem:$0x3FB3]  }
0x3d: {  	_ =	shalt  }
0x3e: {  	_ =	shalt  }
0x3f: {  	_ =	shalt  }
0x40: {  	_ =	shalt  }
0x41: {  	_ =	shalt  }
0x42: {  	_ =	shalt  }
0x43: {  	_ =	shalt  }
0x44: {  	_ =	shalt  }
0x45: {  	_ =	shalt  }
0x46: {  	_ =	shalt  }
0x47: {  	_ =	shalt  }
0x48: {  	_ =	shalt  }
0x49: {  	_ =	shalt  }
0x4a: {  	_ =	shalt  }
0x4b: {  	_ =	shalt  }
0x4c: {  	_ =	shalt  }
0x4d: {  	_ =	shalt  }
0x4e: {  	_ =	shalt  }
0x4f: {  	_ =	shalt  }
0x50: {  	_ =	shalt  }
0x51: {  	_ =	shalt  }
0x52: {  	_ =	shalt  }
0x53: {  	_ =	shalt  }
0x54: {  	_ =	shalt  }
0x55: {  	_ =	shalt  }
0x56: {  	_ =	shalt  }
0x57: {  	_ =	shalt  }
0x58: {  	_ =	shalt  }
0x59: {  	_ =	shalt  }
0x5a: {  	_ =	shalt  }
0x5b: {  	_ =	shalt  }
0x5c: {  	_ =	shalt  }
0x5d: {  	_ =	shalt  }
0x5e: {  	_ =	shalt  }
0x5f: {  	_ =	shalt  }
0x60: {  	_ =	shalt  }
0x61: {  	_ =	shalt  }
0x62: {  	_ =	shalt  }
0x63: {  	_ =	shalt  }
0x64: {  	_ =	shalt  }
0x65: {  	_ =	shalt  }
0x66: {  	_ =	shalt  }
0x67: {  	_ =	shalt  }
0x68: {  	_ =	shalt  }
0x69: {  	_ =	shalt  }
0x6a: {  	_ =	shalt  }
0x6b: {  	_ =	shalt  }
0x6c: {  	_ =	shalt  }
0x6d: {  	_ =	shalt  }
0x6e: {  	_ =	shalt  }
0x6f: {  	_ =	shalt  }
0x70: {  	_ =	shalt  }
0x71: {  	_ =	shalt  }
0x72: {  	_ =	shalt  }
0x73: {  	_ =	shalt  }
0x74: {  	_ =	shalt  }
0x75: {  	_ =	shalt  }
0x76: {  	_ =	shalt  }
0x77: {  	_ =	shalt  }
0x78: {  	_ =	shalt  }
0x79: {  	_ =	shalt  }
0x7a: {  	_ =	shalt  }
0x7b: {  	_ =	shalt  }
0x7c: {  	_ =	shalt  }
0x7d: {  	_ =	shalt  }
0x7e: {  	_ =	shalt  }
0x7f: {  	_ =	shalt  }
0x80: {  	_ =	shalt  }
0x81: {  	_ =	shalt  }
0x82: {  	_ =	shalt  }
0x83: {  	_ =	shalt  }
0x84: {  	_ =	shalt  }
0x85: {  	_ =	shalt  }
0x86: {  	_ =	shalt  }
0x87: {  	_ =	shalt  }
.Lfunc_end0:
.L_simem_size_0:
called_computation.1_lowered:
.L_overlay_start_0:
0x88: {  	s2 =	sld [smem:$0x3FD9]  }
0x89: {  	s3 =	sld [smem:$0x3FFE];
	_ =	sdelay $0x1  }
0x8a: {  	s1 =	srdreg.scid  }
0x8b: {  	s0 =	sand.u32 $0x1, s1  }
0x8c: {  	s17 =	sshll.u32 s0, $0xA;
	s2 =	sadd.s32 s3, s2  }
0x8d: {  	s2 =	sadd.s32 s2, s17  }
0x8e: {  	[smem:$0x3FBF] =	sst s2  }
0x8f: {  	_ = 	snop  }
0x90: {  	s2 =	sld [smem:$0x3FD0];
	(tm) =	ssettm $0x1  }
0x91: {  	s18 =	sld [smem:$0x3FFB];
	_ =	sdelay $0x3  }
0x92: {  	_ =	strace s18  }
0x93: {  	s3 =	sld [smem:$0x3FFC];
	_ =	sdelay $0x3  }
0x94: {  	_ =	strace s3  }
0x95: {  	s3 =	sld [smem:$0x3FFD];
	_ =	sdelay $0x3  }
0x96: {  	_ =	strace s3  }
0x97: {  	_ =	strace $0x8FFFFFFF  }
0x98: {  	s19 =	sld [smem:$0x3FDB];
	_ =	sdelay $0x1  }
0x99: {  	s4 =	simm.s32 $_scs_section_size  }
0x9a: {  	s5 =	simm.s32 $_size__tile_overlayer_lowered;
	s6 =	simm.s32 $_tile_overlayer_lowered  }
0x9b: {  	s22 =	simm.s32 $0x1BFF;
	s21 =	sshll.u32 s6, $0x1;
	s3 =	sadd.s32 s4, s19  }
0x9c: {  	s7 =	simm.s32 $0x0;
	s20 =	sshll.u32 s5, $0x1;
	s5 =	sadd.s32 s21, s3  }
0x9d: {  	[timem:s7], [sflag:s22] =	dma.local [hbm:s5], s20  }
0x9e: {  	_ =	swait.ge [sflag:s22], s20  }
0x9f: {  	s4 =	ssub.s32 $0x0, s20;
	[sflag:s22] =	ssyncset.done $0x0  }
0xa0: {  	[sflag:s22] =	ssyncadd.s32 s4;
	_ =	sdelay $0x1  }
0xa1: {  	s23 =	simm.s32 $0x1B8B  }
0xa2: {  	_ =	swait.ge [sflag:s23], $0x1  }
0xa3: {  	[sflag:s23] =	ssyncset.done $0x0  }
0xa4: {  	s25 =	simm.s32 $0x1B8E;
	s24 =	sld [smem:$0x3FFE];
	[sflag:s23] =	ssyncadd.s32 $0xFFFFFFFF  }
0xa5: {  	s26 =	simm.s32 $execute0_lowered;
	[smem:$0x3FD2] =	sst s25  }
0xa6: {  	s5 =	sshll.u32 s26, $0x1;
	_ =	strace $0x80000049;
	[dreg:$0x1] =	wrdreg $0xFFFFFFFF  }
0xa7: {  	s28 =	simm.s32 $_size_execute0_lowered;
	s3 =	sadd.s32 s3, s5;
	[dreg:$0x0] =	wrdreg $0x0  }
0xa8: {  	s5 =	sshll.u32 s28, $0x1;
	[dreg:$0x2] =	wrdreg s3  }
0xa9: {  	[dreg:$0x3] =	wrdreg s5  }
0xaa: {  	[dreg:$0x4] =	wrdreg $0xC0  }
0xab: {  	_ =	task [dreg:s7], $0x5FFFF  }
0xac: {  	[dreg:$0x1] =	wrdreg $0xFFFFFFFF  }
0xad: {  	[dreg:$0x0] =	wrdreg $0x60  }
0xae: {  	[dreg:$0x2] =	wrdreg s24  }
0xaf: {  	[dreg:$0x3] =	wrdreg s2  }
0xb0: {  	[dreg:$0x4] =	wrdreg $0x88000  }
0xb1: {  	[dreg:$0x5] =	wrdreg $0x9  }
0xb2: {  	_ =	task.clear_ibuf [dreg:s7], $0x6FFFF;
	_ =	strace $0x90000049  }
0xb3: {  	s29 =	simm.s32 $0x9;
	_ =	strace $0x8000004B  }
0xb4: {  	_ =	swait.ge [sflag:s29], $0x1  }
0xb5: {  	[sflag:s29] =	ssyncadd.s32 $0xFFFFFFFF  }
0xb6: {  	_ =	strace $0x9000004B  }
0xb7: {  	_ =	sfence  }
0xb8: {  	s30 =	sld [smem:$0x0];
	_ =	sdelay $0x2  }
0xb9: {  	s31 =	sshll.u32 s1, $0xD;
	s1 =	sshrl.u32 s1, $0x2  }
0xba: {  	s3 =	sand.u32 $0x4000, s31;
	s1 =	sadd.s32 s1, s30  }
0xbb: {  	s0 =	sor.u32 s3, s0;
	s1 =	sshll.u32 s1, $0x11  }
0xbc: {  	s0 =	sor.u32 s1, s0  }
0xbd: {  	s0 =	sadd.s32 $0x8F2B, s0  }
0xbe: {  	[sflag:s0] =	ssyncadd.remote.s32 $0x1  }
0xbf: {  	_ =	sfence.sel $0xFFFF  }
0xc0: {  	[dreg:$0x0] =	wrdreg $0xFFFFFFFF;
	(pc) =	sbr.abs _section_cstart, $3  }
0xc1: {  	[dreg:$0x1] =	wrdreg $0xFFFFFFFF  }
0xc2: {  	_ =	task.clear_ibuf [dreg:s7], $0x2FFFF;
	_ =	strace $0x9FFFFFFF  }
0xc3: {  	(tm) =	ssettm $0x7FFFFFFF  }
tec
execute0_lowered:
.L_overlay_start_1:
0x0: {  	(tag) =	ssettag $0x1  }
0x1: {  	s0 =	srdreg.scid  }
0x2: {  	s20 =	stileid.u32;
	s1 =	rddreg [dreg:$0x0];
	s28 =	simm.s32 $0x9  }
0x3: {  	s30 =	simm.s32 $0x5;
	s31 =	simm.s32 $0xA;
	s29 =	simm.s32 $0xC  }
0x4: {  	s11 =	sand.u32 $0x1, s0;
	s12 =	smul.u32 $0x14000, s20;
	s24 =	sshll.u32 s20, $0x1  }
0x5: {  	s13 =	sadd.s32 $0x29B800, s1;
	s0 =	ssub.s32 $0x2, s11;
	s14 =	sor.u32 s11, s24  }
0x6: {  	s15 =	smul.u32 $0x140000, s11;
	s2 =	sshrl.u32 s0, $0x1;
	s3 =	sadd.s32 $0x4000, s12  }
0x7: {  	s4 =	sadd.s32 $0x6000, s12;
	s5 =	sadd.s32 $0x8000, s12;
	s6 =	sadd.s32 $0xA000, s12  }
0x8: {  	s7 =	sadd.s32 $0xC000, s12;
	s8 =	sadd.s32 $0xE000, s12;
	s9 =	sadd.s32 $0x10000, s12  }
0x9: {  	s10 =	sadd.s32 $0x12000, s12;
	s14 =	smul.u32 $0xA000, s14;
	s0 =	ssub.s32 s0, s2  }
0xa: {  	s2 =	sor.u32 $0x2000, s12;
	s16 =	sadd.s32 s12, s15;
	s26 =	sadd.s32 s15, s3  }
0xb: {  	s19 =	sadd.s32 s15, s4;
	s22 =	sadd.s32 s15, s5;
	s24 =	sadd.s32 s15, s6  }
0xc: {  	s16 =	sshrl.u32 s16, $0x3;
	s17 =	sadd.s32 s15, s2;
	s18 =	sshrl.u32 s26, $0x3  }
0xd: {  	s21 =	sshrl.u32 s19, $0x3;
	s23 =	sshrl.u32 s22, $0x3;
	s26 =	sadd.s32 s15, s7  }
0xe: {  	s22 =	sadd.s32 s15, s9;
	s16 =	sadd.s32 s13, s16;
	s25 =	sshrl.u32 s17, $0x3  }
0xf: {  	s17 =	sshrl.u32 s22, $0x3;
	[dreg:$0x4] =	wrdreg s16;
	s16 =	sadd.s32 s13, s25  }
0x10: {  	s25 =	sshrl.u32 s24, $0x3;
	s24 =	sadd.s32 s13, s17;
	[dreg:$0x5] =	wrdreg s16  }
0x11: {  	s19 =	sadd.s32 s15, s8;
	s16 =	sadd.s32 s13, s18;
	[dreg:$0xc] =	wrdreg s24  }
0x12: {  	s15 =	sadd.s32 s15, s10;
	[dreg:$0x6] =	wrdreg s16;
	s16 =	sadd.s32 s13, s21  }
0x13: {  	s21 =	sshrl.u32 s19, $0x3;
	[dreg:$0x7] =	wrdreg s16;
	s16 =	sadd.s32 s13, s23  }
0x14: {  	s14 =	sshrl.u32 s14, $0x3;
	s23 =	sadd.s32 s13, s21;
	[dreg:$0x8] =	wrdreg s16  }
0x15: {  	s18 =	sshrl.u32 s26, $0x3;
	s16 =	sadd.s32 s13, s25;
	[dreg:$0xb] =	wrdreg s23  }
0x16: {  	s25 =	sshrl.u32 s15, $0x3;
	[dreg:$0x9] =	wrdreg s16;
	s16 =	sadd.s32 s13, s18  }
0x17: {  	s18 =	smul.u32 $0xA000, s11;
	s11 =	sadd.s32 s13, s25;
	[dreg:$0xa] =	wrdreg s16  }
0x18: {  	s13 =	sadd.s32 $0x2000, s1;
	[dreg:$0xd] =	wrdreg s11;
	s11 =	simm.s32 $0x0  }
0x19: {  	s21 =	sadd.s32 s13, s14;
	s12 =	sadd.s32 s18, s12;
	[smem:$0x7FF] =	sst s11  }
0x1a: {  	s26 =	sor.u32 $0x800, s12;
	s16 =	sor.u32 $0xB00, s12;
	s17 =	sor.u32 $0xA00, s12  }
0x1b: {  	s18 =	sor.u32 $0x900, s12;
	s23 =	sor.u32 $0xD00, s12;
	s15 =	sshrl.u32 s26, $0x3  }
0x1c: {  	s14 =	sadd.s32 s15, s13;
	s15 =	sshrl.u32 s17, $0x3;
	s17 =	sshrl.u32 s23, $0x3  }
0x1d: {  	[dreg:$0xf] =	wrdreg s14;
	s14 =	sshrl.u32 s16, $0x3;
	s19 =	sadd.s32 s15, s13  }
0x1e: {  	s16 =	sshrl.u32 s18, $0x3;
	s24 =	sadd.s32 s17, s13;
	[dreg:$0x11] =	wrdreg s19  }
0x1f: {  	s18 =	sor.u32 $0xC00, s12;
	s14 =	sadd.s32 s14, s13;
	[smem:$0x7F6] =	sst s24  }
0x20: {  	s22 =	sadd.s32 s16, s13;
	s19 =	sor.u32 $0xF00, s12;
	[dreg:$0x10] =	wrdreg s14  }
0x21: {  	s12 =	sor.u32 $0xE00, s12;
	[dreg:$0x12] =	wrdreg s22;
	s19 =	sshrl.u32 s19, $0x3  }
0x22: {  	s12 =	sshrl.u32 s12, $0x3;
	s22 =	rddreg [dreg:$0x2];
	s25 =	sadd.s32 s19, s13  }
0x23: {  	s20 =	smul.u32 $0x50000, s20;
	s12 =	sadd.s32 s12, s13;
	[dreg:$0x13] =	wrdreg s25  }
0x24: {  	s0 =	smax.u32 s0, $0x1;
	s2 =	sadd.s32 s2, s22;
	[smem:$0x7F7] =	sst s12  }
0x25: {  	s3 =	sadd.s32 s3, s22;
	_ =	strace $0x8000004A;
	[dreg:$0x15] =	wrdreg s2  }
0x26: {  	s26 =	sshrl.u32 s20, $0x2;
	s4 =	sadd.s32 s4, s22;
	[dreg:$0x16] =	wrdreg s3  }
0x27: {  	s20 =	sadd.s32 $0xC0, s21;
	s17 =	sadd.s32 $0xA0, s21;
	[dreg:$0x17] =	wrdreg s4  }
0x28: {  	s18 =	sshrl.u32 s18, $0x3;
	s12 =	sadd.s32 $0x20, s21;
	[dreg:$0x1e] =	wrdreg s0  }
0x29: {  	s24 =	sadd.s32 $0x2A000, s1;
	s18 =	sadd.s32 s18, s13;
	[smem:$0x7F8] =	sst s12  }
0x2a: {  	s23 =	sadd.s32 s26, s22;
	s19 =	sadd.s32 $0x40, s21;
	[smem:$0x7F9] =	sst s17  }
0x2b: {  	s16 =	sadd.s32 s5, s22;
	s6 =	sadd.s32 s6, s22;
	[smem:$0x7FA] =	sst s19  }
0x2c: {  	s13 =	sadd.s32 s7, s22;
	s25 =	sadd.s32 $0x60, s21;
	[smem:$0x7FB] =	sst s20  }
0x2d: {  	s14 =	sadd.s32 s8, s22;
	s15 =	sadd.s32 s9, s22;
	[smem:$0x7FC] =	sst s25  }
0x2e: {  	s26 =	sadd.s32 $0xE0, s21;
	s7 =	simm.s32 $0x600;
	[dreg:$0xe] =	wrdreg s21  }
0x2f: {  	s8 =	simm.s32 $0x700;
	s9 =	simm.s32 $0x40;
	[smem:$0x7FD] =	sst s26  }
0x30: {  	s5 =	simm.s32 $0x3;
	s4 =	sadd.s32 s10, s22;
	[dreg:$0x14] =	wrdreg s23  }
0x31: {  	s10 =	sadd.s32 $0x80, s21;
	s21 =	smov.u32 s6;
	[dreg:$0x18] =	wrdreg s16  }
0x32: {  	s2 =	simm.s32 $0xD;
	s12 =	simm.s32 $0x2800;
	[dreg:$0x1a] =	wrdreg s13  }
.Ltmp0:
0x33: {  	s25 =	simm.s32 $0x4800;
	[dreg:$0x1b] =	wrdreg s14;
	(pc) =	sbr.rel .LBB2_1-.Ltmp0, $4  }
0x34: {  	s26 =	simm.s32 $0x6800;
	s0 =	simm.s32 $0x6;
	[dreg:$0x1c] =	wrdreg s15  }
0x35: {  	s19 =	simm.s32 $0xB;
	s3 =	simm.s32 $0x7;
	[dreg:$0x1f] =	wrdreg s10  }
0x36: {  	s6 =	simm.s32 $0x8;
	s20 =	simm.s32 $0x4;
	[dreg:$0x19] =	wrdreg s21  }
0x37: {  	s17 =	simm.s32 $0x0;
	s10 =	simm.s32 $0x800;
	[dreg:$0x1d] =	wrdreg s4  }
.LBB2_4:
0x38: {  	_ =	swait.ge [sflag:s29], $0x2000  }
0x39: {  	[sflag:s29] =	ssyncset.done $0x0  }
0x3a: {  	s1 =	simm.s32 $0x780;
	[sflag:s29] =	ssyncadd.s32 $0xFFFFE000  }
0x3b: {  	[spmem:s22] =	stream.indirect.scatter.add.f32 [tilespmem:s26], [sflag:$0xD], $0x80, s1, s9, $0xb8;
	[tilespmem:$0x1C800] =	vst v63  }
0x3c: {  	_ =	swait.ge [sflag:s2], $0x2000  }
0x3d: {  	[sflag:s2] =	ssyncset.done $0x0  }
0x3e: {  	[sflag:s2] =	ssyncadd.s32 $0xFFFFE000  }
0x3f: {  	[bflag:$0x0] =	sbarrier.arrive $0xFFFF  }
0x40: {  	s23 =	rddreg [dreg:$0x14]  }
0x41: {  	[tilespmem:s10], [sflag:$0xD] =	stream.linear.gather [spmem:s23], $0x2000, $0x38;
	[tilespmem:$0x1C800] =	vst v63  }
0x42: {  	_ =	swait.ge [sflag:s2], $0x2000  }
0x43: {  	[sflag:s2] =	ssyncset.done $0x0  }
0x44: {  	s13 =	rddreg [dreg:$0x4];
	[sflag:s2] =	ssyncadd.s32 $0xFFFFE000  }
0x45: {  	[hbm4b:s13+s11] =	stream.linear.scatter [tilespmem:s10], [sflag:$0xD], $0x2000, $0x38;
	[tilespmem:$0x1C800] =	vst v63  }
0x46: {  	_ =	swait.ge [sflag:s2], $0x2000  }
0x47: {  	[sflag:s2] =	ssyncset.done $0x0  }
0x48: {  	s14 =	rddreg [dreg:$0x15];
	[sflag:s2] =	ssyncadd.s32 $0xFFFFE000  }
0x49: {  	[tilespmem:s10], [sflag:$0xD] =	stream.linear.gather [spmem:s14], $0x2000, $0x38;
	[tilespmem:$0x1C800] =	vst v63  }
0x4a: {  	_ =	swait.ge [sflag:s2], $0x2000  }
0x4b: {  	[sflag:s2] =	ssyncset.done $0x0  }
0x4c: {  	s15 =	rddreg [dreg:$0x5];
	[sflag:s2] =	ssyncadd.s32 $0xFFFFE000  }
0x4d: {  	[hbm4b:s15+s11] =	stream.linear.scatter [tilespmem:s10], [sflag:$0xD], $0x2000, $0x38;
	[tilespmem:$0x1C800] =	vst v63  }
0x4e: {  	_ =	swait.ge [sflag:s2], $0x2000  }
0x4f: {  	[sflag:s2] =	ssyncset.done $0x0  }
0x50: {  	s16 =	rddreg [dreg:$0x16];
	[sflag:s2] =	ssyncadd.s32 $0xFFFFE000  }
0x51: {  	[tilespmem:s10], [sflag:$0xD] =	stream.linear.gather [spmem:s16], $0x2000, $0x38;
	[tilespmem:$0x1C800] =	vst v63  }
0x52: {  	_ =	swait.ge [sflag:s2], $0x2000  }
0x53: {  	[sflag:s2] =	ssyncset.done $0x0  }
0x54: {  	s17 =	rddreg [dreg:$0x6];
	[sflag:s2] =	ssyncadd.s32 $0xFFFFE000  }
0x55: {  	[hbm4b:s17+s11] =	stream.linear.scatter [tilespmem:s10], [sflag:$0xD], $0x2000, $0x38;
	[tilespmem:$0x1C800] =	vst v63  }
0x56: {  	_ =	swait.ge [sflag:s2], $0x2000  }
0x57: {  	[sflag:s2] =	ssyncset.done $0x0  }
0x58: {  	s21 =	rddreg [dreg:$0x17];
	[sflag:s2] =	ssyncadd.s32 $0xFFFFE000  }
0x59: {  	[tilespmem:s10], [sflag:$0xD] =	stream.linear.gather [spmem:s21], $0x2000, $0x38;
	[tilespmem:$0x1C800] =	vst v63  }
0x5a: {  	_ =	swait.ge [sflag:s2], $0x2000  }
0x5b: {  	[sflag:s2] =	ssyncset.done $0x0  }
0x5c: {  	s4 =	rddreg [dreg:$0x7];
	[sflag:s2] =	ssyncadd.s32 $0xFFFFE000  }
0x5d: {  	[hbm4b:s4+s11] =	stream.linear.scatter [tilespmem:s10], [sflag:$0xD], $0x2000, $0x38;
	[tilespmem:$0x1C800] =	vst v63  }
0x5e: {  	_ =	swait.ge [sflag:s2], $0x2000  }
0x5f: {  	[sflag:s2] =	ssyncset.done $0x0  }
0x60: {  	s16 =	rddreg [dreg:$0x18];
	[sflag:s2] =	ssyncadd.s32 $0xFFFFE000  }
0x61: {  	[tilespmem:s10], [sflag:$0xD] =	stream.linear.gather [spmem:s16], $0x2000, $0x38;
	[tilespmem:$0x1C800] =	vst v63  }
0x62: {  	_ =	swait.ge [sflag:s2], $0x2000  }
0x63: {  	[sflag:s2] =	ssyncset.done $0x0  }
0x64: {  	s13 =	rddreg [dreg:$0x8];
	[sflag:s2] =	ssyncadd.s32 $0xFFFFE000  }
0x65: {  	[hbm4b:s13+s11] =	stream.linear.scatter [tilespmem:s10], [sflag:$0xD], $0x2000, $0x38;
	[tilespmem:$0x1C800] =	vst v63  }
0x66: {  	_ =	swait.ge [sflag:s2], $0x2000  }
0x67: {  	[sflag:s2] =	ssyncset.done $0x0  }
0x68: {  	s21 =	rddreg [dreg:$0x19];
	[sflag:s2] =	ssyncadd.s32 $0xFFFFE000  }
0x69: {  	[tilespmem:s10], [sflag:$0xD] =	stream.linear.gather [spmem:s21], $0x2000, $0x38;
	[tilespmem:$0x1C800] =	vst v63  }
0x6a: {  	_ =	swait.ge [sflag:s2], $0x2000  }
0x6b: {  	[sflag:s2] =	ssyncset.done $0x0  }
0x6c: {  	s14 =	rddreg [dreg:$0x9];
	[sflag:s2] =	ssyncadd.s32 $0xFFFFE000  }
0x6d: {  	[hbm4b:s14+s11] =	stream.linear.scatter [tilespmem:s10], [sflag:$0xD], $0x2000, $0x38;
	[tilespmem:$0x1C800] =	vst v63  }
0x6e: {  	_ =	swait.ge [sflag:s2], $0x2000  }
0x6f: {  	[sflag:s2] =	ssyncset.done $0x0  }
0x70: {  	s13 =	rddreg [dreg:$0x1a];
	[sflag:s2] =	ssyncadd.s32 $0xFFFFE000  }
0x71: {  	[tilespmem:s10], [sflag:$0xD] =	stream.linear.gather [spmem:s13], $0x2000, $0x38;
	[tilespmem:$0x1C800] =	vst v63  }
0x72: {  	_ =	swait.ge [sflag:s2], $0x2000  }
0x73: {  	[sflag:s2] =	ssyncset.done $0x0  }
0x74: {  	s15 =	rddreg [dreg:$0xa];
	[sflag:s2] =	ssyncadd.s32 $0xFFFFE000  }
0x75: {  	[hbm4b:s15+s11] =	stream.linear.scatter [tilespmem:s10], [sflag:$0xD], $0x2000, $0x38;
	[tilespmem:$0x1C800] =	vst v63  }
0x76: {  	_ =	swait.ge [sflag:s2], $0x2000  }
0x77: {  	[sflag:s2] =	ssyncset.done $0x0  }
0x78: {  	s14 =	rddreg [dreg:$0x1b];
	[sflag:s2] =	ssyncadd.s32 $0xFFFFE000  }
0x79: {  	[tilespmem:s10], [sflag:$0xD] =	stream.linear.gather [spmem:s14], $0x2000, $0x38;
	[tilespmem:$0x1C800] =	vst v63  }
0x7a: {  	_ =	swait.ge [sflag:s2], $0x2000  }
0x7b: {  	[sflag:s2] =	ssyncset.done $0x0  }
0x7c: {  	s17 =	rddreg [dreg:$0xb];
	[sflag:s2] =	ssyncadd.s32 $0xFFFFE000  }
0x7d: {  	[hbm4b:s17+s11] =	stream.linear.scatter [tilespmem:s10], [sflag:$0xD], $0x2000, $0x38;
	[tilespmem:$0x1C800] =	vst v63  }
0x7e: {  	_ =	swait.ge [sflag:s2], $0x2000  }
0x7f: {  	[sflag:s2] =	ssyncset.done $0x0  }
0x80: {  	s15 =	rddreg [dreg:$0x1c];
	[sflag:s2] =	ssyncadd.s32 $0xFFFFE000  }
0x81: {  	[tilespmem:s10], [sflag:$0xD] =	stream.linear.gather [spmem:s15], $0x2000, $0x38;
	[tilespmem:$0x1C800] =	vst v63  }
0x82: {  	_ =	swait.ge [sflag:s2], $0x2000  }
0x83: {  	[sflag:s2] =	ssyncset.done $0x0  }
0x84: {  	s4 =	rddreg [dreg:$0xc];
	[sflag:s2] =	ssyncadd.s32 $0xFFFFE000  }
0x85: {  	[hbm4b:s4+s11] =	stream.linear.scatter [tilespmem:s10], [sflag:$0xD], $0x2000, $0x38;
	[tilespmem:$0x1C800] =	vst v63  }
0x86: {  	_ =	swait.ge [sflag:s2], $0x2000  }
0x87: {  	[sflag:s2] =	ssyncset.done $0x0  }
0x88: {  	s4 =	rddreg [dreg:$0x1d];
	[sflag:s2] =	ssyncadd.s32 $0xFFFFE000  }
0x89: {  	[tilespmem:s10], [sflag:$0xD] =	stream.linear.gather [spmem:s4], $0x2000, $0x38;
	[tilespmem:$0x1C800] =	vst v63  }
0x8a: {  	_ =	swait.ge [sflag:s2], $0x2000  }
0x8b: {  	[sflag:s2] =	ssyncset.done $0x0  }
0x8c: {  	s17 =	rddreg [dreg:$0xd];
	[sflag:s2] =	ssyncadd.s32 $0xFFFFE000  }
0x8d: {  	[hbm4b:s17+s11] =	stream.linear.scatter [tilespmem:s10], [sflag:$0xD], $0x2000, $0x38;
	[tilespmem:$0x1C800] =	vst v63  }
0x8e: {  	_ =	swait.ge [sflag:s2], $0x2000  }
0x8f: {  	s17 =	sld [smem:$0x7F5];
	_ =	sdelay $0x2  }
0x90: {  	s1 =	rddreg [dreg:$0x1e];
	s17 =	sadd.s32 $0x1, s17  }
0x91: {  	p0 =	sne.s32 s17, s1  }
.Ltmp1:
0x92: {  	_ = 	snop;
	(pc) =	sbr.rel @!p0 .LBB2_5-.Ltmp1, $3  }
0x93: {  	_ =	sdelay $0x1  }
0x94: {  	[sflag:s2] =	ssyncset.done $0x0  }
0x95: {  	[sflag:s2] =	ssyncadd.s32 $0xFFFFE000  }
.LBB2_1:
0x96: {  	[smem:$0x7F5] =	sst s17  }
0x97: {  	s1 =	rddreg [dreg:$0x1]  }
0x98: {  	[tilespmem:s10], [sflag:$0xD] =	stream.linear.gather [hbm4b:s1+s11], $0x2000, $0x38;
	[tilespmem:$0x1C800] =	vst v63  }
0x99: {  	_ =	swait.ge [sflag:s2], $0x2000  }
0x9a: {  	[sflag:s2] =	ssyncset.done $0x0  }
0x9b: {  	[sflag:s2] =	ssyncadd.s32 $0xFFFFE000  }
0x9c: {  	[spmem:s23] =	stream.linear.scatter [tilespmem:s10], [sflag:$0xD], $0x2000, $0x38;
	[tilespmem:$0x1C800] =	vst v63  }
0x9d: {  	_ =	swait.ge [sflag:s2], $0x2000  }
0x9e: {  	[sflag:s2] =	ssyncset.done $0x0  }
0x9f: {  	s23 =	rddreg [dreg:$0x15];
	[sflag:s2] =	ssyncadd.s32 $0xFFFFE000  }
0xa0: {  	[spmem:s23] =	stream.linear.scatter [tilespmem:s10], [sflag:$0xD], $0x2000, $0x38;
	[tilespmem:$0x1C800] =	vst v63  }
0xa1: {  	_ =	swait.ge [sflag:s2], $0x2000  }
0xa2: {  	[sflag:s2] =	ssyncset.done $0x0  }
0xa3: {  	s17 =	rddreg [dreg:$0x16];
	[sflag:s2] =	ssyncadd.s32 $0xFFFFE000  }
0xa4: {  	[spmem:s17] =	stream.linear.scatter [tilespmem:s10], [sflag:$0xD], $0x2000, $0x38;
	[tilespmem:$0x1C800] =	vst v63  }
0xa5: {  	_ =	swait.ge [sflag:s2], $0x2000  }
0xa6: {  	[sflag:s2] =	ssyncset.done $0x0  }
0xa7: {  	s23 =	rddreg [dreg:$0x17];
	[sflag:s2] =	ssyncadd.s32 $0xFFFFE000  }
0xa8: {  	[spmem:s23] =	stream.linear.scatter [tilespmem:s10], [sflag:$0xD], $0x2000, $0x38;
	[tilespmem:$0x1C800] =	vst v63  }
0xa9: {  	_ =	swait.ge [sflag:s2], $0x2000  }
0xaa: {  	[sflag:s2] =	ssyncset.done $0x0  }
0xab: {  	[sflag:s2] =	ssyncadd.s32 $0xFFFFE000  }
0xac: {  	[spmem:s16] =	stream.linear.scatter [tilespmem:s10], [sflag:$0xD], $0x2000, $0x38;
	[tilespmem:$0x1C800] =	vst v63  }
0xad: {  	_ =	swait.ge [sflag:s2], $0x2000  }
0xae: {  	[sflag:s2] =	ssyncset.done $0x0  }
0xaf: {  	[sflag:s2] =	ssyncadd.s32 $0xFFFFE000  }
0xb0: {  	[spmem:s21] =	stream.linear.scatter [tilespmem:s10], [sflag:$0xD], $0x2000, $0x38;
	[tilespmem:$0x1C800] =	vst v63  }
0xb1: {  	_ =	swait.ge [sflag:s2], $0x2000  }
0xb2: {  	[sflag:s2] =	ssyncset.done $0x0  }
0xb3: {  	[sflag:s2] =	ssyncadd.s32 $0xFFFFE000  }
0xb4: {  	[spmem:s13] =	stream.linear.scatter [tilespmem:s10], [sflag:$0xD], $0x2000, $0x38;
	[tilespmem:$0x1C800] =	vst v63  }
0xb5: {  	_ =	swait.ge [sflag:s2], $0x2000  }
0xb6: {  	[sflag:s2] =	ssyncset.done $0x0  }
0xb7: {  	[sflag:s2] =	ssyncadd.s32 $0xFFFFE000  }
0xb8: {  	[spmem:s14] =	stream.linear.scatter [tilespmem:s10], [sflag:$0xD], $0x2000, $0x38;
	[tilespmem:$0x1C800] =	vst v63  }
0xb9: {  	_ =	swait.ge [sflag:s2], $0x2000  }
0xba: {  	[sflag:s2] =	ssyncset.done $0x0  }
0xbb: {  	[sflag:s2] =	ssyncadd.s32 $0xFFFFE000  }
0xbc: {  	[spmem:s15] =	stream.linear.scatter [tilespmem:s10], [sflag:$0xD], $0x2000, $0x38;
	[tilespmem:$0x1C800] =	vst v63  }
0xbd: {  	_ =	swait.ge [sflag:s2], $0x2000  }
0xbe: {  	[sflag:s2] =	ssyncset.done $0x0  }
0xbf: {  	[sflag:s2] =	ssyncadd.s32 $0xFFFFE000  }
0xc0: {  	[spmem:s4] =	stream.linear.scatter [tilespmem:s10], [sflag:$0xD], $0x2000, $0x38;
	[tilespmem:$0x1C800] =	vst v63  }
0xc1: {  	_ =	swait.ge [sflag:s2], $0x2000  }
0xc2: {  	[sflag:s2] =	ssyncset.done $0x0  }
0xc3: {  	s14 =	rddreg [dreg:$0xe];
	[sflag:s2] =	ssyncadd.s32 $0xFFFFE000  }
0xc4: {  	[tilespmem:s11], [sflag:$0xD] =	stream.linear.gather [hbm4b:s14+s11], $0x100, $0x38;
	[tilespmem:$0x1C800] =	vst v63  }
0xc5: {  	_ =	swait.ge [sflag:s2], $0x100  }
0xc6: {  	[sflag:s2] =	ssyncset.done $0x0;
	s15 =	rddreg [dreg:$0x1f]  }
0xc7: {  	s16 =	simm.s32 $0x400;
	s17 =	sld [smem:$0x7F8];
	[sflag:s2] =	ssyncadd.s32 $0xFFFFFF00  }
0xc8: {  	[tilespmem:s16], [sflag:$0x5] =	stream.linear.gather [hbm4b:s15+s11], $0x100, $0x38;
	[tilespmem:$0x1C800] =	vst v63  }
0xc9: {  	s4 =	simm.s32 $0x100  }
0xca: {  	[tilespmem:s4], [sflag:$0xD] =	stream.linear.gather [hbm4b:s17+s11], $0x100, $0x38;
	[tilespmem:$0x1C800] =	vst v63  }
0xcb: {  	_ =	swait.ge [sflag:s2], $0x100  }
0xcc: {  	s21 =	sld [smem:$0x7F9]  }
0xcd: {  	[sflag:s2] =	ssyncset.done $0x0  }
0xce: {  	s23 =	simm.s32 $0x500;
	s14 =	sld [smem:$0x7FA];
	[sflag:s2] =	ssyncadd.s32 $0xFFFFFF00  }
0xcf: {  	[tilespmem:s23], [sflag:$0x6] =	stream.linear.gather [hbm4b:s21+s11], $0x100, $0x38;
	[tilespmem:$0x1C800] =	vst v63  }
0xd0: {  	s15 =	simm.s32 $0x200  }
0xd1: {  	[tilespmem:s15], [sflag:$0xD] =	stream.linear.gather [hbm4b:s14+s11], $0x100, $0x38;
	[tilespmem:$0x1C800] =	vst v63  }
0xd2: {  	_ =	swait.ge [sflag:s2], $0x100  }
0xd3: {  	s16 =	sld [smem:$0x7FB]  }
0xd4: {  	[sflag:s2] =	ssyncset.done $0x0  }
0xd5: {  	s17 =	sld [smem:$0x7FC];
	[sflag:s2] =	ssyncadd.s32 $0xFFFFFF00  }
0xd6: {  	[tilespmem:s7], [sflag:$0x7] =	stream.linear.gather [hbm4b:s16+s11], $0x100, $0x38;
	[tilespmem:$0x1C800] =	vst v63  }
0xd7: {  	s21 =	simm.s32 $0x300  }
0xd8: {  	[tilespmem:s21], [sflag:$0xD] =	stream.linear.gather [hbm4b:s17+s11], $0x100, $0x38;
	[tilespmem:$0x1C800] =	vst v63  }
0xd9: {  	_ =	swait.ge [sflag:s2], $0x100  }
0xda: {  	s23 =	sld [smem:$0x7FD]  }
0xdb: {  	[sflag:s2] =	ssyncset.done $0x0  }
0xdc: {  	[sflag:s2] =	ssyncadd.s32 $0xFFFFFF00  }
0xdd: {  	[tilespmem:s8], [sflag:$0x8] =	stream.linear.gather [hbm4b:s23+s11], $0x100, $0x38;
	[tilespmem:$0x1C800] =	vst v63  }
0xde: {  	[bflag:$0x0] =	sbarrier.arrive $0xFFFF  }
0xdf: {  	[tilespmem:s10], [sflag:$0x9] =	stream.indirect.gather [hbm4b:s24+s9], $0x80, s11, s9, $0xb8;
	[tilespmem:$0x1C800] =	vst v63  }
0xe0: {  	_ = 	snop  }
0xe1: {  	[tilespmem:s12], [sflag:$0xA] =	stream.indirect.gather [hbm4b:s24+s9], $0x80, s4, s9, $0xb8;
	[tilespmem:$0x1C800] =	vst v63  }
0xe2: {  	_ = 	snop  }
0xe3: {  	[tilespmem:s25], [sflag:$0xB] =	stream.indirect.gather [hbm4b:s24+s9], $0x80, s15, s9, $0xb8;
	[tilespmem:$0x1C800] =	vst v63  }
0xe4: {  	s17 =	simm.s32 $0x300;
	s23 =	simm.s32 $0x200;
	s4 =	simm.s32 $0x0  }
0xe5: {  	[tilespmem:s26], [sflag:$0xC] =	stream.indirect.gather [hbm4b:s24+s9], $0x80, s21, s9, $0xb8;
	[tilespmem:$0x1C800] =	vst v63  }
.LBB2_2:
0xe6: {  	_ =	swait.ge [sflag:s28], $0x2000  }
0xe7: {  	[sflag:s28] =	ssyncset.done $0x0  }
0xe8: {  	s1 =	simm.s32 $0x80;
	[sflag:s28] =	ssyncadd.s32 $0xFFFFE000  }
0xe9: {  	[spmem:s22] =	stream.indirect.scatter.add.f32 [tilespmem:s10], [sflag:$0xD], $0x80, s1, s9, $0xb8;
	[tilespmem:$0x1C800] =	vst v63  }
0xea: {  	_ =	swait.ge [sflag:s2], $0x2000  }
0xeb: {  	p0 =	seq.s32 s4, $0x1300;
	[sflag:s2] =	ssyncset.done $0x0;
	s1 =	rddreg [dreg:$0xf]  }
0xec: {  	[sflag:s2] =	ssyncadd.s32 $0xFFFFE000;
	s13 =	sadd.s32 @!p0 s4, s1;
	s1 =	simm.s32 @!p0 $0x0  }
0xed: {  	[tilespmem:s1], [sflag:$0x1] =	stream.linear.gather @!p0 [hbm4b:s13+s1], $0x100, $0x38;
	[tilespmem:$0x1C800] =	vst v63  }
0xee: {  	_ =	swait.ge [sflag:s30], $0x100  }
0xef: {  	[sflag:s30] =	ssyncset.done $0x0  }
0xf0: {  	s14 =	simm.s32 $0x400;
	[sflag:s30] =	ssyncadd.s32 $0xFFFFFF00  }
0xf1: {  	[tilespmem:s10], [sflag:$0x9] =	stream.indirect.gather [hbm4b:s24+s9], $0x80, s14, s9, $0xb8;
	[tilespmem:$0x1C800] =	vst v63  }
0xf2: {  	_ =	swait.ge [sflag:s31], $0x2000  }
0xf3: {  	[sflag:s31] =	ssyncset.done $0x0  }
0xf4: {  	s15 =	simm.s32 $0x180;
	[sflag:s31] =	ssyncadd.s32 $0xFFFFE000  }
0xf5: {  	[spmem:s22] =	stream.indirect.scatter.add.f32 [tilespmem:s12], [sflag:$0xD], $0x80, s15, s9, $0xb8;
	[tilespmem:$0x1C800] =	vst v63  }
0xf6: {  	_ =	swait.ge [sflag:s2], $0x2000  }
0xf7: {  	[sflag:s2] =	ssyncset.done $0x0;
	s13 =	rddreg [dreg:$0x12]  }
0xf8: {  	[sflag:s2] =	ssyncadd.s32 $0xFFFFE000;
	s14 =	sadd.s32 @!p0 s4, s13;
	s13 =	simm.s32 @!p0 $0x100  }
0xf9: {  	[tilespmem:s13], [sflag:$0x2] =	stream.linear.gather @!p0 [hbm4b:s14+s1], $0x100, $0x38;
	[tilespmem:$0x1C800] =	vst v63  }
0xfa: {  	_ =	swait.ge [sflag:s0], $0x100  }
0xfb: {  	[sflag:s0] =	ssyncset.done $0x0  }
0xfc: {  	s16 =	simm.s32 $0x500;
	[sflag:s0] =	ssyncadd.s32 $0xFFFFFF00  }
0xfd: {  	[tilespmem:s12], [sflag:$0xA] =	stream.indirect.gather [hbm4b:s24+s9], $0x80, s16, s9, $0xb8;
	[tilespmem:$0x1C800] =	vst v63  }
0xfe: {  	_ =	swait.ge [sflag:s19], $0x2000  }
0xff: {  	[sflag:s19] =	ssyncset.done $0x0  }
0x100: {  	s21 =	simm.s32 $0x280;
	[sflag:s19] =	ssyncadd.s32 $0xFFFFE000  }
0x101: {  	[spmem:s22] =	stream.indirect.scatter.add.f32 [tilespmem:s25], [sflag:$0xD], $0x80, s21, s9, $0xb8;
	[tilespmem:$0x1C800] =	vst v63  }
0x102: {  	_ =	swait.ge [sflag:s2], $0x2000  }
0x103: {  	[sflag:s2] =	ssyncset.done $0x0;
	s14 =	rddreg [dreg:$0x11]  }
0x104: {  	s15 =	simm.s32 @!p0 $0x200;
	[sflag:s2] =	ssyncadd.s32 $0xFFFFE000;
	s14 =	sadd.s32 @!p0 s4, s14  }
0x105: {  	[tilespmem:s15], [sflag:$0x3] =	stream.linear.gather @!p0 [hbm4b:s14+s1], $0x100, $0x38;
	[tilespmem:$0x1C800] =	vst v63  }
0x106: {  	_ =	swait.ge [sflag:s3], $0x100  }
0x107: {  	[sflag:s3] =	ssyncset.done $0x0  }
0x108: {  	[sflag:s3] =	ssyncadd.s32 $0xFFFFFF00  }
0x109: {  	[tilespmem:s25], [sflag:$0xB] =	stream.indirect.gather [hbm4b:s24+s9], $0x80, s7, s9, $0xb8;
	[tilespmem:$0x1C800] =	vst v63  }
0x10a: {  	_ =	swait.ge [sflag:s29], $0x2000  }
0x10b: {  	[sflag:s29] =	ssyncset.done $0x0  }
0x10c: {  	s15 =	simm.s32 $0x380;
	[sflag:s29] =	ssyncadd.s32 $0xFFFFE000  }
0x10d: {  	[spmem:s22] =	stream.indirect.scatter.add.f32 [tilespmem:s26], [sflag:$0xD], $0x80, s15, s9, $0xb8;
	[tilespmem:$0x1C800] =	vst v63  }
0x10e: {  	_ =	swait.ge [sflag:s2], $0x2000  }
0x10f: {  	[sflag:s2] =	ssyncset.done $0x0;
	s14 =	rddreg [dreg:$0x10]  }
0x110: {  	s15 =	simm.s32 @!p0 $0x300;
	[sflag:s2] =	ssyncadd.s32 $0xFFFFE000;
	s14 =	sadd.s32 @!p0 s4, s14  }
0x111: {  	[tilespmem:s15], [sflag:$0x4] =	stream.linear.gather @!p0 [hbm4b:s14+s1], $0x100, $0x38;
	[tilespmem:$0x1C800] =	vst v63  }
0x112: {  	_ =	swait.ge [sflag:s6], $0x100  }
0x113: {  	[sflag:s6] =	ssyncset.done $0x0  }
0x114: {  	[sflag:s6] =	ssyncadd.s32 $0xFFFFFF00  }
0x115: {  	[tilespmem:s26], [sflag:$0xC] =	stream.indirect.gather [hbm4b:s24+s9], $0x80, s8, s9, $0xb8;
	[tilespmem:$0x1C800] =	vst v63  }
0x116: {  	_ =	swait.ge [sflag:s28], $0x2000  }
0x117: {  	[sflag:s28] =	ssyncset.done $0x0  }
0x118: {  	s16 =	simm.s32 $0x480;
	[sflag:s28] =	ssyncadd.s32 $0xFFFFE000  }
0x119: {  	[spmem:s22] =	stream.indirect.scatter.add.f32 [tilespmem:s10], [sflag:$0xD], $0x80, s16, s9, $0xb8;
	[tilespmem:$0x1C800] =	vst v63  }
0x11a: {  	_ =	swait.ge [sflag:s2], $0x2000  }
0x11b: {  	[sflag:s2] =	ssyncset.done $0x0  }
0x11c: {  	s14 =	simm.s32 @p0 $0xA;
	[sflag:s2] =	ssyncadd.s32 $0xFFFFE000  }
0x11d: {  	_ =	swait.ge @p0 [sflag:s14], $0x2000  }
0x11e: {  	s21 =	simm.s32 @p0 $0x2800;
	[sflag:s14] =	ssyncset.done @p0 $0x0  }
0x11f: {  	s15 =	simm.s32 @p0 $0x580;
	[sflag:s14] =	ssyncadd.s32 @p0 $0xFFFFE000;
	s14 =	simm.s32 @p0 $0x40  }
0x120: {  	[spmem:s22] =	stream.indirect.scatter.add.f32 @p0 [tilespmem:s21], [sflag:$0xD], $0x80, s15, s14, $0xb8;
	[tilespmem:$0x1C800] =	vst v63  }
0x121: {  	s14 =	simm.s32 @p0 $0xD  }
0x122: {  	_ =	swait.ge @p0 [sflag:s14], $0x2000  }
0x123: {  	[sflag:s14] =	ssyncset.done @p0 $0x0  }
0x124: {  	s15 =	simm.s32 @!p0 $0x400;
	[sflag:s14] =	ssyncadd.s32 @p0 $0xFFFFE000;
	s14 =	sadd.s32 @!p0 s4, s18  }
0x125: {  	[tilespmem:s15], [sflag:$0x5] =	stream.linear.gather @!p0 [hbm4b:s14+s1], $0x100, $0x38;
	[tilespmem:$0x1C800] =	vst v63  }
0x126: {  	s14 =	simm.s32 @!p0 $0x1  }
0x127: {  	_ =	swait.ge @!p0 [sflag:s14], $0x100  }
0x128: {  	[sflag:s14] =	ssyncset.done @!p0 $0x0  }
0x129: {  	s15 =	simm.s32 @!p0 $0x800;
	[sflag:s14] =	ssyncadd.s32 @!p0 $0xFFFFFF00;
	s14 =	simm.s32 @!p0 $0x40  }
0x12a: {  	[tilespmem:s15], [sflag:$0x9] =	stream.indirect.gather @!p0 [hbm4b:s24+s14], $0x80, s1, s14, $0xb8;
	[tilespmem:$0x1C800] =	vst v63  }
0x12b: {  	s15 =	simm.s32 @!p0 $0xA  }
0x12c: {  	_ =	swait.ge @!p0 [sflag:s15], $0x2000  }
0x12d: {  	[sflag:s15] =	ssyncset.done @!p0 $0x0  }
0x12e: {  	s21 =	simm.s32 @!p0 $0x2800;
	[sflag:s15] =	ssyncadd.s32 @!p0 $0xFFFFE000;
	s15 =	simm.s32 @!p0 $0x580  }
0x12f: {  	[spmem:s22] =	stream.indirect.scatter.add.f32 @!p0 [tilespmem:s21], [sflag:$0xD], $0x80, s15, s14, $0xb8;
	[tilespmem:$0x1C800] =	vst v63  }
0x130: {  	s15 =	simm.s32 @!p0 $0xD  }
0x131: {  	_ =	swait.ge @!p0 [sflag:s15], $0x2000  }
0x132: {  	[sflag:s15] =	ssyncset.done @!p0 $0x0  }
0x133: {  	[sflag:s15] =	ssyncadd.s32 @!p0 $0xFFFFE000;
	s15 =	sld [smem:$0x7F6];
	_ =	sdelay $0x2  }
0x134: {  	s16 =	simm.s32 @!p0 $0x500;
	s15 =	sadd.s32 @!p0 s4, s15  }
0x135: {  	[tilespmem:s16], [sflag:$0x6] =	stream.linear.gather @!p0 [hbm4b:s15+s1], $0x100, $0x38;
	[tilespmem:$0x1C800] =	vst v63  }
0x136: {  	s1 =	simm.s32 @!p0 $0x2  }
0x137: {  	_ =	swait.ge @!p0 [sflag:s1], $0x100  }
0x138: {  	[sflag:s1] =	ssyncset.done @!p0 $0x0  }
0x139: {  	[sflag:s1] =	ssyncadd.s32 @!p0 $0xFFFFFF00  }
0x13a: {  	[tilespmem:s21], [sflag:$0xA] =	stream.indirect.gather @!p0 [hbm4b:s24+s14], $0x80, s13, s14, $0xb8;
	[tilespmem:$0x1C800] =	vst v63  }
0x13b: {  	_ =	swait.ge [sflag:s19], $0x2000  }
0x13c: {  	[sflag:s19] =	ssyncset.done $0x0  }
.Ltmp2:
0x13d: {  	s21 =	simm.s32 $0x680;
	[sflag:s19] =	ssyncadd.s32 $0xFFFFE000;
	(pc) =	sbr.rel @p0 .LBB2_4-.Ltmp2, $4  }
0x13e: {  	[spmem:s22] =	stream.indirect.scatter.add.f32 [tilespmem:s25], [sflag:$0xD], $0x80, s21, s9, $0xb8;
	[tilespmem:$0x1C800] =	vst v63  }
0x13f: {  	_ =	swait.ge [sflag:s2], $0x2000  }
0x140: {  	[sflag:s2] =	ssyncset.done $0x0  }
0x141: {  	[sflag:s2] =	ssyncadd.s32 $0xFFFFE000  }
0x142: {  	s1 =	sld [smem:$0x7F7];
	_ =	sdelay $0x2  }
0x143: {  	s1 =	sadd.s32 s4, s1  }
0x144: {  	[tilespmem:s7], [sflag:$0x7] =	stream.linear.gather [hbm4b:s1+s11], $0x100, $0x38;
	[tilespmem:$0x1C800] =	vst v63  }
0x145: {  	_ =	swait.ge [sflag:s5], $0x100  }
0x146: {  	[sflag:s5] =	ssyncset.done $0x0  }
0x147: {  	[sflag:s5] =	ssyncadd.s32 $0xFFFFFF00  }
0x148: {  	[tilespmem:s25], [sflag:$0xB] =	stream.indirect.gather [hbm4b:s24+s9], $0x80, s23, s9, $0xb8;
	[tilespmem:$0x1C800] =	vst v63  }
0x149: {  	_ =	swait.ge [sflag:s29], $0x2000  }
0x14a: {  	[sflag:s29] =	ssyncset.done $0x0  }
0x14b: {  	s16 =	simm.s32 $0x780;
	[sflag:s29] =	ssyncadd.s32 $0xFFFFE000  }
0x14c: {  	[spmem:s22] =	stream.indirect.scatter.add.f32 [tilespmem:s26], [sflag:$0xD], $0x80, s16, s9, $0xb8;
	[tilespmem:$0x1C800] =	vst v63  }
0x14d: {  	_ =	swait.ge [sflag:s2], $0x2000  }
0x14e: {  	[sflag:s2] =	ssyncset.done $0x0;
	s21 =	rddreg [dreg:$0x13]  }
0x14f: {  	[sflag:s2] =	ssyncadd.s32 $0xFFFFE000;
	s1 =	sadd.s32 s4, s21  }
0x150: {  	[tilespmem:s8], [sflag:$0x8] =	stream.linear.gather [hbm4b:s1+s11], $0x100, $0x38;
	[tilespmem:$0x1C800] =	vst v63  }
.Ltmp3:
0x151: {  	_ = 	snop;
	(pc) =	sbr.rel .LBB2_2-.Ltmp3, $4  }
0x152: {  	_ =	swait.ge [sflag:s20], $0x100  }
0x153: {  	[sflag:s20] =	ssyncset.done $0x0  }
0x154: {  	s4 =	sadd.s32 $0x100, s4;
	[sflag:s20] =	ssyncadd.s32 $0xFFFFFF00  }
0x155: {  	[tilespmem:s26], [sflag:$0xC] =	stream.indirect.gather [hbm4b:s24+s9], $0x80, s17, s9, $0xb8;
	[tilespmem:$0x1C800] =	vst v63  }
.LBB2_5:
0x156: {  	_ =	sfence.sel $0x180000  }
0x157: {  	[bflag:$0x0] =	sbarrier.arrive $0xFFFF  }
0x158: {  	_ =	strace $0x9000004A  }
0x159: {  	s0 =	stileid.u32;
	[bflag:$0x2] =	sbarrier.arrive $0xFFFF  }
0x15a: {  	p0 =	sne.s32 s0, $0x0;
	s0 =	rddreg [dreg:$0x3]  }
0x15b: {  	s0 =	sadd.s32 @!p0 $0x100000, s0  }
0x15c: {  	[sflag:s0] =	ssyncadd.tile.s32 @!p0 $0x1;
	_ =	shalt  }
.Lfunc_end2:
_tile_overlayer_lowered:
.L_overlay_start_2:
0x15d: {  	(tag) =	ssettag $0x2  }
0x15e: {  	s0 =	rddreg [dreg:$0x0];
	s2 =	stileid.u32  }
0x15f: {  	s1 =	rddreg [dreg:$0x1];
	p0 =	sne.s32 s2, $0x0  }
0x160: {  	s3 =	rddreg [dreg:$0x2];
	[bflag:$0x3] =	sbarrier.arrive $0xFFFF;
	s2 =	simm.s32 @!p0 $0x1C0D  }
0x161: {  	[timem:s3], [sflag:s2] =	dma.local @!p0 [hbm:s0], s1  }
0x162: {  	s0 =	simm.s32 @!p0 $0xD  }
0x163: {  	_ =	swait.ge @!p0 [sflag:s0], s1  }
0x164: {  	s1 =	ssub.s32 @!p0 $0x0, s1;
	[sflag:s0] =	ssyncset.done @!p0 $0x0  }
0x165: {  	[sflag:s0] =	ssyncadd.s32 @!p0 s1  }
0x166: {  	[bflag:$0x3] =	sbarrier.arrive $0xFFFF  }
0x167: {  	_ =	shalt  }

// kernel: kernel.8.cloned.1.call-start
scs
__scs_entry_jumppad:
0x0: {  	(pc) =	sbr.rel $0x88, $3  }
0x1: {  	(tag) =	ssettag $0x0;
	lr =	simm.s32 $0x1  }
0x2: {  	[smem:$0x3F98] =	sst lr;
	_ =	strace $0xD0000000  }
0x3: {  	_ = 	snop  }
0x4: {  	_ = 	snop  }
0x5: {  	_ = 	snop  }
0x6: {  	_ = 	snop  }
0x7: {  	_ = 	snop  }
__scs_overlays_trampoline_lowered:
0x8: {  	[smem:$0x3FA7] =	sst s0  }
0x9: {  	[smem:$0x3FA8] =	sst s1  }
0xa: {  	[smem:$0x3FA9] =	sst s2  }
0xb: {  	[smem:$0x3FAA] =	sst s3  }
0xc: {  	[smem:$0x3FAB] =	sst s4  }
0xd: {  	[smem:$0x3FAC] =	sst s5  }
0xe: {  	[smem:$0x3FAD] =	sst s6  }
0xf: {  	[smem:$0x3FAE] =	sst s7  }
0x10: {  	[smem:$0x3FAF] =	sst s8  }
0x11: {  	[smem:$0x3FB0] =	sst s9;
	s0 =	simm.s32 @!p0 $0x0  }
0x12: {  	s1 =	sld [smem:$0x3F96];
	s0 =	simm.s32 @p0 $0x1  }
0x13: {  	[smem:$0x3FB1] =	sst s0;
	s0 =	simm.s32 @!p1 $0x0  }
0x14: {  	s2 =	sld [smem:$0x3F95];
	s0 =	simm.s32 @p1 $0x1  }
0x15: {  	[smem:$0x3FB2] =	sst s0;
	s0 =	simm.s32 @!p2 $0x0  }
0x16: {  	s3 =	sld [smem:$0x3FDB];
	s0 =	simm.s32 @p2 $0x1  }
0x17: {  	s4 =	simm.s32 $0x1BF5;
	[smem:$0x3FB4] =	sst s0  }
0x18: {  	s0 =	sld [smem:$0x3F97];
	_ =	swait.ge [sflag:s4], $0x0  }
0x19: {  	s7 =	sld [smem:$0x3F98]  }
0x1a: {  	s8 =	sadd.s32 $0xFFFFE003, lr  }
0x1b: {  	s9 =	sadd.s32 $0xFFFFFEF7, lr;
	s5 =	simm.s32 $0xFFFFFFFF;
	p2 =	slt.u32 s8, $0xFFFFF086  }
0x1c: {  	p1 =	slt.u32 s9, $0xF7A;
	s5 =	simm.s32 @!p2 $0x0  }
0x1d: {  	s5 =	simm.s32 @p1 $0x1;
	p0 =	seq.s32 s7, s2  }
0x1e: {  	s7 =	smul.u32 @!p0 $0xF7A, s2;
	p2 =	seq.s32 @!p0 s5, $0x0  }
0x1f: {  	s9 =	smul.u32 $0xF7A, s1;
	s8 =	simm.s32 @!p0 $0x1BF5;
	p2 =	por !p2, p0  }
0x20: {  	[sflag:s8] =	ssyncset.s32 @!p0 $0xFFFFF086;
	s6 =	sadd.s32 @!p0 s3, s7;
	s7 =	simm.s32 @!p0 $0x108  }
0x21: {  	s3 =	sadd.s32 s3, s9;
	s6 =	sadd.s32 @!p0 $0x88, s6;
	s7 =	simm.s32 @p2 $0x1082  }
0x22: {  	[simem:s7], [sflag:s8] =	dma.local @!p0 [hbm:s6], $0xF7A  }
0x23: {  	s9 =	sor.u32 $0xD0000000, s2;
	s6 =	simm.s32 $0x108;
	_ =	swait.ge @!p0 [sflag:s8], $0x0  }
0x24: {  	s3 =	sadd.s32 $0x88, s3;
	s6 =	simm.s32 @!p1 $0x1082;
	[sflag:s4] =	ssyncset.s32 $0xFFFFF086  }
0x25: {  	[simem:s6], [sflag:s4] =	dma.local [hbm:s3], $0xF7A  }
0x26: {  	[smem:$0x3F98] =	sst s1;
	(tag) =	ssettag s2;
	_ =	strace s9  }
0x27: {  	s1 =	sld [smem:$0x3FA8]  }
0x28: {  	s2 =	sld [smem:$0x3FA9]  }
0x29: {  	s4 =	sld [smem:$0x3FAB]  }
0x2a: {  	p0 =	seq.s32 s5, $0x0;
	s5 =	sld [smem:$0x3FAC]  }
0x2b: {  	s6 =	sld [smem:$0x3FAD]  }
0x2c: {  	s7 =	sld [smem:$0x3FAE]  }
0x2d: {  	s3 =	simm.s32 $0x108;
	s8 =	sld [smem:$0x3FAF]  }
0x2e: {  	s3 =	simm.s32 @!p0 $0x1082;
	s9 =	sld [smem:$0x3FB0]  }
0x2f: {  	lr =	sadd.s32 s0, s3;
	s0 =	sld [smem:$0x3FA7]  }
0x30: {  	s3 =	sld [smem:$0x3FAA]  }
0x31: {  	[smem:$0x3FB3] =	sst s10  }
0x32: {  	s10 =	sld [smem:$0x3FB1];
	_ =	sdelay $0x3  }
0x33: {  	p0 =	seq.s32 s10, $0x1;
	s10 =	sld [smem:$0x3FB3];
	_ =	sdelay $0x3  }
0x34: {  	[smem:$0x3FB3] =	sst s10  }
0x35: {  	s10 =	sld [smem:$0x3FB2];
	_ =	sdelay $0x3  }
0x36: {  	p1 =	seq.s32 s10, $0x1;
	s10 =	sld [smem:$0x3FB3];
	_ =	sdelay $0x3  }
0x37: {  	[smem:$0x3FB3] =	sst s10  }
0x38: {  	s10 =	sld [smem:$0x3FB4]  }
0x39: {  	_ = 	snop;
	(pc) =	sbr.ind lr, $3  }
0x3a: {  	_ = 	snop  }
0x3b: {  	_ = 	snop  }
0x3c: {  	p2 =	seq.s32 s10, $0x1;
	s10 =	sld [smem:$0x3FB3]  }
0x3d: {  	_ =	shalt  }
0x3e: {  	_ =	shalt  }
0x3f: {  	_ =	shalt  }
0x40: {  	_ =	shalt  }
0x41: {  	_ =	shalt  }
0x42: {  	_ =	shalt  }
0x43: {  	_ =	shalt  }
0x44: {  	_ =	shalt  }
0x45: {  	_ =	shalt  }
0x46: {  	_ =	shalt  }
0x47: {  	_ =	shalt  }
0x48: {  	_ =	shalt  }
0x49: {  	_ =	shalt  }
0x4a: {  	_ =	shalt  }
0x4b: {  	_ =	shalt  }
0x4c: {  	_ =	shalt  }
0x4d: {  	_ =	shalt  }
0x4e: {  	_ =	shalt  }
0x4f: {  	_ =	shalt  }
0x50: {  	_ =	shalt  }
0x51: {  	_ =	shalt  }
0x52: {  	_ =	shalt  }
0x53: {  	_ =	shalt  }
0x54: {  	_ =	shalt  }
0x55: {  	_ =	shalt  }
0x56: {  	_ =	shalt  }
0x57: {  	_ =	shalt  }
0x58: {  	_ =	shalt  }
0x59: {  	_ =	shalt  }
0x5a: {  	_ =	shalt  }
0x5b: {  	_ =	shalt  }
0x5c: {  	_ =	shalt  }
0x5d: {  	_ =	shalt  }
0x5e: {  	_ =	shalt  }
0x5f: {  	_ =	shalt  }
0x60: {  	_ =	shalt  }
0x61: {  	_ =	shalt  }
0x62: {  	_ =	shalt  }
0x63: {  	_ =	shalt  }
0x64: {  	_ =	shalt  }
0x65: {  	_ =	shalt  }
0x66: {  	_ =	shalt  }
0x67: {  	_ =	shalt  }
0x68: {  	_ =	shalt  }
0x69: {  	_ =	shalt  }
0x6a: {  	_ =	shalt  }
0x6b: {  	_ =	shalt  }
0x6c: {  	_ =	shalt  }
0x6d: {  	_ =	shalt  }
0x6e: {  	_ =	shalt  }
0x6f: {  	_ =	shalt  }
0x70: {  	_ =	shalt  }
0x71: {  	_ =	shalt  }
0x72: {  	_ =	shalt  }
0x73: {  	_ =	shalt  }
0x74: {  	_ =	shalt  }
0x75: {  	_ =	shalt  }
0x76: {  	_ =	shalt  }
0x77: {  	_ =	shalt  }
0x78: {  	_ =	shalt  }
0x79: {  	_ =	shalt  }
0x7a: {  	_ =	shalt  }
0x7b: {  	_ =	shalt  }
0x7c: {  	_ =	shalt  }
0x7d: {  	_ =	shalt  }
0x7e: {  	_ =	shalt  }
0x7f: {  	_ =	shalt  }
0x80: {  	_ =	shalt  }
0x81: {  	_ =	shalt  }
0x82: {  	_ =	shalt  }
0x83: {  	_ =	shalt  }
0x84: {  	_ =	shalt  }
0x85: {  	_ =	shalt  }
0x86: {  	_ =	shalt  }
0x87: {  	_ =	shalt  }
.Lfunc_end0:
.L_simem_size_0:
called_computation_lowered:
.L_overlay_start_0:
0x88: {  	s2 =	sld [smem:$0x3FD9]  }
0x89: {  	s3 =	sld [smem:$0x3FFE];
	_ =	sdelay $0x1  }
0x8a: {  	s1 =	srdreg.scid  }
0x8b: {  	s0 =	sand.u32 $0x1, s1  }
0x8c: {  	s17 =	sshll.u32 s0, $0xA;
	s2 =	sadd.s32 s3, s2  }
0x8d: {  	s2 =	sadd.s32 s2, s17  }
0x8e: {  	[smem:$0x3FBF] =	sst s2  }
0x8f: {  	_ = 	snop  }
0x90: {  	s2 =	sld [smem:$0x3FD0];
	(tm) =	ssettm $0x1  }
0x91: {  	s18 =	sld [smem:$0x3FFB];
	_ =	sdelay $0x3  }
0x92: {  	_ =	strace s18  }
0x93: {  	s3 =	sld [smem:$0x3FFC];
	_ =	sdelay $0x3  }
0x94: {  	_ =	strace s3  }
0x95: {  	s3 =	sld [smem:$0x3FFD];
	_ =	sdelay $0x3  }
0x96: {  	_ =	strace s3  }
0x97: {  	_ =	strace $0x8FFFFFFF  }
0x98: {  	s19 =	sld [smem:$0x3FDB];
	_ =	sdelay $0x1  }
0x99: {  	s4 =	simm.s32 $_scs_section_size  }
0x9a: {  	s5 =	simm.s32 $_size__tile_overlayer_lowered;
	s6 =	simm.s32 $_tile_overlayer_lowered  }
0x9b: {  	s22 =	simm.s32 $0x1BFF;
	s21 =	sshll.u32 s6, $0x1;
	s3 =	sadd.s32 s4, s19  }
0x9c: {  	s7 =	simm.s32 $0x0;
	s20 =	sshll.u32 s5, $0x1;
	s5 =	sadd.s32 s21, s3  }
0x9d: {  	[timem:s7], [sflag:s22] =	dma.local [hbm:s5], s20  }
0x9e: {  	_ =	swait.ge [sflag:s22], s20  }
0x9f: {  	s4 =	ssub.s32 $0x0, s20;
	[sflag:s22] =	ssyncset.done $0x0  }
0xa0: {  	[sflag:s22] =	ssyncadd.s32 s4;
	_ =	sdelay $0x1  }
0xa1: {  	s23 =	simm.s32 $0x1B8B  }
0xa2: {  	_ =	swait.ge [sflag:s23], $0x1  }
0xa3: {  	[sflag:s23] =	ssyncset.done $0x0  }
0xa4: {  	s25 =	simm.s32 $0x1B8E;
	s24 =	sld [smem:$0x3FFE];
	[sflag:s23] =	ssyncadd.s32 $0xFFFFFFFF  }
0xa5: {  	s26 =	simm.s32 $execute0_lowered;
	[smem:$0x3FD2] =	sst s25  }
0xa6: {  	s5 =	sshll.u32 s26, $0x1;
	_ =	strace $0x80000046;
	[dreg:$0x1] =	wrdreg $0xFFFFFFFF  }
0xa7: {  	s28 =	simm.s32 $_size_execute0_lowered;
	s3 =	sadd.s32 s3, s5;
	[dreg:$0x0] =	wrdreg $0x0  }
0xa8: {  	s5 =	sshll.u32 s28, $0x1;
	[dreg:$0x2] =	wrdreg s3  }
0xa9: {  	[dreg:$0x3] =	wrdreg s5  }
0xaa: {  	[dreg:$0x4] =	wrdreg $0xC0  }
0xab: {  	_ =	task [dreg:s7], $0x5FFFF  }
0xac: {  	[dreg:$0x1] =	wrdreg $0xFFFFFFFF  }
0xad: {  	[dreg:$0x0] =	wrdreg $0x60  }
0xae: {  	[dreg:$0x2] =	wrdreg s24  }
0xaf: {  	[dreg:$0x3] =	wrdreg s2  }
0xb0: {  	[dreg:$0x4] =	wrdreg $0x84000  }
0xb1: {  	[dreg:$0x5] =	wrdreg $0x1C8000  }
0xb2: {  	[dreg:$0x6] =	wrdreg $0x9  }
0xb3: {  	_ =	task.clear_ibuf [dreg:s7], $0x7FFFF;
	_ =	strace $0x90000046  }
0xb4: {  	s29 =	simm.s32 $0x9;
	_ =	strace $0x80000048  }
0xb5: {  	_ =	swait.ge [sflag:s29], $0x1  }
0xb6: {  	[sflag:s29] =	ssyncadd.s32 $0xFFFFFFFF  }
0xb7: {  	_ =	strace $0x90000048  }
0xb8: {  	_ =	sfence  }
0xb9: {  	s30 =	sld [smem:$0x0];
	_ =	sdelay $0x2  }
0xba: {  	s31 =	sshll.u32 s1, $0xD;
	s1 =	sshrl.u32 s1, $0x2  }
0xbb: {  	s3 =	sand.u32 $0x4000, s31;
	s1 =	sadd.s32 s1, s30  }
0xbc: {  	s0 =	sor.u32 s3, s0;
	s1 =	sshll.u32 s1, $0x11  }
0xbd: {  	s0 =	sor.u32 s1, s0  }
0xbe: {  	s0 =	sadd.s32 $0x8F2B, s0  }
0xbf: {  	[sflag:s0] =	ssyncadd.remote.s32 $0x1  }
0xc0: {  	_ =	sfence.sel $0xFFFF  }
0xc1: {  	[dreg:$0x0] =	wrdreg $0xFFFFFFFF;
	(pc) =	sbr.abs _section_cstart, $3  }
0xc2: {  	[dreg:$0x1] =	wrdreg $0xFFFFFFFF  }
0xc3: {  	_ =	task.clear_ibuf [dreg:s7], $0x2FFFF;
	_ =	strace $0x9FFFFFFF  }
0xc4: {  	(tm) =	ssettm $0x7FFFFFFF  }
0xc5: {  	_ =	shalt  }
tec
execute0_lowered:
.L_overlay_start_1:
0x0: {  	(tag) =	ssettag $0x1  }
0x1: {  	s0 =	srdreg.scid  }
0x2: {  	s30 =	stileid.u32;
	s4 =	rddreg [dreg:$0x0]  }
0x3: {  	s31 =	simm.s32 $0x0;
	s0 =	sand.u32 $0x1, s0;
	s2 =	smul.u32 $0x280, s30  }
0x4: {  	s15 =	sadd.s32 $0x2A5800, s4;
	s5 =	smul.u32 $0x14000, s30;
	s1 =	ssub.s32 $0x2, s0  }
0x5: {  	s19 =	smul.u32 $0x140000, s0;
	s3 =	sshrl.u32 s1, $0x1;
	s16 =	sadd.s32 $0x80, s2  }
0x6: {  	s17 =	sadd.s32 $0xC0, s2;
	s18 =	sadd.s32 $0x100, s2;
	s20 =	sadd.s32 $0x140, s2  }
0x7: {  	s21 =	sadd.s32 $0x180, s2;
	s22 =	sadd.s32 $0x1C0, s2;
	s23 =	sadd.s32 $0x200, s2  }
0x8: {  	s3 =	ssub.s32 s1, s3;
	s1 =	sor.u32 $0x40, s2;
	s7 =	sshll.u32 s16, $0x7  }
0x9: {  	s8 =	sshll.u32 s17, $0x7;
	s9 =	sshll.u32 s18, $0x7;
	s10 =	sshll.u32 s20, $0x7  }
0xa: {  	s11 =	sadd.s32 s5, s19;
	s2 =	sadd.s32 $0x240, s2;
	s16 =	sshll.u32 s16, $0x4  }
0xb: {  	s6 =	sshll.u32 s1, $0x7;
	s11 =	sshrl.u32 s11, $0x3;
	s12 =	sadd.s32 s19, s7  }
0xc: {  	s13 =	sadd.s32 s19, s8;
	s11 =	sadd.s32 s15, s11;
	s14 =	sadd.s32 s19, s6  }
0xd: {  	s24 =	sshrl.u32 s12, $0x3;
	s25 =	sshrl.u32 s13, $0x3;
	s12 =	sadd.s32 s19, s9  }
0xe: {  	[dreg:$0x5] =	wrdreg s11;
	s11 =	sshrl.u32 s14, $0x3;
	s26 =	sadd.s32 s15, s25  }
0xf: {  	s13 =	sshrl.u32 s12, $0x3;
	s14 =	sadd.s32 s19, s10;
	s11 =	sadd.s32 s15, s11  }
0x10: {  	s12 =	sadd.s32 s15, s13;
	[dreg:$0x6] =	wrdreg s11;
	s11 =	sadd.s32 s15, s24  }
0x11: {  	s24 =	sshrl.u32 s14, $0x3;
	[dreg:$0x7] =	wrdreg s11;
	s11 =	sshll.u32 s21, $0x7  }
0x12: {  	[dreg:$0x9] =	wrdreg s12;
	s12 =	sadd.s32 s15, s24;
	s25 =	sadd.s32 s19, s11  }
0x13: {  	[dreg:$0xa] =	wrdreg s12;
	s12 =	sshll.u32 s22, $0x7;
	s13 =	sshrl.u32 s25, $0x3  }
0x14: {  	[dreg:$0x8] =	wrdreg s26;
	s14 =	sadd.s32 s19, s12;
	s13 =	sadd.s32 s15, s13  }
0x15: {  	s24 =	sshrl.u32 s14, $0x3;
	[dreg:$0xb] =	wrdreg s13;
	s13 =	sshll.u32 s23, $0x7  }
0x16: {  	s14 =	sshll.u32 s2, $0x7;
	s24 =	sadd.s32 s15, s24;
	s25 =	sadd.s32 s19, s13  }
0x17: {  	[dreg:$0xc] =	wrdreg s24;
	s19 =	sadd.s32 s19, s14;
	s26 =	sshrl.u32 s25, $0x3  }
0x18: {  	s19 =	sshrl.u32 s19, $0x3;
	s25 =	sshll.u32 s2, $0x4;
	s24 =	sadd.s32 s15, s26  }
0x19: {  	s15 =	sadd.s32 s15, s19;
	s19 =	sshll.u32 s30, $0x1;
	s26 =	smul.u32 $0x2800, s30  }
0x1a: {  	[dreg:$0xe] =	wrdreg s15;
	s15 =	sshll.u32 s1, $0x4;
	s1 =	smul.u32 $0x28000, s0  }
0x1b: {  	[dreg:$0xd] =	wrdreg s24;
	s28 =	sor.u32 s0, s19;
	s19 =	sshll.u32 s20, $0x4  }
0x1c: {  	s24 =	sshll.u32 s23, $0x4;
	s2 =	smul.u32 $0x5000, s28;
	s23 =	sadd.s32 s1, s15  }
0x1d: {  	s28 =	sadd.s32 $0x29B800, s4;
	s20 =	sadd.s32 s26, s1;
	s23 =	sshrl.u32 s23, $0x3  }
0x1e: {  	s17 =	sshll.u32 s17, $0x4;
	s20 =	sshrl.u32 s20, $0x3;
	s23 =	sadd.s32 s28, s23  }
0x1f: {  	s20 =	sadd.s32 s28, s20;
	[dreg:$0x10] =	wrdreg s23;
	s23 =	sadd.s32 s1, s16  }
0x20: {  	s18 =	sshll.u32 s18, $0x4;
	[dreg:$0xf] =	wrdreg s20;
	s20 =	sshrl.u32 s23, $0x3  }
0x21: {  	s29 =	sadd.s32 s1, s18;
	s23 =	sadd.s32 s1, s17;
	s20 =	sadd.s32 s28, s20  }
0x22: {  	[dreg:$0x11] =	wrdreg s20;
	s20 =	sshrl.u32 s23, $0x3;
	s23 =	sshrl.u32 s29, $0x3  }
0x23: {  	[smem:$0x7FF] =	sst s31;
	s21 =	sshll.u32 s21, $0x4;
	s23 =	sadd.s32 s28, s23  }
0x24: {  	s20 =	sadd.s32 s28, s20;
	[dreg:$0x13] =	wrdreg s23;
	s23 =	sadd.s32 s1, s19  }
0x25: {  	s22 =	sshll.u32 s22, $0x4;
	[dreg:$0x12] =	wrdreg s20;
	s20 =	sshrl.u32 s23, $0x3  }
0x26: {  	s29 =	sadd.s32 s1, s22;
	s23 =	sadd.s32 s1, s21;
	s20 =	sadd.s32 s28, s20  }
0x27: {  	[dreg:$0x14] =	wrdreg s20;
	s20 =	sshrl.u32 s23, $0x3;
	s23 =	sshrl.u32 s29, $0x3  }
0x28: {  	s29 =	rddreg [dreg:$0x1];
	s23 =	sadd.s32 s28, s23  }
0x29: {  	s20 =	sadd.s32 s28, s20;
	[dreg:$0x16] =	wrdreg s23;
	s23 =	sadd.s32 s1, s24  }
0x2a: {  	s30 =	smul.u32 $0xA000, s30;
	[dreg:$0x15] =	wrdreg s20;
	s23 =	sshrl.u32 s23, $0x3  }
0x2b: {  	s1 =	sadd.s32 s1, s25;
	s20 =	rddreg [dreg:$0x2];
	s23 =	sadd.s32 s28, s23  }
0x2c: {  	s0 =	smul.u32 $0x5000, s0;
	s1 =	sshrl.u32 s1, $0x3;
	[dreg:$0x17] =	wrdreg s23  }
0x2d: {  	s1 =	sadd.s32 s28, s1;
	s23 =	rddreg [dreg:$0x3]  }
0x2e: {  	s0 =	sadd.s32 s0, s30;
	s6 =	sadd.s32 s6, s20;
	[dreg:$0x18] =	wrdreg s1  }
0x2f: {  	_ =	strace $0x80000047;
	[smem:$0x7E2] =	sst s6;
	s6 =	sadd.s32 s9, s20  }
0x30: {  	s1 =	sshrl.u32 s2, $0x3;
	s9 =	sadd.s32 s12, s20;
	[smem:$0x7E5] =	sst s6  }
0x31: {  	s2 =	sor.u32 $0x400, s0;
	s12 =	sadd.s32 s26, s23;
	[smem:$0x7E8] =	sst s9  }
0x32: {  	s28 =	sadd.s32 s29, s1;
	s1 =	sshrl.u32 s2, $0x3;
	[smem:$0x7EB] =	sst s12  }
0x33: {  	s2 =	sor.u32 $0x580, s0;
	s30 =	sadd.s32 s19, s23;
	[dreg:$0x19] =	wrdreg s28  }
0x34: {  	s1 =	sadd.s32 s1, s29;
	s6 =	sadd.s32 s18, s23;
	[smem:$0x7F9] =	sst s30  }
0x35: {  	s18 =	sadd.s32 $0x10, s28;
	[dreg:$0x1a] =	wrdreg s1;
	s1 =	sshrl.u32 s2, $0x3  }
0x36: {  	s2 =	sor.u32 $0x500, s0;
	[smem:$0x7F1] =	sst s18;
	s1 =	sadd.s32 s1, s29  }
0x37: {  	s19 =	sadd.s32 $0x50, s28;
	[dreg:$0x1b] =	wrdreg s1;
	s1 =	sshrl.u32 s2, $0x3  }
0x38: {  	[smem:$0x7F2] =	sst s19;
	s2 =	sor.u32 $0x480, s0;
	s1 =	sadd.s32 s1, s29  }
0x39: {  	s26 =	sadd.s32 $0x70, s28;
	[dreg:$0x1c] =	wrdreg s1;
	s1 =	sshrl.u32 s2, $0x3  }
0x3a: {  	[smem:$0x7F6] =	sst s26;
	s2 =	sor.u32 $0x600, s0;
	s1 =	sadd.s32 s1, s29  }
0x3b: {  	[dreg:$0x1d] =	wrdreg s1;
	s1 =	sshrl.u32 s2, $0x3  }
0x3c: {  	[smem:$0x7F8] =	sst s6;
	s2 =	sor.u32 $0x780, s0;
	s1 =	sadd.s32 s1, s29  }
0x3d: {  	[dreg:$0x1e] =	wrdreg s1;
	s1 =	sshrl.u32 s2, $0x3;
	s2 =	sor.u32 $0x700, s0  }
0x3e: {  	s0 =	sor.u32 $0x680, s0;
	s1 =	sadd.s32 s1, s29;
	s2 =	sshrl.u32 s2, $0x3  }
0x3f: {  	s0 =	sshrl.u32 s0, $0x3;
	[dreg:$0x1f] =	wrdreg s1;
	s1 =	sadd.s32 s2, s29  }
0x40: {  	s0 =	sadd.s32 s0, s29;
	[smem:$0x7DD] =	sst s1  }
0x41: {  	s2 =	sadd.s32 $0x29B400, s4;
	[smem:$0x7DE] =	sst s0  }
0x42: {  	[smem:$0x7DF] =	sst s2;
	s2 =	sadd.s32 $0x29B200, s4  }
0x43: {  	s1 =	sadd.s32 $0x2A000, s4;
	s4 =	sadd.s32 $0x29B000, s4;
	[smem:$0x7E0] =	sst s2  }
0x44: {  	s9 =	simm.s32 $0x1C400;
	[smem:$0x7E1] =	sst s4;
	s4 =	sadd.s32 s7, s20  }
0x45: {  	s2 =	sadd.s32 s5, s20;
	s5 =	sadd.s32 s8, s20;
	[smem:$0x7E3] =	sst s4  }
0x46: {  	s12 =	simm.s32 $0xC;
	s7 =	sadd.s32 s10, s20;
	[smem:$0x7E4] =	sst s5  }
0x47: {  	s18 =	simm.s32 $0x4400;
	s8 =	sadd.s32 s11, s20;
	[smem:$0x7E6] =	sst s7  }
0x48: {  	s19 =	simm.s32 $0x6400;
	s10 =	sadd.s32 s13, s20;
	[smem:$0x7E7] =	sst s8  }
0x49: {  	s26 =	simm.s32 $0x340;
	s11 =	sadd.s32 s14, s20;
	[smem:$0x7E9] =	sst s10  }
0x4a: {  	s29 =	simm.s32 $0x4;
	s13 =	sadd.s32 s15, s23;
	[smem:$0x7EA] =	sst s11  }
0x4b: {  	s14 =	sadd.s32 s16, s23;
	s15 =	sadd.s32 s17, s23;
	[smem:$0x7EC] =	sst s13  }
0x4c: {  	s16 =	smax.u32 s3, $0x1;
	s17 =	sadd.s32 $0x40, s28;
	[smem:$0x7ED] =	sst s14  }
0x4d: {  	s3 =	simm.s32 $0xA;
	[smem:$0x7EE] =	sst s15;
	s13 =	sadd.s32 s21, s23  }
0x4e: {  	s21 =	smov.u32 s2;
	s2 =	sadd.s32 s22, s23;
	[smem:$0x7EF] =	sst s16  }
0x4f: {  	s15 =	sadd.s32 s24, s23;
	[smem:$0x7F0] =	sst s17;
	s22 =	sadd.s32 $0x20, s28  }
0x50: {  	s4 =	sadd.s32 s25, s23;
	s24 =	sadd.s32 $0x60, s28;
	[smem:$0x7F3] =	sst s22  }
0x51: {  	s25 =	sadd.s32 $0x30, s28;
	s7 =	simm.s32 $0x400;
	[smem:$0x7F4] =	sst s24  }
0x52: {  	s8 =	simm.s32 $0xD;
	s16 =	simm.s32 $0x40;
	[smem:$0x7F5] =	sst s25  }
.Ltmp0:
0x53: {  	s17 =	simm.s32 $0x2400;
	[smem:$0x7F7] =	sst s21;
	(pc) =	sbr.rel .LBB2_1-.Ltmp0, $4  }
0x54: {  	s5 =	simm.s32 $0x6;
	s11 =	simm.s32 $0x7;
	[smem:$0x7FA] =	sst s13  }
0x55: {  	s14 =	simm.s32 $0x8;
	s28 =	simm.s32 $0x3C0;
	[smem:$0x7FB] =	sst s2  }
0x56: {  	s10 =	simm.s32 $0x0;
	s22 =	simm.s32 $0x9;
	[smem:$0x7FC] =	sst s15  }
0x57: {  	s24 =	simm.s32 $0x5;
	s25 =	simm.s32 $0xB;
	[smem:$0x7FD] =	sst s4  }
.LBB2_4:
0x58: {  	[bflag:$0x0] =	sbarrier.arrive $0xFFFF  }
0x59: {  	s21 =	sld [smem:$0x7F7];
	_ =	sdelay $0x2  }
0x5a: {  	[tilespmem:s7], [sflag:$0xD] =	stream.linear.gather [spmem:s21], $0x2000, $0x38;
	[tilespmem:$0x1F000] =	vst v63  }
0x5b: {  	_ =	swait.ge [sflag:s8], $0x2000  }
0x5c: {  	[sflag:s8] =	ssyncset.done $0x0  }
0x5d: {  	s31 =	simm.s32 $0x0;
	s0 =	rddreg [dreg:$0x5];
	[sflag:s8] =	ssyncadd.s32 $0xFFFFE000  }
0x5e: {  	[hbm4b:s0+s31] =	stream.linear.scatter [tilespmem:s7], [sflag:$0xD], $0x2000, $0x38;
	[tilespmem:$0x1F000] =	vst v63  }
0x5f: {  	_ =	swait.ge [sflag:s8], $0x2000  }
0x60: {  	s13 =	sld [smem:$0x7E2]  }
0x61: {  	[sflag:s8] =	ssyncset.done $0x0  }
0x62: {  	[sflag:s8] =	ssyncadd.s32 $0xFFFFE000  }
0x63: {  	[tilespmem:s7], [sflag:$0xD] =	stream.linear.gather [spmem:s13], $0x2000, $0x38;
	[tilespmem:$0x1F000] =	vst v63  }
0x64: {  	_ =	swait.ge [sflag:s8], $0x2000  }
0x65: {  	[sflag:s8] =	ssyncset.done $0x0  }
0x66: {  	s15 =	rddreg [dreg:$0x6];
	[sflag:s8] =	ssyncadd.s32 $0xFFFFE000  }
0x67: {  	[hbm4b:s15+s31] =	stream.linear.scatter [tilespmem:s7], [sflag:$0xD], $0x2000, $0x38;
	[tilespmem:$0x1F000] =	vst v63  }
0x68: {  	_ =	swait.ge [sflag:s8], $0x2000  }
0x69: {  	s2 =	sld [smem:$0x7E3]  }
0x6a: {  	[sflag:s8] =	ssyncset.done $0x0  }
0x6b: {  	[sflag:s8] =	ssyncadd.s32 $0xFFFFE000  }
0x6c: {  	[tilespmem:s7], [sflag:$0xD] =	stream.linear.gather [spmem:s2], $0x2000, $0x38;
	[tilespmem:$0x1F000] =	vst v63  }
0x6d: {  	_ =	swait.ge [sflag:s8], $0x2000  }
0x6e: {  	[sflag:s8] =	ssyncset.done $0x0  }
0x6f: {  	s4 =	rddreg [dreg:$0x7];
	[sflag:s8] =	ssyncadd.s32 $0xFFFFE000  }
0x70: {  	[hbm4b:s4+s31] =	stream.linear.scatter [tilespmem:s7], [sflag:$0xD], $0x2000, $0x38;
	[tilespmem:$0x1F000] =	vst v63  }
0x71: {  	_ =	swait.ge [sflag:s8], $0x2000  }
0x72: {  	s6 =	sld [smem:$0x7E4]  }
0x73: {  	[sflag:s8] =	ssyncset.done $0x0  }
0x74: {  	[sflag:s8] =	ssyncadd.s32 $0xFFFFE000  }
0x75: {  	[tilespmem:s7], [sflag:$0xD] =	stream.linear.gather [spmem:s6], $0x2000, $0x38;
	[tilespmem:$0x1F000] =	vst v63  }
0x76: {  	_ =	swait.ge [sflag:s8], $0x2000  }
0x77: {  	[sflag:s8] =	ssyncset.done $0x0  }
0x78: {  	s10 =	rddreg [dreg:$0x8];
	[sflag:s8] =	ssyncadd.s32 $0xFFFFE000  }
0x79: {  	[hbm4b:s10+s31] =	stream.linear.scatter [tilespmem:s7], [sflag:$0xD], $0x2000, $0x38;
	[tilespmem:$0x1F000] =	vst v63  }
0x7a: {  	_ =	swait.ge [sflag:s8], $0x2000  }
0x7b: {  	s13 =	sld [smem:$0x7E5]  }
0x7c: {  	[sflag:s8] =	ssyncset.done $0x0  }
0x7d: {  	[sflag:s8] =	ssyncadd.s32 $0xFFFFE000  }
0x7e: {  	[tilespmem:s7], [sflag:$0xD] =	stream.linear.gather [spmem:s13], $0x2000, $0x38;
	[tilespmem:$0x1F000] =	vst v63  }
0x7f: {  	_ =	swait.ge [sflag:s8], $0x2000  }
0x80: {  	[sflag:s8] =	ssyncset.done $0x0  }
0x81: {  	s15 =	rddreg [dreg:$0x9];
	[sflag:s8] =	ssyncadd.s32 $0xFFFFE000  }
0x82: {  	[hbm4b:s15+s31] =	stream.linear.scatter [tilespmem:s7], [sflag:$0xD], $0x2000, $0x38;
	[tilespmem:$0x1F000] =	vst v63  }
0x83: {  	_ =	swait.ge [sflag:s8], $0x2000  }
0x84: {  	s2 =	sld [smem:$0x7E6]  }
0x85: {  	[sflag:s8] =	ssyncset.done $0x0  }
0x86: {  	[sflag:s8] =	ssyncadd.s32 $0xFFFFE000  }
0x87: {  	[tilespmem:s7], [sflag:$0xD] =	stream.linear.gather [spmem:s2], $0x2000, $0x38;
	[tilespmem:$0x1F000] =	vst v63  }
0x88: {  	_ =	swait.ge [sflag:s8], $0x2000  }
0x89: {  	[sflag:s8] =	ssyncset.done $0x0  }
0x8a: {  	s4 =	rddreg [dreg:$0xa];
	[sflag:s8] =	ssyncadd.s32 $0xFFFFE000  }
0x8b: {  	[hbm4b:s4+s31] =	stream.linear.scatter [tilespmem:s7], [sflag:$0xD], $0x2000, $0x38;
	[tilespmem:$0x1F000] =	vst v63  }
0x8c: {  	_ =	swait.ge [sflag:s8], $0x2000  }
0x8d: {  	s6 =	sld [smem:$0x7E7]  }
0x8e: {  	[sflag:s8] =	ssyncset.done $0x0  }
0x8f: {  	[sflag:s8] =	ssyncadd.s32 $0xFFFFE000  }
0x90: {  	[tilespmem:s7], [sflag:$0xD] =	stream.linear.gather [spmem:s6], $0x2000, $0x38;
	[tilespmem:$0x1F000] =	vst v63  }
0x91: {  	_ =	swait.ge [sflag:s8], $0x2000  }
0x92: {  	[sflag:s8] =	ssyncset.done $0x0  }
0x93: {  	s10 =	rddreg [dreg:$0xb];
	[sflag:s8] =	ssyncadd.s32 $0xFFFFE000  }
0x94: {  	[hbm4b:s10+s31] =	stream.linear.scatter [tilespmem:s7], [sflag:$0xD], $0x2000, $0x38;
	[tilespmem:$0x1F000] =	vst v63  }
0x95: {  	_ =	swait.ge [sflag:s8], $0x2000  }
0x96: {  	s13 =	sld [smem:$0x7E8]  }
0x97: {  	[sflag:s8] =	ssyncset.done $0x0  }
0x98: {  	[sflag:s8] =	ssyncadd.s32 $0xFFFFE000  }
0x99: {  	[tilespmem:s7], [sflag:$0xD] =	stream.linear.gather [spmem:s13], $0x2000, $0x38;
	[tilespmem:$0x1F000] =	vst v63  }
0x9a: {  	_ =	swait.ge [sflag:s8], $0x2000  }
0x9b: {  	[sflag:s8] =	ssyncset.done $0x0  }
0x9c: {  	s15 =	rddreg [dreg:$0xc];
	[sflag:s8] =	ssyncadd.s32 $0xFFFFE000  }
0x9d: {  	[hbm4b:s15+s31] =	stream.linear.scatter [tilespmem:s7], [sflag:$0xD], $0x2000, $0x38;
	[tilespmem:$0x1F000] =	vst v63  }
0x9e: {  	_ =	swait.ge [sflag:s8], $0x2000  }
0x9f: {  	s2 =	sld [smem:$0x7E9]  }
0xa0: {  	[sflag:s8] =	ssyncset.done $0x0  }
0xa1: {  	[sflag:s8] =	ssyncadd.s32 $0xFFFFE000  }
0xa2: {  	[tilespmem:s7], [sflag:$0xD] =	stream.linear.gather [spmem:s2], $0x2000, $0x38;
	[tilespmem:$0x1F000] =	vst v63  }
0xa3: {  	_ =	swait.ge [sflag:s8], $0x2000  }
0xa4: {  	[sflag:s8] =	ssyncset.done $0x0  }
0xa5: {  	s4 =	rddreg [dreg:$0xd];
	[sflag:s8] =	ssyncadd.s32 $0xFFFFE000  }
0xa6: {  	[hbm4b:s4+s31] =	stream.linear.scatter [tilespmem:s7], [sflag:$0xD], $0x2000, $0x38;
	[tilespmem:$0x1F000] =	vst v63  }
0xa7: {  	_ =	swait.ge [sflag:s8], $0x2000  }
0xa8: {  	s6 =	sld [smem:$0x7EA]  }
0xa9: {  	[sflag:s8] =	ssyncset.done $0x0  }
0xaa: {  	[sflag:s8] =	ssyncadd.s32 $0xFFFFE000  }
0xab: {  	[tilespmem:s7], [sflag:$0xD] =	stream.linear.gather [spmem:s6], $0x2000, $0x38;
	[tilespmem:$0x1F000] =	vst v63  }
0xac: {  	_ =	swait.ge [sflag:s8], $0x2000  }
0xad: {  	[sflag:s8] =	ssyncset.done $0x0  }
0xae: {  	s10 =	rddreg [dreg:$0xe];
	[sflag:s8] =	ssyncadd.s32 $0xFFFFE000  }
0xaf: {  	[hbm4b:s10+s31] =	stream.linear.scatter [tilespmem:s7], [sflag:$0xD], $0x2000, $0x38;
	[tilespmem:$0x1F000] =	vst v63  }
0xb0: {  	_ =	swait.ge [sflag:s8], $0x2000  }
0xb1: {  	s13 =	sld [smem:$0x7EB]  }
0xb2: {  	[sflag:s8] =	ssyncset.done $0x0  }
0xb3: {  	[sflag:s8] =	ssyncadd.s32 $0xFFFFE000  }
0xb4: {  	[tilespmem:s9], [sflag:$0xD] =	stream.linear.gather [spmem:s13], $0x400, $0x38;
	[tilespmem:$0x1F000] =	vst v63  }
0xb5: {  	_ =	swait.ge [sflag:s8], $0x400  }
0xb6: {  	[sflag:s8] =	ssyncset.done $0x0  }
0xb7: {  	s15 =	rddreg [dreg:$0xf];
	[sflag:s8] =	ssyncadd.s32 $0xFFFFFC00  }
0xb8: {  	[hbm4b:s15+s31] =	stream.linear.scatter [tilespmem:s9], [sflag:$0xD], $0x400, $0x38;
	[tilespmem:$0x1F000] =	vst v63  }
0xb9: {  	_ =	swait.ge [sflag:s8], $0x400  }
0xba: {  	s2 =	sld [smem:$0x7EC]  }
0xbb: {  	[sflag:s8] =	ssyncset.done $0x0  }
0xbc: {  	[sflag:s8] =	ssyncadd.s32 $0xFFFFFC00  }
0xbd: {  	[tilespmem:s9], [sflag:$0xD] =	stream.linear.gather [spmem:s2], $0x400, $0x38;
	[tilespmem:$0x1F000] =	vst v63  }
0xbe: {  	_ =	swait.ge [sflag:s8], $0x400  }
0xbf: {  	[sflag:s8] =	ssyncset.done $0x0  }
0xc0: {  	s4 =	rddreg [dreg:$0x10];
	[sflag:s8] =	ssyncadd.s32 $0xFFFFFC00  }
0xc1: {  	[hbm4b:s4+s31] =	stream.linear.scatter [tilespmem:s9], [sflag:$0xD], $0x400, $0x38;
	[tilespmem:$0x1F000] =	vst v63  }
0xc2: {  	_ =	swait.ge [sflag:s8], $0x400  }
0xc3: {  	s6 =	sld [smem:$0x7ED]  }
0xc4: {  	[sflag:s8] =	ssyncset.done $0x0  }
0xc5: {  	[sflag:s8] =	ssyncadd.s32 $0xFFFFFC00  }
0xc6: {  	[tilespmem:s9], [sflag:$0xD] =	stream.linear.gather [spmem:s6], $0x400, $0x38;
	[tilespmem:$0x1F000] =	vst v63  }
0xc7: {  	_ =	swait.ge [sflag:s8], $0x400  }
0xc8: {  	[sflag:s8] =	ssyncset.done $0x0  }
0xc9: {  	s10 =	rddreg [dreg:$0x11];
	[sflag:s8] =	ssyncadd.s32 $0xFFFFFC00  }
0xca: {  	[hbm4b:s10+s31] =	stream.linear.scatter [tilespmem:s9], [sflag:$0xD], $0x400, $0x38;
	[tilespmem:$0x1F000] =	vst v63  }
0xcb: {  	_ =	swait.ge [sflag:s8], $0x400  }
0xcc: {  	s13 =	sld [smem:$0x7EE]  }
0xcd: {  	[sflag:s8] =	ssyncset.done $0x0  }
0xce: {  	[sflag:s8] =	ssyncadd.s32 $0xFFFFFC00  }
0xcf: {  	[tilespmem:s9], [sflag:$0xD] =	stream.linear.gather [spmem:s13], $0x400, $0x38;
	[tilespmem:$0x1F000] =	vst v63  }
0xd0: {  	_ =	swait.ge [sflag:s8], $0x400  }
0xd1: {  	[sflag:s8] =	ssyncset.done $0x0  }
0xd2: {  	s15 =	rddreg [dreg:$0x12];
	[sflag:s8] =	ssyncadd.s32 $0xFFFFFC00  }
0xd3: {  	[hbm4b:s15+s31] =	stream.linear.scatter [tilespmem:s9], [sflag:$0xD], $0x400, $0x38;
	[tilespmem:$0x1F000] =	vst v63  }
0xd4: {  	_ =	swait.ge [sflag:s8], $0x400  }
0xd5: {  	s6 =	sld [smem:$0x7F8]  }
0xd6: {  	[sflag:s8] =	ssyncset.done $0x0  }
0xd7: {  	[sflag:s8] =	ssyncadd.s32 $0xFFFFFC00  }
0xd8: {  	[tilespmem:s9], [sflag:$0xD] =	stream.linear.gather [spmem:s6], $0x400, $0x38;
	[tilespmem:$0x1F000] =	vst v63  }
0xd9: {  	_ =	swait.ge [sflag:s8], $0x400  }
0xda: {  	[sflag:s8] =	ssyncset.done $0x0  }
0xdb: {  	s2 =	rddreg [dreg:$0x13];
	[sflag:s8] =	ssyncadd.s32 $0xFFFFFC00  }
0xdc: {  	[hbm4b:s2+s31] =	stream.linear.scatter [tilespmem:s9], [sflag:$0xD], $0x400, $0x38;
	[tilespmem:$0x1F000] =	vst v63  }
0xdd: {  	_ =	swait.ge [sflag:s8], $0x400  }
0xde: {  	s30 =	sld [smem:$0x7F9]  }
0xdf: {  	[sflag:s8] =	ssyncset.done $0x0  }
0xe0: {  	[sflag:s8] =	ssyncadd.s32 $0xFFFFFC00  }
0xe1: {  	[tilespmem:s9], [sflag:$0xD] =	stream.linear.gather [spmem:s30], $0x400, $0x38;
	[tilespmem:$0x1F000] =	vst v63  }
0xe2: {  	_ =	swait.ge [sflag:s8], $0x400  }
0xe3: {  	[sflag:s8] =	ssyncset.done $0x0  }
0xe4: {  	s4 =	rddreg [dreg:$0x14];
	[sflag:s8] =	ssyncadd.s32 $0xFFFFFC00  }
0xe5: {  	[hbm4b:s4+s31] =	stream.linear.scatter [tilespmem:s9], [sflag:$0xD], $0x400, $0x38;
	[tilespmem:$0x1F000] =	vst v63  }
0xe6: {  	_ =	swait.ge [sflag:s8], $0x400  }
0xe7: {  	s13 =	sld [smem:$0x7FA]  }
0xe8: {  	[sflag:s8] =	ssyncset.done $0x0  }
0xe9: {  	[sflag:s8] =	ssyncadd.s32 $0xFFFFFC00  }
0xea: {  	[tilespmem:s9], [sflag:$0xD] =	stream.linear.gather [spmem:s13], $0x400, $0x38;
	[tilespmem:$0x1F000] =	vst v63  }
0xeb: {  	_ =	swait.ge [sflag:s8], $0x400  }
0xec: {  	[sflag:s8] =	ssyncset.done $0x0  }
0xed: {  	s10 =	rddreg [dreg:$0x15];
	[sflag:s8] =	ssyncadd.s32 $0xFFFFFC00  }
0xee: {  	[hbm4b:s10+s31] =	stream.linear.scatter [tilespmem:s9], [sflag:$0xD], $0x400, $0x38;
	[tilespmem:$0x1F000] =	vst v63  }
0xef: {  	_ =	swait.ge [sflag:s8], $0x400  }
0xf0: {  	s2 =	sld [smem:$0x7FB]  }
0xf1: {  	[sflag:s8] =	ssyncset.done $0x0  }
0xf2: {  	[sflag:s8] =	ssyncadd.s32 $0xFFFFFC00  }
0xf3: {  	[tilespmem:s9], [sflag:$0xD] =	stream.linear.gather [spmem:s2], $0x400, $0x38;
	[tilespmem:$0x1F000] =	vst v63  }
0xf4: {  	_ =	swait.ge [sflag:s8], $0x400  }
0xf5: {  	[sflag:s8] =	ssyncset.done $0x0  }
0xf6: {  	s15 =	rddreg [dreg:$0x16];
	[sflag:s8] =	ssyncadd.s32 $0xFFFFFC00  }
0xf7: {  	[hbm4b:s15+s31] =	stream.linear.scatter [tilespmem:s9], [sflag:$0xD], $0x400, $0x38;
	[tilespmem:$0x1F000] =	vst v63  }
0xf8: {  	_ =	swait.ge [sflag:s8], $0x400  }
0xf9: {  	s15 =	sld [smem:$0x7FC]  }
0xfa: {  	[sflag:s8] =	ssyncset.done $0x0  }
0xfb: {  	[sflag:s8] =	ssyncadd.s32 $0xFFFFFC00  }
0xfc: {  	[tilespmem:s9], [sflag:$0xD] =	stream.linear.gather [spmem:s15], $0x400, $0x38;
	[tilespmem:$0x1F000] =	vst v63  }
0xfd: {  	_ =	swait.ge [sflag:s8], $0x400  }
0xfe: {  	[sflag:s8] =	ssyncset.done $0x0  }
0xff: {  	s4 =	rddreg [dreg:$0x17];
	[sflag:s8] =	ssyncadd.s32 $0xFFFFFC00  }
0x100: {  	[hbm4b:s4+s31] =	stream.linear.scatter [tilespmem:s9], [sflag:$0xD], $0x400, $0x38;
	[tilespmem:$0x1F000] =	vst v63  }
0x101: {  	_ =	swait.ge [sflag:s8], $0x400  }
0x102: {  	s4 =	sld [smem:$0x7FD]  }
0x103: {  	[sflag:s8] =	ssyncset.done $0x0  }
0x104: {  	[sflag:s8] =	ssyncadd.s32 $0xFFFFFC00  }
0x105: {  	[tilespmem:s9], [sflag:$0xD] =	stream.linear.gather [spmem:s4], $0x400, $0x38;
	[tilespmem:$0x1F000] =	vst v63  }
0x106: {  	_ =	swait.ge [sflag:s8], $0x400  }
0x107: {  	[sflag:s8] =	ssyncset.done $0x0  }
0x108: {  	s10 =	rddreg [dreg:$0x18];
	[sflag:s8] =	ssyncadd.s32 $0xFFFFFC00  }
0x109: {  	[hbm4b:s10+s31] =	stream.linear.scatter [tilespmem:s9], [sflag:$0xD], $0x400, $0x38;
	[tilespmem:$0x1F000] =	vst v63  }
0x10a: {  	_ =	swait.ge [sflag:s8], $0x400  }
0x10b: {  	s10 =	sld [smem:$0x7DC]  }
0x10c: {  	s0 =	sld [smem:$0x7EF];
	_ =	sdelay $0x1  }
0x10d: {  	s10 =	sadd.s32 $0x1, s10  }
0x10e: {  	p0 =	sne.s32 s10, s0  }
.Ltmp1:
0x10f: {  	_ = 	snop;
	(pc) =	sbr.rel @!p0 .LBB2_5-.Ltmp1, $3  }
0x110: {  	_ =	sdelay $0x1  }
0x111: {  	[sflag:s8] =	ssyncset.done $0x0  }
0x112: {  	[sflag:s8] =	ssyncadd.s32 $0xFFFFFC00  }
.LBB2_1:
0x113: {  	s0 =	sld [smem:$0x7DF];
	_ =	sdelay $0x1  }
0x114: {  	[smem:$0x7DC] =	sst s10  }
0x115: {  	[tilespmem:s7], [sflag:$0xD] =	stream.linear.gather [hbm4b:s0+s31], $0x2000, $0x38;
	[tilespmem:$0x1F000] =	vst v63  }
0x116: {  	_ =	swait.ge [sflag:s8], $0x2000  }
0x117: {  	[sflag:s8] =	ssyncset.done $0x0  }
0x118: {  	[sflag:s8] =	ssyncadd.s32 $0xFFFFE000  }
0x119: {  	[spmem:s21] =	stream.linear.scatter [tilespmem:s7], [sflag:$0xD], $0x2000, $0x38;
	[tilespmem:$0x1F000] =	vst v63  }
0x11a: {  	_ =	swait.ge [sflag:s8], $0x2000  }
0x11b: {  	s21 =	sld [smem:$0x7E2]  }
0x11c: {  	[sflag:s8] =	ssyncset.done $0x0  }
0x11d: {  	[sflag:s8] =	ssyncadd.s32 $0xFFFFE000  }
0x11e: {  	[spmem:s21] =	stream.linear.scatter [tilespmem:s7], [sflag:$0xD], $0x2000, $0x38;
	[tilespmem:$0x1F000] =	vst v63  }
0x11f: {  	_ =	swait.ge [sflag:s8], $0x2000  }
0x120: {  	s10 =	sld [smem:$0x7E3]  }
0x121: {  	[sflag:s8] =	ssyncset.done $0x0  }
0x122: {  	[sflag:s8] =	ssyncadd.s32 $0xFFFFE000  }
0x123: {  	[spmem:s10] =	stream.linear.scatter [tilespmem:s7], [sflag:$0xD], $0x2000, $0x38;
	[tilespmem:$0x1F000] =	vst v63  }
0x124: {  	_ =	swait.ge [sflag:s8], $0x2000  }
0x125: {  	s21 =	sld [smem:$0x7E4]  }
0x126: {  	[sflag:s8] =	ssyncset.done $0x0  }
0x127: {  	[sflag:s8] =	ssyncadd.s32 $0xFFFFE000  }
0x128: {  	[spmem:s21] =	stream.linear.scatter [tilespmem:s7], [sflag:$0xD], $0x2000, $0x38;
	[tilespmem:$0x1F000] =	vst v63  }
0x129: {  	_ =	swait.ge [sflag:s8], $0x2000  }
0x12a: {  	s10 =	sld [smem:$0x7E5]  }
0x12b: {  	[sflag:s8] =	ssyncset.done $0x0  }
0x12c: {  	[sflag:s8] =	ssyncadd.s32 $0xFFFFE000  }
0x12d: {  	[spmem:s10] =	stream.linear.scatter [tilespmem:s7], [sflag:$0xD], $0x2000, $0x38;
	[tilespmem:$0x1F000] =	vst v63  }
0x12e: {  	_ =	swait.ge [sflag:s8], $0x2000  }
0x12f: {  	s21 =	sld [smem:$0x7E6]  }
0x130: {  	[sflag:s8] =	ssyncset.done $0x0  }
0x131: {  	[sflag:s8] =	ssyncadd.s32 $0xFFFFE000  }
0x132: {  	[spmem:s21] =	stream.linear.scatter [tilespmem:s7], [sflag:$0xD], $0x2000, $0x38;
	[tilespmem:$0x1F000] =	vst v63  }
0x133: {  	_ =	swait.ge [sflag:s8], $0x2000  }
0x134: {  	s10 =	sld [smem:$0x7E7]  }
0x135: {  	[sflag:s8] =	ssyncset.done $0x0  }
0x136: {  	[sflag:s8] =	ssyncadd.s32 $0xFFFFE000  }
0x137: {  	[spmem:s10] =	stream.linear.scatter [tilespmem:s7], [sflag:$0xD], $0x2000, $0x38;
	[tilespmem:$0x1F000] =	vst v63  }
0x138: {  	_ =	swait.ge [sflag:s8], $0x2000  }
0x139: {  	s21 =	sld [smem:$0x7E8]  }
0x13a: {  	[sflag:s8] =	ssyncset.done $0x0  }
0x13b: {  	[sflag:s8] =	ssyncadd.s32 $0xFFFFE000  }
0x13c: {  	[spmem:s21] =	stream.linear.scatter [tilespmem:s7], [sflag:$0xD], $0x2000, $0x38;
	[tilespmem:$0x1F000] =	vst v63  }
0x13d: {  	_ =	swait.ge [sflag:s8], $0x2000  }
0x13e: {  	s10 =	sld [smem:$0x7E9]  }
0x13f: {  	[sflag:s8] =	ssyncset.done $0x0  }
0x140: {  	[sflag:s8] =	ssyncadd.s32 $0xFFFFE000  }
0x141: {  	[spmem:s10] =	stream.linear.scatter [tilespmem:s7], [sflag:$0xD], $0x2000, $0x38;
	[tilespmem:$0x1F000] =	vst v63  }
0x142: {  	_ =	swait.ge [sflag:s8], $0x2000  }
0x143: {  	s21 =	sld [smem:$0x7EA]  }
0x144: {  	[sflag:s8] =	ssyncset.done $0x0  }
0x145: {  	[sflag:s8] =	ssyncadd.s32 $0xFFFFE000  }
0x146: {  	[spmem:s21] =	stream.linear.scatter [tilespmem:s7], [sflag:$0xD], $0x2000, $0x38;
	[tilespmem:$0x1F000] =	vst v63  }
0x147: {  	_ =	swait.ge [sflag:s8], $0x2000  }
0x148: {  	s10 =	sld [smem:$0x7E0]  }
0x149: {  	[sflag:s8] =	ssyncset.done $0x0  }
0x14a: {  	[sflag:s8] =	ssyncadd.s32 $0xFFFFE000  }
0x14b: {  	[tilespmem:s9], [sflag:$0xD] =	stream.linear.gather [hbm4b:s10+s31], $0x400, $0x38;
	[tilespmem:$0x1F000] =	vst v63  }
0x14c: {  	_ =	swait.ge [sflag:s8], $0x400  }
0x14d: {  	s21 =	sld [smem:$0x7EB]  }
0x14e: {  	[sflag:s8] =	ssyncset.done $0x0  }
0x14f: {  	[sflag:s8] =	ssyncadd.s32 $0xFFFFFC00  }
0x150: {  	[spmem:s21] =	stream.linear.scatter [tilespmem:s9], [sflag:$0xD], $0x400, $0x38;
	[tilespmem:$0x1F000] =	vst v63  }
0x151: {  	_ =	swait.ge [sflag:s8], $0x400  }
0x152: {  	s10 =	sld [smem:$0x7EC]  }
0x153: {  	[sflag:s8] =	ssyncset.done $0x0  }
0x154: {  	[sflag:s8] =	ssyncadd.s32 $0xFFFFFC00  }
0x155: {  	[spmem:s10] =	stream.linear.scatter [tilespmem:s9], [sflag:$0xD], $0x400, $0x38;
	[tilespmem:$0x1F000] =	vst v63  }
0x156: {  	_ =	swait.ge [sflag:s8], $0x400  }
0x157: {  	s21 =	sld [smem:$0x7ED]  }
0x158: {  	[sflag:s8] =	ssyncset.done $0x0  }
0x159: {  	[sflag:s8] =	ssyncadd.s32 $0xFFFFFC00  }
0x15a: {  	[spmem:s21] =	stream.linear.scatter [tilespmem:s9], [sflag:$0xD], $0x400, $0x38;
	[tilespmem:$0x1F000] =	vst v63  }
0x15b: {  	_ =	swait.ge [sflag:s8], $0x400  }
0x15c: {  	s10 =	sld [smem:$0x7EE]  }
0x15d: {  	[sflag:s8] =	ssyncset.done $0x0  }
0x15e: {  	[sflag:s8] =	ssyncadd.s32 $0xFFFFFC00  }
0x15f: {  	[spmem:s10] =	stream.linear.scatter [tilespmem:s9], [sflag:$0xD], $0x400, $0x38;
	[tilespmem:$0x1F000] =	vst v63  }
0x160: {  	_ =	swait.ge [sflag:s8], $0x400  }
0x161: {  	[sflag:s8] =	ssyncset.done $0x0  }
0x162: {  	[sflag:s8] =	ssyncadd.s32 $0xFFFFFC00  }
0x163: {  	[spmem:s6] =	stream.linear.scatter [tilespmem:s9], [sflag:$0xD], $0x400, $0x38;
	[tilespmem:$0x1F000] =	vst v63  }
0x164: {  	_ =	swait.ge [sflag:s8], $0x400  }
0x165: {  	[sflag:s8] =	ssyncset.done $0x0  }
0x166: {  	[sflag:s8] =	ssyncadd.s32 $0xFFFFFC00  }
0x167: {  	[spmem:s30] =	stream.linear.scatter [tilespmem:s9], [sflag:$0xD], $0x400, $0x38;
	[tilespmem:$0x1F000] =	vst v63  }
0x168: {  	_ =	swait.ge [sflag:s8], $0x400  }
0x169: {  	[sflag:s8] =	ssyncset.done $0x0  }
0x16a: {  	[sflag:s8] =	ssyncadd.s32 $0xFFFFFC00  }
0x16b: {  	[spmem:s13] =	stream.linear.scatter [tilespmem:s9], [sflag:$0xD], $0x400, $0x38;
	[tilespmem:$0x1F000] =	vst v63  }
0x16c: {  	_ =	swait.ge [sflag:s8], $0x400  }
0x16d: {  	[sflag:s8] =	ssyncset.done $0x0  }
0x16e: {  	[sflag:s8] =	ssyncadd.s32 $0xFFFFFC00  }
0x16f: {  	[spmem:s2] =	stream.linear.scatter [tilespmem:s9], [sflag:$0xD], $0x400, $0x38;
	[tilespmem:$0x1F000] =	vst v63  }
0x170: {  	_ =	swait.ge [sflag:s8], $0x400  }
0x171: {  	[sflag:s8] =	ssyncset.done $0x0  }
0x172: {  	[sflag:s8] =	ssyncadd.s32 $0xFFFFFC00  }
0x173: {  	[spmem:s15] =	stream.linear.scatter [tilespmem:s9], [sflag:$0xD], $0x400, $0x38;
	[tilespmem:$0x1F000] =	vst v63  }
0x174: {  	_ =	swait.ge [sflag:s8], $0x400  }
0x175: {  	[sflag:s8] =	ssyncset.done $0x0  }
0x176: {  	[sflag:s8] =	ssyncadd.s32 $0xFFFFFC00  }
0x177: {  	[spmem:s4] =	stream.linear.scatter [tilespmem:s9], [sflag:$0xD], $0x400, $0x38;
	[tilespmem:$0x1F000] =	vst v63  }
0x178: {  	_ =	swait.ge [sflag:s8], $0x400  }
0x179: {  	s21 =	sld [smem:$0x7E1]  }
0x17a: {  	[sflag:s8] =	ssyncset.done $0x0  }
0x17b: {  	[sflag:s8] =	ssyncadd.s32 $0xFFFFFC00  }
0x17c: {  	[tilespmem:s9], [sflag:$0xD] =	stream.linear.gather [hbm4b:s21+s31], $0x400, $0x38;
	[tilespmem:$0x1F000] =	vst v63  }
0x17d: {  	_ =	swait.ge [sflag:s8], $0x400  }
0x17e: {  	[sflag:s8] =	ssyncset.done $0x0  }
0x17f: {  	s2 =	rddreg [dreg:$0x19];
	[sflag:s8] =	ssyncadd.s32 $0xFFFFFC00  }
0x180: {  	[tilespmem:s31], [sflag:$0xD] =	stream.linear.gather [hbm4b:s2+s31], $0x80, $0x38;
	[tilespmem:$0x1F000] =	vst v63  }
0x181: {  	_ =	swait.ge [sflag:s8], $0x80  }
0x182: {  	s4 =	sld [smem:$0x7F0]  }
0x183: {  	[sflag:s8] =	ssyncset.done $0x0  }
0x184: {  	s6 =	simm.s32 $0x200;
	s10 =	sld [smem:$0x7F1];
	[sflag:s8] =	ssyncadd.s32 $0xFFFFFF80  }
0x185: {  	[tilespmem:s6], [sflag:$0x5] =	stream.linear.gather [hbm4b:s4+s31], $0x80, $0x38;
	[tilespmem:$0x1F000] =	vst v63  }
0x186: {  	s2 =	simm.s32 $0x80  }
0x187: {  	[tilespmem:s2], [sflag:$0xD] =	stream.linear.gather [hbm4b:s10+s31], $0x80, $0x38;
	[tilespmem:$0x1F000] =	vst v63  }
0x188: {  	_ =	swait.ge [sflag:s8], $0x80  }
0x189: {  	s13 =	sld [smem:$0x7F2]  }
0x18a: {  	[sflag:s8] =	ssyncset.done $0x0  }
0x18b: {  	s15 =	simm.s32 $0x280;
	s21 =	sld [smem:$0x7F3];
	[sflag:s8] =	ssyncadd.s32 $0xFFFFFF80  }
0x18c: {  	[tilespmem:s15], [sflag:$0x6] =	stream.linear.gather [hbm4b:s13+s31], $0x80, $0x38;
	[tilespmem:$0x1F000] =	vst v63  }
0x18d: {  	s4 =	simm.s32 $0x100  }
0x18e: {  	[tilespmem:s4], [sflag:$0xD] =	stream.linear.gather [hbm4b:s21+s31], $0x80, $0x38;
	[tilespmem:$0x1F000] =	vst v63  }
0x18f: {  	_ =	swait.ge [sflag:s8], $0x80  }
0x190: {  	s6 =	sld [smem:$0x7F4]  }
0x191: {  	[sflag:s8] =	ssyncset.done $0x0  }
0x192: {  	s10 =	simm.s32 $0x300;
	s13 =	sld [smem:$0x7F5];
	[sflag:s8] =	ssyncadd.s32 $0xFFFFFF80  }
0x193: {  	[tilespmem:s10], [sflag:$0x7] =	stream.linear.gather [hbm4b:s6+s31], $0x80, $0x38;
	[tilespmem:$0x1F000] =	vst v63  }
0x194: {  	s6 =	simm.s32 $0x180  }
0x195: {  	[tilespmem:s6], [sflag:$0xD] =	stream.linear.gather [hbm4b:s13+s31], $0x80, $0x38;
	[tilespmem:$0x1F000] =	vst v63  }
0x196: {  	_ =	swait.ge [sflag:s8], $0x80  }
0x197: {  	s15 =	sld [smem:$0x7F6]  }
0x198: {  	[sflag:s8] =	ssyncset.done $0x0  }
0x199: {  	s21 =	simm.s32 $0x380;
	[sflag:s8] =	ssyncadd.s32 $0xFFFFFF80  }
0x19a: {  	[tilespmem:s21], [sflag:$0x8] =	stream.linear.gather [hbm4b:s15+s31], $0x80, $0x38;
	[tilespmem:$0x1F000] =	vst v63  }
0x19b: {  	[bflag:$0x0] =	sbarrier.arrive $0xFFFF  }
0x19c: {  	[tilespmem:s7], [sflag:$0x9] =	stream.indirect.gather [hbm4b:s1+s16], $0x80, s31, s16, $0xb8;
	[tilespmem:$0x1F000] =	vst v63  }
0x19d: {  	_ = 	snop  }
0x19e: {  	[tilespmem:s17], [sflag:$0xA] =	stream.indirect.gather [hbm4b:s1+s16], $0x80, s2, s16, $0xb8;
	[tilespmem:$0x1F000] =	vst v63  }
0x19f: {  	_ = 	snop  }
0x1a0: {  	[tilespmem:s18], [sflag:$0xB] =	stream.indirect.gather [hbm4b:s1+s16], $0x80, s4, s16, $0xb8;
	[tilespmem:$0x1F000] =	vst v63  }
0x1a1: {  	s30 =	simm.s32 $0x0  }
0x1a2: {  	[tilespmem:s19], [sflag:$0xC] =	stream.indirect.gather [hbm4b:s1+s16], $0x80, s6, s16, $0xb8;
	[tilespmem:$0x1F000] =	vst v63  }
0x1a3: {  	s10 =	simm.s32 $0x180;
	s13 =	simm.s32 $0x0;
	s6 =	simm.s32 $0x380  }
.LBB2_2:
0x1a4: {  	_ =	swait.ge [sflag:s22], $0x2000  }
0x1a5: {  	[sflag:s22] =	ssyncset.done $0x0  }
0x1a6: {  	[sflag:s22] =	ssyncadd.s32 $0xFFFFE000  }
0x1a7: {  	[spmem:s20] =	stream.indirect.scatter.add.f32 [tilespmem:s7], [sflag:$0xD], $0x80, s16, s16, $0xb8;
	[tilespmem:$0x1F000] =	vst v63  }
0x1a8: {  	_ =	swait.ge [sflag:s8], $0x2000  }
0x1a9: {  	[sflag:s8] =	ssyncset.done $0x0  }
0x1aa: {  	[sflag:s8] =	ssyncadd.s32 $0xFFFFE000  }
0x1ab: {  	[spmem:s23] =	stream.indirect.scatter.add.f32 [tilespmem:s9], [sflag:$0xD], $0x10, s16, s16, $0xb8;
	[tilespmem:$0x1F000] =	vst v63  }
0x1ac: {  	_ =	swait.ge [sflag:s8], $0x400  }
0x1ad: {  	p0 =	seq.s32 s30, $0x980;
	[sflag:s8] =	ssyncset.done $0x0;
	s0 =	rddreg [dreg:$0x1a]  }
0x1ae: {  	s31 =	simm.s32 @!p0 $0x0;
	[sflag:s8] =	ssyncadd.s32 $0xFFFFFC00;
	s0 =	sadd.s32 @!p0 s30, s0  }
0x1af: {  	[tilespmem:s31], [sflag:$0x1] =	stream.linear.gather @!p0 [hbm4b:s0+s31], $0x80, $0x38;
	[tilespmem:$0x1F000] =	vst v63  }
0x1b0: {  	_ =	swait.ge [sflag:s24], $0x80  }
0x1b1: {  	[sflag:s24] =	ssyncset.done $0x0  }
0x1b2: {  	s21 =	simm.s32 $0x200;
	[sflag:s24] =	ssyncadd.s32 $0xFFFFFF80  }
0x1b3: {  	[tilespmem:s7], [sflag:$0x9] =	stream.indirect.gather [hbm4b:s1+s16], $0x80, s21, s16, $0xb8;
	[tilespmem:$0x1F000] =	vst v63  }
0x1b4: {  	_ =	swait.ge [sflag:s3], $0x2000  }
0x1b5: {  	[sflag:s3] =	ssyncset.done $0x0  }
0x1b6: {  	s2 =	simm.s32 $0xC0;
	[sflag:s3] =	ssyncadd.s32 $0xFFFFE000  }
0x1b7: {  	[spmem:s20] =	stream.indirect.scatter.add.f32 [tilespmem:s17], [sflag:$0xD], $0x80, s2, s16, $0xb8;
	[tilespmem:$0x1F000] =	vst v63  }
0x1b8: {  	_ =	swait.ge [sflag:s8], $0x2000  }
0x1b9: {  	[sflag:s8] =	ssyncset.done $0x0  }
0x1ba: {  	[sflag:s8] =	ssyncadd.s32 $0xFFFFE000  }
0x1bb: {  	[spmem:s23] =	stream.indirect.scatter.add.f32 [tilespmem:s9], [sflag:$0xD], $0x10, s2, s16, $0xb8;
	[tilespmem:$0x1F000] =	vst v63  }
0x1bc: {  	_ =	swait.ge [sflag:s8], $0x400  }
0x1bd: {  	[sflag:s8] =	ssyncset.done $0x0;
	s0 =	rddreg [dreg:$0x1d]  }
0x1be: {  	s2 =	simm.s32 @!p0 $0x80;
	[sflag:s8] =	ssyncadd.s32 $0xFFFFFC00;
	s0 =	sadd.s32 @!p0 s30, s0  }
0x1bf: {  	[tilespmem:s2], [sflag:$0x2] =	stream.linear.gather @!p0 [hbm4b:s0+s31], $0x80, $0x38;
	[tilespmem:$0x1F000] =	vst v63  }
0x1c0: {  	_ =	swait.ge [sflag:s5], $0x80  }
0x1c1: {  	[sflag:s5] =	ssyncset.done $0x0  }
0x1c2: {  	s4 =	simm.s32 $0x280;
	[sflag:s5] =	ssyncadd.s32 $0xFFFFFF80  }
0x1c3: {  	[tilespmem:s17], [sflag:$0xA] =	stream.indirect.gather [hbm4b:s1+s16], $0x80, s4, s16, $0xb8;
	[tilespmem:$0x1F000] =	vst v63  }
0x1c4: {  	_ =	swait.ge [sflag:s25], $0x2000  }
0x1c5: {  	[sflag:s25] =	ssyncset.done $0x0  }
0x1c6: {  	s15 =	simm.s32 $0x140;
	[sflag:s25] =	ssyncadd.s32 $0xFFFFE000  }
0x1c7: {  	[spmem:s20] =	stream.indirect.scatter.add.f32 [tilespmem:s18], [sflag:$0xD], $0x80, s15, s16, $0xb8;
	[tilespmem:$0x1F000] =	vst v63  }
0x1c8: {  	_ =	swait.ge [sflag:s8], $0x2000  }
0x1c9: {  	[sflag:s8] =	ssyncset.done $0x0  }
0x1ca: {  	[sflag:s8] =	ssyncadd.s32 $0xFFFFE000  }
0x1cb: {  	[spmem:s23] =	stream.indirect.scatter.add.f32 [tilespmem:s9], [sflag:$0xD], $0x10, s15, s16, $0xb8;
	[tilespmem:$0x1F000] =	vst v63  }
0x1cc: {  	_ =	swait.ge [sflag:s8], $0x400  }
0x1cd: {  	[sflag:s8] =	ssyncset.done $0x0;
	s0 =	rddreg [dreg:$0x1c]  }
0x1ce: {  	[sflag:s8] =	ssyncadd.s32 $0xFFFFFC00;
	s15 =	sadd.s32 @!p0 s30, s0;
	s0 =	simm.s32 @!p0 $0x100  }
0x1cf: {  	[tilespmem:s0], [sflag:$0x3] =	stream.linear.gather @!p0 [hbm4b:s15+s31], $0x80, $0x38;
	[tilespmem:$0x1F000] =	vst v63  }
0x1d0: {  	_ =	swait.ge [sflag:s11], $0x80  }
0x1d1: {  	[sflag:s11] =	ssyncset.done $0x0  }
0x1d2: {  	s4 =	simm.s32 $0x300;
	[sflag:s11] =	ssyncadd.s32 $0xFFFFFF80  }
0x1d3: {  	[tilespmem:s18], [sflag:$0xB] =	stream.indirect.gather [hbm4b:s1+s16], $0x80, s4, s16, $0xb8;
	[tilespmem:$0x1F000] =	vst v63  }
0x1d4: {  	_ =	swait.ge [sflag:s12], $0x2000  }
0x1d5: {  	[sflag:s12] =	ssyncset.done $0x0  }
0x1d6: {  	s21 =	simm.s32 $0x1C0;
	[sflag:s12] =	ssyncadd.s32 $0xFFFFE000  }
0x1d7: {  	[spmem:s20] =	stream.indirect.scatter.add.f32 [tilespmem:s19], [sflag:$0xD], $0x80, s21, s16, $0xb8;
	[tilespmem:$0x1F000] =	vst v63  }
0x1d8: {  	_ =	swait.ge [sflag:s8], $0x2000  }
0x1d9: {  	[sflag:s8] =	ssyncset.done $0x0  }
0x1da: {  	[sflag:s8] =	ssyncadd.s32 $0xFFFFE000  }
0x1db: {  	[spmem:s23] =	stream.indirect.scatter.add.f32 [tilespmem:s9], [sflag:$0xD], $0x10, s21, s16, $0xb8;
	[tilespmem:$0x1F000] =	vst v63  }
0x1dc: {  	_ =	swait.ge [sflag:s8], $0x400  }
0x1dd: {  	[sflag:s8] =	ssyncset.done $0x0;
	s4 =	rddreg [dreg:$0x1b]  }
0x1de: {  	[sflag:s8] =	ssyncadd.s32 $0xFFFFFC00;
	s15 =	sadd.s32 @!p0 s30, s4;
	s4 =	simm.s32 @!p0 $0x180  }
0x1df: {  	[tilespmem:s4], [sflag:$0x4] =	stream.linear.gather @!p0 [hbm4b:s15+s31], $0x80, $0x38;
	[tilespmem:$0x1F000] =	vst v63  }
0x1e0: {  	_ =	swait.ge [sflag:s14], $0x80  }
0x1e1: {  	[sflag:s14] =	ssyncset.done $0x0  }
0x1e2: {  	[sflag:s14] =	ssyncadd.s32 $0xFFFFFF80  }
0x1e3: {  	[tilespmem:s19], [sflag:$0xC] =	stream.indirect.gather [hbm4b:s1+s16], $0x80, s6, s16, $0xb8;
	[tilespmem:$0x1F000] =	vst v63  }
0x1e4: {  	_ =	swait.ge [sflag:s22], $0x2000  }
0x1e5: {  	[sflag:s22] =	ssyncset.done $0x0  }
0x1e6: {  	s15 =	simm.s32 $0x240;
	[sflag:s22] =	ssyncadd.s32 $0xFFFFE000  }
0x1e7: {  	[spmem:s20] =	stream.indirect.scatter.add.f32 [tilespmem:s7], [sflag:$0xD], $0x80, s15, s16, $0xb8;
	[tilespmem:$0x1F000] =	vst v63  }
0x1e8: {  	_ =	swait.ge [sflag:s8], $0x2000  }
0x1e9: {  	[sflag:s8] =	ssyncset.done $0x0  }
0x1ea: {  	[sflag:s8] =	ssyncadd.s32 $0xFFFFE000  }
0x1eb: {  	[spmem:s23] =	stream.indirect.scatter.add.f32 [tilespmem:s9], [sflag:$0xD], $0x10, s15, s16, $0xb8;
	[tilespmem:$0x1F000] =	vst v63  }
0x1ec: {  	_ =	swait.ge [sflag:s8], $0x400  }
0x1ed: {  	[sflag:s8] =	ssyncset.done $0x0;
	s4 =	rddreg [dreg:$0x1e]  }
0x1ee: {  	s15 =	simm.s32 @!p0 $0x200;
	[sflag:s8] =	ssyncadd.s32 $0xFFFFFC00;
	s4 =	sadd.s32 @!p0 s30, s4  }
0x1ef: {  	[tilespmem:s15], [sflag:$0x5] =	stream.linear.gather @!p0 [hbm4b:s4+s31], $0x80, $0x38;
	[tilespmem:$0x1F000] =	vst v63  }
0x1f0: {  	s4 =	simm.s32 @!p0 $0x1  }
0x1f1: {  	_ =	swait.ge @!p0 [sflag:s4], $0x80  }
0x1f2: {  	[sflag:s4] =	ssyncset.done @!p0 $0x0  }
0x1f3: {  	s15 =	simm.s32 @!p0 $0x400;
	[sflag:s4] =	ssyncadd.s32 @!p0 $0xFFFFFF80;
	s4 =	simm.s32 @!p0 $0x40  }
0x1f4: {  	[tilespmem:s15], [sflag:$0x9] =	stream.indirect.gather @!p0 [hbm4b:s1+s4], $0x80, s31, s4, $0xb8;
	[tilespmem:$0x1F000] =	vst v63  }
0x1f5: {  	_ =	swait.ge [sflag:s3], $0x2000  }
0x1f6: {  	[sflag:s3] =	ssyncset.done $0x0  }
0x1f7: {  	s21 =	simm.s32 $0x2C0;
	[sflag:s3] =	ssyncadd.s32 $0xFFFFE000  }
0x1f8: {  	[spmem:s20] =	stream.indirect.scatter.add.f32 [tilespmem:s17], [sflag:$0xD], $0x80, s21, s16, $0xb8;
	[tilespmem:$0x1F000] =	vst v63  }
0x1f9: {  	_ =	swait.ge [sflag:s8], $0x2000  }
0x1fa: {  	[sflag:s8] =	ssyncset.done $0x0  }
0x1fb: {  	[sflag:s8] =	ssyncadd.s32 $0xFFFFE000  }
0x1fc: {  	[spmem:s23] =	stream.indirect.scatter.add.f32 [tilespmem:s9], [sflag:$0xD], $0x10, s21, s16, $0xb8;
	[tilespmem:$0x1F000] =	vst v63  }
0x1fd: {  	_ =	swait.ge [sflag:s8], $0x400  }
0x1fe: {  	s6 =	sld [smem:$0x7DE];
	_ =	sdelay $0x1  }
0x1ff: {  	[sflag:s8] =	ssyncset.done $0x0  }
0x200: {  	[sflag:s8] =	ssyncadd.s32 $0xFFFFFC00;
	s15 =	sadd.s32 @!p0 s30, s6;
	s6 =	simm.s32 @!p0 $0x280  }
0x201: {  	[tilespmem:s6], [sflag:$0x6] =	stream.linear.gather @!p0 [hbm4b:s15+s31], $0x80, $0x38;
	[tilespmem:$0x1F000] =	vst v63  }
0x202: {  	s6 =	simm.s32 @!p0 $0x2  }
0x203: {  	_ =	swait.ge @!p0 [sflag:s6], $0x80  }
0x204: {  	[sflag:s6] =	ssyncset.done @!p0 $0x0  }
0x205: {  	[sflag:s6] =	ssyncadd.s32 @!p0 $0xFFFFFF80;
	s6 =	simm.s32 @!p0 $0x2400  }
0x206: {  	[tilespmem:s6], [sflag:$0xA] =	stream.indirect.gather @!p0 [hbm4b:s1+s4], $0x80, s2, s4, $0xb8;
	[tilespmem:$0x1F000] =	vst v63  }
0x207: {  	_ =	swait.ge [sflag:s25], $0x2000  }
0x208: {  	[sflag:s25] =	ssyncset.done $0x0  }
0x209: {  	[sflag:s25] =	ssyncadd.s32 $0xFFFFE000  }
0x20a: {  	[spmem:s20] =	stream.indirect.scatter.add.f32 [tilespmem:s18], [sflag:$0xD], $0x80, s26, s16, $0xb8;
	[tilespmem:$0x1F000] =	vst v63  }
0x20b: {  	_ =	swait.ge [sflag:s8], $0x2000  }
0x20c: {  	[sflag:s8] =	ssyncset.done $0x0  }
0x20d: {  	[sflag:s8] =	ssyncadd.s32 $0xFFFFE000  }
0x20e: {  	[spmem:s23] =	stream.indirect.scatter.add.f32 [tilespmem:s9], [sflag:$0xD], $0x10, s26, s16, $0xb8;
	[tilespmem:$0x1F000] =	vst v63  }
0x20f: {  	_ =	swait.ge [sflag:s8], $0x400  }
0x210: {  	s2 =	sld [smem:$0x7DD];
	_ =	sdelay $0x1  }
0x211: {  	[sflag:s8] =	ssyncset.done $0x0  }
0x212: {  	s6 =	simm.s32 @!p0 $0x300;
	[sflag:s8] =	ssyncadd.s32 $0xFFFFFC00;
	s2 =	sadd.s32 @!p0 s30, s2  }
0x213: {  	[tilespmem:s6], [sflag:$0x7] =	stream.linear.gather @!p0 [hbm4b:s2+s31], $0x80, $0x38;
	[tilespmem:$0x1F000] =	vst v63  }
0x214: {  	s2 =	simm.s32 @!p0 $0x3  }
0x215: {  	_ =	swait.ge @!p0 [sflag:s2], $0x80  }
0x216: {  	[sflag:s2] =	ssyncset.done @!p0 $0x0  }
0x217: {  	[sflag:s2] =	ssyncadd.s32 @!p0 $0xFFFFFF80;
	s2 =	simm.s32 @!p0 $0x4400  }
0x218: {  	[tilespmem:s2], [sflag:$0xB] =	stream.indirect.gather @!p0 [hbm4b:s1+s4], $0x80, s0, s4, $0xb8;
	[tilespmem:$0x1F000] =	vst v63  }
0x219: {  	_ =	swait.ge [sflag:s12], $0x2000  }
0x21a: {  	[sflag:s12] =	ssyncset.done $0x0  }
0x21b: {  	[sflag:s12] =	ssyncadd.s32 $0xFFFFE000  }
0x21c: {  	[spmem:s20] =	stream.indirect.scatter.add.f32 [tilespmem:s19], [sflag:$0xD], $0x80, s28, s16, $0xb8;
	[tilespmem:$0x1F000] =	vst v63  }
0x21d: {  	_ =	swait.ge [sflag:s8], $0x2000  }
0x21e: {  	[sflag:s8] =	ssyncset.done $0x0  }
.Ltmp2:
0x21f: {  	[sflag:s8] =	ssyncadd.s32 $0xFFFFE000;
	(pc) =	sbr.rel @p0 .LBB2_4-.Ltmp2, $4  }
0x220: {  	[spmem:s23] =	stream.indirect.scatter.add.f32 [tilespmem:s9], [sflag:$0xD], $0x10, s28, s16, $0xb8;
	[tilespmem:$0x1F000] =	vst v63  }
0x221: {  	_ =	swait.ge [sflag:s8], $0x400  }
0x222: {  	[sflag:s8] =	ssyncset.done $0x0  }
0x223: {  	s21 =	simm.s32 $0x380;
	[sflag:s8] =	ssyncadd.s32 $0xFFFFFC00  }
0x224: {  	s0 =	rddreg [dreg:$0x1f]  }
0x225: {  	s0 =	sadd.s32 s30, s0  }
0x226: {  	[tilespmem:s21], [sflag:$0x8] =	stream.linear.gather [hbm4b:s0+s13], $0x80, $0x38;
	[tilespmem:$0x1F000] =	vst v63  }
.Ltmp3:
0x227: {  	_ = 	snop;
	(pc) =	sbr.rel .LBB2_2-.Ltmp3, $4  }
0x228: {  	_ =	swait.ge [sflag:s29], $0x80  }
0x229: {  	[sflag:s29] =	ssyncset.done $0x0  }
0x22a: {  	s6 =	simm.s32 $0x380;
	s30 =	sadd.s32 $0x80, s30;
	[sflag:s29] =	ssyncadd.s32 $0xFFFFFF80  }
0x22b: {  	[tilespmem:s19], [sflag:$0xC] =	stream.indirect.gather [hbm4b:s1+s16], $0x80, s10, s16, $0xb8;
	[tilespmem:$0x1F000] =	vst v63  }
.LBB2_5:
0x22c: {  	_ =	sfence.sel $0x180000  }
0x22d: {  	[bflag:$0x0] =	sbarrier.arrive $0xFFFF  }
0x22e: {  	_ =	strace $0x90000047  }
0x22f: {  	s0 =	stileid.u32;
	[bflag:$0x2] =	sbarrier.arrive $0xFFFF  }
0x230: {  	p0 =	sne.s32 s0, $0x0;
	s0 =	rddreg [dreg:$0x4]  }
0x231: {  	s0 =	sadd.s32 @!p0 $0x100000, s0  }
0x232: {  	[sflag:s0] =	ssyncadd.tile.s32 @!p0 $0x1;
	_ =	shalt  }
.Lfunc_end2:
_tile_overlayer_lowered:
.L_overlay_start_2:
0x233: {  	(tag) =	ssettag $0x2  }
0x234: {  	s0 =	rddreg [dreg:$0x0];
	s2 =	stileid.u32  }
0x235: {  	s1 =	rddreg [dreg:$0x1];
	p0 =	sne.s32 s2, $0x0  }
0x236: {  	s3 =	rddreg [dreg:$0x2];
	[bflag:$0x3] =	sbarrier.arrive $0xFFFF;
	s2 =	simm.s32 @!p0 $0x1C0D  }
0x237: {  	[timem:s3], [sflag:s2] =	dma.local @!p0 [hbm:s0], s1  }
0x238: {  	s0 =	simm.s32 @!p0 $0xD  }
0x239: {  	_ =	swait.ge @!p0 [sflag:s0], s1  }
0x23a: {  	s1 =	ssub.s32 @!p0 $0x0, s1;
	[sflag:s0] =	ssyncset.done @!p0 $0x0  }
0x23b: {  	[sflag:s0] =	ssyncadd.s32 @!p0 s1  }
0x23c: {  	[bflag:$0x3] =	sbarrier.arrive $0xFFFF  }
0x23d: {  	_ =	shalt  }

</sc_bundles>
